<compile_context>
chip_gen: v7x
topology: tpu7x:2x2x1
jax: 0.10.2.dev20260603
libtpu: 0.0.44.dev20260713+nightly
codegen_flags: <defaults>
</compile_context>

<pallas_src>
import functools

import jax
import jax.numpy as jnp
from jax import lax
from jax.experimental import pallas as pl
from jax.experimental.pallas import tpu as pltpu
from jax.experimental.pallas import tpu_sc as plsc

N = 10000
E = 320000
IN_CH = 128
HID_CH = 128
OUT_CH = 64

NC = 2
NS = 16
NW = NC * NS
EW = E // NW
K = 80
NB = EW // K
NP = 10240
RPT = NP // NS
LANES = 16
D = HID_CH



def _mm_kernel(x_ref, w_ref, o_ref):
    o_ref[...] = jnp.dot(x_ref[...], w_ref[...],
                         preferred_element_type=jnp.float32,
                         precision=lax.Precision.HIGHEST)


def _tc_matmul(x, w, block_rows=2000):
    n, d_in = x.shape
    d_out = w.shape[1]
    return pl.pallas_call(
        _mm_kernel,
        grid=(n // block_rows,),
        in_specs=[
            pl.BlockSpec((block_rows, d_in), lambda i: (i, 0)),
            pl.BlockSpec((d_in, d_out), lambda i: (0, 0)),
        ],
        out_specs=pl.BlockSpec((block_rows, d_out), lambda i: (i, 0)),
        out_shape=jax.ShapeDtypeStruct((n, d_out), jnp.float32),
    )(x, w)


def _relu_combine_kernel(p_ref, b_ref, o_ref):
    o_ref[...] = jnp.maximum(p_ref[0] + p_ref[1] + b_ref[...], 0.0)


def _tc_relu_combine(partials, b, block_rows=2000):
    d = partials.shape[2]
    return pl.pallas_call(
        _relu_combine_kernel,
        grid=(N // block_rows,),
        in_specs=[
            pl.BlockSpec((2, block_rows, d), lambda i: (0, i, 0)),
            pl.BlockSpec((1, d), lambda i: (0, 0)),
        ],
        out_specs=pl.BlockSpec((block_rows, d), lambda i: (i, 0)),
        out_shape=jax.ShapeDtypeStruct((N, d), jnp.float32),
    )(partials, b.reshape(1, d))


def _final_mm_kernel(p_ref, w_ref, b_ref, o_ref):
    agg = p_ref[0] + p_ref[1]
    o_ref[...] = jnp.dot(agg, w_ref[...],
                         preferred_element_type=jnp.float32,
                         precision=lax.Precision.HIGHEST) + b_ref[...]


def _tc_final_matmul(partials, w, b, block_rows=2000):
    d_in = partials.shape[2]
    d_out = w.shape[1]
    return pl.pallas_call(
        _final_mm_kernel,
        grid=(N // block_rows,),
        in_specs=[
            pl.BlockSpec((2, block_rows, d_in), lambda i: (0, i, 0)),
            pl.BlockSpec((d_in, d_out), lambda i: (0, 0)),
            pl.BlockSpec((1, d_out), lambda i: (0, 0)),
        ],
        out_specs=pl.BlockSpec((block_rows, d_out), lambda i: (i, 0)),
        out_shape=jax.ShapeDtypeStruct((N, d_out), jnp.float32),
    )(partials, w, b.reshape(1, d_out))



def _make_propagate():
    mesh = plsc.VectorSubcoreMesh(core_axis_name="c", subcore_axis_name="s")
    nch = D // LANES

    @functools.partial(
        pl.kernel,
        out_type=jax.ShapeDtypeStruct((NC, NP, D), jnp.float32),
        mesh=mesh,
        scratch_types=[
            pltpu.VMEM((EW,), jnp.int32),
            pltpu.VMEM((K, D), jnp.float32),
            pltpu.VMEM((K, D), jnp.float32),
            pltpu.VMEM((K, D), jnp.float32),
            pltpu.VMEM((K,), jnp.int32),
            pltpu.VMEM((K,), jnp.int32),
            pltpu.VMEM((K,), jnp.int32),
            pltpu.VMEM((K,), jnp.float32),
            pltpu.VMEM((K,), jnp.float32),
            pltpu.VMEM((K,), jnp.float32),
            pltpu.VMEM_SHARED((NP, D), jnp.float32),
            pltpu.SemaphoreType.DMA,
            pltpu.SemaphoreType.DMA,
            pltpu.SemaphoreType.DMA,
            pltpu.SemaphoreType.DMA,
            pltpu.SemaphoreType.DMA,
            pltpu.SemaphoreType.DMA,
            pltpu.SemaphoreType.DMA,
            pltpu.SemaphoreType.DMA,
            pltpu.SemaphoreType.DMA,
        ],
    )
    def prop(feat_hbm, src_hbm, dst_hbm, attr_hbm, out_hbm,
             srcall, rows0, rows1, rows2, dstb0, dstb1, dstb2,
             attrb0, attrb1, attrb2,
             acc, g0, g1, g2, e0, e1, e2, sc0, sc1, sc2):
        c = lax.axis_index("c")
        s = lax.axis_index("s")
        w = s * NC + c
        ebase = w * EW

        pltpu.sync_copy(src_hbm.at[pl.ds(ebase, EW)], srcall)

        rows = (rows0, rows1, rows2)
        dstb = (dstb0, dstb1, dstb2)
        attrb = (attrb0, attrb1, attrb2)
        gsem = (g0, g1, g2)
        esem = (e0, e1, e2)
        ssem = (sc0, sc1, sc2)

        zero = jnp.zeros((LANES,), jnp.float32)

        @plsc.parallel_loop(0, K, unroll=4)
        def _(r):
            for ch in range(nch):
                rows0[r, pl.ds(ch * LANES, LANES)] = zero

        base_row = s * RPT
        for i in range(RPT // K):
            pltpu.async_copy(rows0, acc.at[pl.ds(base_row + i * K, K)], g0)
        for i in range(RPT // K):
            pltpu.make_async_copy(
                rows0, acc.at[pl.ds(base_row + i * K, K)], g0).wait()
        plsc.subcore_barrier()

        def issue(b, sl):
            pltpu.async_copy(
                feat_hbm.at[srcall.at[pl.ds(b * K, K)]], rows[sl], gsem[sl])
            pltpu.async_copy(
                dst_hbm.at[pl.ds(ebase + b * K, K)], dstb[sl], esem[sl])
            pltpu.async_copy(
                attr_hbm.at[pl.ds(ebase + b * K, K)], attrb[sl], esem[sl])

        def wait_gather(b, sl):
            pltpu.make_async_copy(
                feat_hbm.at[srcall.at[pl.ds(b * K, K)]],
                rows[sl], gsem[sl]).wait()
            pltpu.make_async_copy(
                dst_hbm.at[pl.ds(ebase + b * K, K)], dstb[sl], esem[sl]).wait()
            pltpu.make_async_copy(
                attr_hbm.at[pl.ds(ebase + b * K, K)],
                attrb[sl], esem[sl]).wait()

        def scale(b, sl):
            r = rows[sl]
            a_ref = attrb[sl]

            @plsc.parallel_loop(0, K, unroll=4)
            def _(e):
                a = a_ref[pl.ds(e, 1)][0]
                for ch in range(1):
                    idx = (e, pl.ds(ch * LANES, LANES))
                    r[idx] = r[idx] * a

        def scatter(b, sl):
            pltpu.async_copy(
                rows[sl], acc.at[dstb[sl].at[pl.ds(0, K)]], ssem[sl],
                add=True)

        def wait_scatter(b, sl):
            pltpu.make_async_copy(
                rows[sl], acc.at[dstb[sl].at[pl.ds(0, K)]],
                ssem[sl]).wait()

        issue(0, 0)
        issue(1, 1)

        wait_gather(0, 0); scale(0, 0); scatter(0, 0)
        issue(2, 2)
        wait_gather(1, 1); scale(1, 1); scatter(1, 1)
        wait_scatter(0, 0); issue(3, 0)
        wait_gather(2, 2); scale(2, 2); scatter(2, 2)
        wait_scatter(1, 1); issue(4, 1)

        @pl.loop(0, (NB - 5) // 3)
        def _(i):
            b = 3 * i + 3
            wait_gather(b, 0); scale(b, 0); scatter(b, 0)
            wait_scatter(b - 1, 2); issue(b + 2, 2)
            wait_gather(b + 1, 1); scale(b + 1, 1); scatter(b + 1, 1)
            wait_scatter(b, 0); issue(b + 3, 0)
            wait_gather(b + 2, 2); scale(b + 2, 2); scatter(b + 2, 2)
            wait_scatter(b + 1, 1); issue(b + 4, 1)

        wait_gather(NB - 2, 0); scale(NB - 2, 0); scatter(NB - 2, 0)
        wait_scatter(NB - 3, 2)
        wait_gather(NB - 1, 1); scale(NB - 1, 1); scatter(NB - 1, 1)
        wait_scatter(NB - 2, 0)
        wait_scatter(NB - 1, 1)

        plsc.subcore_barrier()

        pltpu.sync_copy(acc.at[pl.ds(base_row, RPT)],
                        out_hbm.at[c, pl.ds(base_row, RPT)])

    return prop


_propagate = _make_propagate()



def kernel(x, edge_index, edge_attr, W1, b1, W2, b2):
    src = edge_index[0].astype(jnp.int32)
    dst = edge_index[1].astype(jnp.int32)

    support1 = _tc_matmul(x, W1)
    partials1 = _propagate(support1, src, dst, edge_attr)
    h = _tc_relu_combine(partials1, b1)
    partials2 = _propagate(h, src, dst, edge_attr)
    return _tc_final_matmul(partials2, W2, b2)

# --- scband reference (transcript-rebuilt; emitter-appended) ---
"""Pipeline reference for scband-qgcn-22239340659483 (READ-ONLY COPY).

The authoritative reference and input builder live on the scoring server;
editing this copy changes nothing except your own understanding.
"""

import jax, jax.numpy as jnp
import numpy as np

N_NODES = 10000
N_EDGES = 320000
IN_CH = 128
HID_CH = 128
OUT_CH = 64


def setup_inputs(seed: int = 0) -> dict:
    key = jax.random.key(seed)
    k1, k2, k3, k4, k5 = jax.random.split(key, 5)
    x = jax.random.normal(k1, (N_NODES, IN_CH), dtype=jnp.float32)
    edge_index = jax.random.randint(k2, (2, N_EDGES), 0, N_NODES, dtype=jnp.int64)
    edge_attr = jax.random.uniform(k3, (N_EDGES,), dtype=jnp.float32)
    # learned parameters (glorot-style init, matching reset_parameters of a GCN layer)
    W1 = jax.random.normal(k4, (IN_CH, HID_CH), dtype=jnp.float32) * (1.0 / np.sqrt(IN_CH))
    b1 = jnp.zeros((HID_CH,), dtype=jnp.float32)
    W2 = jax.random.normal(k5, (HID_CH, OUT_CH), dtype=jnp.float32) * (1.0 / np.sqrt(HID_CH))
    b2 = jnp.zeros((OUT_CH,), dtype=jnp.float32)
    return {"x": x, "edge_index": edge_index, "edge_attr": edge_attr,
            "W1": W1, "b1": b1, "W2": W2, "b2": b2}


def _gcn_layer(x, edge_index, edge_attr, W, b):
    # GraphConvolution: support = x @ W ; out = A_hat @ support + b
    support = jnp.dot(x, W)
    src = edge_index[0]
    dst = edge_index[1]
    msgs = jnp.take(support, src, axis=0) * edge_attr[:, None]
    agg = jax.ops.segment_sum(msgs, dst, num_segments=N_NODES)
    return agg + b


def reference(x, edge_index, edge_attr, W1, b1, W2, b2):
    # full_precision_forward of QGCN (eval mode: dropout is identity)
    h = _gcn_layer(x, edge_index, edge_attr, W1, b1)
    h = jnp.maximum(h, 0.0)  # QReLU in full precision == relu
    # dropout(x, training=False) -> identity
    out = _gcn_layer(h, edge_index, edge_attr, W2, b2)
    return out

if __name__ == "__main__":
    import jax
    _d = setup_inputs()
    print(jax.jit(kernel)(*tuple(_d.values())))

</pallas_src>

<mosaic_0001>
#map = affine_map<(d0, d1) -> (0, 0)>
#map1 = affine_map<(d0, d1) -> (0)>
#map2 = affine_map<(d0, d1) -> (0, 0, 0)>
module attributes {stable_mosaic.version = 14 : i64} {
  func.func @prop(%arg0: i32, %arg1: i32, %arg2: memref<10000x128xf32, #tpu.memory_space<hbm>>, %arg3: memref<320000xi32, #tpu.memory_space<hbm>>, %arg4: memref<320000xi32, #tpu.memory_space<hbm>>, %arg5: memref<320000xf32, #tpu.memory_space<hbm>>, %arg6: memref<2x10240x128xf32, #tpu.memory_space<hbm>>, %arg7: memref<10000xi32, #tpu.memory_space<vmem>>, %arg8: memref<80x128xf32, #tpu.memory_space<vmem>>, %arg9: memref<80x128xf32, #tpu.memory_space<vmem>>, %arg10: memref<80x128xf32, #tpu.memory_space<vmem>>, %arg11: memref<80xi32, #tpu.memory_space<vmem>>, %arg12: memref<80xi32, #tpu.memory_space<vmem>>, %arg13: memref<80xi32, #tpu.memory_space<vmem>>, %arg14: memref<80xf32, #tpu.memory_space<vmem>>, %arg15: memref<80xf32, #tpu.memory_space<vmem>>, %arg16: memref<80xf32, #tpu.memory_space<vmem>>, %arg17: memref<10240x128xf32, #tpu.memory_space<vmem_shared>>, %arg18: memref<!tpu.dma_semaphore, #tpu.memory_space<semaphore_mem>>, %arg19: memref<!tpu.dma_semaphore, #tpu.memory_space<semaphore_mem>>, %arg20: memref<!tpu.dma_semaphore, #tpu.memory_space<semaphore_mem>>, %arg21: memref<!tpu.dma_semaphore, #tpu.memory_space<semaphore_mem>>, %arg22: memref<!tpu.dma_semaphore, #tpu.memory_space<semaphore_mem>>, %arg23: memref<!tpu.dma_semaphore, #tpu.memory_space<semaphore_mem>>, %arg24: memref<!tpu.dma_semaphore, #tpu.memory_space<semaphore_mem>>, %arg25: memref<!tpu.dma_semaphore, #tpu.memory_space<semaphore_mem>>, %arg26: memref<!tpu.dma_semaphore, #tpu.memory_space<semaphore_mem>>) attributes {dimension_semantics = [#tpu.dimension_semantics<core_parallel>, #tpu.dimension_semantics<subcore_parallel>], iteration_bounds = array<i64: 2, 16>, scalar_prefetch = 0 : i64, scratch_operands = 20 : i64, tpu.core_type = #tpu.core_type<sc_vector_subcore>, window_params = [{transform_indices = #map}, {transform_indices = #map1}, {transform_indices = #map1}, {transform_indices = #map1}, {transform_indices = #map2}]} {
    %mul3A = arith.constant 2 : i32
    %mul3A_0 = arith.muli %arg1, %mul3A : i32
    %add3A = arith.addi %mul3A_0, %arg0 : i32
    %mul3A_1 = arith.constant 10000 : i32
    %mul3A_2 = arith.muli %add3A, %mul3A_1 : i32
    "tpu.region"() ({
      %run_scoped3A = tpu.sem_alloc : memref<!tpu.dma_semaphore, #tpu.memory_space<semaphore_mem>>
      %dma_start3A_302 = tpu.memref_slice %arg3[%mul3A_2] : memref<320000xi32, #tpu.memory_space<hbm>> -> memref<10000xi32, #tpu.memory_space<hbm>>
      %dma_start3A_303 = tpu.memref_slice %arg3[%mul3A_2] : memref<320000xi32, #tpu.memory_space<hbm>> -> memref<10000xi32, #tpu.memory_space<hbm>>
      tpu.enqueue_dma source(%dma_start3A_303 : memref<10000xi32, #tpu.memory_space<hbm>>) target(%arg7 : memref<10000xi32, #tpu.memory_space<vmem>>) target_semaphore(%run_scoped3A : memref<!tpu.dma_semaphore, #tpu.memory_space<semaphore_mem>>)
      %dma_wait3A_304 = tpu.memref_slice %arg3[%mul3A_2] : memref<320000xi32, #tpu.memory_space<hbm>> -> memref<10000xi32, #tpu.memory_space<hbm>>
      %dma_wait3A_305 = tpu.memref_slice %arg3[%mul3A_2] : memref<320000xi32, #tpu.memory_space<hbm>> -> memref<10000xi32, #tpu.memory_space<hbm>>
      tpu.wait_dma2 semaphore(%run_scoped3A : memref<!tpu.dma_semaphore, #tpu.memory_space<semaphore_mem>>) src(%dma_wait3A_305 : memref<10000xi32, #tpu.memory_space<hbm>>) dst(%arg7 : memref<10000xi32, #tpu.memory_space<vmem>>)
      tpu.yield
    }) : () -> ()
    %broadcast_in_dim3A = arith.constant 0.000000e+00 : f32
    %broadcast_in_dim3A_3 = vector.broadcast %broadcast_in_dim3A : f32 to vector<16xf32>
    %parallel_loop3A = arith.constant 0 : i32
    %parallel_loop3A_4 = arith.constant 80 : i32
    %parallel_loop3A_5 = arith.constant 1 : i32
    scf.for %parallel_loop3A_302 = %parallel_loop3A to %parallel_loop3A_4 step %parallel_loop3A_5  : i32 {
      %parallel_loop3A_303 = arith.index_cast %parallel_loop3A_302 : i32 to index
      %parallel_loop3A_304 = arith.constant 0 : index
      %parallel_loop3A_305 = tpu.vector_load %arg8[%parallel_loop3A_303, %parallel_loop3A_304] {strides = array<i32>} : memref<80x128xf32, #tpu.memory_space<vmem>>, vector<1x16xf32>,
      %parallel_loop3A_306 = vector.shape_cast %parallel_loop3A_305 : vector<1x16xf32> to vector<16xf32>
      %parallel_loop3A_307 = vector.shape_cast %broadcast_in_dim3A_3 : vector<16xf32> to vector<1x16xf32>
      tpu.vector_store %arg8[%parallel_loop3A_303, %parallel_loop3A_304], %parallel_loop3A_307 {strides = array<i32>} : memref<80x128xf32, #tpu.memory_space<vmem>>, vector<1x16xf32>,
      %parallel_loop3A_308 = arith.index_cast %parallel_loop3A_302 : i32 to index
      %parallel_loop3A_309 = arith.constant 16 : index
      %parallel_loop3A_310 = tpu.vector_load %arg8[%parallel_loop3A_308, %parallel_loop3A_309] {strides = array<i32>} : memref<80x128xf32, #tpu.memory_space<vmem>>, vector<1x16xf32>,
      %parallel_loop3A_311 = vector.shape_cast %parallel_loop3A_310 : vector<1x16xf32> to vector<16xf32>
      %parallel_loop3A_312 = vector.shape_cast %broadcast_in_dim3A_3 : vector<16xf32> to vector<1x16xf32>
      tpu.vector_store %arg8[%parallel_loop3A_308, %parallel_loop3A_309], %parallel_loop3A_312 {strides = array<i32>} : memref<80x128xf32, #tpu.memory_space<vmem>>, vector<1x16xf32>,
      %parallel_loop3A_313 = arith.index_cast %parallel_loop3A_302 : i32 to index
      %parallel_loop3A_314 = arith.constant 32 : index
      %parallel_loop3A_315 = tpu.vector_load %arg8[%parallel_loop3A_313, %parallel_loop3A_314] {strides = array<i32>} : memref<80x128xf32, #tpu.memory_space<vmem>>, vector<1x16xf32>,
      %parallel_loop3A_316 = vector.shape_cast %parallel_loop3A_315 : vector<1x16xf32> to vector<16xf32>
      %parallel_loop3A_317 = vector.shape_cast %broadcast_in_dim3A_3 : vector<16xf32> to vector<1x16xf32>
      tpu.vector_store %arg8[%parallel_loop3A_313, %parallel_loop3A_314], %parallel_loop3A_317 {strides = array<i32>} : memref<80x128xf32, #tpu.memory_space<vmem>>, vector<1x16xf32>,
      %parallel_loop3A_318 = arith.index_cast %parallel_loop3A_302 : i32 to index
      %parallel_loop3A_319 = arith.constant 48 : index
      %parallel_loop3A_320 = tpu.vector_load %arg8[%parallel_loop3A_318, %parallel_loop3A_319] {strides = array<i32>} : memref<80x128xf32, #tpu.memory_space<vmem>>, vector<1x16xf32>,
      %parallel_loop3A_321 = vector.shape_cast %parallel_loop3A_320 : vector<1x16xf32> to vector<16xf32>
      %parallel_loop3A_322 = vector.shape_cast %broadcast_in_dim3A_3 : vector<16xf32> to vector<1x16xf32>
      tpu.vector_store %arg8[%parallel_loop3A_318, %parallel_loop3A_319], %parallel_loop3A_322 {strides = array<i32>} : memref<80x128xf32, #tpu.memory_space<vmem>>, vector<1x16xf32>,
      %parallel_loop3A_323 = arith.index_cast %parallel_loop3A_302 : i32 to index
      %parallel_loop3A_324 = arith.constant 64 : index
      %parallel_loop3A_325 = tpu.vector_load %arg8[%parallel_loop3A_323, %parallel_loop3A_324] {strides = array<i32>} : memref<80x128xf32, #tpu.memory_space<vmem>>, vector<1x16xf32>,
      %parallel_loop3A_326 = vector.shape_cast %parallel_loop3A_325 : vector<1x16xf32> to vector<16xf32>
      %parallel_loop3A_327 = vector.shape_cast %broadcast_in_dim3A_3 : vector<16xf32> to vector<1x16xf32>
      tpu.vector_store %arg8[%parallel_loop3A_323, %parallel_loop3A_324], %parallel_loop3A_327 {strides = array<i32>} : memref<80x128xf32, #tpu.memory_space<vmem>>, vector<1x16xf32>,
      %parallel_loop3A_328 = arith.index_cast %parallel_loop3A_302 : i32 to index
      %parallel_loop3A_329 = arith.constant 80 : index
      %parallel_loop3A_330 = tpu.vector_load %arg8[%parallel_loop3A_328, %parallel_loop3A_329] {strides = array<i32>} : memref<80x128xf32, #tpu.memory_space<vmem>>, vector<1x16xf32>,
      %parallel_loop3A_331 = vector.shape_cast %parallel_loop3A_330 : vector<1x16xf32> to vector<16xf32>
      %parallel_loop3A_332 = vector.shape_cast %broadcast_in_dim3A_3 : vector<16xf32> to vector<1x16xf32>
      tpu.vector_store %arg8[%parallel_loop3A_328, %parallel_loop3A_329], %parallel_loop3A_332 {strides = array<i32>} : memref<80x128xf32, #tpu.memory_space<vmem>>, vector<1x16xf32>,
      %parallel_loop3A_333 = arith.index_cast %parallel_loop3A_302 : i32 to index
      %parallel_loop3A_334 = arith.constant 96 : index
      %parallel_loop3A_335 = tpu.vector_load %arg8[%parallel_loop3A_333, %parallel_loop3A_334] {strides = array<i32>} : memref<80x128xf32, #tpu.memory_space<vmem>>, vector<1x16xf32>,
      %parallel_loop3A_336 = vector.shape_cast %parallel_loop3A_335 : vector<1x16xf32> to vector<16xf32>
      %parallel_loop3A_337 = vector.shape_cast %broadcast_in_dim3A_3 : vector<16xf32> to vector<1x16xf32>
      tpu.vector_store %arg8[%parallel_loop3A_333, %parallel_loop3A_334], %parallel_loop3A_337 {strides = array<i32>} : memref<80x128xf32, #tpu.memory_space<vmem>>, vector<1x16xf32>,
      %parallel_loop3A_338 = arith.index_cast %parallel_loop3A_302 : i32 to index
      %parallel_loop3A_339 = arith.constant 112 : index
      %parallel_loop3A_340 = tpu.vector_load %arg8[%parallel_loop3A_338, %parallel_loop3A_339] {strides = array<i32>} : memref<80x128xf32, #tpu.memory_space<vmem>>, vector<1x16xf32>,
      %parallel_loop3A_341 = vector.shape_cast %parallel_loop3A_340 : vector<1x16xf32> to vector<16xf32>
      %parallel_loop3A_342 = vector.shape_cast %broadcast_in_dim3A_3 : vector<16xf32> to vector<1x16xf32>
      tpu.vector_store %arg8[%parallel_loop3A_338, %parallel_loop3A_339], %parallel_loop3A_342 {strides = array<i32>} : memref<80x128xf32, #tpu.memory_space<vmem>>, vector<1x16xf32>,
    } {sc.loop_unroll_factor = 4 : i64, sc.parallel_access}
    %mul3A_6 = arith.constant 640 : i32
    %mul3A_7 = arith.muli %arg1, %mul3A_6 : i32
    %add3A_8 = arith.constant 0 : i32
    %add3A_9 = arith.addi %mul3A_7, %add3A_8 : i32
    %dma_start3A = arith.constant 0 : i32
    %dma_start3A_10 = tpu.memref_slice %arg17[%add3A_9, %dma_start3A] : memref<10240x128xf32, #tpu.memory_space<vmem_shared>> -> memref<80x128xf32, #tpu.memory_space<vmem_shared>>
    %dma_start3A_11 = arith.constant 0 : i32
    %dma_start3A_12 = tpu.memref_slice %arg17[%add3A_9, %dma_start3A_11] : memref<10240x128xf32, #tpu.memory_space<vmem_shared>> -> memref<80x128xf32, #tpu.memory_space<vmem_shared>>
    tpu.enqueue_dma source(%arg8 : memref<80x128xf32, #tpu.memory_space<vmem>>) target(%dma_start3A_12 : memref<80x128xf32, #tpu.memory_space<vmem_shared>>) target_semaphore(%arg18 : memref<!tpu.dma_semaphore, #tpu.memory_space<semaphore_mem>>)
    %add3A_13 = arith.constant 80 : i32
    %add3A_14 = arith.addi %mul3A_7, %add3A_13 : i32
    %dma_start3A_15 = arith.constant 0 : i32
    %dma_start3A_16 = tpu.memref_slice %arg17[%add3A_14, %dma_start3A_15] : memref<10240x128xf32, #tpu.memory_space<vmem_shared>> -> memref<80x128xf32, #tpu.memory_space<vmem_shared>>
    %dma_start3A_17 = arith.constant 0 : i32
    %dma_start3A_18 = tpu.memref_slice %arg17[%add3A_14, %dma_start3A_17] : memref<10240x128xf32, #tpu.memory_space<vmem_shared>> -> memref<80x128xf32, #tpu.memory_space<vmem_shared>>
    tpu.enqueue_dma source(%arg8 : memref<80x128xf32, #tpu.memory_space<vmem>>) target(%dma_start3A_18 : memref<80x128xf32, #tpu.memory_space<vmem_shared>>) target_semaphore(%arg18 : memref<!tpu.dma_semaphore, #tpu.memory_space<semaphore_mem>>)
    %add3A_19 = arith.constant 160 : i32
    %add3A_20 = arith.addi %mul3A_7, %add3A_19 : i32
    %dma_start3A_21 = arith.constant 0 : i32
    %dma_start3A_22 = tpu.memref_slice %arg17[%add3A_20, %dma_start3A_21] : memref<10240x128xf32, #tpu.memory_space<vmem_shared>> -> memref<80x128xf32, #tpu.memory_space<vmem_shared>>
    %dma_start3A_23 = arith.constant 0 : i32
    %dma_start3A_24 = tpu.memref_slice %arg17[%add3A_20, %dma_start3A_23] : memref<10240x128xf32, #tpu.memory_space<vmem_shared>> -> memref<80x128xf32, #tpu.memory_space<vmem_shared>>
    tpu.enqueue_dma source(%arg8 : memref<80x128xf32, #tpu.memory_space<vmem>>) target(%dma_start3A_24 : memref<80x128xf32, #tpu.memory_space<vmem_shared>>) target_semaphore(%arg18 : memref<!tpu.dma_semaphore, #tpu.memory_space<semaphore_mem>>)
    %add3A_25 = arith.constant 240 : i32
    %add3A_26 = arith.addi %mul3A_7, %add3A_25 : i32
    %dma_start3A_27 = arith.constant 0 : i32
    %dma_start3A_28 = tpu.memref_slice %arg17[%add3A_26, %dma_start3A_27] : memref<10240x128xf32, #tpu.memory_space<vmem_shared>> -> memref<80x128xf32, #tpu.memory_space<vmem_shared>>
    %dma_start3A_29 = arith.constant 0 : i32
    %dma_start3A_30 = tpu.memref_slice %arg17[%add3A_26, %dma_start3A_29] : memref<10240x128xf32, #tpu.memory_space<vmem_shared>> -> memref<80x128xf32, #tpu.memory_space<vmem_shared>>
    tpu.enqueue_dma source(%arg8 : memref<80x128xf32, #tpu.memory_space<vmem>>) target(%dma_start3A_30 : memref<80x128xf32, #tpu.memory_space<vmem_shared>>) target_semaphore(%arg18 : memref<!tpu.dma_semaphore, #tpu.memory_space<semaphore_mem>>)
    %add3A_31 = arith.constant 320 : i32
    %add3A_32 = arith.addi %mul3A_7, %add3A_31 : i32
    %dma_start3A_33 = arith.constant 0 : i32
    %dma_start3A_34 = tpu.memref_slice %arg17[%add3A_32, %dma_start3A_33] : memref<10240x128xf32, #tpu.memory_space<vmem_shared>> -> memref<80x128xf32, #tpu.memory_space<vmem_shared>>
    %dma_start3A_35 = arith.constant 0 : i32
    %dma_start3A_36 = tpu.memref_slice %arg17[%add3A_32, %dma_start3A_35] : memref<10240x128xf32, #tpu.memory_space<vmem_shared>> -> memref<80x128xf32, #tpu.memory_space<vmem_shared>>
    tpu.enqueue_dma source(%arg8 : memref<80x128xf32, #tpu.memory_space<vmem>>) target(%dma_start3A_36 : memref<80x128xf32, #tpu.memory_space<vmem_shared>>) target_semaphore(%arg18 : memref<!tpu.dma_semaphore, #tpu.memory_space<semaphore_mem>>)
    %add3A_37 = arith.constant 400 : i32
    %add3A_38 = arith.addi %mul3A_7, %add3A_37 : i32
    %dma_start3A_39 = arith.constant 0 : i32
    %dma_start3A_40 = tpu.memref_slice %arg17[%add3A_38, %dma_start3A_39] : memref<10240x128xf32, #tpu.memory_space<vmem_shared>> -> memref<80x128xf32, #tpu.memory_space<vmem_shared>>
    %dma_start3A_41 = arith.constant 0 : i32
    %dma_start3A_42 = tpu.memref_slice %arg17[%add3A_38, %dma_start3A_41] : memref<10240x128xf32, #tpu.memory_space<vmem_shared>> -> memref<80x128xf32, #tpu.memory_space<vmem_shared>>
    tpu.enqueue_dma source(%arg8 : memref<80x128xf32, #tpu.memory_space<vmem>>) target(%dma_start3A_42 : memref<80x128xf32, #tpu.memory_space<vmem_shared>>) target_semaphore(%arg18 : memref<!tpu.dma_semaphore, #tpu.memory_space<semaphore_mem>>)
    %add3A_43 = arith.constant 480 : i32
    %add3A_44 = arith.addi %mul3A_7, %add3A_43 : i32
    %dma_start3A_45 = arith.constant 0 : i32
    %dma_start3A_46 = tpu.memref_slice %arg17[%add3A_44, %dma_start3A_45] : memref<10240x128xf32, #tpu.memory_space<vmem_shared>> -> memref<80x128xf32, #tpu.memory_space<vmem_shared>>
    %dma_start3A_47 = arith.constant 0 : i32
    %dma_start3A_48 = tpu.memref_slice %arg17[%add3A_44, %dma_start3A_47] : memref<10240x128xf32, #tpu.memory_space<vmem_shared>> -> memref<80x128xf32, #tpu.memory_space<vmem_shared>>
    tpu.enqueue_dma source(%arg8 : memref<80x128xf32, #tpu.memory_space<vmem>>) target(%dma_start3A_48 : memref<80x128xf32, #tpu.memory_space<vmem_shared>>) target_semaphore(%arg18 : memref<!tpu.dma_semaphore, #tpu.memory_space<semaphore_mem>>)
    %add3A_49 = arith.constant 560 : i32
    %add3A_50 = arith.addi %mul3A_7, %add3A_49 : i32
    %dma_start3A_51 = arith.constant 0 : i32
    %dma_start3A_52 = tpu.memref_slice %arg17[%add3A_50, %dma_start3A_51] : memref<10240x128xf32, #tpu.memory_space<vmem_shared>> -> memref<80x128xf32, #tpu.memory_space<vmem_shared>>
    %dma_start3A_53 = arith.constant 0 : i32
    %dma_start3A_54 = tpu.memref_slice %arg17[%add3A_50, %dma_start3A_53] : memref<10240x128xf32, #tpu.memory_space<vmem_shared>> -> memref<80x128xf32, #tpu.memory_space<vmem_shared>>
    tpu.enqueue_dma source(%arg8 : memref<80x128xf32, #tpu.memory_space<vmem>>) target(%dma_start3A_54 : memref<80x128xf32, #tpu.memory_space<vmem_shared>>) target_semaphore(%arg18 : memref<!tpu.dma_semaphore, #tpu.memory_space<semaphore_mem>>)
    %add3A_55 = arith.constant 0 : i32
    %add3A_56 = arith.addi %mul3A_7, %add3A_55 : i32
    %dma_wait3A = arith.constant 0 : i32
    %dma_wait3A_57 = tpu.memref_slice %arg17[%add3A_56, %dma_wait3A] : memref<10240x128xf32, #tpu.memory_space<vmem_shared>> -> memref<80x128xf32, #tpu.memory_space<vmem_shared>>
    %dma_wait3A_58 = arith.constant 0 : i32
    %dma_wait3A_59 = tpu.memref_slice %arg17[%add3A_56, %dma_wait3A_58] : memref<10240x128xf32, #tpu.memory_space<vmem_shared>> -> memref<80x128xf32, #tpu.memory_space<vmem_shared>>
    tpu.wait_dma2 semaphore(%arg18 : memref<!tpu.dma_semaphore, #tpu.memory_space<semaphore_mem>>) src(%arg8 : memref<80x128xf32, #tpu.memory_space<vmem>>) dst(%dma_wait3A_59 : memref<80x128xf32, #tpu.memory_space<vmem_shared>>)
    %add3A_60 = arith.constant 80 : i32
    %add3A_61 = arith.addi %mul3A_7, %add3A_60 : i32
    %dma_wait3A_62 = arith.constant 0 : i32
    %dma_wait3A_63 = tpu.memref_slice %arg17[%add3A_61, %dma_wait3A_62] : memref<10240x128xf32, #tpu.memory_space<vmem_shared>> -> memref<80x128xf32, #tpu.memory_space<vmem_shared>>
    %dma_wait3A_64 = arith.constant 0 : i32
    %dma_wait3A_65 = tpu.memref_slice %arg17[%add3A_61, %dma_wait3A_64] : memref<10240x128xf32, #tpu.memory_space<vmem_shared>> -> memref<80x128xf32, #tpu.memory_space<vmem_shared>>
    tpu.wait_dma2 semaphore(%arg18 : memref<!tpu.dma_semaphore, #tpu.memory_space<semaphore_mem>>) src(%arg8 : memref<80x128xf32, #tpu.memory_space<vmem>>) dst(%dma_wait3A_65 : memref<80x128xf32, #tpu.memory_space<vmem_shared>>)
    %add3A_66 = arith.constant 160 : i32
    %add3A_67 = arith.addi %mul3A_7, %add3A_66 : i32
    %dma_wait3A_68 = arith.constant 0 : i32
    %dma_wait3A_69 = tpu.memref_slice %arg17[%add3A_67, %dma_wait3A_68] : memref<10240x128xf32, #tpu.memory_space<vmem_shared>> -> memref<80x128xf32, #tpu.memory_space<vmem_shared>>
    %dma_wait3A_70 = arith.constant 0 : i32
    %dma_wait3A_71 = tpu.memref_slice %arg17[%add3A_67, %dma_wait3A_70] : memref<10240x128xf32, #tpu.memory_space<vmem_shared>> -> memref<80x128xf32, #tpu.memory_space<vmem_shared>>
    tpu.wait_dma2 semaphore(%arg18 : memref<!tpu.dma_semaphore, #tpu.memory_space<semaphore_mem>>) src(%arg8 : memref<80x128xf32, #tpu.memory_space<vmem>>) dst(%dma_wait3A_71 : memref<80x128xf32, #tpu.memory_space<vmem_shared>>)
    %add3A_72 = arith.constant 240 : i32
    %add3A_73 = arith.addi %mul3A_7, %add3A_72 : i32
    %dma_wait3A_74 = arith.constant 0 : i32
    %dma_wait3A_75 = tpu.memref_slice %arg17[%add3A_73, %dma_wait3A_74] : memref<10240x128xf32, #tpu.memory_space<vmem_shared>> -> memref<80x128xf32, #tpu.memory_space<vmem_shared>>
    %dma_wait3A_76 = arith.constant 0 : i32
    %dma_wait3A_77 = tpu.memref_slice %arg17[%add3A_73, %dma_wait3A_76] : memref<10240x128xf32, #tpu.memory_space<vmem_shared>> -> memref<80x128xf32, #tpu.memory_space<vmem_shared>>
    tpu.wait_dma2 semaphore(%arg18 : memref<!tpu.dma_semaphore, #tpu.memory_space<semaphore_mem>>) src(%arg8 : memref<80x128xf32, #tpu.memory_space<vmem>>) dst(%dma_wait3A_77 : memref<80x128xf32, #tpu.memory_space<vmem_shared>>)
    %add3A_78 = arith.constant 320 : i32
    %add3A_79 = arith.addi %mul3A_7, %add3A_78 : i32
    %dma_wait3A_80 = arith.constant 0 : i32
    %dma_wait3A_81 = tpu.memref_slice %arg17[%add3A_79, %dma_wait3A_80] : memref<10240x128xf32, #tpu.memory_space<vmem_shared>> -> memref<80x128xf32, #tpu.memory_space<vmem_shared>>
    %dma_wait3A_82 = arith.constant 0 : i32
    %dma_wait3A_83 = tpu.memref_slice %arg17[%add3A_79, %dma_wait3A_82] : memref<10240x128xf32, #tpu.memory_space<vmem_shared>> -> memref<80x128xf32, #tpu.memory_space<vmem_shared>>
    tpu.wait_dma2 semaphore(%arg18 : memref<!tpu.dma_semaphore, #tpu.memory_space<semaphore_mem>>) src(%arg8 : memref<80x128xf32, #tpu.memory_space<vmem>>) dst(%dma_wait3A_83 : memref<80x128xf32, #tpu.memory_space<vmem_shared>>)
    %add3A_84 = arith.constant 400 : i32
    %add3A_85 = arith.addi %mul3A_7, %add3A_84 : i32
    %dma_wait3A_86 = arith.constant 0 : i32
    %dma_wait3A_87 = tpu.memref_slice %arg17[%add3A_85, %dma_wait3A_86] : memref<10240x128xf32, #tpu.memory_space<vmem_shared>> -> memref<80x128xf32, #tpu.memory_space<vmem_shared>>
    %dma_wait3A_88 = arith.constant 0 : i32
    %dma_wait3A_89 = tpu.memref_slice %arg17[%add3A_85, %dma_wait3A_88] : memref<10240x128xf32, #tpu.memory_space<vmem_shared>> -> memref<80x128xf32, #tpu.memory_space<vmem_shared>>
    tpu.wait_dma2 semaphore(%arg18 : memref<!tpu.dma_semaphore, #tpu.memory_space<semaphore_mem>>) src(%arg8 : memref<80x128xf32, #tpu.memory_space<vmem>>) dst(%dma_wait3A_89 : memref<80x128xf32, #tpu.memory_space<vmem_shared>>)
    %add3A_90 = arith.constant 480 : i32
    %add3A_91 = arith.addi %mul3A_7, %add3A_90 : i32
    %dma_wait3A_92 = arith.constant 0 : i32
    %dma_wait3A_93 = tpu.memref_slice %arg17[%add3A_91, %dma_wait3A_92] : memref<10240x128xf32, #tpu.memory_space<vmem_shared>> -> memref<80x128xf32, #tpu.memory_space<vmem_shared>>
    %dma_wait3A_94 = arith.constant 0 : i32
    %dma_wait3A_95 = tpu.memref_slice %arg17[%add3A_91, %dma_wait3A_94] : memref<10240x128xf32, #tpu.memory_space<vmem_shared>> -> memref<80x128xf32, #tpu.memory_space<vmem_shared>>
    tpu.wait_dma2 semaphore(%arg18 : memref<!tpu.dma_semaphore, #tpu.memory_space<semaphore_mem>>) src(%arg8 : memref<80x128xf32, #tpu.memory_space<vmem>>) dst(%dma_wait3A_95 : memref<80x128xf32, #tpu.memory_space<vmem_shared>>)
    %add3A_96 = arith.constant 560 : i32
    %add3A_97 = arith.addi %mul3A_7, %add3A_96 : i32
    %dma_wait3A_98 = arith.constant 0 : i32
    %dma_wait3A_99 = tpu.memref_slice %arg17[%add3A_97, %dma_wait3A_98] : memref<10240x128xf32, #tpu.memory_space<vmem_shared>> -> memref<80x128xf32, #tpu.memory_space<vmem_shared>>
    %dma_wait3A_100 = arith.constant 0 : i32
    %dma_wait3A_101 = tpu.memref_slice %arg17[%add3A_97, %dma_wait3A_100] : memref<10240x128xf32, #tpu.memory_space<vmem_shared>> -> memref<80x128xf32, #tpu.memory_space<vmem_shared>>
    tpu.wait_dma2 semaphore(%arg18 : memref<!tpu.dma_semaphore, #tpu.memory_space<semaphore_mem>>) src(%arg8 : memref<80x128xf32, #tpu.memory_space<vmem>>) dst(%dma_wait3A_101 : memref<80x128xf32, #tpu.memory_space<vmem_shared>>)
    %barrier3A = arith.constant 0 : index
    tpu.barrier barrier_id(%barrier3A)
    %dma_start3A_102 = arith.constant 0 : i32
    %dma_start3A_103 = tpu.memref_slice %arg7[%dma_start3A_102] : memref<10000xi32, #tpu.memory_space<vmem>> -> memref<80xi32, #tpu.memory_space<vmem>>
    %dma_start3A_104 = arith.constant 0 : i32
    %dma_start3A_105 = arith.constant 0 : i32
    %dma_start3A_106 = tpu.memref_slice %arg2[%dma_start3A_104, %dma_start3A_105] : memref<10000x128xf32, #tpu.memory_space<hbm>> -> memref<10000x128xf32, #tpu.memory_space<hbm>>
    tpu.enqueue_indirect_dma source(%dma_start3A_106 : memref<10000x128xf32, #tpu.memory_space<hbm>>) target(%arg8 : memref<80x128xf32, #tpu.memory_space<vmem>>) offsets(%dma_start3A_103 : memref<80xi32, #tpu.memory_space<vmem>>) semaphore(%arg18 : memref<!tpu.dma_semaphore, #tpu.memory_space<semaphore_mem>>)
    %add3A_107 = arith.constant 0 : i32
    %add3A_108 = arith.addi %mul3A_2, %add3A_107 : i32
    %dma_start3A_109 = tpu.memref_slice %arg4[%add3A_108] : memref<320000xi32, #tpu.memory_space<hbm>> -> memref<80xi32, #tpu.memory_space<hbm>>
    %dma_start3A_110 = tpu.memref_slice %arg4[%add3A_108] : memref<320000xi32, #tpu.memory_space<hbm>> -> memref<80xi32, #tpu.memory_space<hbm>>
    tpu.enqueue_dma source(%dma_start3A_110 : memref<80xi32, #tpu.memory_space<hbm>>) target(%arg11 : memref<80xi32, #tpu.memory_space<vmem>>) target_semaphore(%arg21 : memref<!tpu.dma_semaphore, #tpu.memory_space<semaphore_mem>>)
    %add3A_111 = arith.constant 0 : i32
    %add3A_112 = arith.addi %mul3A_2, %add3A_111 : i32
    %dma_start3A_113 = tpu.memref_slice %arg5[%add3A_112] : memref<320000xf32, #tpu.memory_space<hbm>> -> memref<80xf32, #tpu.memory_space<hbm>>
    %dma_start3A_114 = tpu.memref_slice %arg5[%add3A_112] : memref<320000xf32, #tpu.memory_space<hbm>> -> memref<80xf32, #tpu.memory_space<hbm>>
    tpu.enqueue_dma source(%dma_start3A_114 : memref<80xf32, #tpu.memory_space<hbm>>) target(%arg14 : memref<80xf32, #tpu.memory_space<vmem>>) target_semaphore(%arg21 : memref<!tpu.dma_semaphore, #tpu.memory_space<semaphore_mem>>)
    %dma_start3A_115 = arith.constant 80 : i32
    %dma_start3A_116 = tpu.memref_slice %arg7[%dma_start3A_115] : memref<10000xi32, #tpu.memory_space<vmem>> -> memref<80xi32, #tpu.memory_space<vmem>>
    %dma_start3A_117 = arith.constant 0 : i32
    %dma_start3A_118 = arith.constant 0 : i32
    %dma_start3A_119 = tpu.memref_slice %arg2[%dma_start3A_117, %dma_start3A_118] : memref<10000x128xf32, #tpu.memory_space<hbm>> -> memref<10000x128xf32, #tpu.memory_space<hbm>>
    tpu.enqueue_indirect_dma source(%dma_start3A_119 : memref<10000x128xf32, #tpu.memory_space<hbm>>) target(%arg9 : memref<80x128xf32, #tpu.memory_space<vmem>>) offsets(%dma_start3A_116 : memref<80xi32, #tpu.memory_space<vmem>>) semaphore(%arg19 : memref<!tpu.dma_semaphore, #tpu.memory_space<semaphore_mem>>)
    %add3A_120 = arith.constant 80 : i32
    %add3A_121 = arith.addi %mul3A_2, %add3A_120 : i32
    %dma_start3A_122 = tpu.memref_slice %arg4[%add3A_121] : memref<320000xi32, #tpu.memory_space<hbm>> -> memref<80xi32, #tpu.memory_space<hbm>>
    %dma_start3A_123 = tpu.memref_slice %arg4[%add3A_121] : memref<320000xi32, #tpu.memory_space<hbm>> -> memref<80xi32, #tpu.memory_space<hbm>>
    tpu.enqueue_dma source(%dma_start3A_123 : memref<80xi32, #tpu.memory_space<hbm>>) target(%arg12 : memref<80xi32, #tpu.memory_space<vmem>>) target_semaphore(%arg22 : memref<!tpu.dma_semaphore, #tpu.memory_space<semaphore_mem>>)
    %add3A_124 = arith.constant 80 : i32
    %add3A_125 = arith.addi %mul3A_2, %add3A_124 : i32
    %dma_start3A_126 = tpu.memref_slice %arg5[%add3A_125] : memref<320000xf32, #tpu.memory_space<hbm>> -> memref<80xf32, #tpu.memory_space<hbm>>
    %dma_start3A_127 = tpu.memref_slice %arg5[%add3A_125] : memref<320000xf32, #tpu.memory_space<hbm>> -> memref<80xf32, #tpu.memory_space<hbm>>
    tpu.enqueue_dma source(%dma_start3A_127 : memref<80xf32, #tpu.memory_space<hbm>>) target(%arg15 : memref<80xf32, #tpu.memory_space<vmem>>) target_semaphore(%arg22 : memref<!tpu.dma_semaphore, #tpu.memory_space<semaphore_mem>>)
    %dma_wait3A_128 = arith.constant 0 : i32
    %dma_wait3A_129 = tpu.memref_slice %arg7[%dma_wait3A_128] : memref<10000xi32, #tpu.memory_space<vmem>> -> memref<80xi32, #tpu.memory_space<vmem>>
    %dma_wait3A_130 = arith.constant 0 : i32
    %dma_wait3A_131 = arith.constant 0 : i32
    %dma_wait3A_132 = tpu.memref_slice %arg2[%dma_wait3A_130, %dma_wait3A_131] : memref<10000x128xf32, #tpu.memory_space<hbm>> -> memref<10000x128xf32, #tpu.memory_space<hbm>>
    tpu.wait_indirect_dma semaphore(%arg18 : memref<!tpu.dma_semaphore, #tpu.memory_space<semaphore_mem>>) src(%dma_wait3A_132 : memref<10000x128xf32, #tpu.memory_space<hbm>>) dst(%arg8 : memref<80x128xf32, #tpu.memory_space<vmem>>)
    %add3A_133 = arith.constant 0 : i32
    %add3A_134 = arith.addi %mul3A_2, %add3A_133 : i32
    %dma_wait3A_135 = tpu.memref_slice %arg4[%add3A_134] : memref<320000xi32, #tpu.memory_space<hbm>> -> memref<80xi32, #tpu.memory_space<hbm>>
    %dma_wait3A_136 = tpu.memref_slice %arg4[%add3A_134] : memref<320000xi32, #tpu.memory_space<hbm>> -> memref<80xi32, #tpu.memory_space<hbm>>
    tpu.wait_dma2 semaphore(%arg21 : memref<!tpu.dma_semaphore, #tpu.memory_space<semaphore_mem>>) src(%dma_wait3A_136 : memref<80xi32, #tpu.memory_space<hbm>>) dst(%arg11 : memref<80xi32, #tpu.memory_space<vmem>>)
    %add3A_137 = arith.constant 0 : i32
    %add3A_138 = arith.addi %mul3A_2, %add3A_137 : i32
    %dma_wait3A_139 = tpu.memref_slice %arg5[%add3A_138] : memref<320000xf32, #tpu.memory_space<hbm>> -> memref<80xf32, #tpu.memory_space<hbm>>
    %dma_wait3A_140 = tpu.memref_slice %arg5[%add3A_138] : memref<320000xf32, #tpu.memory_space<hbm>> -> memref<80xf32, #tpu.memory_space<hbm>>
    tpu.wait_dma2 semaphore(%arg21 : memref<!tpu.dma_semaphore, #tpu.memory_space<semaphore_mem>>) src(%dma_wait3A_140 : memref<80xf32, #tpu.memory_space<hbm>>) dst(%arg14 : memref<80xf32, #tpu.memory_space<vmem>>)
    %parallel_loop3A_141 = arith.constant 0 : i32
    %parallel_loop3A_142 = arith.constant 80 : i32
    %parallel_loop3A_143 = arith.constant 1 : i32
    scf.for %parallel_loop3A_302 = %parallel_loop3A_141 to %parallel_loop3A_142 step %parallel_loop3A_143  : i32 {
      %parallel_loop3A_303 = arith.index_cast %parallel_loop3A_302 : i32 to index
      %parallel_loop3A_304 = tpu.vector_load %arg14[%parallel_loop3A_303] {strides = array<i32>} : memref<80xf32, #tpu.memory_space<vmem>>, vector<1xf32>,
      %parallel_loop3A_305 = vector.shape_cast %parallel_loop3A_304 : vector<1xf32> to vector<1xf32>
      %parallel_loop3A_306 = vector.extract %parallel_loop3A_305[0] : f32 from vector<1xf32>
      %parallel_loop3A_307 = arith.index_cast %parallel_loop3A_302 : i32 to index
      %parallel_loop3A_308 = arith.constant 0 : index
      %parallel_loop3A_309 = tpu.vector_load %arg8[%parallel_loop3A_307, %parallel_loop3A_308] {strides = array<i32>} : memref<80x128xf32, #tpu.memory_space<vmem>>, vector<1x16xf32>,
      %parallel_loop3A_310 = vector.shape_cast %parallel_loop3A_309 : vector<1x16xf32> to vector<16xf32>
      %parallel_loop3A_311 = vector.broadcast %parallel_loop3A_306 : f32 to vector<16xf32>
      %parallel_loop3A_312 = arith.mulf %parallel_loop3A_310, %parallel_loop3A_311 : vector<16xf32>
      %parallel_loop3A_313 = arith.index_cast %parallel_loop3A_302 : i32 to index
      %parallel_loop3A_314 = arith.constant 0 : index
      %parallel_loop3A_315 = tpu.vector_load %arg8[%parallel_loop3A_313, %parallel_loop3A_314] {strides = array<i32>} : memref<80x128xf32, #tpu.memory_space<vmem>>, vector<1x16xf32>,
      %parallel_loop3A_316 = vector.shape_cast %parallel_loop3A_315 : vector<1x16xf32> to vector<16xf32>
      %parallel_loop3A_317 = vector.shape_cast %parallel_loop3A_312 : vector<16xf32> to vector<1x16xf32>
      tpu.vector_store %arg8[%parallel_loop3A_313, %parallel_loop3A_314], %parallel_loop3A_317 {strides = array<i32>} : memref<80x128xf32, #tpu.memory_space<vmem>>, vector<1x16xf32>,
    } {sc.loop_unroll_factor = 4 : i64, sc.parallel_access}
    %dma_start3A_144 = arith.constant 0 : i32
    %dma_start3A_145 = tpu.memref_slice %arg11[%dma_start3A_144] : memref<80xi32, #tpu.memory_space<vmem>> -> memref<80xi32, #tpu.memory_space<vmem>>
    %dma_start3A_146 = arith.constant 0 : i32
    %dma_start3A_147 = arith.constant 0 : i32
    %dma_start3A_148 = tpu.memref_slice %arg17[%dma_start3A_146, %dma_start3A_147] : memref<10240x128xf32, #tpu.memory_space<vmem_shared>> -> memref<10240x128xf32, #tpu.memory_space<vmem_shared>>
    tpu.enqueue_indirect_dma source(%arg8 : memref<80x128xf32, #tpu.memory_space<vmem>>) target(%dma_start3A_148 : memref<10240x128xf32, #tpu.memory_space<vmem_shared>>) offsets(%dma_start3A_145 : memref<80xi32, #tpu.memory_space<vmem>>) semaphore(%arg24 : memref<!tpu.dma_semaphore, #tpu.memory_space<semaphore_mem>>) {add = true}
    %dma_start3A_149 = arith.constant 160 : i32
    %dma_start3A_150 = tpu.memref_slice %arg7[%dma_start3A_149] : memref<10000xi32, #tpu.memory_space<vmem>> -> memref<80xi32, #tpu.memory_space<vmem>>
    %dma_start3A_151 = arith.constant 0 : i32
    %dma_start3A_152 = arith.constant 0 : i32
    %dma_start3A_153 = tpu.memref_slice %arg2[%dma_start3A_151, %dma_start3A_152] : memref<10000x128xf32, #tpu.memory_space<hbm>> -> memref<10000x128xf32, #tpu.memory_space<hbm>>
    tpu.enqueue_indirect_dma source(%dma_start3A_153 : memref<10000x128xf32, #tpu.memory_space<hbm>>) target(%arg10 : memref<80x128xf32, #tpu.memory_space<vmem>>) offsets(%dma_start3A_150 : memref<80xi32, #tpu.memory_space<vmem>>) semaphore(%arg20 : memref<!tpu.dma_semaphore, #tpu.memory_space<semaphore_mem>>)
    %add3A_154 = arith.constant 160 : i32
    %add3A_155 = arith.addi %mul3A_2, %add3A_154 : i32
    %dma_start3A_156 = tpu.memref_slice %arg4[%add3A_155] : memref<320000xi32, #tpu.memory_space<hbm>> -> memref<80xi32, #tpu.memory_space<hbm>>
    %dma_start3A_157 = tpu.memref_slice %arg4[%add3A_155] : memref<320000xi32, #tpu.memory_space<hbm>> -> memref<80xi32, #tpu.memory_space<hbm>>
    tpu.enqueue_dma source(%dma_start3A_157 : memref<80xi32, #tpu.memory_space<hbm>>) target(%arg13 : memref<80xi32, #tpu.memory_space<vmem>>) target_semaphore(%arg23 : memref<!tpu.dma_semaphore, #tpu.memory_space<semaphore_mem>>)
    %add3A_158 = arith.constant 160 : i32
    %add3A_159 = arith.addi %mul3A_2, %add3A_158 : i32
    %dma_start3A_160 = tpu.memref_slice %arg5[%add3A_159] : memref<320000xf32, #tpu.memory_space<hbm>> -> memref<80xf32, #tpu.memory_space<hbm>>
    %dma_start3A_161 = tpu.memref_slice %arg5[%add3A_159] : memref<320000xf32, #tpu.memory_space<hbm>> -> memref<80xf32, #tpu.memory_space<hbm>>
    tpu.enqueue_dma source(%dma_start3A_161 : memref<80xf32, #tpu.memory_space<hbm>>) target(%arg16 : memref<80xf32, #tpu.memory_space<vmem>>) target_semaphore(%arg23 : memref<!tpu.dma_semaphore, #tpu.memory_space<semaphore_mem>>)
    %dma_wait3A_162 = arith.constant 80 : i32
    %dma_wait3A_163 = tpu.memref_slice %arg7[%dma_wait3A_162] : memref<10000xi32, #tpu.memory_space<vmem>> -> memref<80xi32, #tpu.memory_space<vmem>>
    %dma_wait3A_164 = arith.constant 0 : i32
    %dma_wait3A_165 = arith.constant 0 : i32
    %dma_wait3A_166 = tpu.memref_slice %arg2[%dma_wait3A_164, %dma_wait3A_165] : memref<10000x128xf32, #tpu.memory_space<hbm>> -> memref<10000x128xf32, #tpu.memory_space<hbm>>
    tpu.wait_indirect_dma semaphore(%arg19 : memref<!tpu.dma_semaphore, #tpu.memory_space<semaphore_mem>>) src(%dma_wait3A_166 : memref<10000x128xf32, #tpu.memory_space<hbm>>) dst(%arg9 : memref<80x128xf32, #tpu.memory_space<vmem>>)
    %add3A_167 = arith.constant 80 : i32
    %add3A_168 = arith.addi %mul3A_2, %add3A_167 : i32
    %dma_wait3A_169 = tpu.memref_slice %arg4[%add3A_168] : memref<320000xi32, #tpu.memory_space<hbm>> -> memref<80xi32, #tpu.memory_space<hbm>>
    %dma_wait3A_170 = tpu.memref_slice %arg4[%add3A_168] : memref<320000xi32, #tpu.memory_space<hbm>> -> memref<80xi32, #tpu.memory_space<hbm>>
    tpu.wait_dma2 semaphore(%arg22 : memref<!tpu.dma_semaphore, #tpu.memory_space<semaphore_mem>>) src(%dma_wait3A_170 : memref<80xi32, #tpu.memory_space<hbm>>) dst(%arg12 : memref<80xi32, #tpu.memory_space<vmem>>)
    %add3A_171 = arith.constant 80 : i32
    %add3A_172 = arith.addi %mul3A_2, %add3A_171 : i32
    %dma_wait3A_173 = tpu.memref_slice %arg5[%add3A_172] : memref<320000xf32, #tpu.memory_space<hbm>> -> memref<80xf32, #tpu.memory_space<hbm>>
    %dma_wait3A_174 = tpu.memref_slice %arg5[%add3A_172] : memref<320000xf32, #tpu.memory_space<hbm>> -> memref<80xf32, #tpu.memory_space<hbm>>
    tpu.wait_dma2 semaphore(%arg22 : memref<!tpu.dma_semaphore, #tpu.memory_space<semaphore_mem>>) src(%dma_wait3A_174 : memref<80xf32, #tpu.memory_space<hbm>>) dst(%arg15 : memref<80xf32, #tpu.memory_space<vmem>>)
    %parallel_loop3A_175 = arith.constant 0 : i32
    %parallel_loop3A_176 = arith.constant 80 : i32
    %parallel_loop3A_177 = arith.constant 1 : i32
    scf.for %parallel_loop3A_302 = %parallel_loop3A_175 to %parallel_loop3A_176 step %parallel_loop3A_177  : i32 {
      %parallel_loop3A_303 = arith.index_cast %parallel_loop3A_302 : i32 to index
      %parallel_loop3A_304 = tpu.vector_load %arg15[%parallel_loop3A_303] {strides = array<i32>} : memref<80xf32, #tpu.memory_space<vmem>>, vector<1xf32>,
      %parallel_loop3A_305 = vector.shape_cast %parallel_loop3A_304 : vector<1xf32> to vector<1xf32>
      %parallel_loop3A_306 = vector.extract %parallel_loop3A_305[0] : f32 from vector<1xf32>
      %parallel_loop3A_307 = arith.index_cast %parallel_loop3A_302 : i32 to index
      %parallel_loop3A_308 = arith.constant 0 : index
      %parallel_loop3A_309 = tpu.vector_load %arg9[%parallel_loop3A_307, %parallel_loop3A_308] {strides = array<i32>} : memref<80x128xf32, #tpu.memory_space<vmem>>, vector<1x16xf32>,
      %parallel_loop3A_310 = vector.shape_cast %parallel_loop3A_309 : vector<1x16xf32> to vector<16xf32>
      %parallel_loop3A_311 = vector.broadcast %parallel_loop3A_306 : f32 to vector<16xf32>
      %parallel_loop3A_312 = arith.mulf %parallel_loop3A_310, %parallel_loop3A_311 : vector<16xf32>
      %parallel_loop3A_313 = arith.index_cast %parallel_loop3A_302 : i32 to index
      %parallel_loop3A_314 = arith.constant 0 : index
      %parallel_loop3A_315 = tpu.vector_load %arg9[%parallel_loop3A_313, %parallel_loop3A_314] {strides = array<i32>} : memref<80x128xf32, #tpu.memory_space<vmem>>, vector<1x16xf32>,
      %parallel_loop3A_316 = vector.shape_cast %parallel_loop3A_315 : vector<1x16xf32> to vector<16xf32>
      %parallel_loop3A_317 = vector.shape_cast %parallel_loop3A_312 : vector<16xf32> to vector<1x16xf32>
      tpu.vector_store %arg9[%parallel_loop3A_313, %parallel_loop3A_314], %parallel_loop3A_317 {strides = array<i32>} : memref<80x128xf32, #tpu.memory_space<vmem>>, vector<1x16xf32>,
    } {sc.loop_unroll_factor = 4 : i64, sc.parallel_access}
    %dma_start3A_178 = arith.constant 0 : i32
    %dma_start3A_179 = tpu.memref_slice %arg12[%dma_start3A_178] : memref<80xi32, #tpu.memory_space<vmem>> -> memref<80xi32, #tpu.memory_space<vmem>>
    %dma_start3A_180 = arith.constant 0 : i32
    %dma_start3A_181 = arith.constant 0 : i32
    %dma_start3A_182 = tpu.memref_slice %arg17[%dma_start3A_180, %dma_start3A_181] : memref<10240x128xf32, #tpu.memory_space<vmem_shared>> -> memref<10240x128xf32, #tpu.memory_space<vmem_shared>>
    tpu.enqueue_indirect_dma source(%arg9 : memref<80x128xf32, #tpu.memory_space<vmem>>) target(%dma_start3A_182 : memref<10240x128xf32, #tpu.memory_space<vmem_shared>>) offsets(%dma_start3A_179 : memref<80xi32, #tpu.memory_space<vmem>>) semaphore(%arg25 : memref<!tpu.dma_semaphore, #tpu.memory_space<semaphore_mem>>) {add = true}
    %dma_wait3A_183 = arith.constant 0 : i32
    %dma_wait3A_184 = tpu.memref_slice %arg11[%dma_wait3A_183] : memref<80xi32, #tpu.memory_space<vmem>> -> memref<80xi32, #tpu.memory_space<vmem>>
    %dma_wait3A_185 = arith.constant 0 : i32
    %dma_wait3A_186 = arith.constant 0 : i32
    %dma_wait3A_187 = tpu.memref_slice %arg17[%dma_wait3A_185, %dma_wait3A_186] : memref<10240x128xf32, #tpu.memory_space<vmem_shared>> -> memref<10240x128xf32, #tpu.memory_space<vmem_shared>>
    tpu.wait_indirect_dma semaphore(%arg24 : memref<!tpu.dma_semaphore, #tpu.memory_space<semaphore_mem>>) src(%arg8 : memref<80x128xf32, #tpu.memory_space<vmem>>) dst(%dma_wait3A_187 : memref<10240x128xf32, #tpu.memory_space<vmem_shared>>)
    %dma_start3A_188 = arith.constant 240 : i32
    %dma_start3A_189 = tpu.memref_slice %arg7[%dma_start3A_188] : memref<10000xi32, #tpu.memory_space<vmem>> -> memref<80xi32, #tpu.memory_space<vmem>>
    %dma_start3A_190 = arith.constant 0 : i32
    %dma_start3A_191 = arith.constant 0 : i32
    %dma_start3A_192 = tpu.memref_slice %arg2[%dma_start3A_190, %dma_start3A_191] : memref<10000x128xf32, #tpu.memory_space<hbm>> -> memref<10000x128xf32, #tpu.memory_space<hbm>>
    tpu.enqueue_indirect_dma source(%dma_start3A_192 : memref<10000x128xf32, #tpu.memory_space<hbm>>) target(%arg8 : memref<80x128xf32, #tpu.memory_space<vmem>>) offsets(%dma_start3A_189 : memref<80xi32, #tpu.memory_space<vmem>>) semaphore(%arg18 : memref<!tpu.dma_semaphore, #tpu.memory_space<semaphore_mem>>)
    %add3A_193 = arith.constant 240 : i32
    %add3A_194 = arith.addi %mul3A_2, %add3A_193 : i32
    %dma_start3A_195 = tpu.memref_slice %arg4[%add3A_194] : memref<320000xi32, #tpu.memory_space<hbm>> -> memref<80xi32, #tpu.memory_space<hbm>>
    %dma_start3A_196 = tpu.memref_slice %arg4[%add3A_194] : memref<320000xi32, #tpu.memory_space<hbm>> -> memref<80xi32, #tpu.memory_space<hbm>>
    tpu.enqueue_dma source(%dma_start3A_196 : memref<80xi32, #tpu.memory_space<hbm>>) target(%arg11 : memref<80xi32, #tpu.memory_space<vmem>>) target_semaphore(%arg21 : memref<!tpu.dma_semaphore, #tpu.memory_space<semaphore_mem>>)
    %add3A_197 = arith.constant 240 : i32
    %add3A_198 = arith.addi %mul3A_2, %add3A_197 : i32
    %dma_start3A_199 = tpu.memref_slice %arg5[%add3A_198] : memref<320000xf32, #tpu.memory_space<hbm>> -> memref<80xf32, #tpu.memory_space<hbm>>
    %dma_start3A_200 = tpu.memref_slice %arg5[%add3A_198] : memref<320000xf32, #tpu.memory_space<hbm>> -> memref<80xf32, #tpu.memory_space<hbm>>
    tpu.enqueue_dma source(%dma_start3A_200 : memref<80xf32, #tpu.memory_space<hbm>>) target(%arg14 : memref<80xf32, #tpu.memory_space<vmem>>) target_semaphore(%arg21 : memref<!tpu.dma_semaphore, #tpu.memory_space<semaphore_mem>>)
    %dma_wait3A_201 = arith.constant 160 : i32
    %dma_wait3A_202 = tpu.memref_slice %arg7[%dma_wait3A_201] : memref<10000xi32, #tpu.memory_space<vmem>> -> memref<80xi32, #tpu.memory_space<vmem>>
    %dma_wait3A_203 = arith.constant 0 : i32
    %dma_wait3A_204 = arith.constant 0 : i32
    %dma_wait3A_205 = tpu.memref_slice %arg2[%dma_wait3A_203, %dma_wait3A_204] : memref<10000x128xf32, #tpu.memory_space<hbm>> -> memref<10000x128xf32, #tpu.memory_space<hbm>>
    tpu.wait_indirect_dma semaphore(%arg20 : memref<!tpu.dma_semaphore, #tpu.memory_space<semaphore_mem>>) src(%dma_wait3A_205 : memref<10000x128xf32, #tpu.memory_space<hbm>>) dst(%arg10 : memref<80x128xf32, #tpu.memory_space<vmem>>)
    %add3A_206 = arith.constant 160 : i32
    %add3A_207 = arith.addi %mul3A_2, %add3A_206 : i32
    %dma_wait3A_208 = tpu.memref_slice %arg4[%add3A_207] : memref<320000xi32, #tpu.memory_space<hbm>> -> memref<80xi32, #tpu.memory_space<hbm>>
    %dma_wait3A_209 = tpu.memref_slice %arg4[%add3A_207] : memref<320000xi32, #tpu.memory_space<hbm>> -> memref<80xi32, #tpu.memory_space<hbm>>
    tpu.wait_dma2 semaphore(%arg23 : memref<!tpu.dma_semaphore, #tpu.memory_space<semaphore_mem>>) src(%dma_wait3A_209 : memref<80xi32, #tpu.memory_space<hbm>>) dst(%arg13 : memref<80xi32, #tpu.memory_space<vmem>>)
    %add3A_210 = arith.constant 160 : i32
    %add3A_211 = arith.addi %mul3A_2, %add3A_210 : i32
    %dma_wait3A_212 = tpu.memref_slice %arg5[%add3A_211] : memref<320000xf32, #tpu.memory_space<hbm>> -> memref<80xf32, #tpu.memory_space<hbm>>
    %dma_wait3A_213 = tpu.memref_slice %arg5[%add3A_211] : memref<320000xf32, #tpu.memory_space<hbm>> -> memref<80xf32, #tpu.memory_space<hbm>>
    tpu.wait_dma2 semaphore(%arg23 : memref<!tpu.dma_semaphore, #tpu.memory_space<semaphore_mem>>) src(%dma_wait3A_213 : memref<80xf32, #tpu.memory_space<hbm>>) dst(%arg16 : memref<80xf32, #tpu.memory_space<vmem>>)
    %parallel_loop3A_214 = arith.constant 0 : i32
    %parallel_loop3A_215 = arith.constant 80 : i32
    %parallel_loop3A_216 = arith.constant 1 : i32
    scf.for %parallel_loop3A_302 = %parallel_loop3A_214 to %parallel_loop3A_215 step %parallel_loop3A_216  : i32 {
      %parallel_loop3A_303 = arith.index_cast %parallel_loop3A_302 : i32 to index
      %parallel_loop3A_304 = tpu.vector_load %arg16[%parallel_loop3A_303] {strides = array<i32>} : memref<80xf32, #tpu.memory_space<vmem>>, vector<1xf32>,
      %parallel_loop3A_305 = vector.shape_cast %parallel_loop3A_304 : vector<1xf32> to vector<1xf32>
      %parallel_loop3A_306 = vector.extract %parallel_loop3A_305[0] : f32 from vector<1xf32>
      %parallel_loop3A_307 = arith.index_cast %parallel_loop3A_302 : i32 to index
      %parallel_loop3A_308 = arith.constant 0 : index
      %parallel_loop3A_309 = tpu.vector_load %arg10[%parallel_loop3A_307, %parallel_loop3A_308] {strides = array<i32>} : memref<80x128xf32, #tpu.memory_space<vmem>>, vector<1x16xf32>,
      %parallel_loop3A_310 = vector.shape_cast %parallel_loop3A_309 : vector<1x16xf32> to vector<16xf32>
      %parallel_loop3A_311 = vector.broadcast %parallel_loop3A_306 : f32 to vector<16xf32>
      %parallel_loop3A_312 = arith.mulf %parallel_loop3A_310, %parallel_loop3A_311 : vector<16xf32>
      %parallel_loop3A_313 = arith.index_cast %parallel_loop3A_302 : i32 to index
      %parallel_loop3A_314 = arith.constant 0 : index
      %parallel_loop3A_315 = tpu.vector_load %arg10[%parallel_loop3A_313, %parallel_loop3A_314] {strides = array<i32>} : memref<80x128xf32, #tpu.memory_space<vmem>>, vector<1x16xf32>,
      %parallel_loop3A_316 = vector.shape_cast %parallel_loop3A_315 : vector<1x16xf32> to vector<16xf32>
      %parallel_loop3A_317 = vector.shape_cast %parallel_loop3A_312 : vector<16xf32> to vector<1x16xf32>
      tpu.vector_store %arg10[%parallel_loop3A_313, %parallel_loop3A_314], %parallel_loop3A_317 {strides = array<i32>} : memref<80x128xf32, #tpu.memory_space<vmem>>, vector<1x16xf32>,
    } {sc.loop_unroll_factor = 4 : i64, sc.parallel_access}
    %dma_start3A_217 = arith.constant 0 : i32
    %dma_start3A_218 = tpu.memref_slice %arg13[%dma_start3A_217] : memref<80xi32, #tpu.memory_space<vmem>> -> memref<80xi32, #tpu.memory_space<vmem>>
    %dma_start3A_219 = arith.constant 0 : i32
    %dma_start3A_220 = arith.constant 0 : i32
    %dma_start3A_221 = tpu.memref_slice %arg17[%dma_start3A_219, %dma_start3A_220] : memref<10240x128xf32, #tpu.memory_space<vmem_shared>> -> memref<10240x128xf32, #tpu.memory_space<vmem_shared>>
    tpu.enqueue_indirect_dma source(%arg10 : memref<80x128xf32, #tpu.memory_space<vmem>>) target(%dma_start3A_221 : memref<10240x128xf32, #tpu.memory_space<vmem_shared>>) offsets(%dma_start3A_218 : memref<80xi32, #tpu.memory_space<vmem>>) semaphore(%arg26 : memref<!tpu.dma_semaphore, #tpu.memory_space<semaphore_mem>>) {add = true}
    %dma_wait3A_222 = arith.constant 0 : i32
    %dma_wait3A_223 = tpu.memref_slice %arg12[%dma_wait3A_222] : memref<80xi32, #tpu.memory_space<vmem>> -> memref<80xi32, #tpu.memory_space<vmem>>
    %dma_wait3A_224 = arith.constant 0 : i32
    %dma_wait3A_225 = arith.constant 0 : i32
    %dma_wait3A_226 = tpu.memref_slice %arg17[%dma_wait3A_224, %dma_wait3A_225] : memref<10240x128xf32, #tpu.memory_space<vmem_shared>> -> memref<10240x128xf32, #tpu.memory_space<vmem_shared>>
    tpu.wait_indirect_dma semaphore(%arg25 : memref<!tpu.dma_semaphore, #tpu.memory_space<semaphore_mem>>) src(%arg9 : memref<80x128xf32, #tpu.memory_space<vmem>>) dst(%dma_wait3A_226 : memref<10240x128xf32, #tpu.memory_space<vmem_shared>>)
    %dma_start3A_227 = arith.constant 320 : i32
    %dma_start3A_228 = tpu.memref_slice %arg7[%dma_start3A_227] : memref<10000xi32, #tpu.memory_space<vmem>> -> memref<80xi32, #tpu.memory_space<vmem>>
    %dma_start3A_229 = arith.constant 0 : i32
    %dma_start3A_230 = arith.constant 0 : i32
    %dma_start3A_231 = tpu.memref_slice %arg2[%dma_start3A_229, %dma_start3A_230] : memref<10000x128xf32, #tpu.memory_space<hbm>> -> memref<10000x128xf32, #tpu.memory_space<hbm>>
    tpu.enqueue_indirect_dma source(%dma_start3A_231 : memref<10000x128xf32, #tpu.memory_space<hbm>>) target(%arg9 : memref<80x128xf32, #tpu.memory_space<vmem>>) offsets(%dma_start3A_228 : memref<80xi32, #tpu.memory_space<vmem>>) semaphore(%arg19 : memref<!tpu.dma_semaphore, #tpu.memory_space<semaphore_mem>>)
    %add3A_232 = arith.constant 320 : i32
    %add3A_233 = arith.addi %mul3A_2, %add3A_232 : i32
    %dma_start3A_234 = tpu.memref_slice %arg4[%add3A_233] : memref<320000xi32, #tpu.memory_space<hbm>> -> memref<80xi32, #tpu.memory_space<hbm>>
    %dma_start3A_235 = tpu.memref_slice %arg4[%add3A_233] : memref<320000xi32, #tpu.memory_space<hbm>> -> memref<80xi32, #tpu.memory_space<hbm>>
    tpu.enqueue_dma source(%dma_start3A_235 : memref<80xi32, #tpu.memory_space<hbm>>) target(%arg12 : memref<80xi32, #tpu.memory_space<vmem>>) target_semaphore(%arg22 : memref<!tpu.dma_semaphore, #tpu.memory_space<semaphore_mem>>)
    %add3A_236 = arith.constant 320 : i32
    %add3A_237 = arith.addi %mul3A_2, %add3A_236 : i32
    %dma_start3A_238 = tpu.memref_slice %arg5[%add3A_237] : memref<320000xf32, #tpu.memory_space<hbm>> -> memref<80xf32, #tpu.memory_space<hbm>>
    %dma_start3A_239 = tpu.memref_slice %arg5[%add3A_237] : memref<320000xf32, #tpu.memory_space<hbm>> -> memref<80xf32, #tpu.memory_space<hbm>>
    tpu.enqueue_dma source(%dma_start3A_239 : memref<80xf32, #tpu.memory_space<hbm>>) target(%arg15 : memref<80xf32, #tpu.memory_space<vmem>>) target_semaphore(%arg22 : memref<!tpu.dma_semaphore, #tpu.memory_space<semaphore_mem>>)
    %scan3A = arith.constant 0 : i32
    %scan3A_240 = arith.constant 40 : i32
    %scan3A_241 = arith.addi %scan3A, %scan3A_240 : i32
    %scan3A_242 = arith.constant 1 : i32
    scf.for %scan3A_302 = %scan3A to %scan3A_241 step %scan3A_242  : i32 {
      %mul3A_303 = arith.constant 1 : i32
      %mul3A_304 = arith.muli %scan3A_302, %mul3A_303 : i32
      %add3A_305 = arith.constant 0 : i32
      %add3A_306 = arith.addi %add3A_305, %mul3A_304 : i32
      %mul3A_307 = arith.constant 3 : i32
      %mul3A_308 = arith.muli %mul3A_307, %add3A_306 : i32
      %add3A_309 = arith.constant 3 : i32
      %add3A_310 = arith.addi %mul3A_308, %add3A_309 : i32
      %mul3A_311 = arith.constant 80 : i32
      %mul3A_312 = arith.muli %add3A_310, %mul3A_311 : i32
      %dma_wait3A_313 = tpu.memref_slice %arg7[%mul3A_312] : memref<10000xi32, #tpu.memory_space<vmem>> -> memref<80xi32, #tpu.memory_space<vmem>>
      %dma_wait3A_314 = arith.constant 0 : i32
      %dma_wait3A_315 = arith.constant 0 : i32
      %dma_wait3A_316 = tpu.memref_slice %arg2[%dma_wait3A_314, %dma_wait3A_315] : memref<10000x128xf32, #tpu.memory_space<hbm>> -> memref<10000x128xf32, #tpu.memory_space<hbm>>
      tpu.wait_indirect_dma semaphore(%arg18 : memref<!tpu.dma_semaphore, #tpu.memory_space<semaphore_mem>>) src(%dma_wait3A_316 : memref<10000x128xf32, #tpu.memory_space<hbm>>) dst(%arg8 : memref<80x128xf32, #tpu.memory_space<vmem>>)
      %mul3A_317 = arith.constant 80 : i32
      %mul3A_318 = arith.muli %add3A_310, %mul3A_317 : i32
      %add3A_319 = arith.addi %mul3A_2, %mul3A_318 : i32
      %dma_wait3A_320 = tpu.memref_slice %arg4[%add3A_319] : memref<320000xi32, #tpu.memory_space<hbm>> -> memref<80xi32, #tpu.memory_space<hbm>>
      %dma_wait3A_321 = tpu.memref_slice %arg4[%add3A_319] : memref<320000xi32, #tpu.memory_space<hbm>> -> memref<80xi32, #tpu.memory_space<hbm>>
      tpu.wait_dma2 semaphore(%arg21 : memref<!tpu.dma_semaphore, #tpu.memory_space<semaphore_mem>>) src(%dma_wait3A_321 : memref<80xi32, #tpu.memory_space<hbm>>) dst(%arg11 : memref<80xi32, #tpu.memory_space<vmem>>)
      %mul3A_322 = arith.constant 80 : i32
      %mul3A_323 = arith.muli %add3A_310, %mul3A_322 : i32
      %add3A_324 = arith.addi %mul3A_2, %mul3A_323 : i32
      %dma_wait3A_325 = tpu.memref_slice %arg5[%add3A_324] : memref<320000xf32, #tpu.memory_space<hbm>> -> memref<80xf32, #tpu.memory_space<hbm>>
      %dma_wait3A_326 = tpu.memref_slice %arg5[%add3A_324] : memref<320000xf32, #tpu.memory_space<hbm>> -> memref<80xf32, #tpu.memory_space<hbm>>
      tpu.wait_dma2 semaphore(%arg21 : memref<!tpu.dma_semaphore, #tpu.memory_space<semaphore_mem>>) src(%dma_wait3A_326 : memref<80xf32, #tpu.memory_space<hbm>>) dst(%arg14 : memref<80xf32, #tpu.memory_space<vmem>>)
      %parallel_loop3A_327 = arith.constant 0 : i32
      %parallel_loop3A_328 = arith.constant 80 : i32
      %parallel_loop3A_329 = arith.constant 1 : i32
      scf.for %parallel_loop3A_467 = %parallel_loop3A_327 to %parallel_loop3A_328 step %parallel_loop3A_329  : i32 {
        %parallel_loop3A_468 = arith.index_cast %parallel_loop3A_467 : i32 to index
        %parallel_loop3A_469 = tpu.vector_load %arg14[%parallel_loop3A_468] {strides = array<i32>} : memref<80xf32, #tpu.memory_space<vmem>>, vector<1xf32>,
        %parallel_loop3A_470 = vector.shape_cast %parallel_loop3A_469 : vector<1xf32> to vector<1xf32>
        %parallel_loop3A_471 = vector.extract %parallel_loop3A_470[0] : f32 from vector<1xf32>
        %parallel_loop3A_472 = arith.index_cast %parallel_loop3A_467 : i32 to index
        %parallel_loop3A_473 = arith.constant 0 : index
        %parallel_loop3A_474 = tpu.vector_load %arg8[%parallel_loop3A_472, %parallel_loop3A_473] {strides = array<i32>} : memref<80x128xf32, #tpu.memory_space<vmem>>, vector<1x16xf32>,
        %parallel_loop3A_475 = vector.shape_cast %parallel_loop3A_474 : vector<1x16xf32> to vector<16xf32>
        %parallel_loop3A_476 = vector.broadcast %parallel_loop3A_471 : f32 to vector<16xf32>
        %parallel_loop3A_477 = arith.mulf %parallel_loop3A_475, %parallel_loop3A_476 : vector<16xf32>
        %parallel_loop3A_478 = arith.index_cast %parallel_loop3A_467 : i32 to index
        %parallel_loop3A_479 = arith.constant 0 : index
        %parallel_loop3A_480 = tpu.vector_load %arg8[%parallel_loop3A_478, %parallel_loop3A_479] {strides = array<i32>} : memref<80x128xf32, #tpu.memory_space<vmem>>, vector<1x16xf32>,
        %parallel_loop3A_481 = vector.shape_cast %parallel_loop3A_480 : vector<1x16xf32> to vector<16xf32>
        %parallel_loop3A_482 = vector.shape_cast %parallel_loop3A_477 : vector<16xf32> to vector<1x16xf32>
        tpu.vector_store %arg8[%parallel_loop3A_478, %parallel_loop3A_479], %parallel_loop3A_482 {strides = array<i32>} : memref<80x128xf32, #tpu.memory_space<vmem>>, vector<1x16xf32>,
      } {sc.loop_unroll_factor = 4 : i64, sc.parallel_access}
      %dma_start3A_330 = arith.constant 0 : i32
      %dma_start3A_331 = tpu.memref_slice %arg11[%dma_start3A_330] : memref<80xi32, #tpu.memory_space<vmem>> -> memref<80xi32, #tpu.memory_space<vmem>>
      %dma_start3A_332 = arith.constant 0 : i32
      %dma_start3A_333 = arith.constant 0 : i32
      %dma_start3A_334 = tpu.memref_slice %arg17[%dma_start3A_332, %dma_start3A_333] : memref<10240x128xf32, #tpu.memory_space<vmem_shared>> -> memref<10240x128xf32, #tpu.memory_space<vmem_shared>>
      tpu.enqueue_indirect_dma source(%arg8 : memref<80x128xf32, #tpu.memory_space<vmem>>) target(%dma_start3A_334 : memref<10240x128xf32, #tpu.memory_space<vmem_shared>>) offsets(%dma_start3A_331 : memref<80xi32, #tpu.memory_space<vmem>>) semaphore(%arg24 : memref<!tpu.dma_semaphore, #tpu.memory_space<semaphore_mem>>) {add = true}
      %sub3A = arith.constant 1 : i32
      %sub3A_335 = arith.subi %add3A_310, %sub3A : i32
      %dma_wait3A_336 = arith.constant 0 : i32
      %dma_wait3A_337 = tpu.memref_slice %arg13[%dma_wait3A_336] : memref<80xi32, #tpu.memory_space<vmem>> -> memref<80xi32, #tpu.memory_space<vmem>>
      %dma_wait3A_338 = arith.constant 0 : i32
      %dma_wait3A_339 = arith.constant 0 : i32
      %dma_wait3A_340 = tpu.memref_slice %arg17[%dma_wait3A_338, %dma_wait3A_339] : memref<10240x128xf32, #tpu.memory_space<vmem_shared>> -> memref<10240x128xf32, #tpu.memory_space<vmem_shared>>
      tpu.wait_indirect_dma semaphore(%arg26 : memref<!tpu.dma_semaphore, #tpu.memory_space<semaphore_mem>>) src(%arg10 : memref<80x128xf32, #tpu.memory_space<vmem>>) dst(%dma_wait3A_340 : memref<10240x128xf32, #tpu.memory_space<vmem_shared>>)
      %add3A_341 = arith.constant 2 : i32
      %add3A_342 = arith.addi %add3A_310, %add3A_341 : i32
      %mul3A_343 = arith.constant 80 : i32
      %mul3A_344 = arith.muli %add3A_342, %mul3A_343 : i32
      %dma_start3A_345 = tpu.memref_slice %arg7[%mul3A_344] : memref<10000xi32, #tpu.memory_space<vmem>> -> memref<80xi32, #tpu.memory_space<vmem>>
      %dma_start3A_346 = arith.constant 0 : i32
      %dma_start3A_347 = arith.constant 0 : i32
      %dma_start3A_348 = tpu.memref_slice %arg2[%dma_start3A_346, %dma_start3A_347] : memref<10000x128xf32, #tpu.memory_space<hbm>> -> memref<10000x128xf32, #tpu.memory_space<hbm>>
      tpu.enqueue_indirect_dma source(%dma_start3A_348 : memref<10000x128xf32, #tpu.memory_space<hbm>>) target(%arg10 : memref<80x128xf32, #tpu.memory_space<vmem>>) offsets(%dma_start3A_345 : memref<80xi32, #tpu.memory_space<vmem>>) semaphore(%arg20 : memref<!tpu.dma_semaphore, #tpu.memory_space<semaphore_mem>>)
      %mul3A_349 = arith.constant 80 : i32
      %mul3A_350 = arith.muli %add3A_342, %mul3A_349 : i32
      %add3A_351 = arith.addi %mul3A_2, %mul3A_350 : i32
      %dma_start3A_352 = tpu.memref_slice %arg4[%add3A_351] : memref<320000xi32, #tpu.memory_space<hbm>> -> memref<80xi32, #tpu.memory_space<hbm>>
      %dma_start3A_353 = tpu.memref_slice %arg4[%add3A_351] : memref<320000xi32, #tpu.memory_space<hbm>> -> memref<80xi32, #tpu.memory_space<hbm>>
      tpu.enqueue_dma source(%dma_start3A_353 : memref<80xi32, #tpu.memory_space<hbm>>) target(%arg13 : memref<80xi32, #tpu.memory_space<vmem>>) target_semaphore(%arg23 : memref<!tpu.dma_semaphore, #tpu.memory_space<semaphore_mem>>)
      %mul3A_354 = arith.constant 80 : i32
      %mul3A_355 = arith.muli %add3A_342, %mul3A_354 : i32
      %add3A_356 = arith.addi %mul3A_2, %mul3A_355 : i32
      %dma_start3A_357 = tpu.memref_slice %arg5[%add3A_356] : memref<320000xf32, #tpu.memory_space<hbm>> -> memref<80xf32, #tpu.memory_space<hbm>>
      %dma_start3A_358 = tpu.memref_slice %arg5[%add3A_356] : memref<320000xf32, #tpu.memory_space<hbm>> -> memref<80xf32, #tpu.memory_space<hbm>>
      tpu.enqueue_dma source(%dma_start3A_358 : memref<80xf32, #tpu.memory_space<hbm>>) target(%arg16 : memref<80xf32, #tpu.memory_space<vmem>>) target_semaphore(%arg23 : memref<!tpu.dma_semaphore, #tpu.memory_space<semaphore_mem>>)
      %add3A_359 = arith.constant 1 : i32
      %add3A_360 = arith.addi %add3A_310, %add3A_359 : i32
      %mul3A_361 = arith.constant 80 : i32
      %mul3A_362 = arith.muli %add3A_360, %mul3A_361 : i32
      %dma_wait3A_363 = tpu.memref_slice %arg7[%mul3A_362] : memref<10000xi32, #tpu.memory_space<vmem>> -> memref<80xi32, #tpu.memory_space<vmem>>
      %dma_wait3A_364 = arith.constant 0 : i32
      %dma_wait3A_365 = arith.constant 0 : i32
      %dma_wait3A_366 = tpu.memref_slice %arg2[%dma_wait3A_364, %dma_wait3A_365] : memref<10000x128xf32, #tpu.memory_space<hbm>> -> memref<10000x128xf32, #tpu.memory_space<hbm>>
      tpu.wait_indirect_dma semaphore(%arg19 : memref<!tpu.dma_semaphore, #tpu.memory_space<semaphore_mem>>) src(%dma_wait3A_366 : memref<10000x128xf32, #tpu.memory_space<hbm>>) dst(%arg9 : memref<80x128xf32, #tpu.memory_space<vmem>>)
      %mul3A_367 = arith.constant 80 : i32
      %mul3A_368 = arith.muli %add3A_360, %mul3A_367 : i32
      %add3A_369 = arith.addi %mul3A_2, %mul3A_368 : i32
      %dma_wait3A_370 = tpu.memref_slice %arg4[%add3A_369] : memref<320000xi32, #tpu.memory_space<hbm>> -> memref<80xi32, #tpu.memory_space<hbm>>
      %dma_wait3A_371 = tpu.memref_slice %arg4[%add3A_369] : memref<320000xi32, #tpu.memory_space<hbm>> -> memref<80xi32, #tpu.memory_space<hbm>>
      tpu.wait_dma2 semaphore(%arg22 : memref<!tpu.dma_semaphore, #tpu.memory_space<semaphore_mem>>) src(%dma_wait3A_371 : memref<80xi32, #tpu.memory_space<hbm>>) dst(%arg12 : memref<80xi32, #tpu.memory_space<vmem>>)
      %mul3A_372 = arith.constant 80 : i32
      %mul3A_373 = arith.muli %add3A_360, %mul3A_372 : i32
      %add3A_374 = arith.addi %mul3A_2, %mul3A_373 : i32
      %dma_wait3A_375 = tpu.memref_slice %arg5[%add3A_374] : memref<320000xf32, #tpu.memory_space<hbm>> -> memref<80xf32, #tpu.memory_space<hbm>>
      %dma_wait3A_376 = tpu.memref_slice %arg5[%add3A_374] : memref<320000xf32, #tpu.memory_space<hbm>> -> memref<80xf32, #tpu.memory_space<hbm>>
      tpu.wait_dma2 semaphore(%arg22 : memref<!tpu.dma_semaphore, #tpu.memory_space<semaphore_mem>>) src(%dma_wait3A_376 : memref<80xf32, #tpu.memory_space<hbm>>) dst(%arg15 : memref<80xf32, #tpu.memory_space<vmem>>)
      %add3A_377 = arith.constant 1 : i32
      %add3A_378 = arith.addi %add3A_310, %add3A_377 : i32
      %parallel_loop3A_379 = arith.constant 0 : i32
      %parallel_loop3A_380 = arith.constant 80 : i32
      %parallel_loop3A_381 = arith.constant 1 : i32
      scf.for %parallel_loop3A_467 = %parallel_loop3A_379 to %parallel_loop3A_380 step %parallel_loop3A_381  : i32 {
        %parallel_loop3A_468 = arith.index_cast %parallel_loop3A_467 : i32 to index
        %parallel_loop3A_469 = tpu.vector_load %arg15[%parallel_loop3A_468] {strides = array<i32>} : memref<80xf32, #tpu.memory_space<vmem>>, vector<1xf32>,
        %parallel_loop3A_470 = vector.shape_cast %parallel_loop3A_469 : vector<1xf32> to vector<1xf32>
        %parallel_loop3A_471 = vector.extract %parallel_loop3A_470[0] : f32 from vector<1xf32>
        %parallel_loop3A_472 = arith.index_cast %parallel_loop3A_467 : i32 to index
        %parallel_loop3A_473 = arith.constant 0 : index
        %parallel_loop3A_474 = tpu.vector_load %arg9[%parallel_loop3A_472, %parallel_loop3A_473] {strides = array<i32>} : memref<80x128xf32, #tpu.memory_space<vmem>>, vector<1x16xf32>,
        %parallel_loop3A_475 = vector.shape_cast %parallel_loop3A_474 : vector<1x16xf32> to vector<16xf32>
        %parallel_loop3A_476 = vector.broadcast %parallel_loop3A_471 : f32 to vector<16xf32>
        %parallel_loop3A_477 = arith.mulf %parallel_loop3A_475, %parallel_loop3A_476 : vector<16xf32>
        %parallel_loop3A_478 = arith.index_cast %parallel_loop3A_467 : i32 to index
        %parallel_loop3A_479 = arith.constant 0 : index
        %parallel_loop3A_480 = tpu.vector_load %arg9[%parallel_loop3A_478, %parallel_loop3A_479] {strides = array<i32>} : memref<80x128xf32, #tpu.memory_space<vmem>>, vector<1x16xf32>,
        %parallel_loop3A_481 = vector.shape_cast %parallel_loop3A_480 : vector<1x16xf32> to vector<16xf32>
        %parallel_loop3A_482 = vector.shape_cast %parallel_loop3A_477 : vector<16xf32> to vector<1x16xf32>
        tpu.vector_store %arg9[%parallel_loop3A_478, %parallel_loop3A_479], %parallel_loop3A_482 {strides = array<i32>} : memref<80x128xf32, #tpu.memory_space<vmem>>, vector<1x16xf32>,
      } {sc.loop_unroll_factor = 4 : i64, sc.parallel_access}
      %add3A_382 = arith.constant 1 : i32
      %add3A_383 = arith.addi %add3A_310, %add3A_382 : i32
      %dma_start3A_384 = arith.constant 0 : i32
      %dma_start3A_385 = tpu.memref_slice %arg12[%dma_start3A_384] : memref<80xi32, #tpu.memory_space<vmem>> -> memref<80xi32, #tpu.memory_space<vmem>>
      %dma_start3A_386 = arith.constant 0 : i32
      %dma_start3A_387 = arith.constant 0 : i32
      %dma_start3A_388 = tpu.memref_slice %arg17[%dma_start3A_386, %dma_start3A_387] : memref<10240x128xf32, #tpu.memory_space<vmem_shared>> -> memref<10240x128xf32, #tpu.memory_space<vmem_shared>>
      tpu.enqueue_indirect_dma source(%arg9 : memref<80x128xf32, #tpu.memory_space<vmem>>) target(%dma_start3A_388 : memref<10240x128xf32, #tpu.memory_space<vmem_shared>>) offsets(%dma_start3A_385 : memref<80xi32, #tpu.memory_space<vmem>>) semaphore(%arg25 : memref<!tpu.dma_semaphore, #tpu.memory_space<semaphore_mem>>) {add = true}
      %dma_wait3A_389 = arith.constant 0 : i32
      %dma_wait3A_390 = tpu.memref_slice %arg11[%dma_wait3A_389] : memref<80xi32, #tpu.memory_space<vmem>> -> memref<80xi32, #tpu.memory_space<vmem>>
      %dma_wait3A_391 = arith.constant 0 : i32
      %dma_wait3A_392 = arith.constant 0 : i32
      %dma_wait3A_393 = tpu.memref_slice %arg17[%dma_wait3A_391, %dma_wait3A_392] : memref<10240x128xf32, #tpu.memory_space<vmem_shared>> -> memref<10240x128xf32, #tpu.memory_space<vmem_shared>>
      tpu.wait_indirect_dma semaphore(%arg24 : memref<!tpu.dma_semaphore, #tpu.memory_space<semaphore_mem>>) src(%arg8 : memref<80x128xf32, #tpu.memory_space<vmem>>) dst(%dma_wait3A_393 : memref<10240x128xf32, #tpu.memory_space<vmem_shared>>)
      %add3A_394 = arith.constant 3 : i32
      %add3A_395 = arith.addi %add3A_310, %add3A_394 : i32
      %mul3A_396 = arith.constant 80 : i32
      %mul3A_397 = arith.muli %add3A_395, %mul3A_396 : i32
      %dma_start3A_398 = tpu.memref_slice %arg7[%mul3A_397] : memref<10000xi32, #tpu.memory_space<vmem>> -> memref<80xi32, #tpu.memory_space<vmem>>
      %dma_start3A_399 = arith.constant 0 : i32
      %dma_start3A_400 = arith.constant 0 : i32
      %dma_start3A_401 = tpu.memref_slice %arg2[%dma_start3A_399, %dma_start3A_400] : memref<10000x128xf32, #tpu.memory_space<hbm>> -> memref<10000x128xf32, #tpu.memory_space<hbm>>
      tpu.enqueue_indirect_dma source(%dma_start3A_401 : memref<10000x128xf32, #tpu.memory_space<hbm>>) target(%arg8 : memref<80x128xf32, #tpu.memory_space<vmem>>) offsets(%dma_start3A_398 : memref<80xi32, #tpu.memory_space<vmem>>) semaphore(%arg18 : memref<!tpu.dma_semaphore, #tpu.memory_space<semaphore_mem>>)
      %mul3A_402 = arith.constant 80 : i32
      %mul3A_403 = arith.muli %add3A_395, %mul3A_402 : i32
      %add3A_404 = arith.addi %mul3A_2, %mul3A_403 : i32
      %dma_start3A_405 = tpu.memref_slice %arg4[%add3A_404] : memref<320000xi32, #tpu.memory_space<hbm>> -> memref<80xi32, #tpu.memory_space<hbm>>
      %dma_start3A_406 = tpu.memref_slice %arg4[%add3A_404] : memref<320000xi32, #tpu.memory_space<hbm>> -> memref<80xi32, #tpu.memory_space<hbm>>
      tpu.enqueue_dma source(%dma_start3A_406 : memref<80xi32, #tpu.memory_space<hbm>>) target(%arg11 : memref<80xi32, #tpu.memory_space<vmem>>) target_semaphore(%arg21 : memref<!tpu.dma_semaphore, #tpu.memory_space<semaphore_mem>>)
      %mul3A_407 = arith.constant 80 : i32
      %mul3A_408 = arith.muli %add3A_395, %mul3A_407 : i32
      %add3A_409 = arith.addi %mul3A_2, %mul3A_408 : i32
      %dma_start3A_410 = tpu.memref_slice %arg5[%add3A_409] : memref<320000xf32, #tpu.memory_space<hbm>> -> memref<80xf32, #tpu.memory_space<hbm>>
      %dma_start3A_411 = tpu.memref_slice %arg5[%add3A_409] : memref<320000xf32, #tpu.memory_space<hbm>> -> memref<80xf32, #tpu.memory_space<hbm>>
      tpu.enqueue_dma source(%dma_start3A_411 : memref<80xf32, #tpu.memory_space<hbm>>) target(%arg14 : memref<80xf32, #tpu.memory_space<vmem>>) target_semaphore(%arg21 : memref<!tpu.dma_semaphore, #tpu.memory_space<semaphore_mem>>)
      %add3A_412 = arith.constant 2 : i32
      %add3A_413 = arith.addi %add3A_310, %add3A_412 : i32
      %mul3A_414 = arith.constant 80 : i32
      %mul3A_415 = arith.muli %add3A_413, %mul3A_414 : i32
      %dma_wait3A_416 = tpu.memref_slice %arg7[%mul3A_415] : memref<10000xi32, #tpu.memory_space<vmem>> -> memref<80xi32, #tpu.memory_space<vmem>>
      %dma_wait3A_417 = arith.constant 0 : i32
      %dma_wait3A_418 = arith.constant 0 : i32
      %dma_wait3A_419 = tpu.memref_slice %arg2[%dma_wait3A_417, %dma_wait3A_418] : memref<10000x128xf32, #tpu.memory_space<hbm>> -> memref<10000x128xf32, #tpu.memory_space<hbm>>
      tpu.wait_indirect_dma semaphore(%arg20 : memref<!tpu.dma_semaphore, #tpu.memory_space<semaphore_mem>>) src(%dma_wait3A_419 : memref<10000x128xf32, #tpu.memory_space<hbm>>) dst(%arg10 : memref<80x128xf32, #tpu.memory_space<vmem>>)
      %mul3A_420 = arith.constant 80 : i32
      %mul3A_421 = arith.muli %add3A_413, %mul3A_420 : i32
      %add3A_422 = arith.addi %mul3A_2, %mul3A_421 : i32
      %dma_wait3A_423 = tpu.memref_slice %arg4[%add3A_422] : memref<320000xi32, #tpu.memory_space<hbm>> -> memref<80xi32, #tpu.memory_space<hbm>>
      %dma_wait3A_424 = tpu.memref_slice %arg4[%add3A_422] : memref<320000xi32, #tpu.memory_space<hbm>> -> memref<80xi32, #tpu.memory_space<hbm>>
      tpu.wait_dma2 semaphore(%arg23 : memref<!tpu.dma_semaphore, #tpu.memory_space<semaphore_mem>>) src(%dma_wait3A_424 : memref<80xi32, #tpu.memory_space<hbm>>) dst(%arg13 : memref<80xi32, #tpu.memory_space<vmem>>)
      %mul3A_425 = arith.constant 80 : i32
      %mul3A_426 = arith.muli %add3A_413, %mul3A_425 : i32
      %add3A_427 = arith.addi %mul3A_2, %mul3A_426 : i32
      %dma_wait3A_428 = tpu.memref_slice %arg5[%add3A_427] : memref<320000xf32, #tpu.memory_space<hbm>> -> memref<80xf32, #tpu.memory_space<hbm>>
      %dma_wait3A_429 = tpu.memref_slice %arg5[%add3A_427] : memref<320000xf32, #tpu.memory_space<hbm>> -> memref<80xf32, #tpu.memory_space<hbm>>
      tpu.wait_dma2 semaphore(%arg23 : memref<!tpu.dma_semaphore, #tpu.memory_space<semaphore_mem>>) src(%dma_wait3A_429 : memref<80xf32, #tpu.memory_space<hbm>>) dst(%arg16 : memref<80xf32, #tpu.memory_space<vmem>>)
      %add3A_430 = arith.constant 2 : i32
      %add3A_431 = arith.addi %add3A_310, %add3A_430 : i32
      %parallel_loop3A_432 = arith.constant 0 : i32
      %parallel_loop3A_433 = arith.constant 80 : i32
      %parallel_loop3A_434 = arith.constant 1 : i32
      scf.for %parallel_loop3A_467 = %parallel_loop3A_432 to %parallel_loop3A_433 step %parallel_loop3A_434  : i32 {
        %parallel_loop3A_468 = arith.index_cast %parallel_loop3A_467 : i32 to index
        %parallel_loop3A_469 = tpu.vector_load %arg16[%parallel_loop3A_468] {strides = array<i32>} : memref<80xf32, #tpu.memory_space<vmem>>, vector<1xf32>,
        %parallel_loop3A_470 = vector.shape_cast %parallel_loop3A_469 : vector<1xf32> to vector<1xf32>
        %parallel_loop3A_471 = vector.extract %parallel_loop3A_470[0] : f32 from vector<1xf32>
        %parallel_loop3A_472 = arith.index_cast %parallel_loop3A_467 : i32 to index
        %parallel_loop3A_473 = arith.constant 0 : index
        %parallel_loop3A_474 = tpu.vector_load %arg10[%parallel_loop3A_472, %parallel_loop3A_473] {strides = array<i32>} : memref<80x128xf32, #tpu.memory_space<vmem>>, vector<1x16xf32>,
        %parallel_loop3A_475 = vector.shape_cast %parallel_loop3A_474 : vector<1x16xf32> to vector<16xf32>
        %parallel_loop3A_476 = vector.broadcast %parallel_loop3A_471 : f32 to vector<16xf32>
        %parallel_loop3A_477 = arith.mulf %parallel_loop3A_475, %parallel_loop3A_476 : vector<16xf32>
        %parallel_loop3A_478 = arith.index_cast %parallel_loop3A_467 : i32 to index
        %parallel_loop3A_479 = arith.constant 0 : index
        %parallel_loop3A_480 = tpu.vector_load %arg10[%parallel_loop3A_478, %parallel_loop3A_479] {strides = array<i32>} : memref<80x128xf32, #tpu.memory_space<vmem>>, vector<1x16xf32>,
        %parallel_loop3A_481 = vector.shape_cast %parallel_loop3A_480 : vector<1x16xf32> to vector<16xf32>
        %parallel_loop3A_482 = vector.shape_cast %parallel_loop3A_477 : vector<16xf32> to vector<1x16xf32>
        tpu.vector_store %arg10[%parallel_loop3A_478, %parallel_loop3A_479], %parallel_loop3A_482 {strides = array<i32>} : memref<80x128xf32, #tpu.memory_space<vmem>>, vector<1x16xf32>,
      } {sc.loop_unroll_factor = 4 : i64, sc.parallel_access}
      %add3A_435 = arith.constant 2 : i32
      %add3A_436 = arith.addi %add3A_310, %add3A_435 : i32
      %dma_start3A_437 = arith.constant 0 : i32
      %dma_start3A_438 = tpu.memref_slice %arg13[%dma_start3A_437] : memref<80xi32, #tpu.memory_space<vmem>> -> memref<80xi32, #tpu.memory_space<vmem>>
      %dma_start3A_439 = arith.constant 0 : i32
      %dma_start3A_440 = arith.constant 0 : i32
      %dma_start3A_441 = tpu.memref_slice %arg17[%dma_start3A_439, %dma_start3A_440] : memref<10240x128xf32, #tpu.memory_space<vmem_shared>> -> memref<10240x128xf32, #tpu.memory_space<vmem_shared>>
      tpu.enqueue_indirect_dma source(%arg10 : memref<80x128xf32, #tpu.memory_space<vmem>>) target(%dma_start3A_441 : memref<10240x128xf32, #tpu.memory_space<vmem_shared>>) offsets(%dma_start3A_438 : memref<80xi32, #tpu.memory_space<vmem>>) semaphore(%arg26 : memref<!tpu.dma_semaphore, #tpu.memory_space<semaphore_mem>>) {add = true}
      %add3A_442 = arith.constant 1 : i32
      %add3A_443 = arith.addi %add3A_310, %add3A_442 : i32
      %dma_wait3A_444 = arith.constant 0 : i32
      %dma_wait3A_445 = tpu.memref_slice %arg12[%dma_wait3A_444] : memref<80xi32, #tpu.memory_space<vmem>> -> memref<80xi32, #tpu.memory_space<vmem>>
      %dma_wait3A_446 = arith.constant 0 : i32
      %dma_wait3A_447 = arith.constant 0 : i32
      %dma_wait3A_448 = tpu.memref_slice %arg17[%dma_wait3A_446, %dma_wait3A_447] : memref<10240x128xf32, #tpu.memory_space<vmem_shared>> -> memref<10240x128xf32, #tpu.memory_space<vmem_shared>>
      tpu.wait_indirect_dma semaphore(%arg25 : memref<!tpu.dma_semaphore, #tpu.memory_space<semaphore_mem>>) src(%arg9 : memref<80x128xf32, #tpu.memory_space<vmem>>) dst(%dma_wait3A_448 : memref<10240x128xf32, #tpu.memory_space<vmem_shared>>)
      %add3A_449 = arith.constant 4 : i32
      %add3A_450 = arith.addi %add3A_310, %add3A_449 : i32
      %mul3A_451 = arith.constant 80 : i32
      %mul3A_452 = arith.muli %add3A_450, %mul3A_451 : i32
      %dma_start3A_453 = tpu.memref_slice %arg7[%mul3A_452] : memref<10000xi32, #tpu.memory_space<vmem>> -> memref<80xi32, #tpu.memory_space<vmem>>
      %dma_start3A_454 = arith.constant 0 : i32
      %dma_start3A_455 = arith.constant 0 : i32
      %dma_start3A_456 = tpu.memref_slice %arg2[%dma_start3A_454, %dma_start3A_455] : memref<10000x128xf32, #tpu.memory_space<hbm>> -> memref<10000x128xf32, #tpu.memory_space<hbm>>
      tpu.enqueue_indirect_dma source(%dma_start3A_456 : memref<10000x128xf32, #tpu.memory_space<hbm>>) target(%arg9 : memref<80x128xf32, #tpu.memory_space<vmem>>) offsets(%dma_start3A_453 : memref<80xi32, #tpu.memory_space<vmem>>) semaphore(%arg19 : memref<!tpu.dma_semaphore, #tpu.memory_space<semaphore_mem>>)
      %mul3A_457 = arith.constant 80 : i32
      %mul3A_458 = arith.muli %add3A_450, %mul3A_457 : i32
      %add3A_459 = arith.addi %mul3A_2, %mul3A_458 : i32
      %dma_start3A_460 = tpu.memref_slice %arg4[%add3A_459] : memref<320000xi32, #tpu.memory_space<hbm>> -> memref<80xi32, #tpu.memory_space<hbm>>
      %dma_start3A_461 = tpu.memref_slice %arg4[%add3A_459] : memref<320000xi32, #tpu.memory_space<hbm>> -> memref<80xi32, #tpu.memory_space<hbm>>
      tpu.enqueue_dma source(%dma_start3A_461 : memref<80xi32, #tpu.memory_space<hbm>>) target(%arg12 : memref<80xi32, #tpu.memory_space<vmem>>) target_semaphore(%arg22 : memref<!tpu.dma_semaphore, #tpu.memory_space<semaphore_mem>>)
      %mul3A_462 = arith.constant 80 : i32
      %mul3A_463 = arith.muli %add3A_450, %mul3A_462 : i32
      %add3A_464 = arith.addi %mul3A_2, %mul3A_463 : i32
      %dma_start3A_465 = tpu.memref_slice %arg5[%add3A_464] : memref<320000xf32, #tpu.memory_space<hbm>> -> memref<80xf32, #tpu.memory_space<hbm>>
      %dma_start3A_466 = tpu.memref_slice %arg5[%add3A_464] : memref<320000xf32, #tpu.memory_space<hbm>> -> memref<80xf32, #tpu.memory_space<hbm>>
      tpu.enqueue_dma source(%dma_start3A_466 : memref<80xf32, #tpu.memory_space<hbm>>) target(%arg15 : memref<80xf32, #tpu.memory_space<vmem>>) target_semaphore(%arg22 : memref<!tpu.dma_semaphore, #tpu.memory_space<semaphore_mem>>)
    }
    %scan3A_243 = arith.constant 40 : i32
    %dma_wait3A_244 = arith.constant 9840 : i32
    %dma_wait3A_245 = tpu.memref_slice %arg7[%dma_wait3A_244] : memref<10000xi32, #tpu.memory_space<vmem>> -> memref<80xi32, #tpu.memory_space<vmem>>
    %dma_wait3A_246 = arith.constant 0 : i32
    %dma_wait3A_247 = arith.constant 0 : i32
    %dma_wait3A_248 = tpu.memref_slice %arg2[%dma_wait3A_246, %dma_wait3A_247] : memref<10000x128xf32, #tpu.memory_space<hbm>> -> memref<10000x128xf32, #tpu.memory_space<hbm>>
    tpu.wait_indirect_dma semaphore(%arg18 : memref<!tpu.dma_semaphore, #tpu.memory_space<semaphore_mem>>) src(%dma_wait3A_248 : memref<10000x128xf32, #tpu.memory_space<hbm>>) dst(%arg8 : memref<80x128xf32, #tpu.memory_space<vmem>>)
    %add3A_249 = arith.constant 9840 : i32
    %add3A_250 = arith.addi %mul3A_2, %add3A_249 : i32
    %dma_wait3A_251 = tpu.memref_slice %arg4[%add3A_250] : memref<320000xi32, #tpu.memory_space<hbm>> -> memref<80xi32, #tpu.memory_space<hbm>>
    %dma_wait3A_252 = tpu.memref_slice %arg4[%add3A_250] : memref<320000xi32, #tpu.memory_space<hbm>> -> memref<80xi32, #tpu.memory_space<hbm>>
    tpu.wait_dma2 semaphore(%arg21 : memref<!tpu.dma_semaphore, #tpu.memory_space<semaphore_mem>>) src(%dma_wait3A_252 : memref<80xi32, #tpu.memory_space<hbm>>) dst(%arg11 : memref<80xi32, #tpu.memory_space<vmem>>)
    %add3A_253 = arith.constant 9840 : i32
    %add3A_254 = arith.addi %mul3A_2, %add3A_253 : i32
    %dma_wait3A_255 = tpu.memref_slice %arg5[%add3A_254] : memref<320000xf32, #tpu.memory_space<hbm>> -> memref<80xf32, #tpu.memory_space<hbm>>
    %dma_wait3A_256 = tpu.memref_slice %arg5[%add3A_254] : memref<320000xf32, #tpu.memory_space<hbm>> -> memref<80xf32, #tpu.memory_space<hbm>>
    tpu.wait_dma2 semaphore(%arg21 : memref<!tpu.dma_semaphore, #tpu.memory_space<semaphore_mem>>) src(%dma_wait3A_256 : memref<80xf32, #tpu.memory_space<hbm>>) dst(%arg14 : memref<80xf32, #tpu.memory_space<vmem>>)
    %parallel_loop3A_257 = arith.constant 0 : i32
    %parallel_loop3A_258 = arith.constant 80 : i32
    %parallel_loop3A_259 = arith.constant 1 : i32
    scf.for %parallel_loop3A_302 = %parallel_loop3A_257 to %parallel_loop3A_258 step %parallel_loop3A_259  : i32 {
      %parallel_loop3A_303 = arith.index_cast %parallel_loop3A_302 : i32 to index
      %parallel_loop3A_304 = tpu.vector_load %arg14[%parallel_loop3A_303] {strides = array<i32>} : memref<80xf32, #tpu.memory_space<vmem>>, vector<1xf32>,
      %parallel_loop3A_305 = vector.shape_cast %parallel_loop3A_304 : vector<1xf32> to vector<1xf32>
      %parallel_loop3A_306 = vector.extract %parallel_loop3A_305[0] : f32 from vector<1xf32>
      %parallel_loop3A_307 = arith.index_cast %parallel_loop3A_302 : i32 to index
      %parallel_loop3A_308 = arith.constant 0 : index
      %parallel_loop3A_309 = tpu.vector_load %arg8[%parallel_loop3A_307, %parallel_loop3A_308] {strides = array<i32>} : memref<80x128xf32, #tpu.memory_space<vmem>>, vector<1x16xf32>,
      %parallel_loop3A_310 = vector.shape_cast %parallel_loop3A_309 : vector<1x16xf32> to vector<16xf32>
      %parallel_loop3A_311 = vector.broadcast %parallel_loop3A_306 : f32 to vector<16xf32>
      %parallel_loop3A_312 = arith.mulf %parallel_loop3A_310, %parallel_loop3A_311 : vector<16xf32>
      %parallel_loop3A_313 = arith.index_cast %parallel_loop3A_302 : i32 to index
      %parallel_loop3A_314 = arith.constant 0 : index
      %parallel_loop3A_315 = tpu.vector_load %arg8[%parallel_loop3A_313, %parallel_loop3A_314] {strides = array<i32>} : memref<80x128xf32, #tpu.memory_space<vmem>>, vector<1x16xf32>,
      %parallel_loop3A_316 = vector.shape_cast %parallel_loop3A_315 : vector<1x16xf32> to vector<16xf32>
      %parallel_loop3A_317 = vector.shape_cast %parallel_loop3A_312 : vector<16xf32> to vector<1x16xf32>
      tpu.vector_store %arg8[%parallel_loop3A_313, %parallel_loop3A_314], %parallel_loop3A_317 {strides = array<i32>} : memref<80x128xf32, #tpu.memory_space<vmem>>, vector<1x16xf32>,
    } {sc.loop_unroll_factor = 4 : i64, sc.parallel_access}
    %dma_start3A_260 = arith.constant 0 : i32
    %dma_start3A_261 = tpu.memref_slice %arg11[%dma_start3A_260] : memref<80xi32, #tpu.memory_space<vmem>> -> memref<80xi32, #tpu.memory_space<vmem>>
    %dma_start3A_262 = arith.constant 0 : i32
    %dma_start3A_263 = arith.constant 0 : i32
    %dma_start3A_264 = tpu.memref_slice %arg17[%dma_start3A_262, %dma_start3A_263] : memref<10240x128xf32, #tpu.memory_space<vmem_shared>> -> memref<10240x128xf32, #tpu.memory_space<vmem_shared>>
    tpu.enqueue_indirect_dma source(%arg8 : memref<80x128xf32, #tpu.memory_space<vmem>>) target(%dma_start3A_264 : memref<10240x128xf32, #tpu.memory_space<vmem_shared>>) offsets(%dma_start3A_261 : memref<80xi32, #tpu.memory_space<vmem>>) semaphore(%arg24 : memref<!tpu.dma_semaphore, #tpu.memory_space<semaphore_mem>>) {add = true}
    %dma_wait3A_265 = arith.constant 0 : i32
    %dma_wait3A_266 = tpu.memref_slice %arg13[%dma_wait3A_265] : memref<80xi32, #tpu.memory_space<vmem>> -> memref<80xi32, #tpu.memory_space<vmem>>
    %dma_wait3A_267 = arith.constant 0 : i32
    %dma_wait3A_268 = arith.constant 0 : i32
    %dma_wait3A_269 = tpu.memref_slice %arg17[%dma_wait3A_267, %dma_wait3A_268] : memref<10240x128xf32, #tpu.memory_space<vmem_shared>> -> memref<10240x128xf32, #tpu.memory_space<vmem_shared>>
    tpu.wait_indirect_dma semaphore(%arg26 : memref<!tpu.dma_semaphore, #tpu.memory_space<semaphore_mem>>) src(%arg10 : memref<80x128xf32, #tpu.memory_space<vmem>>) dst(%dma_wait3A_269 : memref<10240x128xf32, #tpu.memory_space<vmem_shared>>)
    %dma_wait3A_270 = arith.constant 9920 : i32
    %dma_wait3A_271 = tpu.memref_slice %arg7[%dma_wait3A_270] : memref<10000xi32, #tpu.memory_space<vmem>> -> memref<80xi32, #tpu.memory_space<vmem>>
    %dma_wait3A_272 = arith.constant 0 : i32
    %dma_wait3A_273 = arith.constant 0 : i32
    %dma_wait3A_274 = tpu.memref_slice %arg2[%dma_wait3A_272, %dma_wait3A_273] : memref<10000x128xf32, #tpu.memory_space<hbm>> -> memref<10000x128xf32, #tpu.memory_space<hbm>>
    tpu.wait_indirect_dma semaphore(%arg19 : memref<!tpu.dma_semaphore, #tpu.memory_space<semaphore_mem>>) src(%dma_wait3A_274 : memref<10000x128xf32, #tpu.memory_space<hbm>>) dst(%arg9 : memref<80x128xf32, #tpu.memory_space<vmem>>)
    %add3A_275 = arith.constant 9920 : i32
    %add3A_276 = arith.addi %mul3A_2, %add3A_275 : i32
    %dma_wait3A_277 = tpu.memref_slice %arg4[%add3A_276] : memref<320000xi32, #tpu.memory_space<hbm>> -> memref<80xi32, #tpu.memory_space<hbm>>
    %dma_wait3A_278 = tpu.memref_slice %arg4[%add3A_276] : memref<320000xi32, #tpu.memory_space<hbm>> -> memref<80xi32, #tpu.memory_space<hbm>>
    tpu.wait_dma2 semaphore(%arg22 : memref<!tpu.dma_semaphore, #tpu.memory_space<semaphore_mem>>) src(%dma_wait3A_278 : memref<80xi32, #tpu.memory_space<hbm>>) dst(%arg12 : memref<80xi32, #tpu.memory_space<vmem>>)
    %add3A_279 = arith.constant 9920 : i32
    %add3A_280 = arith.addi %mul3A_2, %add3A_279 : i32
    %dma_wait3A_281 = tpu.memref_slice %arg5[%add3A_280] : memref<320000xf32, #tpu.memory_space<hbm>> -> memref<80xf32, #tpu.memory_space<hbm>>
    %dma_wait3A_282 = tpu.memref_slice %arg5[%add3A_280] : memref<320000xf32, #tpu.memory_space<hbm>> -> memref<80xf32, #tpu.memory_space<hbm>>
    tpu.wait_dma2 semaphore(%arg22 : memref<!tpu.dma_semaphore, #tpu.memory_space<semaphore_mem>>) src(%dma_wait3A_282 : memref<80xf32, #tpu.memory_space<hbm>>) dst(%arg15 : memref<80xf32, #tpu.memory_space<vmem>>)
    %parallel_loop3A_283 = arith.constant 0 : i32
    %parallel_loop3A_284 = arith.constant 80 : i32
    %parallel_loop3A_285 = arith.constant 1 : i32
    scf.for %parallel_loop3A_302 = %parallel_loop3A_283 to %parallel_loop3A_284 step %parallel_loop3A_285  : i32 {
      %parallel_loop3A_303 = arith.index_cast %parallel_loop3A_302 : i32 to index
      %parallel_loop3A_304 = tpu.vector_load %arg15[%parallel_loop3A_303] {strides = array<i32>} : memref<80xf32, #tpu.memory_space<vmem>>, vector<1xf32>,
      %parallel_loop3A_305 = vector.shape_cast %parallel_loop3A_304 : vector<1xf32> to vector<1xf32>
      %parallel_loop3A_306 = vector.extract %parallel_loop3A_305[0] : f32 from vector<1xf32>
      %parallel_loop3A_307 = arith.index_cast %parallel_loop3A_302 : i32 to index
      %parallel_loop3A_308 = arith.constant 0 : index
      %parallel_loop3A_309 = tpu.vector_load %arg9[%parallel_loop3A_307, %parallel_loop3A_308] {strides = array<i32>} : memref<80x128xf32, #tpu.memory_space<vmem>>, vector<1x16xf32>,
      %parallel_loop3A_310 = vector.shape_cast %parallel_loop3A_309 : vector<1x16xf32> to vector<16xf32>
      %parallel_loop3A_311 = vector.broadcast %parallel_loop3A_306 : f32 to vector<16xf32>
      %parallel_loop3A_312 = arith.mulf %parallel_loop3A_310, %parallel_loop3A_311 : vector<16xf32>
      %parallel_loop3A_313 = arith.index_cast %parallel_loop3A_302 : i32 to index
      %parallel_loop3A_314 = arith.constant 0 : index
      %parallel_loop3A_315 = tpu.vector_load %arg9[%parallel_loop3A_313, %parallel_loop3A_314] {strides = array<i32>} : memref<80x128xf32, #tpu.memory_space<vmem>>, vector<1x16xf32>,
      %parallel_loop3A_316 = vector.shape_cast %parallel_loop3A_315 : vector<1x16xf32> to vector<16xf32>
      %parallel_loop3A_317 = vector.shape_cast %parallel_loop3A_312 : vector<16xf32> to vector<1x16xf32>
      tpu.vector_store %arg9[%parallel_loop3A_313, %parallel_loop3A_314], %parallel_loop3A_317 {strides = array<i32>} : memref<80x128xf32, #tpu.memory_space<vmem>>, vector<1x16xf32>,
    } {sc.loop_unroll_factor = 4 : i64, sc.parallel_access}
    %dma_start3A_286 = arith.constant 0 : i32
    %dma_start3A_287 = tpu.memref_slice %arg12[%dma_start3A_286] : memref<80xi32, #tpu.memory_space<vmem>> -> memref<80xi32, #tpu.memory_space<vmem>>
    %dma_start3A_288 = arith.constant 0 : i32
    %dma_start3A_289 = arith.constant 0 : i32
    %dma_start3A_290 = tpu.memref_slice %arg17[%dma_start3A_288, %dma_start3A_289] : memref<10240x128xf32, #tpu.memory_space<vmem_shared>> -> memref<10240x128xf32, #tpu.memory_space<vmem_shared>>
    tpu.enqueue_indirect_dma source(%arg9 : memref<80x128xf32, #tpu.memory_space<vmem>>) target(%dma_start3A_290 : memref<10240x128xf32, #tpu.memory_space<vmem_shared>>) offsets(%dma_start3A_287 : memref<80xi32, #tpu.memory_space<vmem>>) semaphore(%arg25 : memref<!tpu.dma_semaphore, #tpu.memory_space<semaphore_mem>>) {add = true}
    %dma_wait3A_291 = arith.constant 0 : i32
    %dma_wait3A_292 = tpu.memref_slice %arg11[%dma_wait3A_291] : memref<80xi32, #tpu.memory_space<vmem>> -> memref<80xi32, #tpu.memory_space<vmem>>
    %dma_wait3A_293 = arith.constant 0 : i32
    %dma_wait3A_294 = arith.constant 0 : i32
    %dma_wait3A_295 = tpu.memref_slice %arg17[%dma_wait3A_293, %dma_wait3A_294] : memref<10240x128xf32, #tpu.memory_space<vmem_shared>> -> memref<10240x128xf32, #tpu.memory_space<vmem_shared>>
    tpu.wait_indirect_dma semaphore(%arg24 : memref<!tpu.dma_semaphore, #tpu.memory_space<semaphore_mem>>) src(%arg8 : memref<80x128xf32, #tpu.memory_space<vmem>>) dst(%dma_wait3A_295 : memref<10240x128xf32, #tpu.memory_space<vmem_shared>>)
    %dma_wait3A_296 = arith.constant 0 : i32
    %dma_wait3A_297 = tpu.memref_slice %arg12[%dma_wait3A_296] : memref<80xi32, #tpu.memory_space<vmem>> -> memref<80xi32, #tpu.memory_space<vmem>>
    %dma_wait3A_298 = arith.constant 0 : i32
    %dma_wait3A_299 = arith.constant 0 : i32
    %dma_wait3A_300 = tpu.memref_slice %arg17[%dma_wait3A_298, %dma_wait3A_299] : memref<10240x128xf32, #tpu.memory_space<vmem_shared>> -> memref<10240x128xf32, #tpu.memory_space<vmem_shared>>
    tpu.wait_indirect_dma semaphore(%arg25 : memref<!tpu.dma_semaphore, #tpu.memory_space<semaphore_mem>>) src(%arg9 : memref<80x128xf32, #tpu.memory_space<vmem>>) dst(%dma_wait3A_300 : memref<10240x128xf32, #tpu.memory_space<vmem_shared>>)
    %barrier3A_301 = arith.constant 0 : index
    tpu.barrier barrier_id(%barrier3A_301)
    "tpu.region"() ({
      %run_scoped3A = tpu.sem_alloc : memref<!tpu.dma_semaphore, #tpu.memory_space<semaphore_mem>>
      %dma_start3A_302 = arith.constant 0 : i32
      %dma_start3A_303 = tpu.memref_slice %arg6[%arg0, %mul3A_7, %dma_start3A_302] : memref<2x10240x128xf32, #tpu.memory_space<hbm>> -> memref<1x640x128xf32, #tpu.memory_space<hbm>>
      %dma_start3A_304 = tpu.memref_squeeze %dma_start3A_303 : memref<1x640x128xf32, #tpu.memory_space<hbm>> -> memref<640x128xf32, #tpu.memory_space<hbm>>
      %dma_start3A_305 = arith.constant 0 : i32
      %dma_start3A_306 = tpu.memref_slice %arg17[%mul3A_7, %dma_start3A_305] : memref<10240x128xf32, #tpu.memory_space<vmem_shared>> -> memref<640x128xf32, #tpu.memory_space<vmem_shared>>
      tpu.enqueue_dma source(%dma_start3A_306 : memref<640x128xf32, #tpu.memory_space<vmem_shared>>) target(%dma_start3A_304 : memref<640x128xf32, #tpu.memory_space<hbm>>) target_semaphore(%run_scoped3A : memref<!tpu.dma_semaphore, #tpu.memory_space<semaphore_mem>>)
      %dma_wait3A_307 = arith.constant 0 : i32
      %dma_wait3A_308 = tpu.memref_slice %arg6[%arg0, %mul3A_7, %dma_wait3A_307] : memref<2x10240x128xf32, #tpu.memory_space<hbm>> -> memref<1x640x128xf32, #tpu.memory_space<hbm>>
      %dma_wait3A_309 = tpu.memref_squeeze %dma_wait3A_308 : memref<1x640x128xf32, #tpu.memory_space<hbm>> -> memref<640x128xf32, #tpu.memory_space<hbm>>
      %dma_wait3A_310 = arith.constant 0 : i32
      %dma_wait3A_311 = tpu.memref_slice %arg17[%mul3A_7, %dma_wait3A_310] : memref<10240x128xf32, #tpu.memory_space<vmem_shared>> -> memref<640x128xf32, #tpu.memory_space<vmem_shared>>
      tpu.wait_dma2 semaphore(%run_scoped3A : memref<!tpu.dma_semaphore, #tpu.memory_space<semaphore_mem>>) src(%dma_wait3A_311 : memref<640x128xf32, #tpu.memory_space<vmem_shared>>) dst(%dma_wait3A_309 : memref<640x128xf32, #tpu.memory_space<hbm>>)
      tpu.yield
    }) : () -> ()
    return
  }
}

#map = affine_map<(d0, d1) -> (0, 0)>
#map1 = affine_map<(d0, d1) -> (0)>
#map2 = affine_map<(d0, d1) -> (0, 0, 0)>
module attributes {stable_mosaic.version = 14 : i64} {
  func.func @prop(%arg0: i32, %arg1: i32, %arg2: memref<10000x128xf32, #tpu.memory_space<hbm>>, %arg3: memref<320000xi32, #tpu.memory_space<hbm>>, %arg4: memref<320000xi32, #tpu.memory_space<hbm>>, %arg5: memref<320000xf32, #tpu.memory_space<hbm>>, %arg6: memref<2x10240x128xf32, #tpu.memory_space<hbm>>, %arg7: memref<10000xi32, #tpu.memory_space<vmem>>, %arg8: memref<80x128xf32, #tpu.memory_space<vmem>>, %arg9: memref<80x128xf32, #tpu.memory_space<vmem>>, %arg10: memref<80x128xf32, #tpu.memory_space<vmem>>, %arg11: memref<80xi32, #tpu.memory_space<vmem>>, %arg12: memref<80xi32, #tpu.memory_space<vmem>>, %arg13: memref<80xi32, #tpu.memory_space<vmem>>, %arg14: memref<80xf32, #tpu.memory_space<vmem>>, %arg15: memref<80xf32, #tpu.memory_space<vmem>>, %arg16: memref<80xf32, #tpu.memory_space<vmem>>, %arg17: memref<10240x128xf32, #tpu.memory_space<vmem_shared>>, %arg18: memref<!tpu.dma_semaphore, #tpu.memory_space<semaphore_mem>>, %arg19: memref<!tpu.dma_semaphore, #tpu.memory_space<semaphore_mem>>, %arg20: memref<!tpu.dma_semaphore, #tpu.memory_space<semaphore_mem>>, %arg21: memref<!tpu.dma_semaphore, #tpu.memory_space<semaphore_mem>>, %arg22: memref<!tpu.dma_semaphore, #tpu.memory_space<semaphore_mem>>, %arg23: memref<!tpu.dma_semaphore, #tpu.memory_space<semaphore_mem>>, %arg24: memref<!tpu.dma_semaphore, #tpu.memory_space<semaphore_mem>>, %arg25: memref<!tpu.dma_semaphore, #tpu.memory_space<semaphore_mem>>, %arg26: memref<!tpu.dma_semaphore, #tpu.memory_space<semaphore_mem>>) attributes {dimension_semantics = [#tpu.dimension_semantics<core_parallel>, #tpu.dimension_semantics<subcore_parallel>], iteration_bounds = array<i64: 2, 16>, scalar_prefetch = 0 : i64, scratch_operands = 20 : i64, tpu.core_type = #tpu.core_type<sc_vector_subcore>, window_params = [{transform_indices = #map}, {transform_indices = #map1}, {transform_indices = #map1}, {transform_indices = #map1}, {transform_indices = #map2}]} {
    %mul3A = arith.constant 2 : i32
    %mul3A_0 = arith.muli %arg1, %mul3A : i32
    %add3A = arith.addi %mul3A_0, %arg0 : i32
    %mul3A_1 = arith.constant 10000 : i32
    %mul3A_2 = arith.muli %add3A, %mul3A_1 : i32
    "tpu.region"() ({
      %run_scoped3A = tpu.sem_alloc : memref<!tpu.dma_semaphore, #tpu.memory_space<semaphore_mem>>
      %dma_start3A_302 = tpu.memref_slice %arg3[%mul3A_2] : memref<320000xi32, #tpu.memory_space<hbm>> -> memref<10000xi32, #tpu.memory_space<hbm>>
      %dma_start3A_303 = tpu.memref_slice %arg3[%mul3A_2] : memref<320000xi32, #tpu.memory_space<hbm>> -> memref<10000xi32, #tpu.memory_space<hbm>>
      tpu.enqueue_dma source(%dma_start3A_303 : memref<10000xi32, #tpu.memory_space<hbm>>) target(%arg7 : memref<10000xi32, #tpu.memory_space<vmem>>) target_semaphore(%run_scoped3A : memref<!tpu.dma_semaphore, #tpu.memory_space<semaphore_mem>>)
      %dma_wait3A_304 = tpu.memref_slice %arg3[%mul3A_2] : memref<320000xi32, #tpu.memory_space<hbm>> -> memref<10000xi32, #tpu.memory_space<hbm>>
      %dma_wait3A_305 = tpu.memref_slice %arg3[%mul3A_2] : memref<320000xi32, #tpu.memory_space<hbm>> -> memref<10000xi32, #tpu.memory_space<hbm>>
      tpu.wait_dma2 semaphore(%run_scoped3A : memref<!tpu.dma_semaphore, #tpu.memory_space<semaphore_mem>>) src(%dma_wait3A_305 : memref<10000xi32, #tpu.memory_space<hbm>>) dst(%arg7 : memref<10000xi32, #tpu.memory_space<vmem>>)
      tpu.yield
    }) : () -> ()
    %broadcast_in_dim3A = arith.constant 0.000000e+00 : f32
    %broadcast_in_dim3A_3 = vector.broadcast %broadcast_in_dim3A : f32 to vector<16xf32>
    %parallel_loop3A = arith.constant 0 : i32
    %parallel_loop3A_4 = arith.constant 80 : i32
    %parallel_loop3A_5 = arith.constant 1 : i32
    scf.for %parallel_loop3A_302 = %parallel_loop3A to %parallel_loop3A_4 step %parallel_loop3A_5  : i32 {
      %parallel_loop3A_303 = arith.index_cast %parallel_loop3A_302 : i32 to index
      %parallel_loop3A_304 = arith.constant 0 : index
      %parallel_loop3A_305 = tpu.vector_load %arg8[%parallel_loop3A_303, %parallel_loop3A_304] {strides = array<i32>} : memref<80x128xf32, #tpu.memory_space<vmem>>, vector<1x16xf32>,
      %parallel_loop3A_306 = vector.shape_cast %parallel_loop3A_305 : vector<1x16xf32> to vector<16xf32>
      %parallel_loop3A_307 = vector.shape_cast %broadcast_in_dim3A_3 : vector<16xf32> to vector<1x16xf32>
      tpu.vector_store %arg8[%parallel_loop3A_303, %parallel_loop3A_304], %parallel_loop3A_307 {strides = array<i32>} : memref<80x128xf32, #tpu.memory_space<vmem>>, vector<1x16xf32>,
      %parallel_loop3A_308 = arith.index_cast %parallel_loop3A_302 : i32 to index
      %parallel_loop3A_309 = arith.constant 16 : index
      %parallel_loop3A_310 = tpu.vector_load %arg8[%parallel_loop3A_308, %parallel_loop3A_309] {strides = array<i32>} : memref<80x128xf32, #tpu.memory_space<vmem>>, vector<1x16xf32>,
      %parallel_loop3A_311 = vector.shape_cast %parallel_loop3A_310 : vector<1x16xf32> to vector<16xf32>
      %parallel_loop3A_312 = vector.shape_cast %broadcast_in_dim3A_3 : vector<16xf32> to vector<1x16xf32>
      tpu.vector_store %arg8[%parallel_loop3A_308, %parallel_loop3A_309], %parallel_loop3A_312 {strides = array<i32>} : memref<80x128xf32, #tpu.memory_space<vmem>>, vector<1x16xf32>,
      %parallel_loop3A_313 = arith.index_cast %parallel_loop3A_302 : i32 to index
      %parallel_loop3A_314 = arith.constant 32 : index
      %parallel_loop3A_315 = tpu.vector_load %arg8[%parallel_loop3A_313, %parallel_loop3A_314] {strides = array<i32>} : memref<80x128xf32, #tpu.memory_space<vmem>>, vector<1x16xf32>,
      %parallel_loop3A_316 = vector.shape_cast %parallel_loop3A_315 : vector<1x16xf32> to vector<16xf32>
      %parallel_loop3A_317 = vector.shape_cast %broadcast_in_dim3A_3 : vector<16xf32> to vector<1x16xf32>
      tpu.vector_store %arg8[%parallel_loop3A_313, %parallel_loop3A_314], %parallel_loop3A_317 {strides = array<i32>} : memref<80x128xf32, #tpu.memory_space<vmem>>, vector<1x16xf32>,
      %parallel_loop3A_318 = arith.index_cast %parallel_loop3A_302 : i32 to index
      %parallel_loop3A_319 = arith.constant 48 : index
      %parallel_loop3A_320 = tpu.vector_load %arg8[%parallel_loop3A_318, %parallel_loop3A_319] {strides = array<i32>} : memref<80x128xf32, #tpu.memory_space<vmem>>, vector<1x16xf32>,
      %parallel_loop3A_321 = vector.shape_cast %parallel_loop3A_320 : vector<1x16xf32> to vector<16xf32>
      %parallel_loop3A_322 = vector.shape_cast %broadcast_in_dim3A_3 : vector<16xf32> to vector<1x16xf32>
      tpu.vector_store %arg8[%parallel_loop3A_318, %parallel_loop3A_319], %parallel_loop3A_322 {strides = array<i32>} : memref<80x128xf32, #tpu.memory_space<vmem>>, vector<1x16xf32>,
      %parallel_loop3A_323 = arith.index_cast %parallel_loop3A_302 : i32 to index
      %parallel_loop3A_324 = arith.constant 64 : index
      %parallel_loop3A_325 = tpu.vector_load %arg8[%parallel_loop3A_323, %parallel_loop3A_324] {strides = array<i32>} : memref<80x128xf32, #tpu.memory_space<vmem>>, vector<1x16xf32>,
      %parallel_loop3A_326 = vector.shape_cast %parallel_loop3A_325 : vector<1x16xf32> to vector<16xf32>
      %parallel_loop3A_327 = vector.shape_cast %broadcast_in_dim3A_3 : vector<16xf32> to vector<1x16xf32>
      tpu.vector_store %arg8[%parallel_loop3A_323, %parallel_loop3A_324], %parallel_loop3A_327 {strides = array<i32>} : memref<80x128xf32, #tpu.memory_space<vmem>>, vector<1x16xf32>,
      %parallel_loop3A_328 = arith.index_cast %parallel_loop3A_302 : i32 to index
      %parallel_loop3A_329 = arith.constant 80 : index
      %parallel_loop3A_330 = tpu.vector_load %arg8[%parallel_loop3A_328, %parallel_loop3A_329] {strides = array<i32>} : memref<80x128xf32, #tpu.memory_space<vmem>>, vector<1x16xf32>,
      %parallel_loop3A_331 = vector.shape_cast %parallel_loop3A_330 : vector<1x16xf32> to vector<16xf32>
      %parallel_loop3A_332 = vector.shape_cast %broadcast_in_dim3A_3 : vector<16xf32> to vector<1x16xf32>
      tpu.vector_store %arg8[%parallel_loop3A_328, %parallel_loop3A_329], %parallel_loop3A_332 {strides = array<i32>} : memref<80x128xf32, #tpu.memory_space<vmem>>, vector<1x16xf32>,
      %parallel_loop3A_333 = arith.index_cast %parallel_loop3A_302 : i32 to index
      %parallel_loop3A_334 = arith.constant 96 : index
      %parallel_loop3A_335 = tpu.vector_load %arg8[%parallel_loop3A_333, %parallel_loop3A_334] {strides = array<i32>} : memref<80x128xf32, #tpu.memory_space<vmem>>, vector<1x16xf32>,
      %parallel_loop3A_336 = vector.shape_cast %parallel_loop3A_335 : vector<1x16xf32> to vector<16xf32>
      %parallel_loop3A_337 = vector.shape_cast %broadcast_in_dim3A_3 : vector<16xf32> to vector<1x16xf32>
      tpu.vector_store %arg8[%parallel_loop3A_333, %parallel_loop3A_334], %parallel_loop3A_337 {strides = array<i32>} : memref<80x128xf32, #tpu.memory_space<vmem>>, vector<1x16xf32>,
      %parallel_loop3A_338 = arith.index_cast %parallel_loop3A_302 : i32 to index
      %parallel_loop3A_339 = arith.constant 112 : index
      %parallel_loop3A_340 = tpu.vector_load %arg8[%parallel_loop3A_338, %parallel_loop3A_339] {strides = array<i32>} : memref<80x128xf32, #tpu.memory_space<vmem>>, vector<1x16xf32>,
      %parallel_loop3A_341 = vector.shape_cast %parallel_loop3A_340 : vector<1x16xf32> to vector<16xf32>
      %parallel_loop3A_342 = vector.shape_cast %broadcast_in_dim3A_3 : vector<16xf32> to vector<1x16xf32>
      tpu.vector_store %arg8[%parallel_loop3A_338, %parallel_loop3A_339], %parallel_loop3A_342 {strides = array<i32>} : memref<80x128xf32, #tpu.memory_space<vmem>>, vector<1x16xf32>,
    } {sc.loop_unroll_factor = 4 : i64, sc.parallel_access}
    %mul3A_6 = arith.constant 640 : i32
    %mul3A_7 = arith.muli %arg1, %mul3A_6 : i32
    %add3A_8 = arith.constant 0 : i32
    %add3A_9 = arith.addi %mul3A_7, %add3A_8 : i32
    %dma_start3A = arith.constant 0 : i32
    %dma_start3A_10 = tpu.memref_slice %arg17[%add3A_9, %dma_start3A] : memref<10240x128xf32, #tpu.memory_space<vmem_shared>> -> memref<80x128xf32, #tpu.memory_space<vmem_shared>>
    %dma_start3A_11 = arith.constant 0 : i32
    %dma_start3A_12 = tpu.memref_slice %arg17[%add3A_9, %dma_start3A_11] : memref<10240x128xf32, #tpu.memory_space<vmem_shared>> -> memref<80x128xf32, #tpu.memory_space<vmem_shared>>
    tpu.enqueue_dma source(%arg8 : memref<80x128xf32, #tpu.memory_space<vmem>>) target(%dma_start3A_12 : memref<80x128xf32, #tpu.memory_space<vmem_shared>>) target_semaphore(%arg18 : memref<!tpu.dma_semaphore, #tpu.memory_space<semaphore_mem>>)
    %add3A_13 = arith.constant 80 : i32
    %add3A_14 = arith.addi %mul3A_7, %add3A_13 : i32
    %dma_start3A_15 = arith.constant 0 : i32
    %dma_start3A_16 = tpu.memref_slice %arg17[%add3A_14, %dma_start3A_15] : memref<10240x128xf32, #tpu.memory_space<vmem_shared>> -> memref<80x128xf32, #tpu.memory_space<vmem_shared>>
    %dma_start3A_17 = arith.constant 0 : i32
    %dma_start3A_18 = tpu.memref_slice %arg17[%add3A_14, %dma_start3A_17] : memref<10240x128xf32, #tpu.memory_space<vmem_shared>> -> memref<80x128xf32, #tpu.memory_space<vmem_shared>>
    tpu.enqueue_dma source(%arg8 : memref<80x128xf32, #tpu.memory_space<vmem>>) target(%dma_start3A_18 : memref<80x128xf32, #tpu.memory_space<vmem_shared>>) target_semaphore(%arg18 : memref<!tpu.dma_semaphore, #tpu.memory_space<semaphore_mem>>)
    %add3A_19 = arith.constant 160 : i32
    %add3A_20 = arith.addi %mul3A_7, %add3A_19 : i32
    %dma_start3A_21 = arith.constant 0 : i32
    %dma_start3A_22 = tpu.memref_slice %arg17[%add3A_20, %dma_start3A_21] : memref<10240x128xf32, #tpu.memory_space<vmem_shared>> -> memref<80x128xf32, #tpu.memory_space<vmem_shared>>
    %dma_start3A_23 = arith.constant 0 : i32
    %dma_start3A_24 = tpu.memref_slice %arg17[%add3A_20, %dma_start3A_23] : memref<10240x128xf32, #tpu.memory_space<vmem_shared>> -> memref<80x128xf32, #tpu.memory_space<vmem_shared>>
    tpu.enqueue_dma source(%arg8 : memref<80x128xf32, #tpu.memory_space<vmem>>) target(%dma_start3A_24 : memref<80x128xf32, #tpu.memory_space<vmem_shared>>) target_semaphore(%arg18 : memref<!tpu.dma_semaphore, #tpu.memory_space<semaphore_mem>>)
    %add3A_25 = arith.constant 240 : i32
    %add3A_26 = arith.addi %mul3A_7, %add3A_25 : i32
    %dma_start3A_27 = arith.constant 0 : i32
    %dma_start3A_28 = tpu.memref_slice %arg17[%add3A_26, %dma_start3A_27] : memref<10240x128xf32, #tpu.memory_space<vmem_shared>> -> memref<80x128xf32, #tpu.memory_space<vmem_shared>>
    %dma_start3A_29 = arith.constant 0 : i32
    %dma_start3A_30 = tpu.memref_slice %arg17[%add3A_26, %dma_start3A_29] : memref<10240x128xf32, #tpu.memory_space<vmem_shared>> -> memref<80x128xf32, #tpu.memory_space<vmem_shared>>
    tpu.enqueue_dma source(%arg8 : memref<80x128xf32, #tpu.memory_space<vmem>>) target(%dma_start3A_30 : memref<80x128xf32, #tpu.memory_space<vmem_shared>>) target_semaphore(%arg18 : memref<!tpu.dma_semaphore, #tpu.memory_space<semaphore_mem>>)
    %add3A_31 = arith.constant 320 : i32
    %add3A_32 = arith.addi %mul3A_7, %add3A_31 : i32
    %dma_start3A_33 = arith.constant 0 : i32
    %dma_start3A_34 = tpu.memref_slice %arg17[%add3A_32, %dma_start3A_33] : memref<10240x128xf32, #tpu.memory_space<vmem_shared>> -> memref<80x128xf32, #tpu.memory_space<vmem_shared>>
    %dma_start3A_35 = arith.constant 0 : i32
    %dma_start3A_36 = tpu.memref_slice %arg17[%add3A_32, %dma_start3A_35] : memref<10240x128xf32, #tpu.memory_space<vmem_shared>> -> memref<80x128xf32, #tpu.memory_space<vmem_shared>>
    tpu.enqueue_dma source(%arg8 : memref<80x128xf32, #tpu.memory_space<vmem>>) target(%dma_start3A_36 : memref<80x128xf32, #tpu.memory_space<vmem_shared>>) target_semaphore(%arg18 : memref<!tpu.dma_semaphore, #tpu.memory_space<semaphore_mem>>)
    %add3A_37 = arith.constant 400 : i32
    %add3A_38 = arith.addi %mul3A_7, %add3A_37 : i32
    %dma_start3A_39 = arith.constant 0 : i32
    %dma_start3A_40 = tpu.memref_slice %arg17[%add3A_38, %dma_start3A_39] : memref<10240x128xf32, #tpu.memory_space<vmem_shared>> -> memref<80x128xf32, #tpu.memory_space<vmem_shared>>
    %dma_start3A_41 = arith.constant 0 : i32
    %dma_start3A_42 = tpu.memref_slice %arg17[%add3A_38, %dma_start3A_41] : memref<10240x128xf32, #tpu.memory_space<vmem_shared>> -> memref<80x128xf32, #tpu.memory_space<vmem_shared>>
    tpu.enqueue_dma source(%arg8 : memref<80x128xf32, #tpu.memory_space<vmem>>) target(%dma_start3A_42 : memref<80x128xf32, #tpu.memory_space<vmem_shared>>) target_semaphore(%arg18 : memref<!tpu.dma_semaphore, #tpu.memory_space<semaphore_mem>>)
    %add3A_43 = arith.constant 480 : i32
    %add3A_44 = arith.addi %mul3A_7, %add3A_43 : i32
    %dma_start3A_45 = arith.constant 0 : i32
    %dma_start3A_46 = tpu.memref_slice %arg17[%add3A_44, %dma_start3A_45] : memref<10240x128xf32, #tpu.memory_space<vmem_shared>> -> memref<80x128xf32, #tpu.memory_space<vmem_shared>>
    %dma_start3A_47 = arith.constant 0 : i32
    %dma_start3A_48 = tpu.memref_slice %arg17[%add3A_44, %dma_start3A_47] : memref<10240x128xf32, #tpu.memory_space<vmem_shared>> -> memref<80x128xf32, #tpu.memory_space<vmem_shared>>
    tpu.enqueue_dma source(%arg8 : memref<80x128xf32, #tpu.memory_space<vmem>>) target(%dma_start3A_48 : memref<80x128xf32, #tpu.memory_space<vmem_shared>>) target_semaphore(%arg18 : memref<!tpu.dma_semaphore, #tpu.memory_space<semaphore_mem>>)
    %add3A_49 = arith.constant 560 : i32
    %add3A_50 = arith.addi %mul3A_7, %add3A_49 : i32
    %dma_start3A_51 = arith.constant 0 : i32
    %dma_start3A_52 = tpu.memref_slice %arg17[%add3A_50, %dma_start3A_51] : memref<10240x128xf32, #tpu.memory_space<vmem_shared>> -> memref<80x128xf32, #tpu.memory_space<vmem_shared>>
    %dma_start3A_53 = arith.constant 0 : i32
    %dma_start3A_54 = tpu.memref_slice %arg17[%add3A_50, %dma_start3A_53] : memref<10240x128xf32, #tpu.memory_space<vmem_shared>> -> memref<80x128xf32, #tpu.memory_space<vmem_shared>>
    tpu.enqueue_dma source(%arg8 : memref<80x128xf32, #tpu.memory_space<vmem>>) target(%dma_start3A_54 : memref<80x128xf32, #tpu.memory_space<vmem_shared>>) target_semaphore(%arg18 : memref<!tpu.dma_semaphore, #tpu.memory_space<semaphore_mem>>)
    %add3A_55 = arith.constant 0 : i32
    %add3A_56 = arith.addi %mul3A_7, %add3A_55 : i32
    %dma_wait3A = arith.constant 0 : i32
    %dma_wait3A_57 = tpu.memref_slice %arg17[%add3A_56, %dma_wait3A] : memref<10240x128xf32, #tpu.memory_space<vmem_shared>> -> memref<80x128xf32, #tpu.memory_space<vmem_shared>>
    %dma_wait3A_58 = arith.constant 0 : i32
    %dma_wait3A_59 = tpu.memref_slice %arg17[%add3A_56, %dma_wait3A_58] : memref<10240x128xf32, #tpu.memory_space<vmem_shared>> -> memref<80x128xf32, #tpu.memory_space<vmem_shared>>
    tpu.wait_dma2 semaphore(%arg18 : memref<!tpu.dma_semaphore, #tpu.memory_space<semaphore_mem>>) src(%arg8 : memref<80x128xf32, #tpu.memory_space<vmem>>) dst(%dma_wait3A_59 : memref<80x128xf32, #tpu.memory_space<vmem_shared>>)
    %add3A_60 = arith.constant 80 : i32
    %add3A_61 = arith.addi %mul3A_7, %add3A_60 : i32
    %dma_wait3A_62 = arith.constant 0 : i32
    %dma_wait3A_63 = tpu.memref_slice %arg17[%add3A_61, %dma_wait3A_62] : memref<10240x128xf32, #tpu.memory_space<vmem_shared>> -> memref<80x128xf32, #tpu.memory_space<vmem_shared>>
    %dma_wait3A_64 = arith.constant 0 : i32
    %dma_wait3A_65 = tpu.memref_slice %arg17[%add3A_61, %dma_wait3A_64] : memref<10240x128xf32, #tpu.memory_space<vmem_shared>> -> memref<80x128xf32, #tpu.memory_space<vmem_shared>>
    tpu.wait_dma2 semaphore(%arg18 : memref<!tpu.dma_semaphore, #tpu.memory_space<semaphore_mem>>) src(%arg8 : memref<80x128xf32, #tpu.memory_space<vmem>>) dst(%dma_wait3A_65 : memref<80x128xf32, #tpu.memory_space<vmem_shared>>)
    %add3A_66 = arith.constant 160 : i32
    %add3A_67 = arith.addi %mul3A_7, %add3A_66 : i32
    %dma_wait3A_68 = arith.constant 0 : i32
    %dma_wait3A_69 = tpu.memref_slice %arg17[%add3A_67, %dma_wait3A_68] : memref<10240x128xf32, #tpu.memory_space<vmem_shared>> -> memref<80x128xf32, #tpu.memory_space<vmem_shared>>
    %dma_wait3A_70 = arith.constant 0 : i32
    %dma_wait3A_71 = tpu.memref_slice %arg17[%add3A_67, %dma_wait3A_70] : memref<10240x128xf32, #tpu.memory_space<vmem_shared>> -> memref<80x128xf32, #tpu.memory_space<vmem_shared>>
    tpu.wait_dma2 semaphore(%arg18 : memref<!tpu.dma_semaphore, #tpu.memory_space<semaphore_mem>>) src(%arg8 : memref<80x128xf32, #tpu.memory_space<vmem>>) dst(%dma_wait3A_71 : memref<80x128xf32, #tpu.memory_space<vmem_shared>>)
    %add3A_72 = arith.constant 240 : i32
    %add3A_73 = arith.addi %mul3A_7, %add3A_72 : i32
    %dma_wait3A_74 = arith.constant 0 : i32
    %dma_wait3A_75 = tpu.memref_slice %arg17[%add3A_73, %dma_wait3A_74] : memref<10240x128xf32, #tpu.memory_space<vmem_shared>> -> memref<80x128xf32, #tpu.memory_space<vmem_shared>>
    %dma_wait3A_76 = arith.constant 0 : i32
    %dma_wait3A_77 = tpu.memref_slice %arg17[%add3A_73, %dma_wait3A_76] : memref<10240x128xf32, #tpu.memory_space<vmem_shared>> -> memref<80x128xf32, #tpu.memory_space<vmem_shared>>
    tpu.wait_dma2 semaphore(%arg18 : memref<!tpu.dma_semaphore, #tpu.memory_space<semaphore_mem>>) src(%arg8 : memref<80x128xf32, #tpu.memory_space<vmem>>) dst(%dma_wait3A_77 : memref<80x128xf32, #tpu.memory_space<vmem_shared>>)
    %add3A_78 = arith.constant 320 : i32
    %add3A_79 = arith.addi %mul3A_7, %add3A_78 : i32
    %dma_wait3A_80 = arith.constant 0 : i32
    %dma_wait3A_81 = tpu.memref_slice %arg17[%add3A_79, %dma_wait3A_80] : memref<10240x128xf32, #tpu.memory_space<vmem_shared>> -> memref<80x128xf32, #tpu.memory_space<vmem_shared>>
    %dma_wait3A_82 = arith.constant 0 : i32
    %dma_wait3A_83 = tpu.memref_slice %arg17[%add3A_79, %dma_wait3A_82] : memref<10240x128xf32, #tpu.memory_space<vmem_shared>> -> memref<80x128xf32, #tpu.memory_space<vmem_shared>>
    tpu.wait_dma2 semaphore(%arg18 : memref<!tpu.dma_semaphore, #tpu.memory_space<semaphore_mem>>) src(%arg8 : memref<80x128xf32, #tpu.memory_space<vmem>>) dst(%dma_wait3A_83 : memref<80x128xf32, #tpu.memory_space<vmem_shared>>)
    %add3A_84 = arith.constant 400 : i32
    %add3A_85 = arith.addi %mul3A_7, %add3A_84 : i32
    %dma_wait3A_86 = arith.constant 0 : i32
    %dma_wait3A_87 = tpu.memref_slice %arg17[%add3A_85, %dma_wait3A_86] : memref<10240x128xf32, #tpu.memory_space<vmem_shared>> -> memref<80x128xf32, #tpu.memory_space<vmem_shared>>
    %dma_wait3A_88 = arith.constant 0 : i32
    %dma_wait3A_89 = tpu.memref_slice %arg17[%add3A_85, %dma_wait3A_88] : memref<10240x128xf32, #tpu.memory_space<vmem_shared>> -> memref<80x128xf32, #tpu.memory_space<vmem_shared>>
    tpu.wait_dma2 semaphore(%arg18 : memref<!tpu.dma_semaphore, #tpu.memory_space<semaphore_mem>>) src(%arg8 : memref<80x128xf32, #tpu.memory_space<vmem>>) dst(%dma_wait3A_89 : memref<80x128xf32, #tpu.memory_space<vmem_shared>>)
    %add3A_90 = arith.constant 480 : i32
    %add3A_91 = arith.addi %mul3A_7, %add3A_90 : i32
    %dma_wait3A_92 = arith.constant 0 : i32
    %dma_wait3A_93 = tpu.memref_slice %arg17[%add3A_91, %dma_wait3A_92] : memref<10240x128xf32, #tpu.memory_space<vmem_shared>> -> memref<80x128xf32, #tpu.memory_space<vmem_shared>>
    %dma_wait3A_94 = arith.constant 0 : i32
    %dma_wait3A_95 = tpu.memref_slice %arg17[%add3A_91, %dma_wait3A_94] : memref<10240x128xf32, #tpu.memory_space<vmem_shared>> -> memref<80x128xf32, #tpu.memory_space<vmem_shared>>
    tpu.wait_dma2 semaphore(%arg18 : memref<!tpu.dma_semaphore, #tpu.memory_space<semaphore_mem>>) src(%arg8 : memref<80x128xf32, #tpu.memory_space<vmem>>) dst(%dma_wait3A_95 : memref<80x128xf32, #tpu.memory_space<vmem_shared>>)
    %add3A_96 = arith.constant 560 : i32
    %add3A_97 = arith.addi %mul3A_7, %add3A_96 : i32
    %dma_wait3A_98 = arith.constant 0 : i32
    %dma_wait3A_99 = tpu.memref_slice %arg17[%add3A_97, %dma_wait3A_98] : memref<10240x128xf32, #tpu.memory_space<vmem_shared>> -> memref<80x128xf32, #tpu.memory_space<vmem_shared>>
    %dma_wait3A_100 = arith.constant 0 : i32
    %dma_wait3A_101 = tpu.memref_slice %arg17[%add3A_97, %dma_wait3A_100] : memref<10240x128xf32, #tpu.memory_space<vmem_shared>> -> memref<80x128xf32, #tpu.memory_space<vmem_shared>>
    tpu.wait_dma2 semaphore(%arg18 : memref<!tpu.dma_semaphore, #tpu.memory_space<semaphore_mem>>) src(%arg8 : memref<80x128xf32, #tpu.memory_space<vmem>>) dst(%dma_wait3A_101 : memref<80x128xf32, #tpu.memory_space<vmem_shared>>)
    %barrier3A = arith.constant 0 : index
    tpu.barrier barrier_id(%barrier3A)
    %dma_start3A_102 = arith.constant 0 : i32
    %dma_start3A_103 = tpu.memref_slice %arg7[%dma_start3A_102] : memref<10000xi32, #tpu.memory_space<vmem>> -> memref<80xi32, #tpu.memory_space<vmem>>
    %dma_start3A_104 = arith.constant 0 : i32
    %dma_start3A_105 = arith.constant 0 : i32
    %dma_start3A_106 = tpu.memref_slice %arg2[%dma_start3A_104, %dma_start3A_105] : memref<10000x128xf32, #tpu.memory_space<hbm>> -> memref<10000x128xf32, #tpu.memory_space<hbm>>
    tpu.enqueue_indirect_dma source(%dma_start3A_106 : memref<10000x128xf32, #tpu.memory_space<hbm>>) target(%arg8 : memref<80x128xf32, #tpu.memory_space<vmem>>) offsets(%dma_start3A_103 : memref<80xi32, #tpu.memory_space<vmem>>) semaphore(%arg18 : memref<!tpu.dma_semaphore, #tpu.memory_space<semaphore_mem>>)
    %add3A_107 = arith.constant 0 : i32
    %add3A_108 = arith.addi %mul3A_2, %add3A_107 : i32
    %dma_start3A_109 = tpu.memref_slice %arg4[%add3A_108] : memref<320000xi32, #tpu.memory_space<hbm>> -> memref<80xi32, #tpu.memory_space<hbm>>
    %dma_start3A_110 = tpu.memref_slice %arg4[%add3A_108] : memref<320000xi32, #tpu.memory_space<hbm>> -> memref<80xi32, #tpu.memory_space<hbm>>
    tpu.enqueue_dma source(%dma_start3A_110 : memref<80xi32, #tpu.memory_space<hbm>>) target(%arg11 : memref<80xi32, #tpu.memory_space<vmem>>) target_semaphore(%arg21 : memref<!tpu.dma_semaphore, #tpu.memory_space<semaphore_mem>>)
    %add3A_111 = arith.constant 0 : i32
    %add3A_112 = arith.addi %mul3A_2, %add3A_111 : i32
    %dma_start3A_113 = tpu.memref_slice %arg5[%add3A_112] : memref<320000xf32, #tpu.memory_space<hbm>> -> memref<80xf32, #tpu.memory_space<hbm>>
    %dma_start3A_114 = tpu.memref_slice %arg5[%add3A_112] : memref<320000xf32, #tpu.memory_space<hbm>> -> memref<80xf32, #tpu.memory_space<hbm>>
    tpu.enqueue_dma source(%dma_start3A_114 : memref<80xf32, #tpu.memory_space<hbm>>) target(%arg14 : memref<80xf32, #tpu.memory_space<vmem>>) target_semaphore(%arg21 : memref<!tpu.dma_semaphore, #tpu.memory_space<semaphore_mem>>)
    %dma_start3A_115 = arith.constant 80 : i32
    %dma_start3A_116 = tpu.memref_slice %arg7[%dma_start3A_115] : memref<10000xi32, #tpu.memory_space<vmem>> -> memref<80xi32, #tpu.memory_space<vmem>>
    %dma_start3A_117 = arith.constant 0 : i32
    %dma_start3A_118 = arith.constant 0 : i32
    %dma_start3A_119 = tpu.memref_slice %arg2[%dma_start3A_117, %dma_start3A_118] : memref<10000x128xf32, #tpu.memory_space<hbm>> -> memref<10000x128xf32, #tpu.memory_space<hbm>>
    tpu.enqueue_indirect_dma source(%dma_start3A_119 : memref<10000x128xf32, #tpu.memory_space<hbm>>) target(%arg9 : memref<80x128xf32, #tpu.memory_space<vmem>>) offsets(%dma_start3A_116 : memref<80xi32, #tpu.memory_space<vmem>>) semaphore(%arg19 : memref<!tpu.dma_semaphore, #tpu.memory_space<semaphore_mem>>)
    %add3A_120 = arith.constant 80 : i32
    %add3A_121 = arith.addi %mul3A_2, %add3A_120 : i32
    %dma_start3A_122 = tpu.memref_slice %arg4[%add3A_121] : memref<320000xi32, #tpu.memory_space<hbm>> -> memref<80xi32, #tpu.memory_space<hbm>>
    %dma_start3A_123 = tpu.memref_slice %arg4[%add3A_121] : memref<320000xi32, #tpu.memory_space<hbm>> -> memref<80xi32, #tpu.memory_space<hbm>>
    tpu.enqueue_dma source(%dma_start3A_123 : memref<80xi32, #tpu.memory_space<hbm>>) target(%arg12 : memref<80xi32, #tpu.memory_space<vmem>>) target_semaphore(%arg22 : memref<!tpu.dma_semaphore, #tpu.memory_space<semaphore_mem>>)
    %add3A_124 = arith.constant 80 : i32
    %add3A_125 = arith.addi %mul3A_2, %add3A_124 : i32
    %dma_start3A_126 = tpu.memref_slice %arg5[%add3A_125] : memref<320000xf32, #tpu.memory_space<hbm>> -> memref<80xf32, #tpu.memory_space<hbm>>
    %dma_start3A_127 = tpu.memref_slice %arg5[%add3A_125] : memref<320000xf32, #tpu.memory_space<hbm>> -> memref<80xf32, #tpu.memory_space<hbm>>
    tpu.enqueue_dma source(%dma_start3A_127 : memref<80xf32, #tpu.memory_space<hbm>>) target(%arg15 : memref<80xf32, #tpu.memory_space<vmem>>) target_semaphore(%arg22 : memref<!tpu.dma_semaphore, #tpu.memory_space<semaphore_mem>>)
    %dma_wait3A_128 = arith.constant 0 : i32
    %dma_wait3A_129 = tpu.memref_slice %arg7[%dma_wait3A_128] : memref<10000xi32, #tpu.memory_space<vmem>> -> memref<80xi32, #tpu.memory_space<vmem>>
    %dma_wait3A_130 = arith.constant 0 : i32
    %dma_wait3A_131 = arith.constant 0 : i32
    %dma_wait3A_132 = tpu.memref_slice %arg2[%dma_wait3A_130, %dma_wait3A_131] : memref<10000x128xf32, #tpu.memory_space<hbm>> -> memref<10000x128xf32, #tpu.memory_space<hbm>>
    tpu.wait_indirect_dma semaphore(%arg18 : memref<!tpu.dma_semaphore, #tpu.memory_space<semaphore_mem>>) src(%dma_wait3A_132 : memref<10000x128xf32, #tpu.memory_space<hbm>>) dst(%arg8 : memref<80x128xf32, #tpu.memory_space<vmem>>)
    %add3A_133 = arith.constant 0 : i32
    %add3A_134 = arith.addi %mul3A_2, %add3A_133 : i32
    %dma_wait3A_135 = tpu.memref_slice %arg4[%add3A_134] : memref<320000xi32, #tpu.memory_space<hbm>> -> memref<80xi32, #tpu.memory_space<hbm>>
    %dma_wait3A_136 = tpu.memref_slice %arg4[%add3A_134] : memref<320000xi32, #tpu.memory_space<hbm>> -> memref<80xi32, #tpu.memory_space<hbm>>
    tpu.wait_dma2 semaphore(%arg21 : memref<!tpu.dma_semaphore, #tpu.memory_space<semaphore_mem>>) src(%dma_wait3A_136 : memref<80xi32, #tpu.memory_space<hbm>>) dst(%arg11 : memref<80xi32, #tpu.memory_space<vmem>>)
    %add3A_137 = arith.constant 0 : i32
    %add3A_138 = arith.addi %mul3A_2, %add3A_137 : i32
    %dma_wait3A_139 = tpu.memref_slice %arg5[%add3A_138] : memref<320000xf32, #tpu.memory_space<hbm>> -> memref<80xf32, #tpu.memory_space<hbm>>
    %dma_wait3A_140 = tpu.memref_slice %arg5[%add3A_138] : memref<320000xf32, #tpu.memory_space<hbm>> -> memref<80xf32, #tpu.memory_space<hbm>>
    tpu.wait_dma2 semaphore(%arg21 : memref<!tpu.dma_semaphore, #tpu.memory_space<semaphore_mem>>) src(%dma_wait3A_140 : memref<80xf32, #tpu.memory_space<hbm>>) dst(%arg14 : memref<80xf32, #tpu.memory_space<vmem>>)
    %parallel_loop3A_141 = arith.constant 0 : i32
    %parallel_loop3A_142 = arith.constant 80 : i32
    %parallel_loop3A_143 = arith.constant 1 : i32
    scf.for %parallel_loop3A_302 = %parallel_loop3A_141 to %parallel_loop3A_142 step %parallel_loop3A_143  : i32 {
      %parallel_loop3A_303 = arith.index_cast %parallel_loop3A_302 : i32 to index
      %parallel_loop3A_304 = tpu.vector_load %arg14[%parallel_loop3A_303] {strides = array<i32>} : memref<80xf32, #tpu.memory_space<vmem>>, vector<1xf32>,
      %parallel_loop3A_305 = vector.shape_cast %parallel_loop3A_304 : vector<1xf32> to vector<1xf32>
      %parallel_loop3A_306 = vector.extract %parallel_loop3A_305[0] : f32 from vector<1xf32>
      %parallel_loop3A_307 = arith.index_cast %parallel_loop3A_302 : i32 to index
      %parallel_loop3A_308 = arith.constant 0 : index
      %parallel_loop3A_309 = tpu.vector_load %arg8[%parallel_loop3A_307, %parallel_loop3A_308] {strides = array<i32>} : memref<80x128xf32, #tpu.memory_space<vmem>>, vector<1x16xf32>,
      %parallel_loop3A_310 = vector.shape_cast %parallel_loop3A_309 : vector<1x16xf32> to vector<16xf32>
      %parallel_loop3A_311 = vector.broadcast %parallel_loop3A_306 : f32 to vector<16xf32>
      %parallel_loop3A_312 = arith.mulf %parallel_loop3A_310, %parallel_loop3A_311 : vector<16xf32>
      %parallel_loop3A_313 = arith.index_cast %parallel_loop3A_302 : i32 to index
      %parallel_loop3A_314 = arith.constant 0 : index
      %parallel_loop3A_315 = tpu.vector_load %arg8[%parallel_loop3A_313, %parallel_loop3A_314] {strides = array<i32>} : memref<80x128xf32, #tpu.memory_space<vmem>>, vector<1x16xf32>,
      %parallel_loop3A_316 = vector.shape_cast %parallel_loop3A_315 : vector<1x16xf32> to vector<16xf32>
      %parallel_loop3A_317 = vector.shape_cast %parallel_loop3A_312 : vector<16xf32> to vector<1x16xf32>
      tpu.vector_store %arg8[%parallel_loop3A_313, %parallel_loop3A_314], %parallel_loop3A_317 {strides = array<i32>} : memref<80x128xf32, #tpu.memory_space<vmem>>, vector<1x16xf32>,
    } {sc.loop_unroll_factor = 4 : i64, sc.parallel_access}
    %dma_start3A_144 = arith.constant 0 : i32
    %dma_start3A_145 = tpu.memref_slice %arg11[%dma_start3A_144] : memref<80xi32, #tpu.memory_space<vmem>> -> memref<80xi32, #tpu.memory_space<vmem>>
    %dma_start3A_146 = arith.constant 0 : i32
    %dma_start3A_147 = arith.constant 0 : i32
    %dma_start3A_148 = tpu.memref_slice %arg17[%dma_start3A_146, %dma_start3A_147] : memref<10240x128xf32, #tpu.memory_space<vmem_shared>> -> memref<10240x128xf32, #tpu.memory_space<vmem_shared>>
    tpu.enqueue_indirect_dma source(%arg8 : memref<80x128xf32, #tpu.memory_space<vmem>>) target(%dma_start3A_148 : memref<10240x128xf32, #tpu.memory_space<vmem_shared>>) offsets(%dma_start3A_145 : memref<80xi32, #tpu.memory_space<vmem>>) semaphore(%arg24 : memref<!tpu.dma_semaphore, #tpu.memory_space<semaphore_mem>>) {add = true}
    %dma_start3A_149 = arith.constant 160 : i32
    %dma_start3A_150 = tpu.memref_slice %arg7[%dma_start3A_149] : memref<10000xi32, #tpu.memory_space<vmem>> -> memref<80xi32, #tpu.memory_space<vmem>>
    %dma_start3A_151 = arith.constant 0 : i32
    %dma_start3A_152 = arith.constant 0 : i32
    %dma_start3A_153 = tpu.memref_slice %arg2[%dma_start3A_151, %dma_start3A_152] : memref<10000x128xf32, #tpu.memory_space<hbm>> -> memref<10000x128xf32, #tpu.memory_space<hbm>>
    tpu.enqueue_indirect_dma source(%dma_start3A_153 : memref<10000x128xf32, #tpu.memory_space<hbm>>) target(%arg10 : memref<80x128xf32, #tpu.memory_space<vmem>>) offsets(%dma_start3A_150 : memref<80xi32, #tpu.memory_space<vmem>>) semaphore(%arg20 : memref<!tpu.dma_semaphore, #tpu.memory_space<semaphore_mem>>)
    %add3A_154 = arith.constant 160 : i32
    %add3A_155 = arith.addi %mul3A_2, %add3A_154 : i32
    %dma_start3A_156 = tpu.memref_slice %arg4[%add3A_155] : memref<320000xi32, #tpu.memory_space<hbm>> -> memref<80xi32, #tpu.memory_space<hbm>>
    %dma_start3A_157 = tpu.memref_slice %arg4[%add3A_155] : memref<320000xi32, #tpu.memory_space<hbm>> -> memref<80xi32, #tpu.memory_space<hbm>>
    tpu.enqueue_dma source(%dma_start3A_157 : memref<80xi32, #tpu.memory_space<hbm>>) target(%arg13 : memref<80xi32, #tpu.memory_space<vmem>>) target_semaphore(%arg23 : memref<!tpu.dma_semaphore, #tpu.memory_space<semaphore_mem>>)
    %add3A_158 = arith.constant 160 : i32
    %add3A_159 = arith.addi %mul3A_2, %add3A_158 : i32
    %dma_start3A_160 = tpu.memref_slice %arg5[%add3A_159] : memref<320000xf32, #tpu.memory_space<hbm>> -> memref<80xf32, #tpu.memory_space<hbm>>
    %dma_start3A_161 = tpu.memref_slice %arg5[%add3A_159] : memref<320000xf32, #tpu.memory_space<hbm>> -> memref<80xf32, #tpu.memory_space<hbm>>
    tpu.enqueue_dma source(%dma_start3A_161 : memref<80xf32, #tpu.memory_space<hbm>>) target(%arg16 : memref<80xf32, #tpu.memory_space<vmem>>) target_semaphore(%arg23 : memref<!tpu.dma_semaphore, #tpu.memory_space<semaphore_mem>>)
    %dma_wait3A_162 = arith.constant 80 : i32
    %dma_wait3A_163 = tpu.memref_slice %arg7[%dma_wait3A_162] : memref<10000xi32, #tpu.memory_space<vmem>> -> memref<80xi32, #tpu.memory_space<vmem>>
    %dma_wait3A_164 = arith.constant 0 : i32
    %dma_wait3A_165 = arith.constant 0 : i32
    %dma_wait3A_166 = tpu.memref_slice %arg2[%dma_wait3A_164, %dma_wait3A_165] : memref<10000x128xf32, #tpu.memory_space<hbm>> -> memref<10000x128xf32, #tpu.memory_space<hbm>>
    tpu.wait_indirect_dma semaphore(%arg19 : memref<!tpu.dma_semaphore, #tpu.memory_space<semaphore_mem>>) src(%dma_wait3A_166 : memref<10000x128xf32, #tpu.memory_space<hbm>>) dst(%arg9 : memref<80x128xf32, #tpu.memory_space<vmem>>)
    %add3A_167 = arith.constant 80 : i32
    %add3A_168 = arith.addi %mul3A_2, %add3A_167 : i32
    %dma_wait3A_169 = tpu.memref_slice %arg4[%add3A_168] : memref<320000xi32, #tpu.memory_space<hbm>> -> memref<80xi32, #tpu.memory_space<hbm>>
    %dma_wait3A_170 = tpu.memref_slice %arg4[%add3A_168] : memref<320000xi32, #tpu.memory_space<hbm>> -> memref<80xi32, #tpu.memory_space<hbm>>
    tpu.wait_dma2 semaphore(%arg22 : memref<!tpu.dma_semaphore, #tpu.memory_space<semaphore_mem>>) src(%dma_wait3A_170 : memref<80xi32, #tpu.memory_space<hbm>>) dst(%arg12 : memref<80xi32, #tpu.memory_space<vmem>>)
    %add3A_171 = arith.constant 80 : i32
    %add3A_172 = arith.addi %mul3A_2, %add3A_171 : i32
    %dma_wait3A_173 = tpu.memref_slice %arg5[%add3A_172] : memref<320000xf32, #tpu.memory_space<hbm>> -> memref<80xf32, #tpu.memory_space<hbm>>
    %dma_wait3A_174 = tpu.memref_slice %arg5[%add3A_172] : memref<320000xf32, #tpu.memory_space<hbm>> -> memref<80xf32, #tpu.memory_space<hbm>>
    tpu.wait_dma2 semaphore(%arg22 : memref<!tpu.dma_semaphore, #tpu.memory_space<semaphore_mem>>) src(%dma_wait3A_174 : memref<80xf32, #tpu.memory_space<hbm>>) dst(%arg15 : memref<80xf32, #tpu.memory_space<vmem>>)
    %parallel_loop3A_175 = arith.constant 0 : i32
    %parallel_loop3A_176 = arith.constant 80 : i32
    %parallel_loop3A_177 = arith.constant 1 : i32
    scf.for %parallel_loop3A_302 = %parallel_loop3A_175 to %parallel_loop3A_176 step %parallel_loop3A_177  : i32 {
      %parallel_loop3A_303 = arith.index_cast %parallel_loop3A_302 : i32 to index
      %parallel_loop3A_304 = tpu.vector_load %arg15[%parallel_loop3A_303] {strides = array<i32>} : memref<80xf32, #tpu.memory_space<vmem>>, vector<1xf32>,
      %parallel_loop3A_305 = vector.shape_cast %parallel_loop3A_304 : vector<1xf32> to vector<1xf32>
      %parallel_loop3A_306 = vector.extract %parallel_loop3A_305[0] : f32 from vector<1xf32>
      %parallel_loop3A_307 = arith.index_cast %parallel_loop3A_302 : i32 to index
      %parallel_loop3A_308 = arith.constant 0 : index
      %parallel_loop3A_309 = tpu.vector_load %arg9[%parallel_loop3A_307, %parallel_loop3A_308] {strides = array<i32>} : memref<80x128xf32, #tpu.memory_space<vmem>>, vector<1x16xf32>,
      %parallel_loop3A_310 = vector.shape_cast %parallel_loop3A_309 : vector<1x16xf32> to vector<16xf32>
      %parallel_loop3A_311 = vector.broadcast %parallel_loop3A_306 : f32 to vector<16xf32>
      %parallel_loop3A_312 = arith.mulf %parallel_loop3A_310, %parallel_loop3A_311 : vector<16xf32>
      %parallel_loop3A_313 = arith.index_cast %parallel_loop3A_302 : i32 to index
      %parallel_loop3A_314 = arith.constant 0 : index
      %parallel_loop3A_315 = tpu.vector_load %arg9[%parallel_loop3A_313, %parallel_loop3A_314] {strides = array<i32>} : memref<80x128xf32, #tpu.memory_space<vmem>>, vector<1x16xf32>,
      %parallel_loop3A_316 = vector.shape_cast %parallel_loop3A_315 : vector<1x16xf32> to vector<16xf32>
      %parallel_loop3A_317 = vector.shape_cast %parallel_loop3A_312 : vector<16xf32> to vector<1x16xf32>
      tpu.vector_store %arg9[%parallel_loop3A_313, %parallel_loop3A_314], %parallel_loop3A_317 {strides = array<i32>} : memref<80x128xf32, #tpu.memory_space<vmem>>, vector<1x16xf32>,
    } {sc.loop_unroll_factor = 4 : i64, sc.parallel_access}
    %dma_start3A_178 = arith.constant 0 : i32
    %dma_start3A_179 = tpu.memref_slice %arg12[%dma_start3A_178] : memref<80xi32, #tpu.memory_space<vmem>> -> memref<80xi32, #tpu.memory_space<vmem>>
    %dma_start3A_180 = arith.constant 0 : i32
    %dma_start3A_181 = arith.constant 0 : i32
    %dma_start3A_182 = tpu.memref_slice %arg17[%dma_start3A_180, %dma_start3A_181] : memref<10240x128xf32, #tpu.memory_space<vmem_shared>> -> memref<10240x128xf32, #tpu.memory_space<vmem_shared>>
    tpu.enqueue_indirect_dma source(%arg9 : memref<80x128xf32, #tpu.memory_space<vmem>>) target(%dma_start3A_182 : memref<10240x128xf32, #tpu.memory_space<vmem_shared>>) offsets(%dma_start3A_179 : memref<80xi32, #tpu.memory_space<vmem>>) semaphore(%arg25 : memref<!tpu.dma_semaphore, #tpu.memory_space<semaphore_mem>>) {add = true}
    %dma_wait3A_183 = arith.constant 0 : i32
    %dma_wait3A_184 = tpu.memref_slice %arg11[%dma_wait3A_183] : memref<80xi32, #tpu.memory_space<vmem>> -> memref<80xi32, #tpu.memory_space<vmem>>
    %dma_wait3A_185 = arith.constant 0 : i32
    %dma_wait3A_186 = arith.constant 0 : i32
    %dma_wait3A_187 = tpu.memref_slice %arg17[%dma_wait3A_185, %dma_wait3A_186] : memref<10240x128xf32, #tpu.memory_space<vmem_shared>> -> memref<10240x128xf32, #tpu.memory_space<vmem_shared>>
    tpu.wait_indirect_dma semaphore(%arg24 : memref<!tpu.dma_semaphore, #tpu.memory_space<semaphore_mem>>) src(%arg8 : memref<80x128xf32, #tpu.memory_space<vmem>>) dst(%dma_wait3A_187 : memref<10240x128xf32, #tpu.memory_space<vmem_shared>>)
    %dma_start3A_188 = arith.constant 240 : i32
    %dma_start3A_189 = tpu.memref_slice %arg7[%dma_start3A_188] : memref<10000xi32, #tpu.memory_space<vmem>> -> memref<80xi32, #tpu.memory_space<vmem>>
    %dma_start3A_190 = arith.constant 0 : i32
    %dma_start3A_191 = arith.constant 0 : i32
    %dma_start3A_192 = tpu.memref_slice %arg2[%dma_start3A_190, %dma_start3A_191] : memref<10000x128xf32, #tpu.memory_space<hbm>> -> memref<10000x128xf32, #tpu.memory_space<hbm>>
    tpu.enqueue_indirect_dma source(%dma_start3A_192 : memref<10000x128xf32, #tpu.memory_space<hbm>>) target(%arg8 : memref<80x128xf32, #tpu.memory_space<vmem>>) offsets(%dma_start3A_189 : memref<80xi32, #tpu.memory_space<vmem>>) semaphore(%arg18 : memref<!tpu.dma_semaphore, #tpu.memory_space<semaphore_mem>>)
    %add3A_193 = arith.constant 240 : i32
    %add3A_194 = arith.addi %mul3A_2, %add3A_193 : i32
    %dma_start3A_195 = tpu.memref_slice %arg4[%add3A_194] : memref<320000xi32, #tpu.memory_space<hbm>> -> memref<80xi32, #tpu.memory_space<hbm>>
    %dma_start3A_196 = tpu.memref_slice %arg4[%add3A_194] : memref<320000xi32, #tpu.memory_space<hbm>> -> memref<80xi32, #tpu.memory_space<hbm>>
    tpu.enqueue_dma source(%dma_start3A_196 : memref<80xi32, #tpu.memory_space<hbm>>) target(%arg11 : memref<80xi32, #tpu.memory_space<vmem>>) target_semaphore(%arg21 : memref<!tpu.dma_semaphore, #tpu.memory_space<semaphore_mem>>)
    %add3A_197 = arith.constant 240 : i32
    %add3A_198 = arith.addi %mul3A_2, %add3A_197 : i32
    %dma_start3A_199 = tpu.memref_slice %arg5[%add3A_198] : memref<320000xf32, #tpu.memory_space<hbm>> -> memref<80xf32, #tpu.memory_space<hbm>>
    %dma_start3A_200 = tpu.memref_slice %arg5[%add3A_198] : memref<320000xf32, #tpu.memory_space<hbm>> -> memref<80xf32, #tpu.memory_space<hbm>>
    tpu.enqueue_dma source(%dma_start3A_200 : memref<80xf32, #tpu.memory_space<hbm>>) target(%arg14 : memref<80xf32, #tpu.memory_space<vmem>>) target_semaphore(%arg21 : memref<!tpu.dma_semaphore, #tpu.memory_space<semaphore_mem>>)
    %dma_wait3A_201 = arith.constant 160 : i32
    %dma_wait3A_202 = tpu.memref_slice %arg7[%dma_wait3A_201] : memref<10000xi32, #tpu.memory_space<vmem>> -> memref<80xi32, #tpu.memory_space<vmem>>
    %dma_wait3A_203 = arith.constant 0 : i32
    %dma_wait3A_204 = arith.constant 0 : i32
    %dma_wait3A_205 = tpu.memref_slice %arg2[%dma_wait3A_203, %dma_wait3A_204] : memref<10000x128xf32, #tpu.memory_space<hbm>> -> memref<10000x128xf32, #tpu.memory_space<hbm>>
    tpu.wait_indirect_dma semaphore(%arg20 : memref<!tpu.dma_semaphore, #tpu.memory_space<semaphore_mem>>) src(%dma_wait3A_205 : memref<10000x128xf32, #tpu.memory_space<hbm>>) dst(%arg10 : memref<80x128xf32, #tpu.memory_space<vmem>>)
    %add3A_206 = arith.constant 160 : i32
    %add3A_207 = arith.addi %mul3A_2, %add3A_206 : i32
    %dma_wait3A_208 = tpu.memref_slice %arg4[%add3A_207] : memref<320000xi32, #tpu.memory_space<hbm>> -> memref<80xi32, #tpu.memory_space<hbm>>
    %dma_wait3A_209 = tpu.memref_slice %arg4[%add3A_207] : memref<320000xi32, #tpu.memory_space<hbm>> -> memref<80xi32, #tpu.memory_space<hbm>>
    tpu.wait_dma2 semaphore(%arg23 : memref<!tpu.dma_semaphore, #tpu.memory_space<semaphore_mem>>) src(%dma_wait3A_209 : memref<80xi32, #tpu.memory_space<hbm>>) dst(%arg13 : memref<80xi32, #tpu.memory_space<vmem>>)
    %add3A_210 = arith.constant 160 : i32
    %add3A_211 = arith.addi %mul3A_2, %add3A_210 : i32
    %dma_wait3A_212 = tpu.memref_slice %arg5[%add3A_211] : memref<320000xf32, #tpu.memory_space<hbm>> -> memref<80xf32, #tpu.memory_space<hbm>>
    %dma_wait3A_213 = tpu.memref_slice %arg5[%add3A_211] : memref<320000xf32, #tpu.memory_space<hbm>> -> memref<80xf32, #tpu.memory_space<hbm>>
    tpu.wait_dma2 semaphore(%arg23 : memref<!tpu.dma_semaphore, #tpu.memory_space<semaphore_mem>>) src(%dma_wait3A_213 : memref<80xf32, #tpu.memory_space<hbm>>) dst(%arg16 : memref<80xf32, #tpu.memory_space<vmem>>)
    %parallel_loop3A_214 = arith.constant 0 : i32
    %parallel_loop3A_215 = arith.constant 80 : i32
    %parallel_loop3A_216 = arith.constant 1 : i32
    scf.for %parallel_loop3A_302 = %parallel_loop3A_214 to %parallel_loop3A_215 step %parallel_loop3A_216  : i32 {
      %parallel_loop3A_303 = arith.index_cast %parallel_loop3A_302 : i32 to index
      %parallel_loop3A_304 = tpu.vector_load %arg16[%parallel_loop3A_303] {strides = array<i32>} : memref<80xf32, #tpu.memory_space<vmem>>, vector<1xf32>,
      %parallel_loop3A_305 = vector.shape_cast %parallel_loop3A_304 : vector<1xf32> to vector<1xf32>
      %parallel_loop3A_306 = vector.extract %parallel_loop3A_305[0] : f32 from vector<1xf32>
      %parallel_loop3A_307 = arith.index_cast %parallel_loop3A_302 : i32 to index
      %parallel_loop3A_308 = arith.constant 0 : index
      %parallel_loop3A_309 = tpu.vector_load %arg10[%parallel_loop3A_307, %parallel_loop3A_308] {strides = array<i32>} : memref<80x128xf32, #tpu.memory_space<vmem>>, vector<1x16xf32>,
      %parallel_loop3A_310 = vector.shape_cast %parallel_loop3A_309 : vector<1x16xf32> to vector<16xf32>
      %parallel_loop3A_311 = vector.broadcast %parallel_loop3A_306 : f32 to vector<16xf32>
      %parallel_loop3A_312 = arith.mulf %parallel_loop3A_310, %parallel_loop3A_311 : vector<16xf32>
      %parallel_loop3A_313 = arith.index_cast %parallel_loop3A_302 : i32 to index
      %parallel_loop3A_314 = arith.constant 0 : index
      %parallel_loop3A_315 = tpu.vector_load %arg10[%parallel_loop3A_313, %parallel_loop3A_314] {strides = array<i32>} : memref<80x128xf32, #tpu.memory_space<vmem>>, vector<1x16xf32>,
      %parallel_loop3A_316 = vector.shape_cast %parallel_loop3A_315 : vector<1x16xf32> to vector<16xf32>
      %parallel_loop3A_317 = vector.shape_cast %parallel_loop3A_312 : vector<16xf32> to vector<1x16xf32>
      tpu.vector_store %arg10[%parallel_loop3A_313, %parallel_loop3A_314], %parallel_loop3A_317 {strides = array<i32>} : memref<80x128xf32, #tpu.memory_space<vmem>>, vector<1x16xf32>,
    } {sc.loop_unroll_factor = 4 : i64, sc.parallel_access}
    %dma_start3A_217 = arith.constant 0 : i32
    %dma_start3A_218 = tpu.memref_slice %arg13[%dma_start3A_217] : memref<80xi32, #tpu.memory_space<vmem>> -> memref<80xi32, #tpu.memory_space<vmem>>
    %dma_start3A_219 = arith.constant 0 : i32
    %dma_start3A_220 = arith.constant 0 : i32
    %dma_start3A_221 = tpu.memref_slice %arg17[%dma_start3A_219, %dma_start3A_220] : memref<10240x128xf32, #tpu.memory_space<vmem_shared>> -> memref<10240x128xf32, #tpu.memory_space<vmem_shared>>
    tpu.enqueue_indirect_dma source(%arg10 : memref<80x128xf32, #tpu.memory_space<vmem>>) target(%dma_start3A_221 : memref<10240x128xf32, #tpu.memory_space<vmem_shared>>) offsets(%dma_start3A_218 : memref<80xi32, #tpu.memory_space<vmem>>) semaphore(%arg26 : memref<!tpu.dma_semaphore, #tpu.memory_space<semaphore_mem>>) {add = true}
    %dma_wait3A_222 = arith.constant 0 : i32
    %dma_wait3A_223 = tpu.memref_slice %arg12[%dma_wait3A_222] : memref<80xi32, #tpu.memory_space<vmem>> -> memref<80xi32, #tpu.memory_space<vmem>>
    %dma_wait3A_224 = arith.constant 0 : i32
    %dma_wait3A_225 = arith.constant 0 : i32
    %dma_wait3A_226 = tpu.memref_slice %arg17[%dma_wait3A_224, %dma_wait3A_225] : memref<10240x128xf32, #tpu.memory_space<vmem_shared>> -> memref<10240x128xf32, #tpu.memory_space<vmem_shared>>
    tpu.wait_indirect_dma semaphore(%arg25 : memref<!tpu.dma_semaphore, #tpu.memory_space<semaphore_mem>>) src(%arg9 : memref<80x128xf32, #tpu.memory_space<vmem>>) dst(%dma_wait3A_226 : memref<10240x128xf32, #tpu.memory_space<vmem_shared>>)
    %dma_start3A_227 = arith.constant 320 : i32
    %dma_start3A_228 = tpu.memref_slice %arg7[%dma_start3A_227] : memref<10000xi32, #tpu.memory_space<vmem>> -> memref<80xi32, #tpu.memory_space<vmem>>
    %dma_start3A_229 = arith.constant 0 : i32
    %dma_start3A_230 = arith.constant 0 : i32
    %dma_start3A_231 = tpu.memref_slice %arg2[%dma_start3A_229, %dma_start3A_230] : memref<10000x128xf32, #tpu.memory_space<hbm>> -> memref<10000x128xf32, #tpu.memory_space<hbm>>
    tpu.enqueue_indirect_dma source(%dma_start3A_231 : memref<10000x128xf32, #tpu.memory_space<hbm>>) target(%arg9 : memref<80x128xf32, #tpu.memory_space<vmem>>) offsets(%dma_start3A_228 : memref<80xi32, #tpu.memory_space<vmem>>) semaphore(%arg19 : memref<!tpu.dma_semaphore, #tpu.memory_space<semaphore_mem>>)
    %add3A_232 = arith.constant 320 : i32
    %add3A_233 = arith.addi %mul3A_2, %add3A_232 : i32
    %dma_start3A_234 = tpu.memref_slice %arg4[%add3A_233] : memref<320000xi32, #tpu.memory_space<hbm>> -> memref<80xi32, #tpu.memory_space<hbm>>
    %dma_start3A_235 = tpu.memref_slice %arg4[%add3A_233] : memref<320000xi32, #tpu.memory_space<hbm>> -> memref<80xi32, #tpu.memory_space<hbm>>
    tpu.enqueue_dma source(%dma_start3A_235 : memref<80xi32, #tpu.memory_space<hbm>>) target(%arg12 : memref<80xi32, #tpu.memory_space<vmem>>) target_semaphore(%arg22 : memref<!tpu.dma_semaphore, #tpu.memory_space<semaphore_mem>>)
    %add3A_236 = arith.constant 320 : i32
    %add3A_237 = arith.addi %mul3A_2, %add3A_236 : i32
    %dma_start3A_238 = tpu.memref_slice %arg5[%add3A_237] : memref<320000xf32, #tpu.memory_space<hbm>> -> memref<80xf32, #tpu.memory_space<hbm>>
    %dma_start3A_239 = tpu.memref_slice %arg5[%add3A_237] : memref<320000xf32, #tpu.memory_space<hbm>> -> memref<80xf32, #tpu.memory_space<hbm>>
    tpu.enqueue_dma source(%dma_start3A_239 : memref<80xf32, #tpu.memory_space<hbm>>) target(%arg15 : memref<80xf32, #tpu.memory_space<vmem>>) target_semaphore(%arg22 : memref<!tpu.dma_semaphore, #tpu.memory_space<semaphore_mem>>)
    %scan3A = arith.constant 0 : i32
    %scan3A_240 = arith.constant 40 : i32
    %scan3A_241 = arith.addi %scan3A, %scan3A_240 : i32
    %scan3A_242 = arith.constant 1 : i32
    scf.for %scan3A_302 = %scan3A to %scan3A_241 step %scan3A_242  : i32 {
      %mul3A_303 = arith.constant 1 : i32
      %mul3A_304 = arith.muli %scan3A_302, %mul3A_303 : i32
      %add3A_305 = arith.constant 0 : i32
      %add3A_306 = arith.addi %add3A_305, %mul3A_304 : i32
      %mul3A_307 = arith.constant 3 : i32
      %mul3A_308 = arith.muli %mul3A_307, %add3A_306 : i32
      %add3A_309 = arith.constant 3 : i32
      %add3A_310 = arith.addi %mul3A_308, %add3A_309 : i32
      %mul3A_311 = arith.constant 80 : i32
      %mul3A_312 = arith.muli %add3A_310, %mul3A_311 : i32
      %dma_wait3A_313 = tpu.memref_slice %arg7[%mul3A_312] : memref<10000xi32, #tpu.memory_space<vmem>> -> memref<80xi32, #tpu.memory_space<vmem>>
      %dma_wait3A_314 = arith.constant 0 : i32
      %dma_wait3A_315 = arith.constant 0 : i32
      %dma_wait3A_316 = tpu.memref_slice %arg2[%dma_wait3A_314, %dma_wait3A_315] : memref<10000x128xf32, #tpu.memory_space<hbm>> -> memref<10000x128xf32, #tpu.memory_space<hbm>>
      tpu.wait_indirect_dma semaphore(%arg18 : memref<!tpu.dma_semaphore, #tpu.memory_space<semaphore_mem>>) src(%dma_wait3A_316 : memref<10000x128xf32, #tpu.memory_space<hbm>>) dst(%arg8 : memref<80x128xf32, #tpu.memory_space<vmem>>)
      %mul3A_317 = arith.constant 80 : i32
      %mul3A_318 = arith.muli %add3A_310, %mul3A_317 : i32
      %add3A_319 = arith.addi %mul3A_2, %mul3A_318 : i32
      %dma_wait3A_320 = tpu.memref_slice %arg4[%add3A_319] : memref<320000xi32, #tpu.memory_space<hbm>> -> memref<80xi32, #tpu.memory_space<hbm>>
      %dma_wait3A_321 = tpu.memref_slice %arg4[%add3A_319] : memref<320000xi32, #tpu.memory_space<hbm>> -> memref<80xi32, #tpu.memory_space<hbm>>
      tpu.wait_dma2 semaphore(%arg21 : memref<!tpu.dma_semaphore, #tpu.memory_space<semaphore_mem>>) src(%dma_wait3A_321 : memref<80xi32, #tpu.memory_space<hbm>>) dst(%arg11 : memref<80xi32, #tpu.memory_space<vmem>>)
      %mul3A_322 = arith.constant 80 : i32
      %mul3A_323 = arith.muli %add3A_310, %mul3A_322 : i32
      %add3A_324 = arith.addi %mul3A_2, %mul3A_323 : i32
      %dma_wait3A_325 = tpu.memref_slice %arg5[%add3A_324] : memref<320000xf32, #tpu.memory_space<hbm>> -> memref<80xf32, #tpu.memory_space<hbm>>
      %dma_wait3A_326 = tpu.memref_slice %arg5[%add3A_324] : memref<320000xf32, #tpu.memory_space<hbm>> -> memref<80xf32, #tpu.memory_space<hbm>>
      tpu.wait_dma2 semaphore(%arg21 : memref<!tpu.dma_semaphore, #tpu.memory_space<semaphore_mem>>) src(%dma_wait3A_326 : memref<80xf32, #tpu.memory_space<hbm>>) dst(%arg14 : memref<80xf32, #tpu.memory_space<vmem>>)
      %parallel_loop3A_327 = arith.constant 0 : i32
      %parallel_loop3A_328 = arith.constant 80 : i32
      %parallel_loop3A_329 = arith.constant 1 : i32
      scf.for %parallel_loop3A_467 = %parallel_loop3A_327 to %parallel_loop3A_328 step %parallel_loop3A_329  : i32 {
        %parallel_loop3A_468 = arith.index_cast %parallel_loop3A_467 : i32 to index
        %parallel_loop3A_469 = tpu.vector_load %arg14[%parallel_loop3A_468] {strides = array<i32>} : memref<80xf32, #tpu.memory_space<vmem>>, vector<1xf32>,
        %parallel_loop3A_470 = vector.shape_cast %parallel_loop3A_469 : vector<1xf32> to vector<1xf32>
        %parallel_loop3A_471 = vector.extract %parallel_loop3A_470[0] : f32 from vector<1xf32>
        %parallel_loop3A_472 = arith.index_cast %parallel_loop3A_467 : i32 to index
        %parallel_loop3A_473 = arith.constant 0 : index
        %parallel_loop3A_474 = tpu.vector_load %arg8[%parallel_loop3A_472, %parallel_loop3A_473] {strides = array<i32>} : memref<80x128xf32, #tpu.memory_space<vmem>>, vector<1x16xf32>,
        %parallel_loop3A_475 = vector.shape_cast %parallel_loop3A_474 : vector<1x16xf32> to vector<16xf32>
        %parallel_loop3A_476 = vector.broadcast %parallel_loop3A_471 : f32 to vector<16xf32>
        %parallel_loop3A_477 = arith.mulf %parallel_loop3A_475, %parallel_loop3A_476 : vector<16xf32>
        %parallel_loop3A_478 = arith.index_cast %parallel_loop3A_467 : i32 to index
        %parallel_loop3A_479 = arith.constant 0 : index
        %parallel_loop3A_480 = tpu.vector_load %arg8[%parallel_loop3A_478, %parallel_loop3A_479] {strides = array<i32>} : memref<80x128xf32, #tpu.memory_space<vmem>>, vector<1x16xf32>,
        %parallel_loop3A_481 = vector.shape_cast %parallel_loop3A_480 : vector<1x16xf32> to vector<16xf32>
        %parallel_loop3A_482 = vector.shape_cast %parallel_loop3A_477 : vector<16xf32> to vector<1x16xf32>
        tpu.vector_store %arg8[%parallel_loop3A_478, %parallel_loop3A_479], %parallel_loop3A_482 {strides = array<i32>} : memref<80x128xf32, #tpu.memory_space<vmem>>, vector<1x16xf32>,
      } {sc.loop_unroll_factor = 4 : i64, sc.parallel_access}
      %dma_start3A_330 = arith.constant 0 : i32
      %dma_start3A_331 = tpu.memref_slice %arg11[%dma_start3A_330] : memref<80xi32, #tpu.memory_space<vmem>> -> memref<80xi32, #tpu.memory_space<vmem>>
      %dma_start3A_332 = arith.constant 0 : i32
      %dma_start3A_333 = arith.constant 0 : i32
      %dma_start3A_334 = tpu.memref_slice %arg17[%dma_start3A_332, %dma_start3A_333] : memref<10240x128xf32, #tpu.memory_space<vmem_shared>> -> memref<10240x128xf32, #tpu.memory_space<vmem_shared>>
      tpu.enqueue_indirect_dma source(%arg8 : memref<80x128xf32, #tpu.memory_space<vmem>>) target(%dma_start3A_334 : memref<10240x128xf32, #tpu.memory_space<vmem_shared>>) offsets(%dma_start3A_331 : memref<80xi32, #tpu.memory_space<vmem>>) semaphore(%arg24 : memref<!tpu.dma_semaphore, #tpu.memory_space<semaphore_mem>>) {add = true}
      %sub3A = arith.constant 1 : i32
      %sub3A_335 = arith.subi %add3A_310, %sub3A : i32
      %dma_wait3A_336 = arith.constant 0 : i32
      %dma_wait3A_337 = tpu.memref_slice %arg13[%dma_wait3A_336] : memref<80xi32, #tpu.memory_space<vmem>> -> memref<80xi32, #tpu.memory_space<vmem>>
      %dma_wait3A_338 = arith.constant 0 : i32
      %dma_wait3A_339 = arith.constant 0 : i32
      %dma_wait3A_340 = tpu.memref_slice %arg17[%dma_wait3A_338, %dma_wait3A_339] : memref<10240x128xf32, #tpu.memory_space<vmem_shared>> -> memref<10240x128xf32, #tpu.memory_space<vmem_shared>>
      tpu.wait_indirect_dma semaphore(%arg26 : memref<!tpu.dma_semaphore, #tpu.memory_space<semaphore_mem>>) src(%arg10 : memref<80x128xf32, #tpu.memory_space<vmem>>) dst(%dma_wait3A_340 : memref<10240x128xf32, #tpu.memory_space<vmem_shared>>)
      %add3A_341 = arith.constant 2 : i32
      %add3A_342 = arith.addi %add3A_310, %add3A_341 : i32
      %mul3A_343 = arith.constant 80 : i32
      %mul3A_344 = arith.muli %add3A_342, %mul3A_343 : i32
      %dma_start3A_345 = tpu.memref_slice %arg7[%mul3A_344] : memref<10000xi32, #tpu.memory_space<vmem>> -> memref<80xi32, #tpu.memory_space<vmem>>
      %dma_start3A_346 = arith.constant 0 : i32
      %dma_start3A_347 = arith.constant 0 : i32
      %dma_start3A_348 = tpu.memref_slice %arg2[%dma_start3A_346, %dma_start3A_347] : memref<10000x128xf32, #tpu.memory_space<hbm>> -> memref<10000x128xf32, #tpu.memory_space<hbm>>
      tpu.enqueue_indirect_dma source(%dma_start3A_348 : memref<10000x128xf32, #tpu.memory_space<hbm>>) target(%arg10 : memref<80x128xf32, #tpu.memory_space<vmem>>) offsets(%dma_start3A_345 : memref<80xi32, #tpu.memory_space<vmem>>) semaphore(%arg20 : memref<!tpu.dma_semaphore, #tpu.memory_space<semaphore_mem>>)
      %mul3A_349 = arith.constant 80 : i32
      %mul3A_350 = arith.muli %add3A_342, %mul3A_349 : i32
      %add3A_351 = arith.addi %mul3A_2, %mul3A_350 : i32
      %dma_start3A_352 = tpu.memref_slice %arg4[%add3A_351] : memref<320000xi32, #tpu.memory_space<hbm>> -> memref<80xi32, #tpu.memory_space<hbm>>
      %dma_start3A_353 = tpu.memref_slice %arg4[%add3A_351] : memref<320000xi32, #tpu.memory_space<hbm>> -> memref<80xi32, #tpu.memory_space<hbm>>
      tpu.enqueue_dma source(%dma_start3A_353 : memref<80xi32, #tpu.memory_space<hbm>>) target(%arg13 : memref<80xi32, #tpu.memory_space<vmem>>) target_semaphore(%arg23 : memref<!tpu.dma_semaphore, #tpu.memory_space<semaphore_mem>>)
      %mul3A_354 = arith.constant 80 : i32
      %mul3A_355 = arith.muli %add3A_342, %mul3A_354 : i32
      %add3A_356 = arith.addi %mul3A_2, %mul3A_355 : i32
      %dma_start3A_357 = tpu.memref_slice %arg5[%add3A_356] : memref<320000xf32, #tpu.memory_space<hbm>> -> memref<80xf32, #tpu.memory_space<hbm>>
      %dma_start3A_358 = tpu.memref_slice %arg5[%add3A_356] : memref<320000xf32, #tpu.memory_space<hbm>> -> memref<80xf32, #tpu.memory_space<hbm>>
      tpu.enqueue_dma source(%dma_start3A_358 : memref<80xf32, #tpu.memory_space<hbm>>) target(%arg16 : memref<80xf32, #tpu.memory_space<vmem>>) target_semaphore(%arg23 : memref<!tpu.dma_semaphore, #tpu.memory_space<semaphore_mem>>)
      %add3A_359 = arith.constant 1 : i32
      %add3A_360 = arith.addi %add3A_310, %add3A_359 : i32
      %mul3A_361 = arith.constant 80 : i32
      %mul3A_362 = arith.muli %add3A_360, %mul3A_361 : i32
      %dma_wait3A_363 = tpu.memref_slice %arg7[%mul3A_362] : memref<10000xi32, #tpu.memory_space<vmem>> -> memref<80xi32, #tpu.memory_space<vmem>>
      %dma_wait3A_364 = arith.constant 0 : i32
      %dma_wait3A_365 = arith.constant 0 : i32
      %dma_wait3A_366 = tpu.memref_slice %arg2[%dma_wait3A_364, %dma_wait3A_365] : memref<10000x128xf32, #tpu.memory_space<hbm>> -> memref<10000x128xf32, #tpu.memory_space<hbm>>
      tpu.wait_indirect_dma semaphore(%arg19 : memref<!tpu.dma_semaphore, #tpu.memory_space<semaphore_mem>>) src(%dma_wait3A_366 : memref<10000x128xf32, #tpu.memory_space<hbm>>) dst(%arg9 : memref<80x128xf32, #tpu.memory_space<vmem>>)
      %mul3A_367 = arith.constant 80 : i32
      %mul3A_368 = arith.muli %add3A_360, %mul3A_367 : i32
      %add3A_369 = arith.addi %mul3A_2, %mul3A_368 : i32
      %dma_wait3A_370 = tpu.memref_slice %arg4[%add3A_369] : memref<320000xi32, #tpu.memory_space<hbm>> -> memref<80xi32, #tpu.memory_space<hbm>>
      %dma_wait3A_371 = tpu.memref_slice %arg4[%add3A_369] : memref<320000xi32, #tpu.memory_space<hbm>> -> memref<80xi32, #tpu.memory_space<hbm>>
      tpu.wait_dma2 semaphore(%arg22 : memref<!tpu.dma_semaphore, #tpu.memory_space<semaphore_mem>>) src(%dma_wait3A_371 : memref<80xi32, #tpu.memory_space<hbm>>) dst(%arg12 : memref<80xi32, #tpu.memory_space<vmem>>)
      %mul3A_372 = arith.constant 80 : i32
      %mul3A_373 = arith.muli %add3A_360, %mul3A_372 : i32
      %add3A_374 = arith.addi %mul3A_2, %mul3A_373 : i32
      %dma_wait3A_375 = tpu.memref_slice %arg5[%add3A_374] : memref<320000xf32, #tpu.memory_space<hbm>> -> memref<80xf32, #tpu.memory_space<hbm>>
      %dma_wait3A_376 = tpu.memref_slice %arg5[%add3A_374] : memref<320000xf32, #tpu.memory_space<hbm>> -> memref<80xf32, #tpu.memory_space<hbm>>
      tpu.wait_dma2 semaphore(%arg22 : memref<!tpu.dma_semaphore, #tpu.memory_space<semaphore_mem>>) src(%dma_wait3A_376 : memref<80xf32, #tpu.memory_space<hbm>>) dst(%arg15 : memref<80xf32, #tpu.memory_space<vmem>>)
      %add3A_377 = arith.constant 1 : i32
      %add3A_378 = arith.addi %add3A_310, %add3A_377 : i32
      %parallel_loop3A_379 = arith.constant 0 : i32
      %parallel_loop3A_380 = arith.constant 80 : i32
      %parallel_loop3A_381 = arith.constant 1 : i32
      scf.for %parallel_loop3A_467 = %parallel_loop3A_379 to %parallel_loop3A_380 step %parallel_loop3A_381  : i32 {
        %parallel_loop3A_468 = arith.index_cast %parallel_loop3A_467 : i32 to index
        %parallel_loop3A_469 = tpu.vector_load %arg15[%parallel_loop3A_468] {strides = array<i32>} : memref<80xf32, #tpu.memory_space<vmem>>, vector<1xf32>,
        %parallel_loop3A_470 = vector.shape_cast %parallel_loop3A_469 : vector<1xf32> to vector<1xf32>
        %parallel_loop3A_471 = vector.extract %parallel_loop3A_470[0] : f32 from vector<1xf32>
        %parallel_loop3A_472 = arith.index_cast %parallel_loop3A_467 : i32 to index
        %parallel_loop3A_473 = arith.constant 0 : index
        %parallel_loop3A_474 = tpu.vector_load %arg9[%parallel_loop3A_472, %parallel_loop3A_473] {strides = array<i32>} : memref<80x128xf32, #tpu.memory_space<vmem>>, vector<1x16xf32>,
        %parallel_loop3A_475 = vector.shape_cast %parallel_loop3A_474 : vector<1x16xf32> to vector<16xf32>
        %parallel_loop3A_476 = vector.broadcast %parallel_loop3A_471 : f32 to vector<16xf32>
        %parallel_loop3A_477 = arith.mulf %parallel_loop3A_475, %parallel_loop3A_476 : vector<16xf32>
        %parallel_loop3A_478 = arith.index_cast %parallel_loop3A_467 : i32 to index
        %parallel_loop3A_479 = arith.constant 0 : index
        %parallel_loop3A_480 = tpu.vector_load %arg9[%parallel_loop3A_478, %parallel_loop3A_479] {strides = array<i32>} : memref<80x128xf32, #tpu.memory_space<vmem>>, vector<1x16xf32>,
        %parallel_loop3A_481 = vector.shape_cast %parallel_loop3A_480 : vector<1x16xf32> to vector<16xf32>
        %parallel_loop3A_482 = vector.shape_cast %parallel_loop3A_477 : vector<16xf32> to vector<1x16xf32>
        tpu.vector_store %arg9[%parallel_loop3A_478, %parallel_loop3A_479], %parallel_loop3A_482 {strides = array<i32>} : memref<80x128xf32, #tpu.memory_space<vmem>>, vector<1x16xf32>,
      } {sc.loop_unroll_factor = 4 : i64, sc.parallel_access}
      %add3A_382 = arith.constant 1 : i32
      %add3A_383 = arith.addi %add3A_310, %add3A_382 : i32
      %dma_start3A_384 = arith.constant 0 : i32
      %dma_start3A_385 = tpu.memref_slice %arg12[%dma_start3A_384] : memref<80xi32, #tpu.memory_space<vmem>> -> memref<80xi32, #tpu.memory_space<vmem>>
      %dma_start3A_386 = arith.constant 0 : i32
      %dma_start3A_387 = arith.constant 0 : i32
      %dma_start3A_388 = tpu.memref_slice %arg17[%dma_start3A_386, %dma_start3A_387] : memref<10240x128xf32, #tpu.memory_space<vmem_shared>> -> memref<10240x128xf32, #tpu.memory_space<vmem_shared>>
      tpu.enqueue_indirect_dma source(%arg9 : memref<80x128xf32, #tpu.memory_space<vmem>>) target(%dma_start3A_388 : memref<10240x128xf32, #tpu.memory_space<vmem_shared>>) offsets(%dma_start3A_385 : memref<80xi32, #tpu.memory_space<vmem>>) semaphore(%arg25 : memref<!tpu.dma_semaphore, #tpu.memory_space<semaphore_mem>>) {add = true}
      %dma_wait3A_389 = arith.constant 0 : i32
      %dma_wait3A_390 = tpu.memref_slice %arg11[%dma_wait3A_389] : memref<80xi32, #tpu.memory_space<vmem>> -> memref<80xi32, #tpu.memory_space<vmem>>
      %dma_wait3A_391 = arith.constant 0 : i32
      %dma_wait3A_392 = arith.constant 0 : i32
      %dma_wait3A_393 = tpu.memref_slice %arg17[%dma_wait3A_391, %dma_wait3A_392] : memref<10240x128xf32, #tpu.memory_space<vmem_shared>> -> memref<10240x128xf32, #tpu.memory_space<vmem_shared>>
      tpu.wait_indirect_dma semaphore(%arg24 : memref<!tpu.dma_semaphore, #tpu.memory_space<semaphore_mem>>) src(%arg8 : memref<80x128xf32, #tpu.memory_space<vmem>>) dst(%dma_wait3A_393 : memref<10240x128xf32, #tpu.memory_space<vmem_shared>>)
      %add3A_394 = arith.constant 3 : i32
      %add3A_395 = arith.addi %add3A_310, %add3A_394 : i32
      %mul3A_396 = arith.constant 80 : i32
      %mul3A_397 = arith.muli %add3A_395, %mul3A_396 : i32
      %dma_start3A_398 = tpu.memref_slice %arg7[%mul3A_397] : memref<10000xi32, #tpu.memory_space<vmem>> -> memref<80xi32, #tpu.memory_space<vmem>>
      %dma_start3A_399 = arith.constant 0 : i32
      %dma_start3A_400 = arith.constant 0 : i32
      %dma_start3A_401 = tpu.memref_slice %arg2[%dma_start3A_399, %dma_start3A_400] : memref<10000x128xf32, #tpu.memory_space<hbm>> -> memref<10000x128xf32, #tpu.memory_space<hbm>>
      tpu.enqueue_indirect_dma source(%dma_start3A_401 : memref<10000x128xf32, #tpu.memory_space<hbm>>) target(%arg8 : memref<80x128xf32, #tpu.memory_space<vmem>>) offsets(%dma_start3A_398 : memref<80xi32, #tpu.memory_space<vmem>>) semaphore(%arg18 : memref<!tpu.dma_semaphore, #tpu.memory_space<semaphore_mem>>)
      %mul3A_402 = arith.constant 80 : i32
      %mul3A_403 = arith.muli %add3A_395, %mul3A_402 : i32
      %add3A_404 = arith.addi %mul3A_2, %mul3A_403 : i32
      %dma_start3A_405 = tpu.memref_slice %arg4[%add3A_404] : memref<320000xi32, #tpu.memory_space<hbm>> -> memref<80xi32, #tpu.memory_space<hbm>>
      %dma_start3A_406 = tpu.memref_slice %arg4[%add3A_404] : memref<320000xi32, #tpu.memory_space<hbm>> -> memref<80xi32, #tpu.memory_space<hbm>>
      tpu.enqueue_dma source(%dma_start3A_406 : memref<80xi32, #tpu.memory_space<hbm>>) target(%arg11 : memref<80xi32, #tpu.memory_space<vmem>>) target_semaphore(%arg21 : memref<!tpu.dma_semaphore, #tpu.memory_space<semaphore_mem>>)
      %mul3A_407 = arith.constant 80 : i32
      %mul3A_408 = arith.muli %add3A_395, %mul3A_407 : i32
      %add3A_409 = arith.addi %mul3A_2, %mul3A_408 : i32
      %dma_start3A_410 = tpu.memref_slice %arg5[%add3A_409] : memref<320000xf32, #tpu.memory_space<hbm>> -> memref<80xf32, #tpu.memory_space<hbm>>
      %dma_start3A_411 = tpu.memref_slice %arg5[%add3A_409] : memref<320000xf32, #tpu.memory_space<hbm>> -> memref<80xf32, #tpu.memory_space<hbm>>
      tpu.enqueue_dma source(%dma_start3A_411 : memref<80xf32, #tpu.memory_space<hbm>>) target(%arg14 : memref<80xf32, #tpu.memory_space<vmem>>) target_semaphore(%arg21 : memref<!tpu.dma_semaphore, #tpu.memory_space<semaphore_mem>>)
      %add3A_412 = arith.constant 2 : i32
      %add3A_413 = arith.addi %add3A_310, %add3A_412 : i32
      %mul3A_414 = arith.constant 80 : i32
      %mul3A_415 = arith.muli %add3A_413, %mul3A_414 : i32
      %dma_wait3A_416 = tpu.memref_slice %arg7[%mul3A_415] : memref<10000xi32, #tpu.memory_space<vmem>> -> memref<80xi32, #tpu.memory_space<vmem>>
      %dma_wait3A_417 = arith.constant 0 : i32
      %dma_wait3A_418 = arith.constant 0 : i32
      %dma_wait3A_419 = tpu.memref_slice %arg2[%dma_wait3A_417, %dma_wait3A_418] : memref<10000x128xf32, #tpu.memory_space<hbm>> -> memref<10000x128xf32, #tpu.memory_space<hbm>>
      tpu.wait_indirect_dma semaphore(%arg20 : memref<!tpu.dma_semaphore, #tpu.memory_space<semaphore_mem>>) src(%dma_wait3A_419 : memref<10000x128xf32, #tpu.memory_space<hbm>>) dst(%arg10 : memref<80x128xf32, #tpu.memory_space<vmem>>)
      %mul3A_420 = arith.constant 80 : i32
      %mul3A_421 = arith.muli %add3A_413, %mul3A_420 : i32
      %add3A_422 = arith.addi %mul3A_2, %mul3A_421 : i32
      %dma_wait3A_423 = tpu.memref_slice %arg4[%add3A_422] : memref<320000xi32, #tpu.memory_space<hbm>> -> memref<80xi32, #tpu.memory_space<hbm>>
      %dma_wait3A_424 = tpu.memref_slice %arg4[%add3A_422] : memref<320000xi32, #tpu.memory_space<hbm>> -> memref<80xi32, #tpu.memory_space<hbm>>
      tpu.wait_dma2 semaphore(%arg23 : memref<!tpu.dma_semaphore, #tpu.memory_space<semaphore_mem>>) src(%dma_wait3A_424 : memref<80xi32, #tpu.memory_space<hbm>>) dst(%arg13 : memref<80xi32, #tpu.memory_space<vmem>>)
      %mul3A_425 = arith.constant 80 : i32
      %mul3A_426 = arith.muli %add3A_413, %mul3A_425 : i32
      %add3A_427 = arith.addi %mul3A_2, %mul3A_426 : i32
      %dma_wait3A_428 = tpu.memref_slice %arg5[%add3A_427] : memref<320000xf32, #tpu.memory_space<hbm>> -> memref<80xf32, #tpu.memory_space<hbm>>
      %dma_wait3A_429 = tpu.memref_slice %arg5[%add3A_427] : memref<320000xf32, #tpu.memory_space<hbm>> -> memref<80xf32, #tpu.memory_space<hbm>>
      tpu.wait_dma2 semaphore(%arg23 : memref<!tpu.dma_semaphore, #tpu.memory_space<semaphore_mem>>) src(%dma_wait3A_429 : memref<80xf32, #tpu.memory_space<hbm>>) dst(%arg16 : memref<80xf32, #tpu.memory_space<vmem>>)
      %add3A_430 = arith.constant 2 : i32
      %add3A_431 = arith.addi %add3A_310, %add3A_430 : i32
      %parallel_loop3A_432 = arith.constant 0 : i32
      %parallel_loop3A_433 = arith.constant 80 : i32
      %parallel_loop3A_434 = arith.constant 1 : i32
      scf.for %parallel_loop3A_467 = %parallel_loop3A_432 to %parallel_loop3A_433 step %parallel_loop3A_434  : i32 {
        %parallel_loop3A_468 = arith.index_cast %parallel_loop3A_467 : i32 to index
        %parallel_loop3A_469 = tpu.vector_load %arg16[%parallel_loop3A_468] {strides = array<i32>} : memref<80xf32, #tpu.memory_space<vmem>>, vector<1xf32>,
        %parallel_loop3A_470 = vector.shape_cast %parallel_loop3A_469 : vector<1xf32> to vector<1xf32>
        %parallel_loop3A_471 = vector.extract %parallel_loop3A_470[0] : f32 from vector<1xf32>
        %parallel_loop3A_472 = arith.index_cast %parallel_loop3A_467 : i32 to index
        %parallel_loop3A_473 = arith.constant 0 : index
        %parallel_loop3A_474 = tpu.vector_load %arg10[%parallel_loop3A_472, %parallel_loop3A_473] {strides = array<i32>} : memref<80x128xf32, #tpu.memory_space<vmem>>, vector<1x16xf32>,
        %parallel_loop3A_475 = vector.shape_cast %parallel_loop3A_474 : vector<1x16xf32> to vector<16xf32>
        %parallel_loop3A_476 = vector.broadcast %parallel_loop3A_471 : f32 to vector<16xf32>
        %parallel_loop3A_477 = arith.mulf %parallel_loop3A_475, %parallel_loop3A_476 : vector<16xf32>
        %parallel_loop3A_478 = arith.index_cast %parallel_loop3A_467 : i32 to index
        %parallel_loop3A_479 = arith.constant 0 : index
        %parallel_loop3A_480 = tpu.vector_load %arg10[%parallel_loop3A_478, %parallel_loop3A_479] {strides = array<i32>} : memref<80x128xf32, #tpu.memory_space<vmem>>, vector<1x16xf32>,
        %parallel_loop3A_481 = vector.shape_cast %parallel_loop3A_480 : vector<1x16xf32> to vector<16xf32>
        %parallel_loop3A_482 = vector.shape_cast %parallel_loop3A_477 : vector<16xf32> to vector<1x16xf32>
        tpu.vector_store %arg10[%parallel_loop3A_478, %parallel_loop3A_479], %parallel_loop3A_482 {strides = array<i32>} : memref<80x128xf32, #tpu.memory_space<vmem>>, vector<1x16xf32>,
      } {sc.loop_unroll_factor = 4 : i64, sc.parallel_access}
      %add3A_435 = arith.constant 2 : i32
      %add3A_436 = arith.addi %add3A_310, %add3A_435 : i32
      %dma_start3A_437 = arith.constant 0 : i32
      %dma_start3A_438 = tpu.memref_slice %arg13[%dma_start3A_437] : memref<80xi32, #tpu.memory_space<vmem>> -> memref<80xi32, #tpu.memory_space<vmem>>
      %dma_start3A_439 = arith.constant 0 : i32
      %dma_start3A_440 = arith.constant 0 : i32
      %dma_start3A_441 = tpu.memref_slice %arg17[%dma_start3A_439, %dma_start3A_440] : memref<10240x128xf32, #tpu.memory_space<vmem_shared>> -> memref<10240x128xf32, #tpu.memory_space<vmem_shared>>
      tpu.enqueue_indirect_dma source(%arg10 : memref<80x128xf32, #tpu.memory_space<vmem>>) target(%dma_start3A_441 : memref<10240x128xf32, #tpu.memory_space<vmem_shared>>) offsets(%dma_start3A_438 : memref<80xi32, #tpu.memory_space<vmem>>) semaphore(%arg26 : memref<!tpu.dma_semaphore, #tpu.memory_space<semaphore_mem>>) {add = true}
      %add3A_442 = arith.constant 1 : i32
      %add3A_443 = arith.addi %add3A_310, %add3A_442 : i32
      %dma_wait3A_444 = arith.constant 0 : i32
      %dma_wait3A_445 = tpu.memref_slice %arg12[%dma_wait3A_444] : memref<80xi32, #tpu.memory_space<vmem>> -> memref<80xi32, #tpu.memory_space<vmem>>
      %dma_wait3A_446 = arith.constant 0 : i32
      %dma_wait3A_447 = arith.constant 0 : i32
      %dma_wait3A_448 = tpu.memref_slice %arg17[%dma_wait3A_446, %dma_wait3A_447] : memref<10240x128xf32, #tpu.memory_space<vmem_shared>> -> memref<10240x128xf32, #tpu.memory_space<vmem_shared>>
      tpu.wait_indirect_dma semaphore(%arg25 : memref<!tpu.dma_semaphore, #tpu.memory_space<semaphore_mem>>) src(%arg9 : memref<80x128xf32, #tpu.memory_space<vmem>>) dst(%dma_wait3A_448 : memref<10240x128xf32, #tpu.memory_space<vmem_shared>>)
      %add3A_449 = arith.constant 4 : i32
      %add3A_450 = arith.addi %add3A_310, %add3A_449 : i32
      %mul3A_451 = arith.constant 80 : i32
      %mul3A_452 = arith.muli %add3A_450, %mul3A_451 : i32
      %dma_start3A_453 = tpu.memref_slice %arg7[%mul3A_452] : memref<10000xi32, #tpu.memory_space<vmem>> -> memref<80xi32, #tpu.memory_space<vmem>>
      %dma_start3A_454 = arith.constant 0 : i32
      %dma_start3A_455 = arith.constant 0 : i32
      %dma_start3A_456 = tpu.memref_slice %arg2[%dma_start3A_454, %dma_start3A_455] : memref<10000x128xf32, #tpu.memory_space<hbm>> -> memref<10000x128xf32, #tpu.memory_space<hbm>>
      tpu.enqueue_indirect_dma source(%dma_start3A_456 : memref<10000x128xf32, #tpu.memory_space<hbm>>) target(%arg9 : memref<80x128xf32, #tpu.memory_space<vmem>>) offsets(%dma_start3A_453 : memref<80xi32, #tpu.memory_space<vmem>>) semaphore(%arg19 : memref<!tpu.dma_semaphore, #tpu.memory_space<semaphore_mem>>)
      %mul3A_457 = arith.constant 80 : i32
      %mul3A_458 = arith.muli %add3A_450, %mul3A_457 : i32
      %add3A_459 = arith.addi %mul3A_2, %mul3A_458 : i32
      %dma_start3A_460 = tpu.memref_slice %arg4[%add3A_459] : memref<320000xi32, #tpu.memory_space<hbm>> -> memref<80xi32, #tpu.memory_space<hbm>>
      %dma_start3A_461 = tpu.memref_slice %arg4[%add3A_459] : memref<320000xi32, #tpu.memory_space<hbm>> -> memref<80xi32, #tpu.memory_space<hbm>>
      tpu.enqueue_dma source(%dma_start3A_461 : memref<80xi32, #tpu.memory_space<hbm>>) target(%arg12 : memref<80xi32, #tpu.memory_space<vmem>>) target_semaphore(%arg22 : memref<!tpu.dma_semaphore, #tpu.memory_space<semaphore_mem>>)
      %mul3A_462 = arith.constant 80 : i32
      %mul3A_463 = arith.muli %add3A_450, %mul3A_462 : i32
      %add3A_464 = arith.addi %mul3A_2, %mul3A_463 : i32
      %dma_start3A_465 = tpu.memref_slice %arg5[%add3A_464] : memref<320000xf32, #tpu.memory_space<hbm>> -> memref<80xf32, #tpu.memory_space<hbm>>
      %dma_start3A_466 = tpu.memref_slice %arg5[%add3A_464] : memref<320000xf32, #tpu.memory_space<hbm>> -> memref<80xf32, #tpu.memory_space<hbm>>
      tpu.enqueue_dma source(%dma_start3A_466 : memref<80xf32, #tpu.memory_space<hbm>>) target(%arg15 : memref<80xf32, #tpu.memory_space<vmem>>) target_semaphore(%arg22 : memref<!tpu.dma_semaphore, #tpu.memory_space<semaphore_mem>>)
    }
    %scan3A_243 = arith.constant 40 : i32
    %dma_wait3A_244 = arith.constant 9840 : i32
    %dma_wait3A_245 = tpu.memref_slice %arg7[%dma_wait3A_244] : memref<10000xi32, #tpu.memory_space<vmem>> -> memref<80xi32, #tpu.memory_space<vmem>>
    %dma_wait3A_246 = arith.constant 0 : i32
    %dma_wait3A_247 = arith.constant 0 : i32
    %dma_wait3A_248 = tpu.memref_slice %arg2[%dma_wait3A_246, %dma_wait3A_247] : memref<10000x128xf32, #tpu.memory_space<hbm>> -> memref<10000x128xf32, #tpu.memory_space<hbm>>
    tpu.wait_indirect_dma semaphore(%arg18 : memref<!tpu.dma_semaphore, #tpu.memory_space<semaphore_mem>>) src(%dma_wait3A_248 : memref<10000x128xf32, #tpu.memory_space<hbm>>) dst(%arg8 : memref<80x128xf32, #tpu.memory_space<vmem>>)
    %add3A_249 = arith.constant 9840 : i32
    %add3A_250 = arith.addi %mul3A_2, %add3A_249 : i32
    %dma_wait3A_251 = tpu.memref_slice %arg4[%add3A_250] : memref<320000xi32, #tpu.memory_space<hbm>> -> memref<80xi32, #tpu.memory_space<hbm>>
    %dma_wait3A_252 = tpu.memref_slice %arg4[%add3A_250] : memref<320000xi32, #tpu.memory_space<hbm>> -> memref<80xi32, #tpu.memory_space<hbm>>
    tpu.wait_dma2 semaphore(%arg21 : memref<!tpu.dma_semaphore, #tpu.memory_space<semaphore_mem>>) src(%dma_wait3A_252 : memref<80xi32, #tpu.memory_space<hbm>>) dst(%arg11 : memref<80xi32, #tpu.memory_space<vmem>>)
    %add3A_253 = arith.constant 9840 : i32
    %add3A_254 = arith.addi %mul3A_2, %add3A_253 : i32
    %dma_wait3A_255 = tpu.memref_slice %arg5[%add3A_254] : memref<320000xf32, #tpu.memory_space<hbm>> -> memref<80xf32, #tpu.memory_space<hbm>>
    %dma_wait3A_256 = tpu.memref_slice %arg5[%add3A_254] : memref<320000xf32, #tpu.memory_space<hbm>> -> memref<80xf32, #tpu.memory_space<hbm>>
    tpu.wait_dma2 semaphore(%arg21 : memref<!tpu.dma_semaphore, #tpu.memory_space<semaphore_mem>>) src(%dma_wait3A_256 : memref<80xf32, #tpu.memory_space<hbm>>) dst(%arg14 : memref<80xf32, #tpu.memory_space<vmem>>)
    %parallel_loop3A_257 = arith.constant 0 : i32
    %parallel_loop3A_258 = arith.constant 80 : i32
    %parallel_loop3A_259 = arith.constant 1 : i32
    scf.for %parallel_loop3A_302 = %parallel_loop3A_257 to %parallel_loop3A_258 step %parallel_loop3A_259  : i32 {
      %parallel_loop3A_303 = arith.index_cast %parallel_loop3A_302 : i32 to index
      %parallel_loop3A_304 = tpu.vector_load %arg14[%parallel_loop3A_303] {strides = array<i32>} : memref<80xf32, #tpu.memory_space<vmem>>, vector<1xf32>,
      %parallel_loop3A_305 = vector.shape_cast %parallel_loop3A_304 : vector<1xf32> to vector<1xf32>
      %parallel_loop3A_306 = vector.extract %parallel_loop3A_305[0] : f32 from vector<1xf32>
      %parallel_loop3A_307 = arith.index_cast %parallel_loop3A_302 : i32 to index
      %parallel_loop3A_308 = arith.constant 0 : index
      %parallel_loop3A_309 = tpu.vector_load %arg8[%parallel_loop3A_307, %parallel_loop3A_308] {strides = array<i32>} : memref<80x128xf32, #tpu.memory_space<vmem>>, vector<1x16xf32>,
      %parallel_loop3A_310 = vector.shape_cast %parallel_loop3A_309 : vector<1x16xf32> to vector<16xf32>
      %parallel_loop3A_311 = vector.broadcast %parallel_loop3A_306 : f32 to vector<16xf32>
      %parallel_loop3A_312 = arith.mulf %parallel_loop3A_310, %parallel_loop3A_311 : vector<16xf32>
      %parallel_loop3A_313 = arith.index_cast %parallel_loop3A_302 : i32 to index
      %parallel_loop3A_314 = arith.constant 0 : index
      %parallel_loop3A_315 = tpu.vector_load %arg8[%parallel_loop3A_313, %parallel_loop3A_314] {strides = array<i32>} : memref<80x128xf32, #tpu.memory_space<vmem>>, vector<1x16xf32>,
      %parallel_loop3A_316 = vector.shape_cast %parallel_loop3A_315 : vector<1x16xf32> to vector<16xf32>
      %parallel_loop3A_317 = vector.shape_cast %parallel_loop3A_312 : vector<16xf32> to vector<1x16xf32>
      tpu.vector_store %arg8[%parallel_loop3A_313, %parallel_loop3A_314], %parallel_loop3A_317 {strides = array<i32>} : memref<80x128xf32, #tpu.memory_space<vmem>>, vector<1x16xf32>,
    } {sc.loop_unroll_factor = 4 : i64, sc.parallel_access}
    %dma_start3A_260 = arith.constant 0 : i32
    %dma_start3A_261 = tpu.memref_slice %arg11[%dma_start3A_260] : memref<80xi32, #tpu.memory_space<vmem>> -> memref<80xi32, #tpu.memory_space<vmem>>
    %dma_start3A_262 = arith.constant 0 : i32
    %dma_start3A_263 = arith.constant 0 : i32
    %dma_start3A_264 = tpu.memref_slice %arg17[%dma_start3A_262, %dma_start3A_263] : memref<10240x128xf32, #tpu.memory_space<vmem_shared>> -> memref<10240x128xf32, #tpu.memory_space<vmem_shared>>
    tpu.enqueue_indirect_dma source(%arg8 : memref<80x128xf32, #tpu.memory_space<vmem>>) target(%dma_start3A_264 : memref<10240x128xf32, #tpu.memory_space<vmem_shared>>) offsets(%dma_start3A_261 : memref<80xi32, #tpu.memory_space<vmem>>) semaphore(%arg24 : memref<!tpu.dma_semaphore, #tpu.memory_space<semaphore_mem>>) {add = true}
    %dma_wait3A_265 = arith.constant 0 : i32
    %dma_wait3A_266 = tpu.memref_slice %arg13[%dma_wait3A_265] : memref<80xi32, #tpu.memory_space<vmem>> -> memref<80xi32, #tpu.memory_space<vmem>>
    %dma_wait3A_267 = arith.constant 0 : i32
    %dma_wait3A_268 = arith.constant 0 : i32
    %dma_wait3A_269 = tpu.memref_slice %arg17[%dma_wait3A_267, %dma_wait3A_268] : memref<10240x128xf32, #tpu.memory_space<vmem_shared>> -> memref<10240x128xf32, #tpu.memory_space<vmem_shared>>
    tpu.wait_indirect_dma semaphore(%arg26 : memref<!tpu.dma_semaphore, #tpu.memory_space<semaphore_mem>>) src(%arg10 : memref<80x128xf32, #tpu.memory_space<vmem>>) dst(%dma_wait3A_269 : memref<10240x128xf32, #tpu.memory_space<vmem_shared>>)
    %dma_wait3A_270 = arith.constant 9920 : i32
    %dma_wait3A_271 = tpu.memref_slice %arg7[%dma_wait3A_270] : memref<10000xi32, #tpu.memory_space<vmem>> -> memref<80xi32, #tpu.memory_space<vmem>>
    %dma_wait3A_272 = arith.constant 0 : i32
    %dma_wait3A_273 = arith.constant 0 : i32
    %dma_wait3A_274 = tpu.memref_slice %arg2[%dma_wait3A_272, %dma_wait3A_273] : memref<10000x128xf32, #tpu.memory_space<hbm>> -> memref<10000x128xf32, #tpu.memory_space<hbm>>
    tpu.wait_indirect_dma semaphore(%arg19 : memref<!tpu.dma_semaphore, #tpu.memory_space<semaphore_mem>>) src(%dma_wait3A_274 : memref<10000x128xf32, #tpu.memory_space<hbm>>) dst(%arg9 : memref<80x128xf32, #tpu.memory_space<vmem>>)
    %add3A_275 = arith.constant 9920 : i32
    %add3A_276 = arith.addi %mul3A_2, %add3A_275 : i32
    %dma_wait3A_277 = tpu.memref_slice %arg4[%add3A_276] : memref<320000xi32, #tpu.memory_space<hbm>> -> memref<80xi32, #tpu.memory_space<hbm>>
    %dma_wait3A_278 = tpu.memref_slice %arg4[%add3A_276] : memref<320000xi32, #tpu.memory_space<hbm>> -> memref<80xi32, #tpu.memory_space<hbm>>
    tpu.wait_dma2 semaphore(%arg22 : memref<!tpu.dma_semaphore, #tpu.memory_space<semaphore_mem>>) src(%dma_wait3A_278 : memref<80xi32, #tpu.memory_space<hbm>>) dst(%arg12 : memref<80xi32, #tpu.memory_space<vmem>>)
    %add3A_279 = arith.constant 9920 : i32
    %add3A_280 = arith.addi %mul3A_2, %add3A_279 : i32
    %dma_wait3A_281 = tpu.memref_slice %arg5[%add3A_280] : memref<320000xf32, #tpu.memory_space<hbm>> -> memref<80xf32, #tpu.memory_space<hbm>>
    %dma_wait3A_282 = tpu.memref_slice %arg5[%add3A_280] : memref<320000xf32, #tpu.memory_space<hbm>> -> memref<80xf32, #tpu.memory_space<hbm>>
    tpu.wait_dma2 semaphore(%arg22 : memref<!tpu.dma_semaphore, #tpu.memory_space<semaphore_mem>>) src(%dma_wait3A_282 : memref<80xf32, #tpu.memory_space<hbm>>) dst(%arg15 : memref<80xf32, #tpu.memory_space<vmem>>)
    %parallel_loop3A_283 = arith.constant 0 : i32
    %parallel_loop3A_284 = arith.constant 80 : i32
    %parallel_loop3A_285 = arith.constant 1 : i32
    scf.for %parallel_loop3A_302 = %parallel_loop3A_283 to %parallel_loop3A_284 step %parallel_loop3A_285  : i32 {
      %parallel_loop3A_303 = arith.index_cast %parallel_loop3A_302 : i32 to index
      %parallel_loop3A_304 = tpu.vector_load %arg15[%parallel_loop3A_303] {strides = array<i32>} : memref<80xf32, #tpu.memory_space<vmem>>, vector<1xf32>,
      %parallel_loop3A_305 = vector.shape_cast %parallel_loop3A_304 : vector<1xf32> to vector<1xf32>
      %parallel_loop3A_306 = vector.extract %parallel_loop3A_305[0] : f32 from vector<1xf32>
      %parallel_loop3A_307 = arith.index_cast %parallel_loop3A_302 : i32 to index
      %parallel_loop3A_308 = arith.constant 0 : index
      %parallel_loop3A_309 = tpu.vector_load %arg9[%parallel_loop3A_307, %parallel_loop3A_308] {strides = array<i32>} : memref<80x128xf32, #tpu.memory_space<vmem>>, vector<1x16xf32>,
      %parallel_loop3A_310 = vector.shape_cast %parallel_loop3A_309 : vector<1x16xf32> to vector<16xf32>
      %parallel_loop3A_311 = vector.broadcast %parallel_loop3A_306 : f32 to vector<16xf32>
      %parallel_loop3A_312 = arith.mulf %parallel_loop3A_310, %parallel_loop3A_311 : vector<16xf32>
      %parallel_loop3A_313 = arith.index_cast %parallel_loop3A_302 : i32 to index
      %parallel_loop3A_314 = arith.constant 0 : index
      %parallel_loop3A_315 = tpu.vector_load %arg9[%parallel_loop3A_313, %parallel_loop3A_314] {strides = array<i32>} : memref<80x128xf32, #tpu.memory_space<vmem>>, vector<1x16xf32>,
      %parallel_loop3A_316 = vector.shape_cast %parallel_loop3A_315 : vector<1x16xf32> to vector<16xf32>
      %parallel_loop3A_317 = vector.shape_cast %parallel_loop3A_312 : vector<16xf32> to vector<1x16xf32>
      tpu.vector_store %arg9[%parallel_loop3A_313, %parallel_loop3A_314], %parallel_loop3A_317 {strides = array<i32>} : memref<80x128xf32, #tpu.memory_space<vmem>>, vector<1x16xf32>,
    } {sc.loop_unroll_factor = 4 : i64, sc.parallel_access}
    %dma_start3A_286 = arith.constant 0 : i32
    %dma_start3A_287 = tpu.memref_slice %arg12[%dma_start3A_286] : memref<80xi32, #tpu.memory_space<vmem>> -> memref<80xi32, #tpu.memory_space<vmem>>
    %dma_start3A_288 = arith.constant 0 : i32
    %dma_start3A_289 = arith.constant 0 : i32
    %dma_start3A_290 = tpu.memref_slice %arg17[%dma_start3A_288, %dma_start3A_289] : memref<10240x128xf32, #tpu.memory_space<vmem_shared>> -> memref<10240x128xf32, #tpu.memory_space<vmem_shared>>
    tpu.enqueue_indirect_dma source(%arg9 : memref<80x128xf32, #tpu.memory_space<vmem>>) target(%dma_start3A_290 : memref<10240x128xf32, #tpu.memory_space<vmem_shared>>) offsets(%dma_start3A_287 : memref<80xi32, #tpu.memory_space<vmem>>) semaphore(%arg25 : memref<!tpu.dma_semaphore, #tpu.memory_space<semaphore_mem>>) {add = true}
    %dma_wait3A_291 = arith.constant 0 : i32
    %dma_wait3A_292 = tpu.memref_slice %arg11[%dma_wait3A_291] : memref<80xi32, #tpu.memory_space<vmem>> -> memref<80xi32, #tpu.memory_space<vmem>>
    %dma_wait3A_293 = arith.constant 0 : i32
    %dma_wait3A_294 = arith.constant 0 : i32
    %dma_wait3A_295 = tpu.memref_slice %arg17[%dma_wait3A_293, %dma_wait3A_294] : memref<10240x128xf32, #tpu.memory_space<vmem_shared>> -> memref<10240x128xf32, #tpu.memory_space<vmem_shared>>
    tpu.wait_indirect_dma semaphore(%arg24 : memref<!tpu.dma_semaphore, #tpu.memory_space<semaphore_mem>>) src(%arg8 : memref<80x128xf32, #tpu.memory_space<vmem>>) dst(%dma_wait3A_295 : memref<10240x128xf32, #tpu.memory_space<vmem_shared>>)
    %dma_wait3A_296 = arith.constant 0 : i32
    %dma_wait3A_297 = tpu.memref_slice %arg12[%dma_wait3A_296] : memref<80xi32, #tpu.memory_space<vmem>> -> memref<80xi32, #tpu.memory_space<vmem>>
    %dma_wait3A_298 = arith.constant 0 : i32
    %dma_wait3A_299 = arith.constant 0 : i32
    %dma_wait3A_300 = tpu.memref_slice %arg17[%dma_wait3A_298, %dma_wait3A_299] : memref<10240x128xf32, #tpu.memory_space<vmem_shared>> -> memref<10240x128xf32, #tpu.memory_space<vmem_shared>>
    tpu.wait_indirect_dma semaphore(%arg25 : memref<!tpu.dma_semaphore, #tpu.memory_space<semaphore_mem>>) src(%arg9 : memref<80x128xf32, #tpu.memory_space<vmem>>) dst(%dma_wait3A_300 : memref<10240x128xf32, #tpu.memory_space<vmem_shared>>)
    %barrier3A_301 = arith.constant 0 : index
    tpu.barrier barrier_id(%barrier3A_301)
    "tpu.region"() ({
      %run_scoped3A = tpu.sem_alloc : memref<!tpu.dma_semaphore, #tpu.memory_space<semaphore_mem>>
      %dma_start3A_302 = arith.constant 0 : i32
      %dma_start3A_303 = tpu.memref_slice %arg6[%arg0, %mul3A_7, %dma_start3A_302] : memref<2x10240x128xf32, #tpu.memory_space<hbm>> -> memref<1x640x128xf32, #tpu.memory_space<hbm>>
      %dma_start3A_304 = tpu.memref_squeeze %dma_start3A_303 : memref<1x640x128xf32, #tpu.memory_space<hbm>> -> memref<640x128xf32, #tpu.memory_space<hbm>>
      %dma_start3A_305 = arith.constant 0 : i32
      %dma_start3A_306 = tpu.memref_slice %arg17[%mul3A_7, %dma_start3A_305] : memref<10240x128xf32, #tpu.memory_space<vmem_shared>> -> memref<640x128xf32, #tpu.memory_space<vmem_shared>>
      tpu.enqueue_dma source(%dma_start3A_306 : memref<640x128xf32, #tpu.memory_space<vmem_shared>>) target(%dma_start3A_304 : memref<640x128xf32, #tpu.memory_space<hbm>>) target_semaphore(%run_scoped3A : memref<!tpu.dma_semaphore, #tpu.memory_space<semaphore_mem>>)
      %dma_wait3A_307 = arith.constant 0 : i32
      %dma_wait3A_308 = tpu.memref_slice %arg6[%arg0, %mul3A_7, %dma_wait3A_307] : memref<2x10240x128xf32, #tpu.memory_space<hbm>> -> memref<1x640x128xf32, #tpu.memory_space<hbm>>
      %dma_wait3A_309 = tpu.memref_squeeze %dma_wait3A_308 : memref<1x640x128xf32, #tpu.memory_space<hbm>> -> memref<640x128xf32, #tpu.memory_space<hbm>>
      %dma_wait3A_310 = arith.constant 0 : i32
      %dma_wait3A_311 = tpu.memref_slice %arg17[%mul3A_7, %dma_wait3A_310] : memref<10240x128xf32, #tpu.memory_space<vmem_shared>> -> memref<640x128xf32, #tpu.memory_space<vmem_shared>>
      tpu.wait_dma2 semaphore(%run_scoped3A : memref<!tpu.dma_semaphore, #tpu.memory_space<semaphore_mem>>) src(%dma_wait3A_311 : memref<640x128xf32, #tpu.memory_space<vmem_shared>>) dst(%dma_wait3A_309 : memref<640x128xf32, #tpu.memory_space<hbm>>)
      tpu.yield
    }) : () -> ()
    return
  }
}

module attributes {stable_mosaic.version = 14 : i64} {
  func.func @_mm_kernel(%arg0: i32, %arg1: memref<2000x128xf32, #tpu.memory_space<vmem>>, %arg2: memref<128x128xf32, #tpu.memory_space<vmem>>, %arg3: memref<2000x128xf32, #tpu.memory_space<vmem>>) attributes {dimension_semantics = [#tpu.dimension_semantics<arbitrary>], iteration_bounds = array<i64: 5>, scalar_prefetch = 0 : i64, scratch_operands = 0 : i64, tpu.core_type = #tpu.core_type<tc>, window_params = [{transform_indices = @transform_0, window_bounds = array<i64: 2000, 128>}, {pipeline_mode = #tpu.pipeline_mode<synchronous>, transform_indices = @transform_1, window_bounds = array<i64: 128, 128>}, {transform_indices = @transform_2, window_bounds = array<i64: 2000, 128>}]} {
    %get3A = arith.constant 0 : index
    %get3A_0 = arith.constant 0 : index
    %get3A_1 = vector.load %arg1[%get3A, %get3A_0] : memref<2000x128xf32, #tpu.memory_space<vmem>>, vector<2000x128xf32>
    %get3A_2 = arith.constant 0 : index
    %get3A_3 = arith.constant 0 : index
    %get3A_4 = vector.load %arg2[%get3A_2, %get3A_3] : memref<128x128xf32, #tpu.memory_space<vmem>>, vector<128x128xf32>
    %dot_general3A = arith.constant dense<0.000000e+00> : vector<2000x128xf32>
    %dot_general3A_5 = tpu.matmul %get3A_1, %get3A_4, %dot_general3A {dimension_numbers = #tpu.dot_dimension_numbers<[1], [0], [0], [1], [0, 0, 1, 1], [], []>, precision = #tpu.contract_precision<fp32>, transpose_lhs_hint = false} : vector<2000x128xf32>, vector<128x128xf32>, vector<2000x128xf32> -> vector<2000x128xf32>
    %swap3A = arith.constant 0 : index
    %swap3A_6 = arith.constant 0 : index
    %swap3A_7 = vector.load %arg3[%swap3A, %swap3A_6] : memref<2000x128xf32, #tpu.memory_space<vmem>>, vector<2000x128xf32>
    tpu.vector_store %arg3[%swap3A, %swap3A_6], %dot_general3A_5 {strides = array<i32>} : memref<2000x128xf32, #tpu.memory_space<vmem>>, vector<2000x128xf32>,
    return
  }
  func.func @transform_0(%arg0: i32) -> (i32, i32) {
    %c0_i32 = arith.constant 0 : i32
    %c0_i32_0 = arith.constant 0 : i32
    return %arg0, %c0_i32 : i32, i32
  }
  func.func @transform_1(%arg0: i32) -> (i32, i32) {
    %c0_i32 = arith.constant 0 : i32
    %c0_i32_0 = arith.constant 0 : i32
    %c0_i32_1 = arith.constant 0 : i32
    return %c0_i32, %c0_i32_0 : i32, i32
  }
  func.func @transform_2(%arg0: i32) -> (i32, i32) {
    %c0_i32 = arith.constant 0 : i32
    %c0_i32_0 = arith.constant 0 : i32
    return %arg0, %c0_i32 : i32, i32
  }
}

module attributes {stable_mosaic.version = 14 : i64} {
  func.func @_relu_combine_kernel(%arg0: i32, %arg1: memref<2x2000x128xf32, #tpu.memory_space<vmem>>, %arg2: memref<1x128xf32, #tpu.memory_space<vmem>>, %arg3: memref<2000x128xf32, #tpu.memory_space<vmem>>) attributes {dimension_semantics = [#tpu.dimension_semantics<arbitrary>], iteration_bounds = array<i64: 5>, scalar_prefetch = 0 : i64, scratch_operands = 0 : i64, tpu.core_type = #tpu.core_type<tc>, window_params = [{transform_indices = @transform_0, window_bounds = array<i64: 2, 2000, 128>}, {pipeline_mode = #tpu.pipeline_mode<synchronous>, transform_indices = @transform_1, window_bounds = array<i64: 1, 128>}, {transform_indices = @transform_2, window_bounds = array<i64: 2000, 128>}]} {
    %get3A = arith.constant 0 : index
    %get3A_0 = arith.constant 0 : index
    %get3A_1 = arith.constant 0 : index
    %get3A_2 = vector.load %arg1[%get3A, %get3A_0, %get3A_1] : memref<2x2000x128xf32, #tpu.memory_space<vmem>>, vector<1x2000x128xf32>
    %get3A_3 = vector.shape_cast %get3A_2 : vector<1x2000x128xf32> to vector<2000x128xf32>
    %get3A_4 = arith.constant 1 : index
    %get3A_5 = arith.constant 0 : index
    %get3A_6 = arith.constant 0 : index
    %get3A_7 = vector.load %arg1[%get3A_4, %get3A_5, %get3A_6] : memref<2x2000x128xf32, #tpu.memory_space<vmem>>, vector<1x2000x128xf32>
    %get3A_8 = vector.shape_cast %get3A_7 : vector<1x2000x128xf32> to vector<2000x128xf32>
    %add3A = arith.addf %get3A_3, %get3A_8 : vector<2000x128xf32>
    %get3A_9 = arith.constant 0 : index
    %get3A_10 = arith.constant 0 : index
    %get3A_11 = vector.load %arg2[%get3A_9, %get3A_10] : memref<1x128xf32, #tpu.memory_space<vmem>>, vector<1x128xf32>
    %add3A_12 = vector.broadcast %get3A_11 : vector<1x128xf32> to vector<2000x128xf32>
    %add3A_13 = arith.addf %add3A, %add3A_12 : vector<2000x128xf32>
    %max3A = arith.constant 0.000000e+00 : f32
    %max3A_14 = vector.broadcast %max3A : f32 to vector<2000x128xf32>
    %max3A_15 = arith.maximumf %add3A_13, %max3A_14 : vector<2000x128xf32>
    %swap3A = arith.constant 0 : index
    %swap3A_16 = arith.constant 0 : index
    %swap3A_17 = vector.load %arg3[%swap3A, %swap3A_16] : memref<2000x128xf32, #tpu.memory_space<vmem>>, vector<2000x128xf32>
    tpu.vector_store %arg3[%swap3A, %swap3A_16], %max3A_15 {strides = array<i32>} : memref<2000x128xf32, #tpu.memory_space<vmem>>, vector<2000x128xf32>,
    return
  }
  func.func @transform_0(%arg0: i32) -> (i32, i32, i32) {
    %c0_i32 = arith.constant 0 : i32
    %c0_i32_0 = arith.constant 0 : i32
    %c0_i32_1 = arith.constant 0 : i32
    return %c0_i32, %arg0, %c0_i32_0 : i32, i32, i32
  }
  func.func @transform_1(%arg0: i32) -> (i32, i32) {
    %c0_i32 = arith.constant 0 : i32
    %c0_i32_0 = arith.constant 0 : i32
    %c0_i32_1 = arith.constant 0 : i32
    return %c0_i32, %c0_i32_0 : i32, i32
  }
  func.func @transform_2(%arg0: i32) -> (i32, i32) {
    %c0_i32 = arith.constant 0 : i32
    %c0_i32_0 = arith.constant 0 : i32
    return %arg0, %c0_i32 : i32, i32
  }
}

module attributes {stable_mosaic.version = 14 : i64} {
  func.func @_final_mm_kernel(%arg0: i32, %arg1: memref<2x2000x128xf32, #tpu.memory_space<vmem>>, %arg2: memref<128x64xf32, #tpu.memory_space<vmem>>, %arg3: memref<1x64xf32, #tpu.memory_space<vmem>>, %arg4: memref<2000x64xf32, #tpu.memory_space<vmem>>) attributes {dimension_semantics = [#tpu.dimension_semantics<arbitrary>], iteration_bounds = array<i64: 5>, scalar_prefetch = 0 : i64, scratch_operands = 0 : i64, tpu.core_type = #tpu.core_type<tc>, window_params = [{transform_indices = @transform_0, window_bounds = array<i64: 2, 2000, 128>}, {pipeline_mode = #tpu.pipeline_mode<synchronous>, transform_indices = @transform_1, window_bounds = array<i64: 128, 64>}, {pipeline_mode = #tpu.pipeline_mode<synchronous>, transform_indices = @transform_2, window_bounds = array<i64: 1, 64>}, {transform_indices = @transform_3, window_bounds = array<i64: 2000, 64>}]} {
    %get3A = arith.constant 0 : index
    %get3A_0 = arith.constant 0 : index
    %get3A_1 = arith.constant 0 : index
    %get3A_2 = vector.load %arg1[%get3A, %get3A_0, %get3A_1] : memref<2x2000x128xf32, #tpu.memory_space<vmem>>, vector<1x2000x128xf32>
    %get3A_3 = vector.shape_cast %get3A_2 : vector<1x2000x128xf32> to vector<2000x128xf32>
    %get3A_4 = arith.constant 1 : index
    %get3A_5 = arith.constant 0 : index
    %get3A_6 = arith.constant 0 : index
    %get3A_7 = vector.load %arg1[%get3A_4, %get3A_5, %get3A_6] : memref<2x2000x128xf32, #tpu.memory_space<vmem>>, vector<1x2000x128xf32>
    %get3A_8 = vector.shape_cast %get3A_7 : vector<1x2000x128xf32> to vector<2000x128xf32>
    %add3A = arith.addf %get3A_3, %get3A_8 : vector<2000x128xf32>
    %get3A_9 = arith.constant 0 : index
    %get3A_10 = arith.constant 0 : index
    %get3A_11 = vector.load %arg2[%get3A_9, %get3A_10] : memref<128x64xf32, #tpu.memory_space<vmem>>, vector<128x64xf32>
    %dot_general3A = arith.constant dense<0.000000e+00> : vector<2000x64xf32>
    %dot_general3A_12 = tpu.matmul %add3A, %get3A_11, %dot_general3A {dimension_numbers = #tpu.dot_dimension_numbers<[1], [0], [0], [1], [0, 0, 1, 1], [], []>, precision = #tpu.contract_precision<fp32>, transpose_lhs_hint = false} : vector<2000x128xf32>, vector<128x64xf32>, vector<2000x64xf32> -> vector<2000x64xf32>
    %get3A_13 = arith.constant 0 : index
    %get3A_14 = arith.constant 0 : index
    %get3A_15 = vector.load %arg3[%get3A_13, %get3A_14] : memref<1x64xf32, #tpu.memory_space<vmem>>, vector<1x64xf32>
    %add3A_16 = vector.broadcast %get3A_15 : vector<1x64xf32> to vector<2000x64xf32>
    %add3A_17 = arith.addf %dot_general3A_12, %add3A_16 : vector<2000x64xf32>
    %swap3A = arith.constant 0 : index
    %swap3A_18 = arith.constant 0 : index
    %swap3A_19 = vector.load %arg4[%swap3A, %swap3A_18] : memref<2000x64xf32, #tpu.memory_space<vmem>>, vector<2000x64xf32>
    tpu.vector_store %arg4[%swap3A, %swap3A_18], %add3A_17 {strides = array<i32>} : memref<2000x64xf32, #tpu.memory_space<vmem>>, vector<2000x64xf32>,
    return
  }
  func.func @transform_0(%arg0: i32) -> (i32, i32, i32) {
    %c0_i32 = arith.constant 0 : i32
    %c0_i32_0 = arith.constant 0 : i32
    %c0_i32_1 = arith.constant 0 : i32
    return %c0_i32, %arg0, %c0_i32_0 : i32, i32, i32
  }
  func.func @transform_1(%arg0: i32) -> (i32, i32) {
    %c0_i32 = arith.constant 0 : i32
    %c0_i32_0 = arith.constant 0 : i32
    %c0_i32_1 = arith.constant 0 : i32
    return %c0_i32, %c0_i32_0 : i32, i32
  }
  func.func @transform_2(%arg0: i32) -> (i32, i32) {
    %c0_i32 = arith.constant 0 : i32
    %c0_i32_0 = arith.constant 0 : i32
    %c0_i32_1 = arith.constant 0 : i32
    return %c0_i32, %c0_i32_0 : i32, i32
  }
  func.func @transform_3(%arg0: i32) -> (i32, i32) {
    %c0_i32 = arith.constant 0 : i32
    %c0_i32_0 = arith.constant 0 : i32
    return %arg0, %c0_i32 : i32, i32
  }
}

</mosaic_0001>

<sc_bundles>
// kernel: kernel.10.cloned.1.call-start
scs
__scs_entry_jumppad:
0x0: {  	(pc) =	sbr.rel $0x88, $3  }
0x1: {  	(tag) =	ssettag $0x0;
	lr =	simm.s32 $0x1  }
0x2: {  	[smem:$0x3F9A] =	sst lr;
	_ =	strace $0xD0000000  }
0x3: {  	_ = 	snop  }
0x4: {  	_ = 	snop  }
0x5: {  	_ = 	snop  }
0x6: {  	_ = 	snop  }
0x7: {  	_ = 	snop  }
__scs_overlays_trampoline_lowered:
0x8: {  	[smem:$0x3FA9] =	sst s0  }
0x9: {  	[smem:$0x3FAA] =	sst s1  }
0xa: {  	[smem:$0x3FAB] =	sst s2  }
0xb: {  	[smem:$0x3FAC] =	sst s3  }
0xc: {  	[smem:$0x3FAD] =	sst s4  }
0xd: {  	[smem:$0x3FAE] =	sst s5  }
0xe: {  	[smem:$0x3FAF] =	sst s6  }
0xf: {  	[smem:$0x3FB0] =	sst s7  }
0x10: {  	[smem:$0x3FB1] =	sst s8  }
0x11: {  	[smem:$0x3FB2] =	sst s9;
	s0 =	simm.s32 @!p0 $0x0  }
0x12: {  	s1 =	sld [smem:$0x3F98];
	s0 =	simm.s32 @p0 $0x1  }
0x13: {  	[smem:$0x3FB3] =	sst s0;
	s0 =	simm.s32 @!p1 $0x0  }
0x14: {  	s2 =	sld [smem:$0x3F97];
	s0 =	simm.s32 @p1 $0x1  }
0x15: {  	[smem:$0x3FB4] =	sst s0;
	s0 =	simm.s32 @!p2 $0x0  }
0x16: {  	s3 =	sld [smem:$0x3FDB];
	s0 =	simm.s32 @p2 $0x1  }
0x17: {  	s4 =	simm.s32 $0x1BF5;
	[smem:$0x3FB6] =	sst s0  }
0x18: {  	s0 =	sld [smem:$0x3F99];
	_ =	swait.ge [sflag:s4], $0x0  }
0x19: {  	s7 =	sld [smem:$0x3F9A]  }
0x1a: {  	s8 =	sadd.s32 $0xFFFFE003, lr  }
0x1b: {  	s9 =	sadd.s32 $0xFFFFFEF7, lr;
	s5 =	simm.s32 $0xFFFFFFFF;
	p2 =	slt.u32 s8, $0xFFFFF086  }
0x1c: {  	p1 =	slt.u32 s9, $0xF7A;
	s5 =	simm.s32 @!p2 $0x0  }
0x1d: {  	s5 =	simm.s32 @p1 $0x1;
	p0 =	seq.s32 s7, s2  }
0x1e: {  	s7 =	smul.u32 @!p0 $0xF7A, s2;
	p2 =	seq.s32 @!p0 s5, $0x0  }
0x1f: {  	s9 =	smul.u32 $0xF7A, s1;
	s8 =	simm.s32 @!p0 $0x1BF5;
	p2 =	por !p2, p0  }
0x20: {  	[sflag:s8] =	ssyncset.s32 @!p0 $0xFFFFF086;
	s6 =	sadd.s32 @!p0 s3, s7;
	s7 =	simm.s32 @!p0 $0x108  }
0x21: {  	s3 =	sadd.s32 s3, s9;
	s6 =	sadd.s32 @!p0 $0x88, s6;
	s7 =	simm.s32 @p2 $0x1082  }
0x22: {  	[simem:s7], [sflag:s8] =	dma.local @!p0 [hbm:s6], $0xF7A  }
0x23: {  	s9 =	sor.u32 $0xD0000000, s2;
	s6 =	simm.s32 $0x108;
	_ =	swait.ge @!p0 [sflag:s8], $0x0  }
0x24: {  	s3 =	sadd.s32 $0x88, s3;
	s6 =	simm.s32 @!p1 $0x1082;
	[sflag:s4] =	ssyncset.s32 $0xFFFFF086  }
0x25: {  	[simem:s6], [sflag:s4] =	dma.local [hbm:s3], $0xF7A  }
0x26: {  	[smem:$0x3F9A] =	sst s1;
	(tag) =	ssettag s2;
	_ =	strace s9  }
0x27: {  	s1 =	sld [smem:$0x3FAA]  }
0x28: {  	s2 =	sld [smem:$0x3FAB]  }
0x29: {  	s4 =	sld [smem:$0x3FAD]  }
0x2a: {  	p0 =	seq.s32 s5, $0x0;
	s5 =	sld [smem:$0x3FAE]  }
0x2b: {  	s6 =	sld [smem:$0x3FAF]  }
0x2c: {  	s7 =	sld [smem:$0x3FB0]  }
0x2d: {  	s3 =	simm.s32 $0x108;
	s8 =	sld [smem:$0x3FB1]  }
0x2e: {  	s3 =	simm.s32 @!p0 $0x1082;
	s9 =	sld [smem:$0x3FB2]  }
0x2f: {  	lr =	sadd.s32 s0, s3;
	s0 =	sld [smem:$0x3FA9]  }
0x30: {  	s3 =	sld [smem:$0x3FAC]  }
0x31: {  	[smem:$0x3FB5] =	sst s10  }
0x32: {  	s10 =	sld [smem:$0x3FB3];
	_ =	sdelay $0x3  }
0x33: {  	p0 =	seq.s32 s10, $0x1;
	s10 =	sld [smem:$0x3FB5];
	_ =	sdelay $0x3  }
0x34: {  	[smem:$0x3FB5] =	sst s10  }
0x35: {  	s10 =	sld [smem:$0x3FB4];
	_ =	sdelay $0x3  }
0x36: {  	p1 =	seq.s32 s10, $0x1;
	s10 =	sld [smem:$0x3FB5];
	_ =	sdelay $0x3  }
0x37: {  	[smem:$0x3FB5] =	sst s10  }
0x38: {  	s10 =	sld [smem:$0x3FB6]  }
0x39: {  	_ = 	snop;
	(pc) =	sbr.ind lr, $3  }
0x3a: {  	_ = 	snop  }
0x3b: {  	_ = 	snop  }
0x3c: {  	p2 =	seq.s32 s10, $0x1;
	s10 =	sld [smem:$0x3FB5]  }
0x3d: {  	_ =	shalt  }
0x3e: {  	_ =	shalt  }
0x3f: {  	_ =	shalt  }
0x40: {  	_ =	shalt  }
0x41: {  	_ =	shalt  }
0x42: {  	_ =	shalt  }
0x43: {  	_ =	shalt  }
0x44: {  	_ =	shalt  }
0x45: {  	_ =	shalt  }
0x46: {  	_ =	shalt  }
0x47: {  	_ =	shalt  }
0x48: {  	_ =	shalt  }
0x49: {  	_ =	shalt  }
0x4a: {  	_ =	shalt  }
0x4b: {  	_ =	shalt  }
0x4c: {  	_ =	shalt  }
0x4d: {  	_ =	shalt  }
0x4e: {  	_ =	shalt  }
0x4f: {  	_ =	shalt  }
0x50: {  	_ =	shalt  }
0x51: {  	_ =	shalt  }
0x52: {  	_ =	shalt  }
0x53: {  	_ =	shalt  }
0x54: {  	_ =	shalt  }
0x55: {  	_ =	shalt  }
0x56: {  	_ =	shalt  }
0x57: {  	_ =	shalt  }
0x58: {  	_ =	shalt  }
0x59: {  	_ =	shalt  }
0x5a: {  	_ =	shalt  }
0x5b: {  	_ =	shalt  }
0x5c: {  	_ =	shalt  }
0x5d: {  	_ =	shalt  }
0x5e: {  	_ =	shalt  }
0x5f: {  	_ =	shalt  }
0x60: {  	_ =	shalt  }
0x61: {  	_ =	shalt  }
0x62: {  	_ =	shalt  }
0x63: {  	_ =	shalt  }
0x64: {  	_ =	shalt  }
0x65: {  	_ =	shalt  }
0x66: {  	_ =	shalt  }
0x67: {  	_ =	shalt  }
0x68: {  	_ =	shalt  }
0x69: {  	_ =	shalt  }
0x6a: {  	_ =	shalt  }
0x6b: {  	_ =	shalt  }
0x6c: {  	_ =	shalt  }
0x6d: {  	_ =	shalt  }
0x6e: {  	_ =	shalt  }
0x6f: {  	_ =	shalt  }
0x70: {  	_ =	shalt  }
0x71: {  	_ =	shalt  }
0x72: {  	_ =	shalt  }
0x73: {  	_ =	shalt  }
0x74: {  	_ =	shalt  }
0x75: {  	_ =	shalt  }
0x76: {  	_ =	shalt  }
0x77: {  	_ =	shalt  }
0x78: {  	_ =	shalt  }
0x79: {  	_ =	shalt  }
0x7a: {  	_ =	shalt  }
0x7b: {  	_ =	shalt  }
0x7c: {  	_ =	shalt  }
0x7d: {  	_ =	shalt  }
0x7e: {  	_ =	shalt  }
0x7f: {  	_ =	shalt  }
0x80: {  	_ =	shalt  }
0x81: {  	_ =	shalt  }
0x82: {  	_ =	shalt  }
0x83: {  	_ =	shalt  }
0x84: {  	_ =	shalt  }
0x85: {  	_ =	shalt  }
0x86: {  	_ =	shalt  }
0x87: {  	_ =	shalt  }
.Lfunc_end0:
.L_simem_size_0:
called_computation.1_lowered:
.L_overlay_start_0:
0x88: {  	s2 =	sld [smem:$0x3FD9]  }
0x89: {  	s3 =	sld [smem:$0x3FFE];
	_ =	sdelay $0x1  }
0x8a: {  	s1 =	srdreg.scid  }
0x8b: {  	s0 =	sand.u32 $0x1, s1  }
0x8c: {  	s17 =	sshll.u32 s0, $0xA;
	s2 =	sadd.s32 s3, s2  }
0x8d: {  	s2 =	sadd.s32 s2, s17  }
0x8e: {  	[smem:$0x3FC1] =	sst s2  }
0x8f: {  	_ = 	snop  }
0x90: {  	s2 =	sld [smem:$0x3FC7]  }
0x91: {  	s18 =	sld [smem:$0x3FD0];
	(tm) =	ssettm $0x1  }
0x92: {  	s4 =	sld [smem:$0x3FFB];
	_ =	sdelay $0x3  }
0x93: {  	_ =	strace s4  }
0x94: {  	s4 =	sld [smem:$0x3FFC];
	_ =	sdelay $0x3  }
0x95: {  	_ =	strace s4  }
0x96: {  	s4 =	sld [smem:$0x3FFD];
	_ =	sdelay $0x3  }
0x97: {  	_ =	strace s4  }
0x98: {  	_ =	strace $0x8FFFFFFF  }
0x99: {  	s19 =	sld [smem:$0x3FDB];
	_ =	sdelay $0x1  }
0x9a: {  	s5 =	simm.s32 $_scs_section_size  }
0x9b: {  	s6 =	simm.s32 $_size__tile_overlayer_lowered;
	s7 =	simm.s32 $_tile_overlayer_lowered  }
0x9c: {  	s22 =	simm.s32 $0x1BFF;
	s21 =	sshll.u32 s7, $0x1;
	s4 =	sadd.s32 s5, s19  }
0x9d: {  	s8 =	simm.s32 $0x0;
	s20 =	sshll.u32 s6, $0x1;
	s6 =	sadd.s32 s21, s4  }
0x9e: {  	[timem:s8], [sflag:s22] =	dma.local [hbm:s6], s20  }
0x9f: {  	_ =	swait.ge [sflag:s22], s20  }
0xa0: {  	s5 =	ssub.s32 $0x0, s20;
	[sflag:s22] =	ssyncset.done $0x0  }
0xa1: {  	[sflag:s22] =	ssyncadd.s32 s5;
	_ =	sdelay $0x1  }
0xa2: {  	s23 =	simm.s32 $0x1B8B  }
0xa3: {  	_ =	swait.ge [sflag:s23], $0x1  }
0xa4: {  	[sflag:s23] =	ssyncset.done $0x0  }
0xa5: {  	s25 =	simm.s32 $0x1B8E;
	s24 =	sld [smem:$0x3FFE];
	[sflag:s23] =	ssyncadd.s32 $0xFFFFFFFF  }
0xa6: {  	s26 =	simm.s32 $execute0_lowered;
	[smem:$0x3FD2] =	sst s25  }
0xa7: {  	s6 =	sshll.u32 s26, $0x1;
	_ =	strace $0x80000049;
	[dreg:$0x1] =	wrdreg $0xFFFFFFFF  }
0xa8: {  	s28 =	simm.s32 $_size_execute0_lowered;
	s4 =	sadd.s32 s4, s6;
	[dreg:$0x0] =	wrdreg $0x0  }
0xa9: {  	s6 =	sshll.u32 s28, $0x1;
	[dreg:$0x2] =	wrdreg s4  }
0xaa: {  	[dreg:$0x3] =	wrdreg s6  }
0xab: {  	[dreg:$0x4] =	wrdreg $0xC0  }
0xac: {  	_ =	task [dreg:s8], $0x5FFFF  }
0xad: {  	[dreg:$0x1] =	wrdreg $0xFFFFFFFF  }
0xae: {  	[dreg:$0x0] =	wrdreg $0x60  }
0xaf: {  	[dreg:$0x2] =	wrdreg s24  }
0xb0: {  	[dreg:$0x3] =	wrdreg s18  }
0xb1: {  	[dreg:$0x4] =	wrdreg s2  }
0xb2: {  	[dreg:$0x5] =	wrdreg $0xA2800  }
0xb3: {  	[dreg:$0x6] =	wrdreg $0x9  }
0xb4: {  	_ =	task.clear_ibuf [dreg:s8], $0x7FFFF;
	_ =	strace $0x90000049  }
0xb5: {  	s29 =	simm.s32 $0x9;
	_ =	strace $0x8000004B  }
0xb6: {  	_ =	swait.ge [sflag:s29], $0x1  }
0xb7: {  	[sflag:s29] =	ssyncadd.s32 $0xFFFFFFFF  }
0xb8: {  	_ =	strace $0x9000004B  }
0xb9: {  	_ =	sfence  }
0xba: {  	s30 =	sld [smem:$0x0];
	_ =	sdelay $0x2  }
0xbb: {  	s31 =	sshll.u32 s1, $0xD;
	s1 =	sshrl.u32 s1, $0x2  }
0xbc: {  	s3 =	sand.u32 $0x4000, s31;
	s1 =	sadd.s32 s1, s30  }
0xbd: {  	s0 =	sor.u32 s3, s0;
	s1 =	sshll.u32 s1, $0x11  }
0xbe: {  	s0 =	sor.u32 s1, s0  }
0xbf: {  	s0 =	sadd.s32 $0x8F2B, s0  }
0xc0: {  	[sflag:s0] =	ssyncadd.remote.s32 $0x1  }
0xc1: {  	_ =	sfence.sel $0xFFFF  }
0xc2: {  	[dreg:$0x0] =	wrdreg $0xFFFFFFFF;
	(pc) =	sbr.abs _section_cstart, $3  }
0xc3: {  	[dreg:$0x1] =	wrdreg $0xFFFFFFFF  }
0xc4: {  	_ =	task.clear_ibuf [dreg:s8], $0x2FFFF;
	_ =	strace $0x9FFFFFFF  }
0xc5: {  	(tm) =	ssettm $0x7FFFFFFF  }
tec
execute0_lowered:
.L_overlay_start_1:
0x0: {  	(tag) =	ssettag $0x1  }
0x1: {  	s0 =	rddreg [dreg:$0x0]  }
0x2: {  	s1 =	rddreg [dreg:$0x1];
	s2 =	srdreg.scid  }
0x3: {  	s11 =	stileid.u32;
	s3 =	rddreg [dreg:$0x2]  }
0x4: {  	s4 =	rddreg [dreg:$0x3];
	s31 =	simm.s32 $0x2780;
	s9 =	smul.u32 $0x14000, s11  }
0x5: {  	s2 =	sand.u32 $0x1, s2;
	s5 =	sshll.u32 s11, $0x1;
	s11 =	smul.u32 $0x50000, s11  }
0x6: {  	s6 =	sor.u32 s2, s5;
	s5 =	simm.s32 $0x0;
	s8 =	smul.u32 $0x140000, s2  }
0x7: {  	s2 =	ssub.s32 $0x2, s2;
	s6 =	smul.u32 $0x2710, s6;
	s11 =	sshrl.u32 s11, $0x2  }
0x8: {  	[smem:$0x7FF] =	sst s5;
	s28 =	sshrl.u32 s2, $0x1;
	s11 =	sadd.s32 s11, s4  }
0x9: {  	_ =	strace $0x8000004A;
	s30 =	sadd.s32 $0x2800, s11;
	[dreg:$0x5] =	wrdreg s11  }
0xa: {  	s8 =	sadd.s32 s9, s8;
	s9 =	sadd.s32 $0x5000, s11;
	[dreg:$0x7] =	wrdreg s30  }
0xb: {  	s2 =	ssub.s32 s2, s28;
	s13 =	sadd.s32 $0xA000, s11;
	[dreg:$0x8] =	wrdreg s9  }
0xc: {  	s7 =	sadd.s32 $0xB000, s0;
	s26 =	smax.u32 s2, $0x1;
	[dreg:$0xa] =	wrdreg s13  }
0xd: {  	s10 =	sshrl.u32 s6, $0x3;
	s28 =	sadd.s32 $0xC800, s11;
	[dreg:$0x16] =	wrdreg s26  }
0xe: {  	s8 =	sshrl.u32 s8, $0x3;
	s14 =	sadd.s32 s1, s10;
	[dreg:$0x17] =	wrdreg s28  }
0xf: {  	s2 =	simm.s32 $0x1;
	s15 =	sadd.s32 s3, s10;
	[dreg:$0xb] =	wrdreg s14  }
0x10: {  	s12 =	sadd.s32 s10, s0;
	s30 =	sadd.s32 $0x11800, s11;
	[dreg:$0xc] =	wrdreg s15  }
0x11: {  	s0 =	sadd.s32 s8, s0;
	s29 =	sadd.s32 $0x1200, s12;
	[dreg:$0x19] =	wrdreg s30  }
0x12: {  	s16 =	sadd.s32 $0xA, s10;
	s12 =	sadd.s32 $0x7800, s11;
	[dreg:$0x6] =	wrdreg s29  }
0x13: {  	s17 =	sadd.s32 $0x14, s10;
	s18 =	sadd.s32 s1, s16;
	[dreg:$0x9] =	wrdreg s12  }
0x14: {  	s21 =	sadd.s32 $0x1E, s10;
	s8 =	sadd.s32 s3, s16;
	[dreg:$0xd] =	wrdreg s18  }
0x15: {  	s22 =	sadd.s32 $0x28, s10;
	s19 =	sadd.s32 s1, s17;
	[dreg:$0xe] =	wrdreg s8  }
0x16: {  	s9 =	simm.s32 $0xA;
	s20 =	sadd.s32 s3, s17;
	[dreg:$0xf] =	wrdreg s19  }
0x17: {  	s10 =	simm.s32 $0x0;
	s23 =	sadd.s32 s1, s21;
	[dreg:$0x10] =	wrdreg s20  }
0x18: {  	s24 =	sadd.s32 s1, s22;
	s25 =	sadd.s32 s3, s22;
	[dreg:$0x11] =	wrdreg s23  }
0x19: {  	s0 =	sadd.s32 $0x32200, s0;
	s14 =	simm.s32 $0x4;
	[dreg:$0x13] =	wrdreg s24  }
0x1a: {  	s22 =	simm.s32 $0x6;
	s8 =	sadd.s32 s3, s21;
	[dreg:$0x14] =	wrdreg s25  }
0x1b: {  	[dreg:$0x15] =	wrdreg s0;
	s29 =	sadd.s32 $0xF000, s11;
	s0 =	simm.s32 $0x50  }
0x1c: {  	s12 =	simm.s32 $0xA000;
	s18 =	simm.s32 $0x2;
	s19 =	simm.s32 $0x5  }
0x1d: {  	s20 =	simm.s32 $0x7;
	s21 =	simm.s32 $0x3;
	[dreg:$0x12] =	wrdreg s8  }
0x1e: {  	v0 =	vimm.f32 $0.0e+00;
	s23 =	simm.s32 $0x8;
	s24 =	simm.s32 $0x9;
	[dreg:$0x18] =	wrdreg s29  }
.LBB2_1:
0x1f: {  	[dreg:$0x1a] =	wrdreg s10  }
0x20: {  	s8 =	rddreg [dreg:$0x6]  }
0x21: {  	[tilespmem:s5], [sflag:$0xA] =	stream.linear.gather [hbm4b:s8+s5], $0x2710, $0x38;
	[tilespmem:$0x1E280] =	vst v63  }
0x22: {  	_ =	swait.ge [sflag:s9], $0x2710  }
0x23: {  	[sflag:s9] =	ssyncset.done $0x0  }
0x24: {  	s8 =	simm.s32 $0x2880;
	[sflag:s9] =	ssyncadd.s32 $0xFFFFD8F0  }
0x25: {  	[tilespmem:s8+$0xFFFFFF00] =	vst v0  }
0x26: {  	[tilespmem:s8+$0xF0] =	vst v0  }
0x27: {  	[tilespmem:s8+$0xE0] =	vst v0  }
0x28: {  	[tilespmem:s8+$0xD0] =	vst v0  }
0x29: {  	[tilespmem:s8+$0xC0] =	vst v0  }
0x2a: {  	[tilespmem:s8+$0xB0] =	vst v0  }
0x2b: {  	[tilespmem:s8+$0xA0] =	vst v0  }
0x2c: {  	[tilespmem:s8+$0x90] =	vst v0  }
0x2d: {  	[tilespmem:s8+$0x80] =	vst v0  }
0x2e: {  	[tilespmem:s8+$0x70] =	vst v0  }
0x2f: {  	[tilespmem:s8+$0x60] =	vst v0  }
0x30: {  	[tilespmem:s8+$0x50] =	vst v0  }
0x31: {  	[tilespmem:s8+$0x40] =	vst v0  }
0x32: {  	[tilespmem:s8+$0x30] =	vst v0  }
0x33: {  	[tilespmem:s8+$0x20] =	vst v0  }
0x34: {  	[tilespmem:s8+$0x10] =	vst v0  }
0x35: {  	[tilespmem:s8+$0x0] =	vst v0  }
0x36: {  	[tilespmem:s8+$0xFFFFFFF0] =	vst v0  }
0x37: {  	[tilespmem:s8+$0xFFFFFFE0] =	vst v0  }
0x38: {  	[tilespmem:s8+$0xFFFFFFD0] =	vst v0  }
0x39: {  	[tilespmem:s8+$0xFFFFFFC0] =	vst v0  }
0x3a: {  	[tilespmem:s8+$0xFFFFFFB0] =	vst v0  }
0x3b: {  	[tilespmem:s8+$0xFFFFFFA0] =	vst v0  }
0x3c: {  	[tilespmem:s8+$0xFFFFFF90] =	vst v0  }
0x3d: {  	[tilespmem:s8+$0xFFFFFF80] =	vst v0  }
0x3e: {  	[tilespmem:s8+$0xFFFFFF70] =	vst v0  }
0x3f: {  	[tilespmem:s8+$0xFFFFFF60] =	vst v0  }
0x40: {  	[tilespmem:s8+$0xFFFFFF50] =	vst v0  }
0x41: {  	[tilespmem:s8+$0xFFFFFF40] =	vst v0  }
0x42: {  	[tilespmem:s8+$0xFFFFFF30] =	vst v0  }
0x43: {  	s10 =	simm.s32 $0x0;
	[tilespmem:s8+$0xFFFFFF20] =	vst v0  }
.LBB2_2:
0x44: {  	s10 =	sadd.s32 $0x4, s10;
	[tilespmem:s8+$0xFFFFFF10] =	vst v0;
	s8 =	sadd.s32 $0x200, s8  }
0x45: {  	[tilespmem:s8+$0xFFFFFF00] =	vst v0;
	p0 =	slt.u32 s10, $0x4C  }
0x46: {  	[tilespmem:s8+$0xF0] =	vst v0  }
0x47: {  	[tilespmem:s8+$0xE0] =	vst v0  }
0x48: {  	[tilespmem:s8+$0xD0] =	vst v0  }
0x49: {  	[tilespmem:s8+$0xC0] =	vst v0  }
0x4a: {  	[tilespmem:s8+$0xB0] =	vst v0  }
0x4b: {  	[tilespmem:s8+$0xA0] =	vst v0  }
0x4c: {  	[tilespmem:s8+$0x90] =	vst v0  }
0x4d: {  	[tilespmem:s8+$0x80] =	vst v0  }
0x4e: {  	[tilespmem:s8+$0x70] =	vst v0  }
0x4f: {  	[tilespmem:s8+$0x60] =	vst v0  }
0x50: {  	[tilespmem:s8+$0x50] =	vst v0  }
0x51: {  	[tilespmem:s8+$0x40] =	vst v0  }
0x52: {  	[tilespmem:s8+$0x30] =	vst v0  }
0x53: {  	[tilespmem:s8+$0x20] =	vst v0  }
0x54: {  	[tilespmem:s8+$0x10] =	vst v0  }
0x55: {  	[tilespmem:s8+$0x0] =	vst v0  }
0x56: {  	[tilespmem:s8+$0xFFFFFFF0] =	vst v0  }
0x57: {  	[tilespmem:s8+$0xFFFFFFE0] =	vst v0  }
0x58: {  	[tilespmem:s8+$0xFFFFFFD0] =	vst v0  }
0x59: {  	[tilespmem:s8+$0xFFFFFFC0] =	vst v0  }
0x5a: {  	[tilespmem:s8+$0xFFFFFFB0] =	vst v0  }
0x5b: {  	[tilespmem:s8+$0xFFFFFFA0] =	vst v0  }
0x5c: {  	[tilespmem:s8+$0xFFFFFF90] =	vst v0  }
0x5d: {  	[tilespmem:s8+$0xFFFFFF80] =	vst v0  }
0x5e: {  	[tilespmem:s8+$0xFFFFFF70] =	vst v0  }
.Ltmp0:
0x5f: {  	[tilespmem:s8+$0xFFFFFF60] =	vst v0;
	(pc) =	sbr.rel @p0 .LBB2_2-.Ltmp0, $4  }
0x60: {  	[tilespmem:s8+$0xFFFFFF50] =	vst v0  }
0x61: {  	[tilespmem:s8+$0xFFFFFF40] =	vst v0  }
0x62: {  	[tilespmem:s8+$0xFFFFFF30] =	vst v0  }
0x63: {  	[tilespmem:s8+$0xFFFFFF20] =	vst v0  }
0x64: {  	[tilespmem:s8+$0xFFFFFF10] =	vst v0  }
0x65: {  	[spmem:s11] =	stream.linear.scatter [tilespmem:s31], [sflag:$0x1], $0x2800, $0x38;
	[tilespmem:$0x1E280] =	vst v63  }
0x66: {  	s8 =	rddreg [dreg:$0x7]  }
0x67: {  	[spmem:s8] =	stream.linear.scatter [tilespmem:s31], [sflag:$0x1], $0x2800, $0x38;
	[tilespmem:$0x1E280] =	vst v63  }
0x68: {  	s17 =	rddreg [dreg:$0x8]  }
0x69: {  	[spmem:s17] =	stream.linear.scatter [tilespmem:s31], [sflag:$0x1], $0x2800, $0x38;
	[tilespmem:$0x1E280] =	vst v63  }
0x6a: {  	s25 =	rddreg [dreg:$0x9]  }
0x6b: {  	[spmem:s25] =	stream.linear.scatter [tilespmem:s31], [sflag:$0x1], $0x2800, $0x38;
	[tilespmem:$0x1E280] =	vst v63  }
0x6c: {  	s26 =	rddreg [dreg:$0xa]  }
0x6d: {  	[spmem:s26] =	stream.linear.scatter [tilespmem:s31], [sflag:$0x1], $0x2800, $0x38;
	[tilespmem:$0x1E280] =	vst v63  }
0x6e: {  	s30 =	rddreg [dreg:$0x17]  }
0x6f: {  	[spmem:s30] =	stream.linear.scatter [tilespmem:s31], [sflag:$0x1], $0x2800, $0x38;
	[tilespmem:$0x1E280] =	vst v63  }
0x70: {  	s9 =	rddreg [dreg:$0x18]  }
0x71: {  	[spmem:s9] =	stream.linear.scatter [tilespmem:s31], [sflag:$0x1], $0x2800, $0x38;
	[tilespmem:$0x1E280] =	vst v63  }
0x72: {  	s10 =	rddreg [dreg:$0x19]  }
0x73: {  	[spmem:s10] =	stream.linear.scatter [tilespmem:s31], [sflag:$0x1], $0x2800, $0x38;
	[tilespmem:$0x1E280] =	vst v63  }
0x74: {  	_ =	swait.ge [sflag:s2], $0x2800  }
0x75: {  	[sflag:s2] =	ssyncset.done $0x0  }
0x76: {  	[sflag:s2] =	ssyncadd.s32 $0xFFFFD800  }
0x77: {  	_ =	swait.ge [sflag:s2], $0x2800  }
0x78: {  	[sflag:s2] =	ssyncset.done $0x0  }
0x79: {  	[sflag:s2] =	ssyncadd.s32 $0xFFFFD800  }
0x7a: {  	_ =	swait.ge [sflag:s2], $0x2800  }
0x7b: {  	[sflag:s2] =	ssyncset.done $0x0  }
0x7c: {  	[sflag:s2] =	ssyncadd.s32 $0xFFFFD800  }
0x7d: {  	_ =	swait.ge [sflag:s2], $0x2800  }
0x7e: {  	[sflag:s2] =	ssyncset.done $0x0  }
0x7f: {  	[sflag:s2] =	ssyncadd.s32 $0xFFFFD800  }
0x80: {  	_ =	swait.ge [sflag:s2], $0x2800  }
0x81: {  	[sflag:s2] =	ssyncset.done $0x0  }
0x82: {  	[sflag:s2] =	ssyncadd.s32 $0xFFFFD800  }
0x83: {  	_ =	swait.ge [sflag:s2], $0x2800  }
0x84: {  	[sflag:s2] =	ssyncset.done $0x0  }
0x85: {  	[sflag:s2] =	ssyncadd.s32 $0xFFFFD800  }
0x86: {  	_ =	swait.ge [sflag:s2], $0x2800  }
0x87: {  	[sflag:s2] =	ssyncset.done $0x0  }
0x88: {  	[sflag:s2] =	ssyncadd.s32 $0xFFFFD800  }
0x89: {  	_ =	swait.ge [sflag:s2], $0x2800  }
0x8a: {  	[sflag:s2] =	ssyncset.done $0x0  }
0x8b: {  	[sflag:s2] =	ssyncadd.s32 $0xFFFFD800  }
0x8c: {  	[bflag:$0x0] =	sbarrier.arrive $0xFFFF  }
0x8d: {  	[tilespmem:s31], [sflag:$0x1] =	stream.indirect.gather [hbm4b:s7+s0], $0x80, s5, s0, $0xb8;
	[tilespmem:$0x1E280] =	vst v63  }
0x8e: {  	s9 =	simm.s32 $0x9F80;
	s11 =	rddreg [dreg:$0xb]  }
0x8f: {  	[tilespmem:s9], [sflag:$0x4] =	stream.linear.gather [hbm4b:s11+s5], $0x50, $0x38;
	[tilespmem:$0x1E280] =	vst v63  }
0x90: {  	s15 =	simm.s32 $0xA100;
	s13 =	rddreg [dreg:$0xc]  }
0x91: {  	[tilespmem:s15], [sflag:$0x4] =	stream.linear.gather [hbm4b:s13+s5], $0x50, $0x38;
	[tilespmem:$0x1E280] =	vst v63  }
0x92: {  	s16 =	simm.s32 $0x4F80  }
0x93: {  	[tilespmem:s16], [sflag:$0x2] =	stream.indirect.gather [hbm4b:s7+s0], $0x80, s0, s0, $0xb8;
	[tilespmem:$0x1E280] =	vst v63  }
0x94: {  	s17 =	rddreg [dreg:$0xd]  }
0x95: {  	[tilespmem:s12], [sflag:$0x5] =	stream.linear.gather [hbm4b:s17+s5], $0x50, $0x38;
	[tilespmem:$0x1E280] =	vst v63  }
0x96: {  	s26 =	simm.s32 $0xA180;
	s25 =	rddreg [dreg:$0xe]  }
0x97: {  	[tilespmem:s26], [sflag:$0x5] =	stream.linear.gather [hbm4b:s25+s5], $0x50, $0x38;
	[tilespmem:$0x1E280] =	vst v63  }
0x98: {  	_ =	swait.ge [sflag:s2], $0x2800  }
0x99: {  	[sflag:s2] =	ssyncset.done $0x0  }
0x9a: {  	[sflag:s2] =	ssyncadd.s32 $0xFFFFD800  }
0x9b: {  	_ =	swait.ge [sflag:s14], $0x50  }
0x9c: {  	[sflag:s14] =	ssyncset.done $0x0  }
0x9d: {  	[sflag:s14] =	ssyncadd.s32 $0xFFFFFFB0  }
0x9e: {  	_ =	swait.ge [sflag:s14], $0x50  }
0x9f: {  	[sflag:s14] =	ssyncset.done $0x0  }
0xa0: {  	s30 =	simm.s32 $0xA102;
	[sflag:s14] =	ssyncadd.s32 $0xFFFFFFB0  }
0xa1: {  	v1 =	vld.msk [tilespmem:s30+$0xFFFFFFFE], $0x1  }
0xa2: {  	s26 =	simm.s32 $0x2880  }
0xa3: {  	v2 =	vld [tilespmem:s26+$0xFFFFFF00];
	_ =	sdelay $0x2  }
0xa4: {  	v1 =	vbroadcast v1, $0x0;
	_ =	sdelay $0x1  }
0xa5: {  	s29 =	simm.s32 $0xA106;
	v1 =	vmul.f32 v1, v2  }
0xa6: {  	s28 =	simm.s32 $0x2A80;
	v2 =	vld.msk [tilespmem:s29+$0xFFFFFFFE], $0x1  }
0xa7: {  	v3 =	vld [tilespmem:s28+$0xFFFFFF00];
	[tilespmem:s26+$0xFFFFFF00] =	vst v1  }
0xa8: {  	v1 =	vld.msk [tilespmem:s30+$0xFFFFFFFF], $0x1;
	_ =	sdelay $0x1  }
0xa9: {  	v4 =	vld [tilespmem:s26+$0xFFFFFF80]  }
0xaa: {  	v2 =	vbroadcast v2, $0x0;
	_ =	sdelay $0x1  }
0xab: {  	s25 =	simm.s32 $0xA10A;
	v2 =	vmul.f32 v2, v3;
	v1 =	vbroadcast v1, $0x0  }
0xac: {  	s8 =	simm.s32 $0x2C80;
	v3 =	vld.msk [tilespmem:s25+$0xFFFFFFFE], $0x1  }
0xad: {  	v5 =	vld [tilespmem:s8+$0xFFFFFF00];
	[tilespmem:s28+$0xFFFFFF00] =	vst v2;
	v1 =	vmul.f32 v1, v4  }
0xae: {  	v2 =	vld.msk [tilespmem:s29+$0xFFFFFFFF], $0x1  }
0xaf: {  	v4 =	vld [tilespmem:s28+$0xFFFFFF80];
	[tilespmem:s26+$0xFFFFFF80] =	vst v1  }
0xb0: {  	v1 =	vld.msk [tilespmem:s30+$0x0], $0x1  }
0xb1: {  	v3 =	vbroadcast v3, $0x0  }
0xb2: {  	v6 =	vld [tilespmem:s26+$0x0]  }
0xb3: {  	s17 =	simm.s32 $0xA10E;
	v3 =	vmul.f32 v3, v5;
	v2 =	vbroadcast v2, $0x0  }
0xb4: {  	s13 =	simm.s32 $0x2E80;
	v7 =	vld.msk [tilespmem:s17+$0xFFFFFFFE], $0x1  }
0xb5: {  	v8 =	vld [tilespmem:s13+$0xFFFFFF00];
	[tilespmem:s8+$0xFFFFFF00] =	vst v3;
	v2 =	vmul.f32 v2, v4;
	v1 =	vbroadcast v1, $0x0  }
0xb6: {  	v9 =	vld.msk [tilespmem:s25+$0xFFFFFFFF], $0x1  }
0xb7: {  	v4 =	vld [tilespmem:s8+$0xFFFFFF80];
	[tilespmem:s28+$0xFFFFFF80] =	vst v2;
	v1 =	vmul.f32 v1, v6  }
0xb8: {  	v5 =	vld.msk [tilespmem:s29+$0x0], $0x1  }
0xb9: {  	v3 =	vld [tilespmem:s28+$0x0];
	v2 =	vbroadcast v7, $0x0;
	[tilespmem:s26+$0x0] =	vst v1  }
0xba: {  	v1 =	vld.msk [tilespmem:s30+$0x1], $0x1  }
0xbb: {  	s10 =	simm.s32 $0x2E80;
	s15 =	simm.s32 $0xC;
	s16 =	simm.s32 $0xA112;
	v7 =	vmul.f32 v2, v8;
	v2 =	vld [tilespmem:s26+$0x80];
	v6 =	vbroadcast v9, $0x0  }
.LBB2_4:
0xbc: {  	v8 =	vld.msk [tilespmem:s16+$0xFFFFFFFE], $0x1;
	s15 =	sadd.s32 $0x4, s15;
	s13 =	sadd.s32 $0x200, s13;
	s9 =	smov.u32 s8  }
0xbd: {  	s8 =	smov.u32 s10;
	v9 =	vld [tilespmem:s13+$0xFFFFFF00];
	p0 =	slt.u32 s15, $0x4C;
	[tilespmem:s10+$0xFFFFFF00] =	vst v7;
	v6 =	vmul.f32 v6, v4;
	v5 =	vbroadcast v5, $0x0;
	s10 =	smov.u32 s13  }
0xbe: {  	v10 =	vld.msk [tilespmem:s17+$0xFFFFFFFF], $0x1  }
.Ltmp1:
0xbf: {  	v4 =	vld [tilespmem:s8+$0xFFFFFF80];
	[tilespmem:s9+$0xFFFFFF80] =	vst v6;
	v6 =	vmul.f32 v5, v3;
	v1 =	vbroadcast v1, $0x0;
	(pc) =	sbr.rel @p0 .LBB2_4-.Ltmp1, $4  }
0xc0: {  	v5 =	vld.msk [tilespmem:s25+$0x0], $0x1  }
0xc1: {  	v7 =	vbroadcast v8, $0x0;
	v3 =	vld [tilespmem:s9+$0x0];
	[tilespmem:s28+$0x0] =	vst v6;
	v8 =	vmul.f32 v1, v2  }
0xc2: {  	v1 =	vld.msk [tilespmem:s29+$0x1], $0x1;
	s29 =	smov.u32 s25;
	s25 =	smov.u32 s17;
	s17 =	smov.u32 s16  }
0xc3: {  	s16 =	sadd.s32 $0x4, s16;
	v7 =	vmul.f32 v7, v9;
	v6 =	vbroadcast v10, $0x0;
	v2 =	vld [tilespmem:s28+$0x80];
	[tilespmem:s26+$0x80] =	vst v8;
	s26 =	smov.u32 s28;
	s28 =	smov.u32 s9  }
0xc4: {  	_ = 	snop  }
0xc5: {  	[tilespmem:s10+$0xFFFFFF00] =	vst v7  }
0xc6: {  	v7 =	vld.msk [tilespmem:s17+$0xFFFFFFFF], $0x1;
	_ =	sdelay $0x1  }
0xc7: {  	v8 =	vld [tilespmem:s10+$0xFFFFFF80];
	_ =	sdelay $0x2  }
0xc8: {  	v7 =	vbroadcast v7, $0x0  }
0xc9: {  	v4 =	vmul.f32 v6, v4  }
0xca: {  	v6 =	vmul.f32 v7, v8  }
0xcb: {  	[tilespmem:s8+$0xFFFFFF80] =	vst v4  }
0xcc: {  	v4 =	vld.msk [tilespmem:s25+$0x0], $0x1;
	[tilespmem:s10+$0xFFFFFF80] =	vst v6  }
0xcd: {  	v6 =	vld.msk [tilespmem:s17+$0x0], $0x1  }
0xce: {  	v7 =	vld [tilespmem:s8+$0x0]  }
0xcf: {  	v5 =	vbroadcast v5, $0x0;
	v8 =	vld [tilespmem:s10+$0x0];
	_ =	sdelay $0x1  }
0xd0: {  	v3 =	vmul.f32 v5, v3;
	v4 =	vbroadcast v4, $0x0  }
0xd1: {  	v5 =	vbroadcast v6, $0x0  }
0xd2: {  	[tilespmem:s28+$0x0] =	vst v3;
	v3 =	vmul.f32 v4, v7  }
0xd3: {  	v4 =	vld.msk [tilespmem:s29+$0x1], $0x1;
	v5 =	vmul.f32 v5, v8  }
0xd4: {  	[tilespmem:s8+$0x0] =	vst v3;
	v6 =	vld [tilespmem:s28+$0x80]  }
0xd5: {  	v3 =	vld.msk [tilespmem:s25+$0x1], $0x1;
	[tilespmem:s10+$0x0] =	vst v5  }
0xd6: {  	v5 =	vld.msk [tilespmem:s17+$0x1], $0x1  }
0xd7: {  	v7 =	vld [tilespmem:s8+$0x80]  }
0xd8: {  	v1 =	vbroadcast v1, $0x0;
	v8 =	vld [tilespmem:s10+$0x80]  }
0xd9: {  	v4 =	vbroadcast v4, $0x0  }
0xda: {  	v1 =	vmul.f32 v1, v2;
	v2 =	vbroadcast v3, $0x0  }
0xdb: {  	v3 =	vmul.f32 v4, v6;
	v4 =	vbroadcast v5, $0x0  }
0xdc: {  	[tilespmem:s26+$0x80] =	vst v1;
	v1 =	vmul.f32 v2, v7  }
0xdd: {  	[tilespmem:s28+$0x80] =	vst v3;
	v2 =	vmul.f32 v4, v8  }
0xde: {  	[tilespmem:s8+$0x80] =	vst v1  }
0xdf: {  	s13 =	simm.s32 $0x9F80;
	[tilespmem:s10+$0x80] =	vst v2  }
0xe0: {  	[spmem:s4] =	stream.indirect.scatter.add.f32 [tilespmem:s31], [sflag:$0x7], $0x80, s13, s0, $0xb8;
	[tilespmem:$0x1E280] =	vst v63  }
0xe1: {  	s15 =	simm.s32 $0xA0;
	s9 =	simm.s32 $0x7780  }
0xe2: {  	[tilespmem:s9], [sflag:$0x3] =	stream.indirect.gather [hbm4b:s7+s0], $0x80, s15, s0, $0xb8;
	[tilespmem:$0x1E280] =	vst v63  }
0xe3: {  	s17 =	simm.s32 $0xA080;
	s16 =	rddreg [dreg:$0xf]  }
0xe4: {  	[tilespmem:s17], [sflag:$0x6] =	stream.linear.gather [hbm4b:s16+s5], $0x50, $0x38;
	[tilespmem:$0x1E280] =	vst v63  }
0xe5: {  	s26 =	simm.s32 $0xA200;
	s25 =	rddreg [dreg:$0x10]  }
0xe6: {  	[tilespmem:s26], [sflag:$0x6] =	stream.linear.gather [hbm4b:s25+s5], $0x50, $0x38;
	[tilespmem:$0x1E280] =	vst v63  }
0xe7: {  	_ =	swait.ge [sflag:s18], $0x2800  }
0xe8: {  	[sflag:s18] =	ssyncset.done $0x0  }
0xe9: {  	[sflag:s18] =	ssyncadd.s32 $0xFFFFD800  }
0xea: {  	_ =	swait.ge [sflag:s19], $0x50  }
0xeb: {  	[sflag:s19] =	ssyncset.done $0x0  }
0xec: {  	[sflag:s19] =	ssyncadd.s32 $0xFFFFFFB0  }
0xed: {  	_ =	swait.ge [sflag:s19], $0x50  }
0xee: {  	[sflag:s19] =	ssyncset.done $0x0  }
0xef: {  	s30 =	simm.s32 $0xA182;
	[sflag:s19] =	ssyncadd.s32 $0xFFFFFFB0  }
0xf0: {  	v1 =	vld.msk [tilespmem:s30+$0xFFFFFFFE], $0x1  }
0xf1: {  	s26 =	simm.s32 $0x5080  }
0xf2: {  	v2 =	vld [tilespmem:s26+$0xFFFFFF00];
	_ =	sdelay $0x2  }
0xf3: {  	v1 =	vbroadcast v1, $0x0;
	_ =	sdelay $0x1  }
0xf4: {  	s29 =	simm.s32 $0xA186;
	v1 =	vmul.f32 v1, v2  }
0xf5: {  	s28 =	simm.s32 $0x5280;
	v2 =	vld.msk [tilespmem:s29+$0xFFFFFFFE], $0x1  }
0xf6: {  	v3 =	vld [tilespmem:s28+$0xFFFFFF00];
	[tilespmem:s26+$0xFFFFFF00] =	vst v1  }
0xf7: {  	v1 =	vld.msk [tilespmem:s30+$0xFFFFFFFF], $0x1;
	_ =	sdelay $0x1  }
0xf8: {  	v4 =	vld [tilespmem:s26+$0xFFFFFF80]  }
0xf9: {  	v2 =	vbroadcast v2, $0x0;
	_ =	sdelay $0x1  }
0xfa: {  	s25 =	simm.s32 $0xA18A;
	v2 =	vmul.f32 v2, v3;
	v1 =	vbroadcast v1, $0x0  }
0xfb: {  	s8 =	simm.s32 $0x5480;
	v3 =	vld.msk [tilespmem:s25+$0xFFFFFFFE], $0x1  }
0xfc: {  	v5 =	vld [tilespmem:s8+$0xFFFFFF00];
	[tilespmem:s28+$0xFFFFFF00] =	vst v2;
	v1 =	vmul.f32 v1, v4  }
0xfd: {  	v2 =	vld.msk [tilespmem:s29+$0xFFFFFFFF], $0x1  }
0xfe: {  	v4 =	vld [tilespmem:s28+$0xFFFFFF80];
	[tilespmem:s26+$0xFFFFFF80] =	vst v1  }
0xff: {  	v1 =	vld.msk [tilespmem:s30+$0x0], $0x1  }
0x100: {  	v3 =	vbroadcast v3, $0x0  }
0x101: {  	v6 =	vld [tilespmem:s26+$0x0]  }
0x102: {  	s17 =	simm.s32 $0xA18E;
	v3 =	vmul.f32 v3, v5;
	v2 =	vbroadcast v2, $0x0  }
0x103: {  	s13 =	simm.s32 $0x5680;
	v7 =	vld.msk [tilespmem:s17+$0xFFFFFFFE], $0x1  }
0x104: {  	v8 =	vld [tilespmem:s13+$0xFFFFFF00];
	[tilespmem:s8+$0xFFFFFF00] =	vst v3;
	v2 =	vmul.f32 v2, v4;
	v1 =	vbroadcast v1, $0x0  }
0x105: {  	v9 =	vld.msk [tilespmem:s25+$0xFFFFFFFF], $0x1  }
0x106: {  	v4 =	vld [tilespmem:s8+$0xFFFFFF80];
	[tilespmem:s28+$0xFFFFFF80] =	vst v2;
	v1 =	vmul.f32 v1, v6  }
0x107: {  	v5 =	vld.msk [tilespmem:s29+$0x0], $0x1  }
0x108: {  	v3 =	vld [tilespmem:s28+$0x0];
	v2 =	vbroadcast v7, $0x0;
	[tilespmem:s26+$0x0] =	vst v1  }
0x109: {  	v1 =	vld.msk [tilespmem:s30+$0x1], $0x1  }
0x10a: {  	s10 =	simm.s32 $0x5680;
	s15 =	simm.s32 $0xC;
	s16 =	simm.s32 $0xA192;
	v7 =	vmul.f32 v2, v8;
	v2 =	vld [tilespmem:s26+$0x80];
	v6 =	vbroadcast v9, $0x0  }
.LBB2_6:
0x10b: {  	v8 =	vld.msk [tilespmem:s16+$0xFFFFFFFE], $0x1;
	s15 =	sadd.s32 $0x4, s15;
	s13 =	sadd.s32 $0x200, s13;
	s9 =	smov.u32 s8  }
0x10c: {  	s8 =	smov.u32 s10;
	v9 =	vld [tilespmem:s13+$0xFFFFFF00];
	p0 =	slt.u32 s15, $0x4C;
	[tilespmem:s10+$0xFFFFFF00] =	vst v7;
	v6 =	vmul.f32 v6, v4;
	v5 =	vbroadcast v5, $0x0;
	s10 =	smov.u32 s13  }
0x10d: {  	v10 =	vld.msk [tilespmem:s17+$0xFFFFFFFF], $0x1  }
.Ltmp2:
0x10e: {  	v4 =	vld [tilespmem:s8+$0xFFFFFF80];
	[tilespmem:s9+$0xFFFFFF80] =	vst v6;
	v6 =	vmul.f32 v5, v3;
	v1 =	vbroadcast v1, $0x0;
	(pc) =	sbr.rel @p0 .LBB2_6-.Ltmp2, $4  }
0x10f: {  	v5 =	vld.msk [tilespmem:s25+$0x0], $0x1  }
0x110: {  	v7 =	vbroadcast v8, $0x0;
	v3 =	vld [tilespmem:s9+$0x0];
	[tilespmem:s28+$0x0] =	vst v6;
	v8 =	vmul.f32 v1, v2  }
0x111: {  	v1 =	vld.msk [tilespmem:s29+$0x1], $0x1;
	s29 =	smov.u32 s25;
	s25 =	smov.u32 s17;
	s17 =	smov.u32 s16  }
0x112: {  	s16 =	sadd.s32 $0x4, s16;
	v7 =	vmul.f32 v7, v9;
	v6 =	vbroadcast v10, $0x0;
	v2 =	vld [tilespmem:s28+$0x80];
	[tilespmem:s26+$0x80] =	vst v8;
	s26 =	smov.u32 s28;
	s28 =	smov.u32 s9  }
0x113: {  	_ = 	snop  }
0x114: {  	[tilespmem:s10+$0xFFFFFF00] =	vst v7  }
0x115: {  	v7 =	vld.msk [tilespmem:s17+$0xFFFFFFFF], $0x1;
	_ =	sdelay $0x1  }
0x116: {  	v8 =	vld [tilespmem:s10+$0xFFFFFF80];
	_ =	sdelay $0x2  }
0x117: {  	v7 =	vbroadcast v7, $0x0  }
0x118: {  	v4 =	vmul.f32 v6, v4  }
0x119: {  	v6 =	vmul.f32 v7, v8  }
0x11a: {  	[tilespmem:s8+$0xFFFFFF80] =	vst v4  }
0x11b: {  	v4 =	vld.msk [tilespmem:s25+$0x0], $0x1;
	[tilespmem:s10+$0xFFFFFF80] =	vst v6  }
0x11c: {  	v6 =	vld.msk [tilespmem:s17+$0x0], $0x1  }
0x11d: {  	v7 =	vld [tilespmem:s8+$0x0]  }
0x11e: {  	v5 =	vbroadcast v5, $0x0;
	v8 =	vld [tilespmem:s10+$0x0];
	_ =	sdelay $0x1  }
0x11f: {  	v3 =	vmul.f32 v5, v3;
	v4 =	vbroadcast v4, $0x0  }
0x120: {  	v5 =	vbroadcast v6, $0x0  }
0x121: {  	[tilespmem:s28+$0x0] =	vst v3;
	v3 =	vmul.f32 v4, v7  }
0x122: {  	v4 =	vld.msk [tilespmem:s29+$0x1], $0x1;
	v5 =	vmul.f32 v5, v8  }
0x123: {  	[tilespmem:s8+$0x0] =	vst v3;
	v6 =	vld [tilespmem:s28+$0x80]  }
0x124: {  	v3 =	vld.msk [tilespmem:s25+$0x1], $0x1;
	[tilespmem:s10+$0x0] =	vst v5  }
0x125: {  	v5 =	vld.msk [tilespmem:s17+$0x1], $0x1  }
0x126: {  	v7 =	vld [tilespmem:s8+$0x80]  }
0x127: {  	v1 =	vbroadcast v1, $0x0;
	v8 =	vld [tilespmem:s10+$0x80]  }
0x128: {  	v4 =	vbroadcast v4, $0x0  }
0x129: {  	v1 =	vmul.f32 v1, v2;
	v2 =	vbroadcast v3, $0x0  }
0x12a: {  	v3 =	vmul.f32 v4, v6;
	v4 =	vbroadcast v5, $0x0  }
0x12b: {  	[tilespmem:s26+$0x80] =	vst v1;
	v1 =	vmul.f32 v2, v7  }
0x12c: {  	[tilespmem:s28+$0x80] =	vst v3;
	v2 =	vmul.f32 v4, v8  }
0x12d: {  	[tilespmem:s8+$0x80] =	vst v1  }
0x12e: {  	s15 =	simm.s32 $0x4F80;
	[tilespmem:s10+$0x80] =	vst v2  }
0x12f: {  	[spmem:s4] =	stream.indirect.scatter.add.f32 [tilespmem:s15], [sflag:$0x8], $0x80, s12, s0, $0xb8;
	[tilespmem:$0x1E280] =	vst v63  }
0x130: {  	_ =	swait.ge [sflag:s20], $0x2800  }
0x131: {  	[sflag:s20] =	ssyncset.done $0x0  }
0x132: {  	s16 =	simm.s32 $0xF0;
	[sflag:s20] =	ssyncadd.s32 $0xFFFFD800  }
0x133: {  	[tilespmem:s31], [sflag:$0x1] =	stream.indirect.gather [hbm4b:s7+s0], $0x80, s16, s0, $0xb8;
	[tilespmem:$0x1E280] =	vst v63  }
0x134: {  	s9 =	simm.s32 $0x9F80;
	s17 =	rddreg [dreg:$0x11]  }
0x135: {  	[tilespmem:s9], [sflag:$0x4] =	stream.linear.gather [hbm4b:s17+s5], $0x50, $0x38;
	[tilespmem:$0x1E280] =	vst v63  }
0x136: {  	s26 =	simm.s32 $0xA100;
	s25 =	rddreg [dreg:$0x12]  }
0x137: {  	[tilespmem:s26], [sflag:$0x4] =	stream.linear.gather [hbm4b:s25+s5], $0x50, $0x38;
	[tilespmem:$0x1E280] =	vst v63  }
0x138: {  	_ =	swait.ge [sflag:s21], $0x2800  }
0x139: {  	[sflag:s21] =	ssyncset.done $0x0  }
0x13a: {  	[sflag:s21] =	ssyncadd.s32 $0xFFFFD800  }
0x13b: {  	_ =	swait.ge [sflag:s22], $0x50  }
0x13c: {  	[sflag:s22] =	ssyncset.done $0x0  }
0x13d: {  	[sflag:s22] =	ssyncadd.s32 $0xFFFFFFB0  }
0x13e: {  	_ =	swait.ge [sflag:s22], $0x50  }
0x13f: {  	[sflag:s22] =	ssyncset.done $0x0  }
0x140: {  	s30 =	simm.s32 $0xA202;
	[sflag:s22] =	ssyncadd.s32 $0xFFFFFFB0  }
0x141: {  	v1 =	vld.msk [tilespmem:s30+$0xFFFFFFFE], $0x1  }
0x142: {  	s26 =	simm.s32 $0x7880  }
0x143: {  	v2 =	vld [tilespmem:s26+$0xFFFFFF00];
	_ =	sdelay $0x2  }
0x144: {  	v1 =	vbroadcast v1, $0x0;
	_ =	sdelay $0x1  }
0x145: {  	s29 =	simm.s32 $0xA206;
	v1 =	vmul.f32 v1, v2  }
0x146: {  	s28 =	simm.s32 $0x7A80;
	v2 =	vld.msk [tilespmem:s29+$0xFFFFFFFE], $0x1  }
0x147: {  	v3 =	vld [tilespmem:s28+$0xFFFFFF00];
	[tilespmem:s26+$0xFFFFFF00] =	vst v1  }
0x148: {  	v1 =	vld.msk [tilespmem:s30+$0xFFFFFFFF], $0x1;
	_ =	sdelay $0x1  }
0x149: {  	v4 =	vld [tilespmem:s26+$0xFFFFFF80]  }
0x14a: {  	v2 =	vbroadcast v2, $0x0;
	_ =	sdelay $0x1  }
0x14b: {  	s25 =	simm.s32 $0xA20A;
	v2 =	vmul.f32 v2, v3;
	v1 =	vbroadcast v1, $0x0  }
0x14c: {  	s8 =	simm.s32 $0x7C80;
	v3 =	vld.msk [tilespmem:s25+$0xFFFFFFFE], $0x1  }
0x14d: {  	v5 =	vld [tilespmem:s8+$0xFFFFFF00];
	[tilespmem:s28+$0xFFFFFF00] =	vst v2;
	v1 =	vmul.f32 v1, v4  }
0x14e: {  	v2 =	vld.msk [tilespmem:s29+$0xFFFFFFFF], $0x1  }
0x14f: {  	v4 =	vld [tilespmem:s28+$0xFFFFFF80];
	[tilespmem:s26+$0xFFFFFF80] =	vst v1  }
0x150: {  	v1 =	vld.msk [tilespmem:s30+$0x0], $0x1  }
0x151: {  	v3 =	vbroadcast v3, $0x0  }
0x152: {  	v6 =	vld [tilespmem:s26+$0x0]  }
0x153: {  	s17 =	simm.s32 $0xA20E;
	v3 =	vmul.f32 v3, v5;
	v2 =	vbroadcast v2, $0x0  }
0x154: {  	s13 =	simm.s32 $0x7E80;
	v7 =	vld.msk [tilespmem:s17+$0xFFFFFFFE], $0x1  }
0x155: {  	v8 =	vld [tilespmem:s13+$0xFFFFFF00];
	[tilespmem:s8+$0xFFFFFF00] =	vst v3;
	v2 =	vmul.f32 v2, v4;
	v1 =	vbroadcast v1, $0x0  }
0x156: {  	v9 =	vld.msk [tilespmem:s25+$0xFFFFFFFF], $0x1  }
0x157: {  	v4 =	vld [tilespmem:s8+$0xFFFFFF80];
	[tilespmem:s28+$0xFFFFFF80] =	vst v2;
	v1 =	vmul.f32 v1, v6  }
0x158: {  	v5 =	vld.msk [tilespmem:s29+$0x0], $0x1  }
0x159: {  	v3 =	vld [tilespmem:s28+$0x0];
	v2 =	vbroadcast v7, $0x0;
	[tilespmem:s26+$0x0] =	vst v1  }
0x15a: {  	v1 =	vld.msk [tilespmem:s30+$0x1], $0x1  }
0x15b: {  	s10 =	simm.s32 $0x7E80;
	s15 =	simm.s32 $0xC;
	s16 =	simm.s32 $0xA212;
	v7 =	vmul.f32 v2, v8;
	v2 =	vld [tilespmem:s26+$0x80];
	v6 =	vbroadcast v9, $0x0  }
.LBB2_8:
0x15c: {  	v8 =	vld.msk [tilespmem:s16+$0xFFFFFFFE], $0x1;
	s15 =	sadd.s32 $0x4, s15;
	s13 =	sadd.s32 $0x200, s13;
	s9 =	smov.u32 s8  }
0x15d: {  	s8 =	smov.u32 s10;
	v9 =	vld [tilespmem:s13+$0xFFFFFF00];
	p0 =	slt.u32 s15, $0x4C;
	[tilespmem:s10+$0xFFFFFF00] =	vst v7;
	v6 =	vmul.f32 v6, v4;
	v5 =	vbroadcast v5, $0x0;
	s10 =	smov.u32 s13  }
0x15e: {  	v10 =	vld.msk [tilespmem:s17+$0xFFFFFFFF], $0x1  }
.Ltmp3:
0x15f: {  	v4 =	vld [tilespmem:s8+$0xFFFFFF80];
	[tilespmem:s9+$0xFFFFFF80] =	vst v6;
	v6 =	vmul.f32 v5, v3;
	v1 =	vbroadcast v1, $0x0;
	(pc) =	sbr.rel @p0 .LBB2_8-.Ltmp3, $4  }
0x160: {  	v5 =	vld.msk [tilespmem:s25+$0x0], $0x1  }
0x161: {  	v7 =	vbroadcast v8, $0x0;
	v3 =	vld [tilespmem:s9+$0x0];
	[tilespmem:s28+$0x0] =	vst v6;
	v8 =	vmul.f32 v1, v2  }
0x162: {  	v1 =	vld.msk [tilespmem:s29+$0x1], $0x1;
	s29 =	smov.u32 s25;
	s25 =	smov.u32 s17;
	s17 =	smov.u32 s16  }
0x163: {  	s16 =	sadd.s32 $0x4, s16;
	v7 =	vmul.f32 v7, v9;
	v6 =	vbroadcast v10, $0x0;
	v2 =	vld [tilespmem:s28+$0x80];
	[tilespmem:s26+$0x80] =	vst v8;
	s26 =	smov.u32 s28;
	s28 =	smov.u32 s9  }
0x164: {  	_ = 	snop  }
0x165: {  	[tilespmem:s10+$0xFFFFFF00] =	vst v7  }
0x166: {  	v7 =	vld.msk [tilespmem:s17+$0xFFFFFFFF], $0x1;
	_ =	sdelay $0x1  }
0x167: {  	v8 =	vld [tilespmem:s10+$0xFFFFFF80];
	_ =	sdelay $0x2  }
0x168: {  	v7 =	vbroadcast v7, $0x0  }
0x169: {  	v4 =	vmul.f32 v6, v4  }
0x16a: {  	v55 =	vmul.f32 v7, v8  }
0x16b: {  	[tilespmem:s8+$0xFFFFFF80] =	vst v4  }
0x16c: {  	v4 =	vld.msk [tilespmem:s25+$0x0], $0x1;
	[tilespmem:s10+$0xFFFFFF80] =	vst v55  }
0x16d: {  	v6 =	vld.msk [tilespmem:s17+$0x0], $0x1  }
0x16e: {  	v56 =	vld [tilespmem:s8+$0x0]  }
0x16f: {  	v57 =	vld [tilespmem:s10+$0x0];
	v5 =	vbroadcast v5, $0x0;
	_ =	sdelay $0x1  }
0x170: {  	v3 =	vmul.f32 v5, v3;
	v4 =	vbroadcast v4, $0x0  }
0x171: {  	v58 =	vbroadcast v6, $0x0  }
0x172: {  	[tilespmem:s28+$0x0] =	vst v3;
	v3 =	vmul.f32 v4, v56  }
0x173: {  	v60 =	vld [tilespmem:s28+$0x80];
	v5 =	vmul.f32 v58, v57  }
0x174: {  	v59 =	vld.msk [tilespmem:s29+$0x1], $0x1;
	[tilespmem:s8+$0x0] =	vst v3  }
0x175: {  	v3 =	vld.msk [tilespmem:s25+$0x1], $0x1;
	[tilespmem:s10+$0x0] =	vst v5  }
0x176: {  	v5 =	vld.msk [tilespmem:s17+$0x1], $0x1  }
0x177: {  	v61 =	vld [tilespmem:s8+$0x80]  }
0x178: {  	v62 =	vld [tilespmem:s10+$0x80];
	v1 =	vbroadcast v1, $0x0  }
0x179: {  	v4 =	vbroadcast v59, $0x0  }
0x17a: {  	v1 =	vmul.f32 v1, v2;
	v2 =	vbroadcast v3, $0x0  }
0x17b: {  	v3 =	vmul.f32 v4, v60;
	v63 =	vbroadcast v5, $0x0  }
0x17c: {  	[tilespmem:s26+$0x80] =	vst v1;
	v1 =	vmul.f32 v2, v61  }
0x17d: {  	[tilespmem:s28+$0x80] =	vst v3;
	v2 =	vmul.f32 v63, v62  }
0x17e: {  	[tilespmem:s8+$0x80] =	vst v1  }
0x17f: {  	s9 =	simm.s32 $0xA080;
	s17 =	simm.s32 $0x7780;
	[tilespmem:s10+$0x80] =	vst v2  }
0x180: {  	[spmem:s4] =	stream.indirect.scatter.add.f32 [tilespmem:s17], [sflag:$0x9], $0x80, s9, s0, $0xb8;
	[tilespmem:$0x1E280] =	vst v63  }
0x181: {  	_ =	swait.ge [sflag:s23], $0x2800  }
0x182: {  	[sflag:s23] =	ssyncset.done $0x0  }
0x183: {  	s26 =	simm.s32 $0x140;
	s25 =	simm.s32 $0x4F80;
	[sflag:s23] =	ssyncadd.s32 $0xFFFFD800  }
0x184: {  	[tilespmem:s25], [sflag:$0x2] =	stream.indirect.gather [hbm4b:s7+s0], $0x80, s26, s0, $0xb8;
	[tilespmem:$0x1E280] =	vst v63  }
0x185: {  	s28 =	rddreg [dreg:$0x13];
	s26 =	simm.s32 $0x0  }
0x186: {  	[tilespmem:s12], [sflag:$0x5] =	stream.linear.gather [hbm4b:s28+s26], $0x50, $0x38;
	[tilespmem:$0x1E280] =	vst v63  }
0x187: {  	s30 =	simm.s32 $0xA180;
	s29 =	rddreg [dreg:$0x14]  }
0x188: {  	[tilespmem:s30], [sflag:$0x5] =	stream.linear.gather [hbm4b:s29+s26], $0x50, $0x38;
	[tilespmem:$0x1E280] =	vst v63  }
.LBB2_10:
0x189: {  	_ =	swait.ge [sflag:s2], $0x2800  }
0x18a: {  	[sflag:s2] =	ssyncset.done $0x0  }
0x18b: {  	[sflag:s2] =	ssyncadd.s32 $0xFFFFD800  }
0x18c: {  	_ =	swait.ge [sflag:s14], $0x50  }
0x18d: {  	[sflag:s14] =	ssyncset.done $0x0  }
0x18e: {  	[sflag:s14] =	ssyncadd.s32 $0xFFFFFFB0  }
0x18f: {  	_ =	swait.ge [sflag:s14], $0x50  }
0x190: {  	[sflag:s14] =	ssyncset.done $0x0  }
0x191: {  	s9 =	simm.s32 $0xA102;
	[sflag:s14] =	ssyncadd.s32 $0xFFFFFFB0  }
0x192: {  	v1 =	vld.msk [tilespmem:s9+$0xFFFFFFFE], $0x1  }
0x193: {  	s28 =	simm.s32 $0x2880  }
0x194: {  	v2 =	vld [tilespmem:s28+$0xFFFFFF00];
	_ =	sdelay $0x2  }
0x195: {  	v1 =	vbroadcast v1, $0x0;
	_ =	sdelay $0x1  }
0x196: {  	s30 =	simm.s32 $0xA106;
	v1 =	vmul.f32 v1, v2  }
0x197: {  	s29 =	simm.s32 $0x2A80;
	v2 =	vld.msk [tilespmem:s30+$0xFFFFFFFE], $0x1  }
0x198: {  	v3 =	vld [tilespmem:s29+$0xFFFFFF00];
	[tilespmem:s28+$0xFFFFFF00] =	vst v1  }
0x199: {  	v1 =	vld.msk [tilespmem:s9+$0xFFFFFFFF], $0x1;
	_ =	sdelay $0x1  }
0x19a: {  	v4 =	vld [tilespmem:s28+$0xFFFFFF80]  }
0x19b: {  	v2 =	vbroadcast v2, $0x0;
	_ =	sdelay $0x1  }
0x19c: {  	s25 =	simm.s32 $0xA10A;
	v2 =	vmul.f32 v2, v3;
	v1 =	vbroadcast v1, $0x0  }
0x19d: {  	s8 =	simm.s32 $0x2C80;
	v3 =	vld.msk [tilespmem:s25+$0xFFFFFFFE], $0x1  }
0x19e: {  	v5 =	vld [tilespmem:s8+$0xFFFFFF00];
	[tilespmem:s29+$0xFFFFFF00] =	vst v2;
	v1 =	vmul.f32 v1, v4  }
0x19f: {  	v2 =	vld.msk [tilespmem:s30+$0xFFFFFFFF], $0x1  }
0x1a0: {  	v4 =	vld [tilespmem:s29+$0xFFFFFF80];
	[tilespmem:s28+$0xFFFFFF80] =	vst v1  }
0x1a1: {  	v1 =	vld.msk [tilespmem:s9+$0x0], $0x1  }
0x1a2: {  	v3 =	vbroadcast v3, $0x0  }
0x1a3: {  	v6 =	vld [tilespmem:s28+$0x0]  }
0x1a4: {  	s17 =	simm.s32 $0xA10E;
	v3 =	vmul.f32 v3, v5;
	v2 =	vbroadcast v2, $0x0  }
0x1a5: {  	s13 =	simm.s32 $0x2E80;
	v7 =	vld.msk [tilespmem:s17+$0xFFFFFFFE], $0x1  }
0x1a6: {  	v8 =	vld [tilespmem:s13+$0xFFFFFF00];
	[tilespmem:s8+$0xFFFFFF00] =	vst v3;
	v2 =	vmul.f32 v2, v4;
	v1 =	vbroadcast v1, $0x0  }
0x1a7: {  	v9 =	vld.msk [tilespmem:s25+$0xFFFFFFFF], $0x1  }
0x1a8: {  	v4 =	vld [tilespmem:s8+$0xFFFFFF80];
	[tilespmem:s29+$0xFFFFFF80] =	vst v2;
	v1 =	vmul.f32 v1, v6  }
0x1a9: {  	v5 =	vld.msk [tilespmem:s30+$0x0], $0x1  }
0x1aa: {  	v3 =	vld [tilespmem:s29+$0x0];
	v2 =	vbroadcast v7, $0x0;
	[tilespmem:s28+$0x0] =	vst v1  }
0x1ab: {  	v1 =	vld.msk [tilespmem:s9+$0x1], $0x1  }
0x1ac: {  	s15 =	simm.s32 $0xC;
	s16 =	simm.s32 $0xA112;
	s10 =	simm.s32 $0x2E80;
	v7 =	vmul.f32 v2, v8;
	v2 =	vld [tilespmem:s28+$0x80];
	v6 =	vbroadcast v9, $0x0  }
.LBB2_11:
0x1ad: {  	v8 =	vld.msk [tilespmem:s16+$0xFFFFFFFE], $0x1;
	s15 =	sadd.s32 $0x4, s15;
	s13 =	sadd.s32 $0x200, s13;
	s9 =	smov.u32 s8  }
0x1ae: {  	s8 =	smov.u32 s10;
	v9 =	vld [tilespmem:s13+$0xFFFFFF00];
	p0 =	slt.u32 s15, $0x4C;
	[tilespmem:s10+$0xFFFFFF00] =	vst v7;
	v6 =	vmul.f32 v6, v4;
	v5 =	vbroadcast v5, $0x0;
	s10 =	smov.u32 s13  }
0x1af: {  	v10 =	vld.msk [tilespmem:s17+$0xFFFFFFFF], $0x1  }
.Ltmp4:
0x1b0: {  	v4 =	vld [tilespmem:s8+$0xFFFFFF80];
	[tilespmem:s9+$0xFFFFFF80] =	vst v6;
	v6 =	vmul.f32 v5, v3;
	v1 =	vbroadcast v1, $0x0;
	(pc) =	sbr.rel @p0 .LBB2_11-.Ltmp4, $4  }
0x1b1: {  	v5 =	vld.msk [tilespmem:s25+$0x0], $0x1  }
0x1b2: {  	v7 =	vbroadcast v8, $0x0;
	v3 =	vld [tilespmem:s9+$0x0];
	[tilespmem:s29+$0x0] =	vst v6;
	v8 =	vmul.f32 v1, v2  }
0x1b3: {  	v1 =	vld.msk [tilespmem:s30+$0x1], $0x1;
	s30 =	smov.u32 s25;
	s25 =	smov.u32 s17;
	s17 =	smov.u32 s16  }
0x1b4: {  	s16 =	sadd.s32 $0x4, s16;
	v7 =	vmul.f32 v7, v9;
	v6 =	vbroadcast v10, $0x0;
	v2 =	vld [tilespmem:s29+$0x80];
	[tilespmem:s28+$0x80] =	vst v8;
	s28 =	smov.u32 s29;
	s29 =	smov.u32 s9  }
0x1b5: {  	_ = 	snop  }
0x1b6: {  	[tilespmem:s10+$0xFFFFFF00] =	vst v7  }
0x1b7: {  	v7 =	vld.msk [tilespmem:s17+$0xFFFFFFFF], $0x1;
	_ =	sdelay $0x1  }
0x1b8: {  	v8 =	vld [tilespmem:s10+$0xFFFFFF80];
	_ =	sdelay $0x2  }
0x1b9: {  	v7 =	vbroadcast v7, $0x0  }
0x1ba: {  	v4 =	vmul.f32 v6, v4  }
0x1bb: {  	v6 =	vmul.f32 v7, v8  }
0x1bc: {  	[tilespmem:s8+$0xFFFFFF80] =	vst v4  }
0x1bd: {  	v4 =	vld.msk [tilespmem:s25+$0x0], $0x1;
	[tilespmem:s10+$0xFFFFFF80] =	vst v6  }
0x1be: {  	v6 =	vld.msk [tilespmem:s17+$0x0], $0x1  }
0x1bf: {  	v7 =	vld [tilespmem:s8+$0x0]  }
0x1c0: {  	v5 =	vbroadcast v5, $0x0;
	v8 =	vld [tilespmem:s10+$0x0];
	_ =	sdelay $0x1  }
0x1c1: {  	v3 =	vmul.f32 v5, v3;
	v4 =	vbroadcast v4, $0x0  }
0x1c2: {  	v5 =	vbroadcast v6, $0x0  }
0x1c3: {  	[tilespmem:s29+$0x0] =	vst v3;
	v3 =	vmul.f32 v4, v7  }
0x1c4: {  	v4 =	vld.msk [tilespmem:s30+$0x1], $0x1;
	v5 =	vmul.f32 v5, v8  }
0x1c5: {  	[tilespmem:s8+$0x0] =	vst v3;
	v6 =	vld [tilespmem:s29+$0x80]  }
0x1c6: {  	v3 =	vld.msk [tilespmem:s25+$0x1], $0x1;
	[tilespmem:s10+$0x0] =	vst v5  }
0x1c7: {  	v5 =	vld.msk [tilespmem:s17+$0x1], $0x1  }
0x1c8: {  	v7 =	vld [tilespmem:s8+$0x80]  }
0x1c9: {  	v1 =	vbroadcast v1, $0x0;
	v8 =	vld [tilespmem:s10+$0x80]  }
0x1ca: {  	v4 =	vbroadcast v4, $0x0  }
0x1cb: {  	v1 =	vmul.f32 v1, v2;
	v2 =	vbroadcast v3, $0x0  }
0x1cc: {  	v3 =	vmul.f32 v4, v6;
	v4 =	vbroadcast v5, $0x0  }
0x1cd: {  	[tilespmem:s28+$0x80] =	vst v1;
	v1 =	vmul.f32 v2, v7  }
0x1ce: {  	[tilespmem:s29+$0x80] =	vst v3;
	v2 =	vmul.f32 v4, v8  }
0x1cf: {  	[tilespmem:s8+$0x80] =	vst v1  }
0x1d0: {  	s9 =	simm.s32 $0x9F80;
	s28 =	smul.u32 $0xF0, s26;
	[tilespmem:s10+$0x80] =	vst v2  }
0x1d1: {  	[spmem:s4] =	stream.indirect.scatter.add.f32 [tilespmem:s31], [sflag:$0x7], $0x80, s9, s0, $0xb8;
	[tilespmem:$0x1E280] =	vst v63  }
0x1d2: {  	s10 =	sadd.s32 $0x190, s28;
	_ =	swait.ge [sflag:s24], $0x2800  }
0x1d3: {  	s8 =	sadd.s32 s6, s10;
	[sflag:s24] =	ssyncset.done $0x0  }
0x1d4: {  	s9 =	simm.s32 $0x7780;
	s8 =	sshrl.u32 s8, $0x3;
	[sflag:s24] =	ssyncadd.s32 $0xFFFFD800  }
0x1d5: {  	[tilespmem:s9], [sflag:$0x3] =	stream.indirect.gather [hbm4b:s7+s0], $0x80, s10, s0, $0xb8;
	[tilespmem:$0x1E280] =	vst v63  }
0x1d6: {  	s13 =	simm.s32 $0xA080;
	s11 =	sadd.s32 s1, s8  }
0x1d7: {  	[tilespmem:s13], [sflag:$0x6] =	stream.linear.gather [hbm4b:s11+s5], $0x50, $0x38;
	[tilespmem:$0x1E280] =	vst v63  }
0x1d8: {  	s15 =	simm.s32 $0xA200;
	s8 =	sadd.s32 s3, s8  }
0x1d9: {  	[tilespmem:s15], [sflag:$0x6] =	stream.linear.gather [hbm4b:s8+s5], $0x50, $0x38;
	[tilespmem:$0x1E280] =	vst v63  }
0x1da: {  	_ =	swait.ge [sflag:s18], $0x2800  }
0x1db: {  	[sflag:s18] =	ssyncset.done $0x0  }
0x1dc: {  	[sflag:s18] =	ssyncadd.s32 $0xFFFFD800  }
0x1dd: {  	_ =	swait.ge [sflag:s19], $0x50  }
0x1de: {  	[sflag:s19] =	ssyncset.done $0x0  }
0x1df: {  	[sflag:s19] =	ssyncadd.s32 $0xFFFFFFB0  }
0x1e0: {  	_ =	swait.ge [sflag:s19], $0x50  }
0x1e1: {  	[sflag:s19] =	ssyncset.done $0x0  }
0x1e2: {  	s16 =	simm.s32 $0xA182;
	[sflag:s19] =	ssyncadd.s32 $0xFFFFFFB0  }
0x1e3: {  	v1 =	vld.msk [tilespmem:s16+$0xFFFFFFFE], $0x1  }
0x1e4: {  	s29 =	simm.s32 $0x5080  }
0x1e5: {  	v2 =	vld [tilespmem:s29+$0xFFFFFF00];
	_ =	sdelay $0x2  }
0x1e6: {  	v1 =	vbroadcast v1, $0x0;
	_ =	sdelay $0x1  }
0x1e7: {  	s25 =	simm.s32 $0xA186;
	v1 =	vmul.f32 v1, v2  }
0x1e8: {  	s8 =	simm.s32 $0x5280;
	v2 =	vld.msk [tilespmem:s25+$0xFFFFFFFE], $0x1  }
0x1e9: {  	v3 =	vld [tilespmem:s8+$0xFFFFFF00];
	[tilespmem:s29+$0xFFFFFF00] =	vst v1  }
0x1ea: {  	v1 =	vld.msk [tilespmem:s16+$0xFFFFFFFF], $0x1;
	_ =	sdelay $0x1  }
0x1eb: {  	v4 =	vld [tilespmem:s29+$0xFFFFFF80]  }
0x1ec: {  	v2 =	vbroadcast v2, $0x0;
	_ =	sdelay $0x1  }
0x1ed: {  	s17 =	simm.s32 $0xA18A;
	v2 =	vmul.f32 v2, v3;
	v1 =	vbroadcast v1, $0x0  }
0x1ee: {  	s30 =	simm.s32 $0x5480;
	v3 =	vld.msk [tilespmem:s17+$0xFFFFFFFE], $0x1  }
0x1ef: {  	v5 =	vld [tilespmem:s30+$0xFFFFFF00];
	[tilespmem:s8+$0xFFFFFF00] =	vst v2;
	v1 =	vmul.f32 v1, v4  }
0x1f0: {  	v2 =	vld.msk [tilespmem:s25+$0xFFFFFFFF], $0x1  }
0x1f1: {  	v4 =	vld [tilespmem:s8+$0xFFFFFF80];
	[tilespmem:s29+$0xFFFFFF80] =	vst v1  }
0x1f2: {  	v1 =	vld.msk [tilespmem:s16+$0x0], $0x1  }
0x1f3: {  	v3 =	vbroadcast v3, $0x0  }
0x1f4: {  	v6 =	vld [tilespmem:s29+$0x0]  }
0x1f5: {  	s10 =	simm.s32 $0xA18E;
	v3 =	vmul.f32 v3, v5;
	v2 =	vbroadcast v2, $0x0  }
0x1f6: {  	s15 =	simm.s32 $0x5680;
	v7 =	vld.msk [tilespmem:s10+$0xFFFFFFFE], $0x1  }
0x1f7: {  	v8 =	vld [tilespmem:s15+$0xFFFFFF00];
	[tilespmem:s30+$0xFFFFFF00] =	vst v3;
	v2 =	vmul.f32 v2, v4;
	v1 =	vbroadcast v1, $0x0  }
0x1f8: {  	v9 =	vld.msk [tilespmem:s17+$0xFFFFFFFF], $0x1  }
0x1f9: {  	v4 =	vld [tilespmem:s30+$0xFFFFFF80];
	[tilespmem:s8+$0xFFFFFF80] =	vst v2;
	v1 =	vmul.f32 v1, v6  }
0x1fa: {  	v5 =	vld.msk [tilespmem:s25+$0x0], $0x1  }
0x1fb: {  	v3 =	vld [tilespmem:s8+$0x0];
	v2 =	vbroadcast v7, $0x0;
	[tilespmem:s29+$0x0] =	vst v1  }
0x1fc: {  	v1 =	vld.msk [tilespmem:s16+$0x1], $0x1  }
0x1fd: {  	s9 =	simm.s32 $0xA192;
	s13 =	simm.s32 $0x5680;
	v7 =	vmul.f32 v2, v8;
	v2 =	vld [tilespmem:s29+$0x80];
	v6 =	vbroadcast v9, $0x0;
	s16 =	simm.s32 $0xC  }
.LBB2_13:
0x1fe: {  	v8 =	vld.msk [tilespmem:s9+$0xFFFFFFFE], $0x1;
	s16 =	sadd.s32 $0x4, s16;
	s15 =	sadd.s32 $0x200, s15;
	s11 =	smov.u32 s30  }
0x1ff: {  	s30 =	smov.u32 s13;
	v9 =	vld [tilespmem:s15+$0xFFFFFF00];
	p0 =	slt.u32 s16, $0x4C;
	[tilespmem:s13+$0xFFFFFF00] =	vst v7;
	v6 =	vmul.f32 v6, v4;
	v5 =	vbroadcast v5, $0x0;
	s13 =	smov.u32 s15  }
0x200: {  	v10 =	vld.msk [tilespmem:s10+$0xFFFFFFFF], $0x1  }
.Ltmp5:
0x201: {  	v4 =	vld [tilespmem:s30+$0xFFFFFF80];
	[tilespmem:s11+$0xFFFFFF80] =	vst v6;
	v6 =	vmul.f32 v5, v3;
	v1 =	vbroadcast v1, $0x0;
	(pc) =	sbr.rel @p0 .LBB2_13-.Ltmp5, $4  }
0x202: {  	v5 =	vld.msk [tilespmem:s17+$0x0], $0x1  }
0x203: {  	v7 =	vbroadcast v8, $0x0;
	v3 =	vld [tilespmem:s11+$0x0];
	[tilespmem:s8+$0x0] =	vst v6;
	v8 =	vmul.f32 v1, v2  }
0x204: {  	v1 =	vld.msk [tilespmem:s25+$0x1], $0x1;
	s25 =	smov.u32 s17;
	s17 =	smov.u32 s10;
	s10 =	smov.u32 s9  }
0x205: {  	s9 =	sadd.s32 $0x4, s9;
	v7 =	vmul.f32 v7, v9;
	v6 =	vbroadcast v10, $0x0;
	v2 =	vld [tilespmem:s8+$0x80];
	[tilespmem:s29+$0x80] =	vst v8;
	s29 =	smov.u32 s8;
	s8 =	smov.u32 s11  }
0x206: {  	_ = 	snop  }
0x207: {  	[tilespmem:s13+$0xFFFFFF00] =	vst v7  }
0x208: {  	v7 =	vld.msk [tilespmem:s10+$0xFFFFFFFF], $0x1;
	_ =	sdelay $0x1  }
0x209: {  	v8 =	vld [tilespmem:s13+$0xFFFFFF80];
	_ =	sdelay $0x2  }
0x20a: {  	v7 =	vbroadcast v7, $0x0  }
0x20b: {  	v4 =	vmul.f32 v6, v4  }
0x20c: {  	v6 =	vmul.f32 v7, v8  }
0x20d: {  	[tilespmem:s30+$0xFFFFFF80] =	vst v4  }
0x20e: {  	v4 =	vld.msk [tilespmem:s17+$0x0], $0x1;
	[tilespmem:s13+$0xFFFFFF80] =	vst v6  }
0x20f: {  	v6 =	vld.msk [tilespmem:s10+$0x0], $0x1  }
0x210: {  	v7 =	vld [tilespmem:s30+$0x0]  }
0x211: {  	v5 =	vbroadcast v5, $0x0;
	v8 =	vld [tilespmem:s13+$0x0];
	_ =	sdelay $0x1  }
0x212: {  	v3 =	vmul.f32 v5, v3;
	v4 =	vbroadcast v4, $0x0  }
0x213: {  	v5 =	vbroadcast v6, $0x0  }
0x214: {  	[tilespmem:s8+$0x0] =	vst v3;
	v3 =	vmul.f32 v4, v7  }
0x215: {  	v4 =	vld.msk [tilespmem:s25+$0x1], $0x1;
	v5 =	vmul.f32 v5, v8  }
0x216: {  	[tilespmem:s30+$0x0] =	vst v3;
	v6 =	vld [tilespmem:s8+$0x80]  }
0x217: {  	v3 =	vld.msk [tilespmem:s17+$0x1], $0x1;
	[tilespmem:s13+$0x0] =	vst v5  }
0x218: {  	v5 =	vld.msk [tilespmem:s10+$0x1], $0x1  }
0x219: {  	v7 =	vld [tilespmem:s30+$0x80]  }
0x21a: {  	v1 =	vbroadcast v1, $0x0;
	v8 =	vld [tilespmem:s13+$0x80]  }
0x21b: {  	v4 =	vbroadcast v4, $0x0  }
0x21c: {  	v1 =	vmul.f32 v1, v2;
	v2 =	vbroadcast v3, $0x0  }
0x21d: {  	v3 =	vmul.f32 v4, v6;
	v4 =	vbroadcast v5, $0x0  }
0x21e: {  	[tilespmem:s29+$0x80] =	vst v1;
	v1 =	vmul.f32 v2, v7  }
0x21f: {  	[tilespmem:s8+$0x80] =	vst v3;
	v2 =	vmul.f32 v4, v8  }
0x220: {  	[tilespmem:s30+$0x80] =	vst v1  }
0x221: {  	s10 =	simm.s32 $0x4F80;
	[tilespmem:s13+$0x80] =	vst v2  }
0x222: {  	[spmem:s4] =	stream.indirect.scatter.add.f32 [tilespmem:s10], [sflag:$0x8], $0x80, s12, s0, $0xb8;
	[tilespmem:$0x1E280] =	vst v63  }
0x223: {  	s11 =	sadd.s32 $0x1E0, s28;
	_ =	swait.ge [sflag:s20], $0x2800  }
0x224: {  	s8 =	sadd.s32 s6, s11;
	[sflag:s20] =	ssyncset.done $0x0  }
0x225: {  	s8 =	sshrl.u32 s8, $0x3;
	[sflag:s20] =	ssyncadd.s32 $0xFFFFD800  }
0x226: {  	[tilespmem:s31], [sflag:$0x1] =	stream.indirect.gather [hbm4b:s7+s0], $0x80, s11, s0, $0xb8;
	[tilespmem:$0x1E280] =	vst v63  }
0x227: {  	s9 =	sadd.s32 s1, s8;
	s13 =	simm.s32 $0x9F80  }
0x228: {  	[tilespmem:s13], [sflag:$0x4] =	stream.linear.gather [hbm4b:s9+s5], $0x50, $0x38;
	[tilespmem:$0x1E280] =	vst v63  }
0x229: {  	s15 =	simm.s32 $0xA100;
	s8 =	sadd.s32 s3, s8  }
0x22a: {  	[tilespmem:s15], [sflag:$0x4] =	stream.linear.gather [hbm4b:s8+s5], $0x50, $0x38;
	[tilespmem:$0x1E280] =	vst v63  }
0x22b: {  	_ =	swait.ge [sflag:s21], $0x2800  }
0x22c: {  	[sflag:s21] =	ssyncset.done $0x0  }
0x22d: {  	[sflag:s21] =	ssyncadd.s32 $0xFFFFD800  }
0x22e: {  	_ =	swait.ge [sflag:s22], $0x50  }
0x22f: {  	[sflag:s22] =	ssyncset.done $0x0  }
0x230: {  	[sflag:s22] =	ssyncadd.s32 $0xFFFFFFB0  }
0x231: {  	_ =	swait.ge [sflag:s22], $0x50  }
0x232: {  	[sflag:s22] =	ssyncset.done $0x0  }
0x233: {  	s16 =	simm.s32 $0xA202;
	[sflag:s22] =	ssyncadd.s32 $0xFFFFFFB0  }
0x234: {  	v1 =	vld.msk [tilespmem:s16+$0xFFFFFFFE], $0x1  }
0x235: {  	s29 =	simm.s32 $0x7880  }
0x236: {  	v2 =	vld [tilespmem:s29+$0xFFFFFF00];
	_ =	sdelay $0x2  }
0x237: {  	v1 =	vbroadcast v1, $0x0;
	_ =	sdelay $0x1  }
0x238: {  	s25 =	simm.s32 $0xA206;
	v1 =	vmul.f32 v1, v2  }
0x239: {  	s8 =	simm.s32 $0x7A80;
	v2 =	vld.msk [tilespmem:s25+$0xFFFFFFFE], $0x1  }
0x23a: {  	v3 =	vld [tilespmem:s8+$0xFFFFFF00];
	[tilespmem:s29+$0xFFFFFF00] =	vst v1  }
0x23b: {  	v1 =	vld.msk [tilespmem:s16+$0xFFFFFFFF], $0x1;
	_ =	sdelay $0x1  }
0x23c: {  	v4 =	vld [tilespmem:s29+$0xFFFFFF80]  }
0x23d: {  	v2 =	vbroadcast v2, $0x0;
	_ =	sdelay $0x1  }
0x23e: {  	s17 =	simm.s32 $0xA20A;
	v2 =	vmul.f32 v2, v3;
	v1 =	vbroadcast v1, $0x0  }
0x23f: {  	s30 =	simm.s32 $0x7C80;
	v3 =	vld.msk [tilespmem:s17+$0xFFFFFFFE], $0x1  }
0x240: {  	v5 =	vld [tilespmem:s30+$0xFFFFFF00];
	[tilespmem:s8+$0xFFFFFF00] =	vst v2;
	v1 =	vmul.f32 v1, v4  }
0x241: {  	v2 =	vld.msk [tilespmem:s25+$0xFFFFFFFF], $0x1  }
0x242: {  	v4 =	vld [tilespmem:s8+$0xFFFFFF80];
	[tilespmem:s29+$0xFFFFFF80] =	vst v1  }
0x243: {  	v1 =	vld.msk [tilespmem:s16+$0x0], $0x1  }
0x244: {  	v3 =	vbroadcast v3, $0x0  }
0x245: {  	v6 =	vld [tilespmem:s29+$0x0]  }
0x246: {  	s10 =	simm.s32 $0xA20E;
	v3 =	vmul.f32 v3, v5;
	v2 =	vbroadcast v2, $0x0  }
0x247: {  	s15 =	simm.s32 $0x7E80;
	v7 =	vld.msk [tilespmem:s10+$0xFFFFFFFE], $0x1  }
0x248: {  	v8 =	vld [tilespmem:s15+$0xFFFFFF00];
	[tilespmem:s30+$0xFFFFFF00] =	vst v3;
	v2 =	vmul.f32 v2, v4;
	v1 =	vbroadcast v1, $0x0  }
0x249: {  	v9 =	vld.msk [tilespmem:s17+$0xFFFFFFFF], $0x1  }
0x24a: {  	v4 =	vld [tilespmem:s30+$0xFFFFFF80];
	[tilespmem:s8+$0xFFFFFF80] =	vst v2;
	v1 =	vmul.f32 v1, v6  }
0x24b: {  	v5 =	vld.msk [tilespmem:s25+$0x0], $0x1  }
0x24c: {  	v3 =	vld [tilespmem:s8+$0x0];
	v2 =	vbroadcast v7, $0x0;
	[tilespmem:s29+$0x0] =	vst v1  }
0x24d: {  	v1 =	vld.msk [tilespmem:s16+$0x1], $0x1  }
0x24e: {  	s9 =	simm.s32 $0xA212;
	s13 =	simm.s32 $0x7E80;
	v7 =	vmul.f32 v2, v8;
	v2 =	vld [tilespmem:s29+$0x80];
	v6 =	vbroadcast v9, $0x0;
	s16 =	simm.s32 $0xC  }
.LBB2_15:
0x24f: {  	v8 =	vld.msk [tilespmem:s9+$0xFFFFFFFE], $0x1;
	s16 =	sadd.s32 $0x4, s16;
	s15 =	sadd.s32 $0x200, s15;
	s11 =	smov.u32 s30  }
0x250: {  	s30 =	smov.u32 s13;
	v9 =	vld [tilespmem:s15+$0xFFFFFF00];
	p0 =	slt.u32 s16, $0x4C;
	[tilespmem:s13+$0xFFFFFF00] =	vst v7;
	v6 =	vmul.f32 v6, v4;
	v5 =	vbroadcast v5, $0x0;
	s13 =	smov.u32 s15  }
0x251: {  	v10 =	vld.msk [tilespmem:s10+$0xFFFFFFFF], $0x1  }
.Ltmp6:
0x252: {  	v4 =	vld [tilespmem:s30+$0xFFFFFF80];
	[tilespmem:s11+$0xFFFFFF80] =	vst v6;
	v6 =	vmul.f32 v5, v3;
	v1 =	vbroadcast v1, $0x0;
	(pc) =	sbr.rel @p0 .LBB2_15-.Ltmp6, $4  }
0x253: {  	v5 =	vld.msk [tilespmem:s17+$0x0], $0x1  }
0x254: {  	v7 =	vbroadcast v8, $0x0;
	v3 =	vld [tilespmem:s11+$0x0];
	[tilespmem:s8+$0x0] =	vst v6;
	v8 =	vmul.f32 v1, v2  }
0x255: {  	v1 =	vld.msk [tilespmem:s25+$0x1], $0x1;
	s25 =	smov.u32 s17;
	s17 =	smov.u32 s10;
	s10 =	smov.u32 s9  }
0x256: {  	s9 =	sadd.s32 $0x4, s9;
	v7 =	vmul.f32 v7, v9;
	v6 =	vbroadcast v10, $0x0;
	v2 =	vld [tilespmem:s8+$0x80];
	[tilespmem:s29+$0x80] =	vst v8;
	s29 =	smov.u32 s8;
	s8 =	smov.u32 s11  }
0x257: {  	_ = 	snop  }
0x258: {  	[tilespmem:s13+$0xFFFFFF00] =	vst v7  }
0x259: {  	v7 =	vld.msk [tilespmem:s10+$0xFFFFFFFF], $0x1;
	_ =	sdelay $0x1  }
0x25a: {  	v8 =	vld [tilespmem:s13+$0xFFFFFF80];
	_ =	sdelay $0x2  }
0x25b: {  	v7 =	vbroadcast v7, $0x0  }
0x25c: {  	v4 =	vmul.f32 v6, v4  }
0x25d: {  	v55 =	vmul.f32 v7, v8  }
0x25e: {  	[tilespmem:s30+$0xFFFFFF80] =	vst v4  }
0x25f: {  	v4 =	vld.msk [tilespmem:s17+$0x0], $0x1;
	[tilespmem:s13+$0xFFFFFF80] =	vst v55  }
0x260: {  	v6 =	vld.msk [tilespmem:s10+$0x0], $0x1  }
0x261: {  	v56 =	vld [tilespmem:s30+$0x0]  }
0x262: {  	v57 =	vld [tilespmem:s13+$0x0];
	v5 =	vbroadcast v5, $0x0;
	_ =	sdelay $0x1  }
0x263: {  	v3 =	vmul.f32 v5, v3;
	v4 =	vbroadcast v4, $0x0  }
0x264: {  	v58 =	vbroadcast v6, $0x0  }
0x265: {  	[tilespmem:s8+$0x0] =	vst v3;
	v3 =	vmul.f32 v4, v56  }
0x266: {  	v60 =	vld [tilespmem:s8+$0x80];
	v5 =	vmul.f32 v58, v57  }
0x267: {  	v59 =	vld.msk [tilespmem:s25+$0x1], $0x1;
	[tilespmem:s30+$0x0] =	vst v3  }
0x268: {  	v3 =	vld.msk [tilespmem:s17+$0x1], $0x1;
	[tilespmem:s13+$0x0] =	vst v5  }
0x269: {  	v5 =	vld.msk [tilespmem:s10+$0x1], $0x1  }
0x26a: {  	v61 =	vld [tilespmem:s30+$0x80]  }
0x26b: {  	v62 =	vld [tilespmem:s13+$0x80];
	v1 =	vbroadcast v1, $0x0  }
0x26c: {  	v4 =	vbroadcast v59, $0x0  }
0x26d: {  	v1 =	vmul.f32 v1, v2;
	v2 =	vbroadcast v3, $0x0  }
0x26e: {  	v3 =	vmul.f32 v4, v60;
	v63 =	vbroadcast v5, $0x0  }
0x26f: {  	[tilespmem:s29+$0x80] =	vst v1;
	v1 =	vmul.f32 v2, v61  }
0x270: {  	[tilespmem:s8+$0x80] =	vst v3;
	v2 =	vmul.f32 v63, v62  }
0x271: {  	[tilespmem:s30+$0x80] =	vst v1  }
0x272: {  	s9 =	simm.s32 $0xA080;
	s17 =	simm.s32 $0x7780;
	[tilespmem:s13+$0x80] =	vst v2  }
0x273: {  	[spmem:s4] =	stream.indirect.scatter.add.f32 [tilespmem:s17], [sflag:$0x9], $0x80, s9, s0, $0xb8;
	[tilespmem:$0x1E280] =	vst v63  }
0x274: {  	s26 =	sadd.s32 $0x1, s26;
	_ =	swait.ge [sflag:s23], $0x2800  }
0x275: {  	p0 =	sne.s32 s26, $0x28;
	s25 =	sadd.s32 $0x230, s28;
	[sflag:s23] =	ssyncset.done $0x0  }
0x276: {  	s28 =	simm.s32 $0x4F80;
	s8 =	sadd.s32 s6, s25;
	[sflag:s23] =	ssyncadd.s32 $0xFFFFD800  }
0x277: {  	[tilespmem:s28], [sflag:$0x2] =	stream.indirect.gather [hbm4b:s7+s0], $0x80, s25, s0, $0xb8;
	[tilespmem:$0x1E280] =	vst v63  }
.Ltmp7:
0x278: {  	s8 =	sshrl.u32 s8, $0x3;
	(pc) =	sbr.rel @p0 .LBB2_10-.Ltmp7, $4  }
0x279: {  	s29 =	sadd.s32 s1, s8  }
0x27a: {  	[tilespmem:s12], [sflag:$0x5] =	stream.linear.gather [hbm4b:s29+s5], $0x50, $0x38;
	[tilespmem:$0x1E280] =	vst v63  }
0x27b: {  	s8 =	sadd.s32 s3, s8;
	s30 =	simm.s32 $0xA180  }
0x27c: {  	[tilespmem:s30], [sflag:$0x5] =	stream.linear.gather [hbm4b:s8+s5], $0x50, $0x38;
	[tilespmem:$0x1E280] =	vst v63  }
0x27d: {  	_ =	swait.ge [sflag:s2], $0x2800  }
0x27e: {  	[sflag:s2] =	ssyncset.done $0x0  }
0x27f: {  	[sflag:s2] =	ssyncadd.s32 $0xFFFFD800  }
0x280: {  	_ =	swait.ge [sflag:s14], $0x50  }
0x281: {  	[sflag:s14] =	ssyncset.done $0x0  }
0x282: {  	[sflag:s14] =	ssyncadd.s32 $0xFFFFFFB0  }
0x283: {  	_ =	swait.ge [sflag:s14], $0x50  }
0x284: {  	[sflag:s14] =	ssyncset.done $0x0  }
0x285: {  	s9 =	simm.s32 $0xA102;
	[sflag:s14] =	ssyncadd.s32 $0xFFFFFFB0  }
0x286: {  	v1 =	vld.msk [tilespmem:s9+$0xFFFFFFFE], $0x1  }
0x287: {  	s26 =	simm.s32 $0x2880  }
0x288: {  	v2 =	vld [tilespmem:s26+$0xFFFFFF00];
	_ =	sdelay $0x2  }
0x289: {  	v1 =	vbroadcast v1, $0x0;
	_ =	sdelay $0x1  }
0x28a: {  	s25 =	simm.s32 $0xA106;
	v1 =	vmul.f32 v1, v2  }
0x28b: {  	s8 =	simm.s32 $0x2A80;
	v2 =	vld.msk [tilespmem:s25+$0xFFFFFFFE], $0x1  }
0x28c: {  	v3 =	vld [tilespmem:s8+$0xFFFFFF00];
	[tilespmem:s26+$0xFFFFFF00] =	vst v1  }
0x28d: {  	v1 =	vld.msk [tilespmem:s9+$0xFFFFFFFF], $0x1;
	_ =	sdelay $0x1  }
0x28e: {  	v4 =	vld [tilespmem:s26+$0xFFFFFF80]  }
0x28f: {  	v2 =	vbroadcast v2, $0x0;
	_ =	sdelay $0x1  }
0x290: {  	s17 =	simm.s32 $0xA10A;
	v2 =	vmul.f32 v2, v3;
	v1 =	vbroadcast v1, $0x0  }
0x291: {  	s28 =	simm.s32 $0x2C80;
	v3 =	vld.msk [tilespmem:s17+$0xFFFFFFFE], $0x1  }
0x292: {  	v5 =	vld [tilespmem:s28+$0xFFFFFF00];
	[tilespmem:s8+$0xFFFFFF00] =	vst v2;
	v1 =	vmul.f32 v1, v4  }
0x293: {  	v2 =	vld.msk [tilespmem:s25+$0xFFFFFFFF], $0x1  }
0x294: {  	v4 =	vld [tilespmem:s8+$0xFFFFFF80];
	[tilespmem:s26+$0xFFFFFF80] =	vst v1  }
0x295: {  	v1 =	vld.msk [tilespmem:s9+$0x0], $0x1  }
0x296: {  	v3 =	vbroadcast v3, $0x0  }
0x297: {  	v6 =	vld [tilespmem:s26+$0x0]  }
0x298: {  	s10 =	simm.s32 $0xA10E;
	v3 =	vmul.f32 v3, v5;
	v2 =	vbroadcast v2, $0x0  }
0x299: {  	s15 =	simm.s32 $0x2E80;
	v7 =	vld.msk [tilespmem:s10+$0xFFFFFFFE], $0x1  }
0x29a: {  	v8 =	vld [tilespmem:s15+$0xFFFFFF00];
	[tilespmem:s28+$0xFFFFFF00] =	vst v3;
	v2 =	vmul.f32 v2, v4;
	v1 =	vbroadcast v1, $0x0  }
0x29b: {  	v9 =	vld.msk [tilespmem:s17+$0xFFFFFFFF], $0x1  }
0x29c: {  	v4 =	vld [tilespmem:s28+$0xFFFFFF80];
	[tilespmem:s8+$0xFFFFFF80] =	vst v2;
	v1 =	vmul.f32 v1, v6  }
0x29d: {  	v5 =	vld.msk [tilespmem:s25+$0x0], $0x1  }
0x29e: {  	v3 =	vld [tilespmem:s8+$0x0];
	v2 =	vbroadcast v7, $0x0;
	[tilespmem:s26+$0x0] =	vst v1  }
0x29f: {  	v1 =	vld.msk [tilespmem:s9+$0x1], $0x1  }
0x2a0: {  	s16 =	simm.s32 $0xC;
	s13 =	simm.s32 $0x2E80;
	v7 =	vmul.f32 v2, v8;
	v2 =	vld [tilespmem:s26+$0x80];
	v6 =	vbroadcast v9, $0x0;
	s9 =	simm.s32 $0xA112  }
.LBB2_18:
0x2a1: {  	v8 =	vld.msk [tilespmem:s9+$0xFFFFFFFE], $0x1;
	s16 =	sadd.s32 $0x4, s16;
	s15 =	sadd.s32 $0x200, s15;
	s11 =	smov.u32 s28  }
0x2a2: {  	s28 =	smov.u32 s13;
	v9 =	vld [tilespmem:s15+$0xFFFFFF00];
	p0 =	slt.u32 s16, $0x4C;
	[tilespmem:s13+$0xFFFFFF00] =	vst v7;
	v6 =	vmul.f32 v6, v4;
	v5 =	vbroadcast v5, $0x0;
	s13 =	smov.u32 s15  }
0x2a3: {  	v10 =	vld.msk [tilespmem:s10+$0xFFFFFFFF], $0x1  }
.Ltmp8:
0x2a4: {  	v4 =	vld [tilespmem:s28+$0xFFFFFF80];
	[tilespmem:s11+$0xFFFFFF80] =	vst v6;
	v6 =	vmul.f32 v5, v3;
	v1 =	vbroadcast v1, $0x0;
	(pc) =	sbr.rel @p0 .LBB2_18-.Ltmp8, $4  }
0x2a5: {  	v5 =	vld.msk [tilespmem:s17+$0x0], $0x1  }
0x2a6: {  	v7 =	vbroadcast v8, $0x0;
	v3 =	vld [tilespmem:s11+$0x0];
	[tilespmem:s8+$0x0] =	vst v6;
	v8 =	vmul.f32 v1, v2  }
0x2a7: {  	v1 =	vld.msk [tilespmem:s25+$0x1], $0x1;
	s25 =	smov.u32 s17;
	s17 =	smov.u32 s10;
	s10 =	smov.u32 s9  }
0x2a8: {  	s9 =	sadd.s32 $0x4, s9;
	v7 =	vmul.f32 v7, v9;
	v6 =	vbroadcast v10, $0x0;
	v2 =	vld [tilespmem:s8+$0x80];
	[tilespmem:s26+$0x80] =	vst v8;
	s26 =	smov.u32 s8;
	s8 =	smov.u32 s11  }
0x2a9: {  	_ = 	snop  }
0x2aa: {  	[tilespmem:s13+$0xFFFFFF00] =	vst v7  }
0x2ab: {  	v7 =	vld.msk [tilespmem:s10+$0xFFFFFFFF], $0x1;
	_ =	sdelay $0x1  }
0x2ac: {  	v8 =	vld [tilespmem:s13+$0xFFFFFF80];
	_ =	sdelay $0x2  }
0x2ad: {  	v7 =	vbroadcast v7, $0x0  }
0x2ae: {  	v4 =	vmul.f32 v6, v4  }
0x2af: {  	v6 =	vmul.f32 v7, v8  }
0x2b0: {  	[tilespmem:s28+$0xFFFFFF80] =	vst v4  }
0x2b1: {  	v4 =	vld.msk [tilespmem:s17+$0x0], $0x1;
	[tilespmem:s13+$0xFFFFFF80] =	vst v6  }
0x2b2: {  	v6 =	vld.msk [tilespmem:s10+$0x0], $0x1  }
0x2b3: {  	v7 =	vld [tilespmem:s28+$0x0]  }
0x2b4: {  	v5 =	vbroadcast v5, $0x0;
	v8 =	vld [tilespmem:s13+$0x0];
	_ =	sdelay $0x1  }
0x2b5: {  	v3 =	vmul.f32 v5, v3;
	v4 =	vbroadcast v4, $0x0  }
0x2b6: {  	v5 =	vbroadcast v6, $0x0  }
0x2b7: {  	[tilespmem:s8+$0x0] =	vst v3;
	v3 =	vmul.f32 v4, v7  }
0x2b8: {  	v4 =	vld.msk [tilespmem:s25+$0x1], $0x1;
	v5 =	vmul.f32 v5, v8  }
0x2b9: {  	[tilespmem:s28+$0x0] =	vst v3;
	v6 =	vld [tilespmem:s8+$0x80]  }
0x2ba: {  	v3 =	vld.msk [tilespmem:s17+$0x1], $0x1;
	[tilespmem:s13+$0x0] =	vst v5  }
0x2bb: {  	v5 =	vld.msk [tilespmem:s10+$0x1], $0x1  }
0x2bc: {  	v7 =	vld [tilespmem:s28+$0x80]  }
0x2bd: {  	v1 =	vbroadcast v1, $0x0;
	v8 =	vld [tilespmem:s13+$0x80]  }
0x2be: {  	v4 =	vbroadcast v4, $0x0  }
0x2bf: {  	v1 =	vmul.f32 v1, v2;
	v2 =	vbroadcast v3, $0x0  }
0x2c0: {  	v3 =	vmul.f32 v4, v6;
	v4 =	vbroadcast v5, $0x0  }
0x2c1: {  	[tilespmem:s26+$0x80] =	vst v1;
	v1 =	vmul.f32 v2, v7  }
0x2c2: {  	[tilespmem:s8+$0x80] =	vst v3;
	v2 =	vmul.f32 v4, v8  }
0x2c3: {  	[tilespmem:s28+$0x80] =	vst v1  }
0x2c4: {  	s30 =	simm.s32 $0x9F80;
	[tilespmem:s13+$0x80] =	vst v2  }
0x2c5: {  	[spmem:s4] =	stream.indirect.scatter.add.f32 [tilespmem:s31], [sflag:$0x7], $0x80, s30, s0, $0xb8;
	[tilespmem:$0x1E280] =	vst v63  }
0x2c6: {  	_ =	swait.ge [sflag:s24], $0x2800  }
0x2c7: {  	[sflag:s24] =	ssyncset.done $0x0  }
0x2c8: {  	[sflag:s24] =	ssyncadd.s32 $0xFFFFD800  }
0x2c9: {  	_ =	swait.ge [sflag:s18], $0x2800  }
0x2ca: {  	[sflag:s18] =	ssyncset.done $0x0  }
0x2cb: {  	[sflag:s18] =	ssyncadd.s32 $0xFFFFD800  }
0x2cc: {  	_ =	swait.ge [sflag:s19], $0x50  }
0x2cd: {  	[sflag:s19] =	ssyncset.done $0x0  }
0x2ce: {  	[sflag:s19] =	ssyncadd.s32 $0xFFFFFFB0  }
0x2cf: {  	_ =	swait.ge [sflag:s19], $0x50  }
0x2d0: {  	[sflag:s19] =	ssyncset.done $0x0  }
0x2d1: {  	s9 =	simm.s32 $0xA182;
	[sflag:s19] =	ssyncadd.s32 $0xFFFFFFB0  }
0x2d2: {  	v1 =	vld.msk [tilespmem:s9+$0xFFFFFFFE], $0x1  }
0x2d3: {  	s26 =	simm.s32 $0x5080  }
0x2d4: {  	v2 =	vld [tilespmem:s26+$0xFFFFFF00];
	_ =	sdelay $0x2  }
0x2d5: {  	v1 =	vbroadcast v1, $0x0;
	_ =	sdelay $0x1  }
0x2d6: {  	s25 =	simm.s32 $0xA186;
	v1 =	vmul.f32 v1, v2  }
0x2d7: {  	s8 =	simm.s32 $0x5280;
	v2 =	vld.msk [tilespmem:s25+$0xFFFFFFFE], $0x1  }
0x2d8: {  	v3 =	vld [tilespmem:s8+$0xFFFFFF00];
	[tilespmem:s26+$0xFFFFFF00] =	vst v1  }
0x2d9: {  	v1 =	vld.msk [tilespmem:s9+$0xFFFFFFFF], $0x1;
	_ =	sdelay $0x1  }
0x2da: {  	v4 =	vld [tilespmem:s26+$0xFFFFFF80]  }
0x2db: {  	v2 =	vbroadcast v2, $0x0;
	_ =	sdelay $0x1  }
0x2dc: {  	s17 =	simm.s32 $0xA18A;
	v2 =	vmul.f32 v2, v3;
	v1 =	vbroadcast v1, $0x0  }
0x2dd: {  	s28 =	simm.s32 $0x5480;
	v3 =	vld.msk [tilespmem:s17+$0xFFFFFFFE], $0x1  }
0x2de: {  	v5 =	vld [tilespmem:s28+$0xFFFFFF00];
	[tilespmem:s8+$0xFFFFFF00] =	vst v2;
	v1 =	vmul.f32 v1, v4  }
0x2df: {  	v2 =	vld.msk [tilespmem:s25+$0xFFFFFFFF], $0x1  }
0x2e0: {  	v4 =	vld [tilespmem:s8+$0xFFFFFF80];
	[tilespmem:s26+$0xFFFFFF80] =	vst v1  }
0x2e1: {  	v1 =	vld.msk [tilespmem:s9+$0x0], $0x1  }
0x2e2: {  	v3 =	vbroadcast v3, $0x0  }
0x2e3: {  	v6 =	vld [tilespmem:s26+$0x0]  }
0x2e4: {  	s10 =	simm.s32 $0xA18E;
	v3 =	vmul.f32 v3, v5;
	v2 =	vbroadcast v2, $0x0  }
0x2e5: {  	s15 =	simm.s32 $0x5680;
	v7 =	vld.msk [tilespmem:s10+$0xFFFFFFFE], $0x1  }
0x2e6: {  	v8 =	vld [tilespmem:s15+$0xFFFFFF00];
	[tilespmem:s28+$0xFFFFFF00] =	vst v3;
	v2 =	vmul.f32 v2, v4;
	v1 =	vbroadcast v1, $0x0  }
0x2e7: {  	v9 =	vld.msk [tilespmem:s17+$0xFFFFFFFF], $0x1  }
0x2e8: {  	v4 =	vld [tilespmem:s28+$0xFFFFFF80];
	[tilespmem:s8+$0xFFFFFF80] =	vst v2;
	v1 =	vmul.f32 v1, v6  }
0x2e9: {  	v5 =	vld.msk [tilespmem:s25+$0x0], $0x1  }
0x2ea: {  	v3 =	vld [tilespmem:s8+$0x0];
	v2 =	vbroadcast v7, $0x0;
	[tilespmem:s26+$0x0] =	vst v1  }
0x2eb: {  	v1 =	vld.msk [tilespmem:s9+$0x1], $0x1  }
0x2ec: {  	s16 =	simm.s32 $0xC;
	s13 =	simm.s32 $0x5680;
	v7 =	vmul.f32 v2, v8;
	v2 =	vld [tilespmem:s26+$0x80];
	v6 =	vbroadcast v9, $0x0;
	s9 =	simm.s32 $0xA192  }
.LBB2_20:
0x2ed: {  	v8 =	vld.msk [tilespmem:s9+$0xFFFFFFFE], $0x1;
	s16 =	sadd.s32 $0x4, s16;
	s15 =	sadd.s32 $0x200, s15;
	s11 =	smov.u32 s28  }
0x2ee: {  	s28 =	smov.u32 s13;
	v9 =	vld [tilespmem:s15+$0xFFFFFF00];
	p0 =	slt.u32 s16, $0x4C;
	[tilespmem:s13+$0xFFFFFF00] =	vst v7;
	v6 =	vmul.f32 v6, v4;
	v5 =	vbroadcast v5, $0x0;
	s13 =	smov.u32 s15  }
0x2ef: {  	v10 =	vld.msk [tilespmem:s10+$0xFFFFFFFF], $0x1  }
.Ltmp9:
0x2f0: {  	v4 =	vld [tilespmem:s28+$0xFFFFFF80];
	[tilespmem:s11+$0xFFFFFF80] =	vst v6;
	v6 =	vmul.f32 v5, v3;
	v1 =	vbroadcast v1, $0x0;
	(pc) =	sbr.rel @p0 .LBB2_20-.Ltmp9, $4  }
0x2f1: {  	v5 =	vld.msk [tilespmem:s17+$0x0], $0x1  }
0x2f2: {  	v7 =	vbroadcast v8, $0x0;
	v3 =	vld [tilespmem:s11+$0x0];
	[tilespmem:s8+$0x0] =	vst v6;
	v8 =	vmul.f32 v1, v2  }
0x2f3: {  	v1 =	vld.msk [tilespmem:s25+$0x1], $0x1;
	s25 =	smov.u32 s17;
	s17 =	smov.u32 s10;
	s10 =	smov.u32 s9  }
0x2f4: {  	s9 =	sadd.s32 $0x4, s9;
	v7 =	vmul.f32 v7, v9;
	v6 =	vbroadcast v10, $0x0;
	v2 =	vld [tilespmem:s8+$0x80];
	[tilespmem:s26+$0x80] =	vst v8;
	s26 =	smov.u32 s8;
	s8 =	smov.u32 s11  }
0x2f5: {  	_ = 	snop  }
0x2f6: {  	[tilespmem:s13+$0xFFFFFF00] =	vst v7  }
0x2f7: {  	v7 =	vld.msk [tilespmem:s10+$0xFFFFFFFF], $0x1;
	_ =	sdelay $0x1  }
0x2f8: {  	v8 =	vld [tilespmem:s13+$0xFFFFFF80];
	_ =	sdelay $0x2  }
0x2f9: {  	v7 =	vbroadcast v7, $0x0  }
0x2fa: {  	v4 =	vmul.f32 v6, v4  }
0x2fb: {  	v55 =	vmul.f32 v7, v8  }
0x2fc: {  	[tilespmem:s28+$0xFFFFFF80] =	vst v4  }
0x2fd: {  	v4 =	vld.msk [tilespmem:s17+$0x0], $0x1;
	[tilespmem:s13+$0xFFFFFF80] =	vst v55  }
0x2fe: {  	v6 =	vld.msk [tilespmem:s10+$0x0], $0x1  }
0x2ff: {  	v56 =	vld [tilespmem:s28+$0x0]  }
0x300: {  	v57 =	vld [tilespmem:s13+$0x0];
	v5 =	vbroadcast v5, $0x0;
	_ =	sdelay $0x1  }
0x301: {  	v3 =	vmul.f32 v5, v3;
	v4 =	vbroadcast v4, $0x0  }
0x302: {  	v58 =	vbroadcast v6, $0x0  }
0x303: {  	[tilespmem:s8+$0x0] =	vst v3;
	v3 =	vmul.f32 v4, v56  }
0x304: {  	v60 =	vld [tilespmem:s8+$0x80];
	v5 =	vmul.f32 v58, v57  }
0x305: {  	v59 =	vld.msk [tilespmem:s25+$0x1], $0x1;
	[tilespmem:s28+$0x0] =	vst v3  }
0x306: {  	v3 =	vld.msk [tilespmem:s17+$0x1], $0x1;
	[tilespmem:s13+$0x0] =	vst v5  }
0x307: {  	v5 =	vld.msk [tilespmem:s10+$0x1], $0x1  }
0x308: {  	v61 =	vld [tilespmem:s28+$0x80]  }
0x309: {  	v62 =	vld [tilespmem:s13+$0x80];
	v1 =	vbroadcast v1, $0x0  }
0x30a: {  	v4 =	vbroadcast v59, $0x0  }
0x30b: {  	v1 =	vmul.f32 v1, v2;
	v2 =	vbroadcast v3, $0x0  }
0x30c: {  	v3 =	vmul.f32 v4, v60;
	v63 =	vbroadcast v5, $0x0  }
0x30d: {  	[tilespmem:s26+$0x80] =	vst v1;
	v1 =	vmul.f32 v2, v61  }
0x30e: {  	[tilespmem:s8+$0x80] =	vst v3;
	v2 =	vmul.f32 v63, v62  }
0x30f: {  	[tilespmem:s28+$0x80] =	vst v1  }
0x310: {  	s25 =	simm.s32 $0x4F80;
	[tilespmem:s13+$0x80] =	vst v2  }
0x311: {  	[spmem:s4] =	stream.indirect.scatter.add.f32 [tilespmem:s25], [sflag:$0x8], $0x80, s12, s0, $0xb8;
	[tilespmem:$0x1E280] =	vst v63  }
0x312: {  	_ =	swait.ge [sflag:s20], $0x2800  }
0x313: {  	[sflag:s20] =	ssyncset.done $0x0  }
0x314: {  	[sflag:s20] =	ssyncadd.s32 $0xFFFFD800  }
0x315: {  	_ =	swait.ge [sflag:s23], $0x2800  }
0x316: {  	[sflag:s23] =	ssyncset.done $0x0  }
0x317: {  	[sflag:s23] =	ssyncadd.s32 $0xFFFFD800  }
0x318: {  	s26 =	stileid.u32;
	[bflag:$0x0] =	sbarrier.arrive $0xFFFF  }
0x319: {  	s8 =	sshll.u32 s26, $0x6;
	s11 =	rddreg [dreg:$0x5]  }
0x31a: {  	s8 =	sor.u32 $0x1C0A, s8;
	s28 =	rddreg [dreg:$0x15];
	s9 =	sshrl.u32 s11, $0x3  }
0x31b: {  	[hbm:s28], [sflag:s8] =	dma.local [spmem:s9], $0x2800  }
0x31c: {  	s9 =	simm.s32 $0xA  }
0x31d: {  	_ =	swait.ge [sflag:s9], $0x2800  }
0x31e: {  	s29 =	rddreg [dreg:$0x1a]  }
0x31f: {  	s30 =	rddreg [dreg:$0x16];
	s10 =	sadd.s32 $0x1, s29  }
0x320: {  	p0 =	sne.s32 s10, s30  }
.Ltmp10:
0x321: {  	_ = 	snop;
	(pc) =	sbr.rel @p0 .LBB2_1-.Ltmp10, $3  }
0x322: {  	_ =	sdelay $0x1  }
0x323: {  	[sflag:s9] =	ssyncset.done $0x0  }
0x324: {  	[sflag:s9] =	ssyncadd.s32 $0xFFFFD800  }
0x325: {  	_ =	sfence.sel $0x180000  }
0x326: {  	[bflag:$0x0] =	sbarrier.arrive $0xFFFF  }
0x327: {  	_ =	strace $0x9000004A  }
0x328: {  	s0 =	stileid.u32;
	[bflag:$0x2] =	sbarrier.arrive $0xFFFF  }
0x329: {  	p0 =	sne.s32 s0, $0x0;
	s0 =	rddreg [dreg:$0x4]  }
0x32a: {  	s0 =	sadd.s32 @!p0 $0x100000, s0  }
0x32b: {  	[sflag:s0] =	ssyncadd.tile.s32 @!p0 $0x1;
	_ =	shalt  }
.Lfunc_end2:
_tile_overlayer_lowered:
.L_overlay_start_2:
0x32c: {  	(tag) =	ssettag $0x2  }
0x32d: {  	s0 =	rddreg [dreg:$0x0];
	s2 =	stileid.u32  }
0x32e: {  	s1 =	rddreg [dreg:$0x1];
	p0 =	sne.s32 s2, $0x0  }
0x32f: {  	s3 =	rddreg [dreg:$0x2];
	[bflag:$0x3] =	sbarrier.arrive $0xFFFF;
	s2 =	simm.s32 @!p0 $0x1C0A  }
0x330: {  	[timem:s3], [sflag:s2] =	dma.local @!p0 [hbm:s0], s1  }
0x331: {  	s0 =	simm.s32 @!p0 $0xA  }
0x332: {  	_ =	swait.ge @!p0 [sflag:s0], s1  }
0x333: {  	s1 =	ssub.s32 @!p0 $0x0, s1;
	[sflag:s0] =	ssyncset.done @!p0 $0x0  }
0x334: {  	[sflag:s0] =	ssyncadd.s32 @!p0 s1  }
0x335: {  	[bflag:$0x3] =	sbarrier.arrive $0xFFFF  }
0x336: {  	_ =	shalt  }

// kernel: kernel.7.cloned.1.call-start
scs
__scs_entry_jumppad:
0x0: {  	(pc) =	sbr.rel $0x88, $3  }
0x1: {  	(tag) =	ssettag $0x0;
	lr =	simm.s32 $0x1  }
0x2: {  	[smem:$0x3F9A] =	sst lr;
	_ =	strace $0xD0000000  }
0x3: {  	_ = 	snop  }
0x4: {  	_ = 	snop  }
0x5: {  	_ = 	snop  }
0x6: {  	_ = 	snop  }
0x7: {  	_ = 	snop  }
__scs_overlays_trampoline_lowered:
0x8: {  	[smem:$0x3FA9] =	sst s0  }
0x9: {  	[smem:$0x3FAA] =	sst s1  }
0xa: {  	[smem:$0x3FAB] =	sst s2  }
0xb: {  	[smem:$0x3FAC] =	sst s3  }
0xc: {  	[smem:$0x3FAD] =	sst s4  }
0xd: {  	[smem:$0x3FAE] =	sst s5  }
0xe: {  	[smem:$0x3FAF] =	sst s6  }
0xf: {  	[smem:$0x3FB0] =	sst s7  }
0x10: {  	[smem:$0x3FB1] =	sst s8  }
0x11: {  	[smem:$0x3FB2] =	sst s9;
	s0 =	simm.s32 @!p0 $0x0  }
0x12: {  	s1 =	sld [smem:$0x3F98];
	s0 =	simm.s32 @p0 $0x1  }
0x13: {  	[smem:$0x3FB3] =	sst s0;
	s0 =	simm.s32 @!p1 $0x0  }
0x14: {  	s2 =	sld [smem:$0x3F97];
	s0 =	simm.s32 @p1 $0x1  }
0x15: {  	[smem:$0x3FB4] =	sst s0;
	s0 =	simm.s32 @!p2 $0x0  }
0x16: {  	s3 =	sld [smem:$0x3FDB];
	s0 =	simm.s32 @p2 $0x1  }
0x17: {  	s4 =	simm.s32 $0x1BF5;
	[smem:$0x3FB6] =	sst s0  }
0x18: {  	s0 =	sld [smem:$0x3F99];
	_ =	swait.ge [sflag:s4], $0x0  }
0x19: {  	s7 =	sld [smem:$0x3F9A]  }
0x1a: {  	s8 =	sadd.s32 $0xFFFFE003, lr  }
0x1b: {  	s9 =	sadd.s32 $0xFFFFFEF7, lr;
	s5 =	simm.s32 $0xFFFFFFFF;
	p2 =	slt.u32 s8, $0xFFFFF086  }
0x1c: {  	p1 =	slt.u32 s9, $0xF7A;
	s5 =	simm.s32 @!p2 $0x0  }
0x1d: {  	s5 =	simm.s32 @p1 $0x1;
	p0 =	seq.s32 s7, s2  }
0x1e: {  	s7 =	smul.u32 @!p0 $0xF7A, s2;
	p2 =	seq.s32 @!p0 s5, $0x0  }
0x1f: {  	s9 =	smul.u32 $0xF7A, s1;
	s8 =	simm.s32 @!p0 $0x1BF5;
	p2 =	por !p2, p0  }
0x20: {  	[sflag:s8] =	ssyncset.s32 @!p0 $0xFFFFF086;
	s6 =	sadd.s32 @!p0 s3, s7;
	s7 =	simm.s32 @!p0 $0x108  }
0x21: {  	s3 =	sadd.s32 s3, s9;
	s6 =	sadd.s32 @!p0 $0x88, s6;
	s7 =	simm.s32 @p2 $0x1082  }
0x22: {  	[simem:s7], [sflag:s8] =	dma.local @!p0 [hbm:s6], $0xF7A  }
0x23: {  	s9 =	sor.u32 $0xD0000000, s2;
	s6 =	simm.s32 $0x108;
	_ =	swait.ge @!p0 [sflag:s8], $0x0  }
0x24: {  	s3 =	sadd.s32 $0x88, s3;
	s6 =	simm.s32 @!p1 $0x1082;
	[sflag:s4] =	ssyncset.s32 $0xFFFFF086  }
0x25: {  	[simem:s6], [sflag:s4] =	dma.local [hbm:s3], $0xF7A  }
0x26: {  	[smem:$0x3F9A] =	sst s1;
	(tag) =	ssettag s2;
	_ =	strace s9  }
0x27: {  	s1 =	sld [smem:$0x3FAA]  }
0x28: {  	s2 =	sld [smem:$0x3FAB]  }
0x29: {  	s4 =	sld [smem:$0x3FAD]  }
0x2a: {  	p0 =	seq.s32 s5, $0x0;
	s5 =	sld [smem:$0x3FAE]  }
0x2b: {  	s6 =	sld [smem:$0x3FAF]  }
0x2c: {  	s7 =	sld [smem:$0x3FB0]  }
0x2d: {  	s3 =	simm.s32 $0x108;
	s8 =	sld [smem:$0x3FB1]  }
0x2e: {  	s3 =	simm.s32 @!p0 $0x1082;
	s9 =	sld [smem:$0x3FB2]  }
0x2f: {  	lr =	sadd.s32 s0, s3;
	s0 =	sld [smem:$0x3FA9]  }
0x30: {  	s3 =	sld [smem:$0x3FAC]  }
0x31: {  	[smem:$0x3FB5] =	sst s10  }
0x32: {  	s10 =	sld [smem:$0x3FB3];
	_ =	sdelay $0x3  }
0x33: {  	p0 =	seq.s32 s10, $0x1;
	s10 =	sld [smem:$0x3FB5];
	_ =	sdelay $0x3  }
0x34: {  	[smem:$0x3FB5] =	sst s10  }
0x35: {  	s10 =	sld [smem:$0x3FB4];
	_ =	sdelay $0x3  }
0x36: {  	p1 =	seq.s32 s10, $0x1;
	s10 =	sld [smem:$0x3FB5];
	_ =	sdelay $0x3  }
0x37: {  	[smem:$0x3FB5] =	sst s10  }
0x38: {  	s10 =	sld [smem:$0x3FB6]  }
0x39: {  	_ = 	snop;
	(pc) =	sbr.ind lr, $3  }
0x3a: {  	_ = 	snop  }
0x3b: {  	_ = 	snop  }
0x3c: {  	p2 =	seq.s32 s10, $0x1;
	s10 =	sld [smem:$0x3FB5]  }
0x3d: {  	_ =	shalt  }
0x3e: {  	_ =	shalt  }
0x3f: {  	_ =	shalt  }
0x40: {  	_ =	shalt  }
0x41: {  	_ =	shalt  }
0x42: {  	_ =	shalt  }
0x43: {  	_ =	shalt  }
0x44: {  	_ =	shalt  }
0x45: {  	_ =	shalt  }
0x46: {  	_ =	shalt  }
0x47: {  	_ =	shalt  }
0x48: {  	_ =	shalt  }
0x49: {  	_ =	shalt  }
0x4a: {  	_ =	shalt  }
0x4b: {  	_ =	shalt  }
0x4c: {  	_ =	shalt  }
0x4d: {  	_ =	shalt  }
0x4e: {  	_ =	shalt  }
0x4f: {  	_ =	shalt  }
0x50: {  	_ =	shalt  }
0x51: {  	_ =	shalt  }
0x52: {  	_ =	shalt  }
0x53: {  	_ =	shalt  }
0x54: {  	_ =	shalt  }
0x55: {  	_ =	shalt  }
0x56: {  	_ =	shalt  }
0x57: {  	_ =	shalt  }
0x58: {  	_ =	shalt  }
0x59: {  	_ =	shalt  }
0x5a: {  	_ =	shalt  }
0x5b: {  	_ =	shalt  }
0x5c: {  	_ =	shalt  }
0x5d: {  	_ =	shalt  }
0x5e: {  	_ =	shalt  }
0x5f: {  	_ =	shalt  }
0x60: {  	_ =	shalt  }
0x61: {  	_ =	shalt  }
0x62: {  	_ =	shalt  }
0x63: {  	_ =	shalt  }
0x64: {  	_ =	shalt  }
0x65: {  	_ =	shalt  }
0x66: {  	_ =	shalt  }
0x67: {  	_ =	shalt  }
0x68: {  	_ =	shalt  }
0x69: {  	_ =	shalt  }
0x6a: {  	_ =	shalt  }
0x6b: {  	_ =	shalt  }
0x6c: {  	_ =	shalt  }
0x6d: {  	_ =	shalt  }
0x6e: {  	_ =	shalt  }
0x6f: {  	_ =	shalt  }
0x70: {  	_ =	shalt  }
0x71: {  	_ =	shalt  }
0x72: {  	_ =	shalt  }
0x73: {  	_ =	shalt  }
0x74: {  	_ =	shalt  }
0x75: {  	_ =	shalt  }
0x76: {  	_ =	shalt  }
0x77: {  	_ =	shalt  }
0x78: {  	_ =	shalt  }
0x79: {  	_ =	shalt  }
0x7a: {  	_ =	shalt  }
0x7b: {  	_ =	shalt  }
0x7c: {  	_ =	shalt  }
0x7d: {  	_ =	shalt  }
0x7e: {  	_ =	shalt  }
0x7f: {  	_ =	shalt  }
0x80: {  	_ =	shalt  }
0x81: {  	_ =	shalt  }
0x82: {  	_ =	shalt  }
0x83: {  	_ =	shalt  }
0x84: {  	_ =	shalt  }
0x85: {  	_ =	shalt  }
0x86: {  	_ =	shalt  }
0x87: {  	_ =	shalt  }
.Lfunc_end0:
.L_simem_size_0:
called_computation_lowered:
.L_overlay_start_0:
0x88: {  	s2 =	sld [smem:$0x3FD9]  }
0x89: {  	s3 =	sld [smem:$0x3FFE];
	_ =	sdelay $0x1  }
0x8a: {  	s1 =	srdreg.scid  }
0x8b: {  	s0 =	sand.u32 $0x1, s1  }
0x8c: {  	s17 =	sshll.u32 s0, $0xA;
	s2 =	sadd.s32 s3, s2  }
0x8d: {  	s2 =	sadd.s32 s2, s17  }
0x8e: {  	[smem:$0x3FC1] =	sst s2  }
0x8f: {  	_ = 	snop  }
0x90: {  	s2 =	sld [smem:$0x3FC7]  }
0x91: {  	s18 =	sld [smem:$0x3FD0];
	(tm) =	ssettm $0x1  }
0x92: {  	s4 =	sld [smem:$0x3FFB];
	_ =	sdelay $0x3  }
0x93: {  	_ =	strace s4  }
0x94: {  	s4 =	sld [smem:$0x3FFC];
	_ =	sdelay $0x3  }
0x95: {  	_ =	strace s4  }
0x96: {  	s4 =	sld [smem:$0x3FFD];
	_ =	sdelay $0x3  }
0x97: {  	_ =	strace s4  }
0x98: {  	_ =	strace $0x8FFFFFFF  }
0x99: {  	s19 =	sld [smem:$0x3FDB];
	_ =	sdelay $0x1  }
0x9a: {  	s5 =	simm.s32 $_scs_section_size  }
0x9b: {  	s6 =	simm.s32 $_size__tile_overlayer_lowered;
	s7 =	simm.s32 $_tile_overlayer_lowered  }
0x9c: {  	s22 =	simm.s32 $0x1BFF;
	s21 =	sshll.u32 s7, $0x1;
	s4 =	sadd.s32 s5, s19  }
0x9d: {  	s8 =	simm.s32 $0x0;
	s20 =	sshll.u32 s6, $0x1;
	s6 =	sadd.s32 s21, s4  }
0x9e: {  	[timem:s8], [sflag:s22] =	dma.local [hbm:s6], s20  }
0x9f: {  	_ =	swait.ge [sflag:s22], s20  }
0xa0: {  	s5 =	ssub.s32 $0x0, s20;
	[sflag:s22] =	ssyncset.done $0x0  }
0xa1: {  	[sflag:s22] =	ssyncadd.s32 s5;
	_ =	sdelay $0x1  }
0xa2: {  	s23 =	simm.s32 $0x1B8B  }
0xa3: {  	_ =	swait.ge [sflag:s23], $0x1  }
0xa4: {  	[sflag:s23] =	ssyncset.done $0x0  }
0xa5: {  	s25 =	simm.s32 $0x1B8E;
	s24 =	sld [smem:$0x3FFE];
	[sflag:s23] =	ssyncadd.s32 $0xFFFFFFFF  }
0xa6: {  	s26 =	simm.s32 $execute0_lowered;
	[smem:$0x3FD2] =	sst s25  }
0xa7: {  	s6 =	sshll.u32 s26, $0x1;
	_ =	strace $0x80000046;
	[dreg:$0x1] =	wrdreg $0xFFFFFFFF  }
0xa8: {  	s28 =	simm.s32 $_size_execute0_lowered;
	s4 =	sadd.s32 s4, s6;
	[dreg:$0x0] =	wrdreg $0x0  }
0xa9: {  	s6 =	sshll.u32 s28, $0x1;
	[dreg:$0x2] =	wrdreg s4  }
0xaa: {  	[dreg:$0x3] =	wrdreg s6  }
0xab: {  	[dreg:$0x4] =	wrdreg $0xC0  }
0xac: {  	_ =	task [dreg:s8], $0x5FFFF  }
0xad: {  	[dreg:$0x1] =	wrdreg $0xFFFFFFFF  }
0xae: {  	[dreg:$0x0] =	wrdreg $0x60  }
0xaf: {  	[dreg:$0x2] =	wrdreg s24  }
0xb0: {  	[dreg:$0x3] =	wrdreg s18  }
0xb1: {  	[dreg:$0x4] =	wrdreg s2  }
0xb2: {  	[dreg:$0x5] =	wrdreg $0xA2800  }
0xb3: {  	[dreg:$0x6] =	wrdreg $0x9  }
0xb4: {  	_ =	task.clear_ibuf [dreg:s8], $0x7FFFF;
	_ =	strace $0x90000046  }
0xb5: {  	s29 =	simm.s32 $0x9;
	_ =	strace $0x80000048  }
0xb6: {  	_ =	swait.ge [sflag:s29], $0x1  }
0xb7: {  	[sflag:s29] =	ssyncadd.s32 $0xFFFFFFFF  }
0xb8: {  	_ =	strace $0x90000048  }
0xb9: {  	_ =	sfence  }
0xba: {  	s30 =	sld [smem:$0x0];
	_ =	sdelay $0x2  }
0xbb: {  	s31 =	sshll.u32 s1, $0xD;
	s1 =	sshrl.u32 s1, $0x2  }
0xbc: {  	s3 =	sand.u32 $0x4000, s31;
	s1 =	sadd.s32 s1, s30  }
0xbd: {  	s0 =	sor.u32 s3, s0;
	s1 =	sshll.u32 s1, $0x11  }
0xbe: {  	s0 =	sor.u32 s1, s0  }
0xbf: {  	s0 =	sadd.s32 $0x8F2B, s0  }
0xc0: {  	[sflag:s0] =	ssyncadd.remote.s32 $0x1  }
0xc1: {  	_ =	sfence.sel $0xFFFF  }
0xc2: {  	[dreg:$0x0] =	wrdreg $0xFFFFFFFF;
	(pc) =	sbr.abs _section_cstart, $3  }
0xc3: {  	[dreg:$0x1] =	wrdreg $0xFFFFFFFF  }
0xc4: {  	_ =	task.clear_ibuf [dreg:s8], $0x2FFFF;
	_ =	strace $0x9FFFFFFF  }
0xc5: {  	(tm) =	ssettm $0x7FFFFFFF  }
tec
execute0_lowered:
.L_overlay_start_1:
0x0: {  	(tag) =	ssettag $0x1  }
0x1: {  	s0 =	rddreg [dreg:$0x0]  }
0x2: {  	s1 =	rddreg [dreg:$0x1];
	s2 =	srdreg.scid  }
0x3: {  	s11 =	stileid.u32;
	s3 =	rddreg [dreg:$0x2]  }
0x4: {  	s4 =	rddreg [dreg:$0x3];
	s31 =	simm.s32 $0x2780;
	s9 =	smul.u32 $0x14000, s11  }
0x5: {  	s2 =	sand.u32 $0x1, s2;
	s5 =	sshll.u32 s11, $0x1;
	s11 =	smul.u32 $0x50000, s11  }
0x6: {  	s6 =	sor.u32 s2, s5;
	s5 =	simm.s32 $0x0;
	s8 =	smul.u32 $0x140000, s2  }
0x7: {  	s2 =	ssub.s32 $0x2, s2;
	s6 =	smul.u32 $0x2710, s6;
	s11 =	sshrl.u32 s11, $0x2  }
0x8: {  	[smem:$0x7FF] =	sst s5;
	s28 =	sshrl.u32 s2, $0x1;
	s11 =	sadd.s32 s11, s4  }
0x9: {  	_ =	strace $0x80000047;
	s30 =	sadd.s32 $0x2800, s11;
	[dreg:$0x5] =	wrdreg s11  }
0xa: {  	s8 =	sadd.s32 s9, s8;
	s9 =	sadd.s32 $0x5000, s11;
	[dreg:$0x7] =	wrdreg s30  }
0xb: {  	s2 =	ssub.s32 s2, s28;
	s13 =	sadd.s32 $0xA000, s11;
	[dreg:$0x8] =	wrdreg s9  }
0xc: {  	s7 =	sadd.s32 $0xB000, s0;
	s26 =	smax.u32 s2, $0x1;
	[dreg:$0xa] =	wrdreg s13  }
0xd: {  	s10 =	sshrl.u32 s6, $0x3;
	s28 =	sadd.s32 $0xC800, s11;
	[dreg:$0x16] =	wrdreg s26  }
0xe: {  	s8 =	sshrl.u32 s8, $0x3;
	s14 =	sadd.s32 s1, s10;
	[dreg:$0x17] =	wrdreg s28  }
0xf: {  	s2 =	simm.s32 $0x1;
	s15 =	sadd.s32 s3, s10;
	[dreg:$0xb] =	wrdreg s14  }
0x10: {  	s12 =	sadd.s32 s10, s0;
	s30 =	sadd.s32 $0x11800, s11;
	[dreg:$0xc] =	wrdreg s15  }
0x11: {  	s0 =	sadd.s32 s8, s0;
	s29 =	sadd.s32 $0x1200, s12;
	[dreg:$0x19] =	wrdreg s30  }
0x12: {  	s16 =	sadd.s32 $0xA, s10;
	s12 =	sadd.s32 $0x7800, s11;
	[dreg:$0x6] =	wrdreg s29  }
0x13: {  	s17 =	sadd.s32 $0x14, s10;
	s18 =	sadd.s32 s1, s16;
	[dreg:$0x9] =	wrdreg s12  }
0x14: {  	s21 =	sadd.s32 $0x1E, s10;
	s8 =	sadd.s32 s3, s16;
	[dreg:$0xd] =	wrdreg s18  }
0x15: {  	s22 =	sadd.s32 $0x28, s10;
	s19 =	sadd.s32 s1, s17;
	[dreg:$0xe] =	wrdreg s8  }
0x16: {  	s9 =	simm.s32 $0xA;
	s20 =	sadd.s32 s3, s17;
	[dreg:$0xf] =	wrdreg s19  }
0x17: {  	s10 =	simm.s32 $0x0;
	s23 =	sadd.s32 s1, s21;
	[dreg:$0x10] =	wrdreg s20  }
0x18: {  	s24 =	sadd.s32 s1, s22;
	s25 =	sadd.s32 s3, s22;
	[dreg:$0x11] =	wrdreg s23  }
0x19: {  	s0 =	sadd.s32 $0x32200, s0;
	s14 =	simm.s32 $0x4;
	[dreg:$0x13] =	wrdreg s24  }
0x1a: {  	s22 =	simm.s32 $0x6;
	s8 =	sadd.s32 s3, s21;
	[dreg:$0x14] =	wrdreg s25  }
0x1b: {  	[dreg:$0x15] =	wrdreg s0;
	s29 =	sadd.s32 $0xF000, s11;
	s0 =	simm.s32 $0x50  }
0x1c: {  	s12 =	simm.s32 $0xA000;
	s18 =	simm.s32 $0x2;
	s19 =	simm.s32 $0x5  }
0x1d: {  	s20 =	simm.s32 $0x7;
	s21 =	simm.s32 $0x3;
	[dreg:$0x12] =	wrdreg s8  }
0x1e: {  	v0 =	vimm.f32 $0.0e+00;
	s23 =	simm.s32 $0x8;
	s24 =	simm.s32 $0x9;
	[dreg:$0x18] =	wrdreg s29  }
.LBB2_1:
0x1f: {  	[dreg:$0x1a] =	wrdreg s10  }
0x20: {  	s8 =	rddreg [dreg:$0x6]  }
0x21: {  	[tilespmem:s5], [sflag:$0xA] =	stream.linear.gather [hbm4b:s8+s5], $0x2710, $0x38;
	[tilespmem:$0x1E280] =	vst v63  }
0x22: {  	_ =	swait.ge [sflag:s9], $0x2710  }
0x23: {  	[sflag:s9] =	ssyncset.done $0x0  }
0x24: {  	s8 =	simm.s32 $0x2880;
	[sflag:s9] =	ssyncadd.s32 $0xFFFFD8F0  }
0x25: {  	[tilespmem:s8+$0xFFFFFF00] =	vst v0  }
0x26: {  	[tilespmem:s8+$0xF0] =	vst v0  }
0x27: {  	[tilespmem:s8+$0xE0] =	vst v0  }
0x28: {  	[tilespmem:s8+$0xD0] =	vst v0  }
0x29: {  	[tilespmem:s8+$0xC0] =	vst v0  }
0x2a: {  	[tilespmem:s8+$0xB0] =	vst v0  }
0x2b: {  	[tilespmem:s8+$0xA0] =	vst v0  }
0x2c: {  	[tilespmem:s8+$0x90] =	vst v0  }
0x2d: {  	[tilespmem:s8+$0x80] =	vst v0  }
0x2e: {  	[tilespmem:s8+$0x70] =	vst v0  }
0x2f: {  	[tilespmem:s8+$0x60] =	vst v0  }
0x30: {  	[tilespmem:s8+$0x50] =	vst v0  }
0x31: {  	[tilespmem:s8+$0x40] =	vst v0  }
0x32: {  	[tilespmem:s8+$0x30] =	vst v0  }
0x33: {  	[tilespmem:s8+$0x20] =	vst v0  }
0x34: {  	[tilespmem:s8+$0x10] =	vst v0  }
0x35: {  	[tilespmem:s8+$0x0] =	vst v0  }
0x36: {  	[tilespmem:s8+$0xFFFFFFF0] =	vst v0  }
0x37: {  	[tilespmem:s8+$0xFFFFFFE0] =	vst v0  }
0x38: {  	[tilespmem:s8+$0xFFFFFFD0] =	vst v0  }
0x39: {  	[tilespmem:s8+$0xFFFFFFC0] =	vst v0  }
0x3a: {  	[tilespmem:s8+$0xFFFFFFB0] =	vst v0  }
0x3b: {  	[tilespmem:s8+$0xFFFFFFA0] =	vst v0  }
0x3c: {  	[tilespmem:s8+$0xFFFFFF90] =	vst v0  }
0x3d: {  	[tilespmem:s8+$0xFFFFFF80] =	vst v0  }
0x3e: {  	[tilespmem:s8+$0xFFFFFF70] =	vst v0  }
0x3f: {  	[tilespmem:s8+$0xFFFFFF60] =	vst v0  }
0x40: {  	[tilespmem:s8+$0xFFFFFF50] =	vst v0  }
0x41: {  	[tilespmem:s8+$0xFFFFFF40] =	vst v0  }
0x42: {  	[tilespmem:s8+$0xFFFFFF30] =	vst v0  }
0x43: {  	s10 =	simm.s32 $0x0;
	[tilespmem:s8+$0xFFFFFF20] =	vst v0  }
.LBB2_2:
0x44: {  	s10 =	sadd.s32 $0x4, s10;
	[tilespmem:s8+$0xFFFFFF10] =	vst v0;
	s8 =	sadd.s32 $0x200, s8  }
0x45: {  	[tilespmem:s8+$0xFFFFFF00] =	vst v0;
	p0 =	slt.u32 s10, $0x4C  }
0x46: {  	[tilespmem:s8+$0xF0] =	vst v0  }
0x47: {  	[tilespmem:s8+$0xE0] =	vst v0  }
0x48: {  	[tilespmem:s8+$0xD0] =	vst v0  }
0x49: {  	[tilespmem:s8+$0xC0] =	vst v0  }
0x4a: {  	[tilespmem:s8+$0xB0] =	vst v0  }
0x4b: {  	[tilespmem:s8+$0xA0] =	vst v0  }
0x4c: {  	[tilespmem:s8+$0x90] =	vst v0  }
0x4d: {  	[tilespmem:s8+$0x80] =	vst v0  }
0x4e: {  	[tilespmem:s8+$0x70] =	vst v0  }
0x4f: {  	[tilespmem:s8+$0x60] =	vst v0  }
0x50: {  	[tilespmem:s8+$0x50] =	vst v0  }
0x51: {  	[tilespmem:s8+$0x40] =	vst v0  }
0x52: {  	[tilespmem:s8+$0x30] =	vst v0  }
0x53: {  	[tilespmem:s8+$0x20] =	vst v0  }
0x54: {  	[tilespmem:s8+$0x10] =	vst v0  }
0x55: {  	[tilespmem:s8+$0x0] =	vst v0  }
0x56: {  	[tilespmem:s8+$0xFFFFFFF0] =	vst v0  }
0x57: {  	[tilespmem:s8+$0xFFFFFFE0] =	vst v0  }
0x58: {  	[tilespmem:s8+$0xFFFFFFD0] =	vst v0  }
0x59: {  	[tilespmem:s8+$0xFFFFFFC0] =	vst v0  }
0x5a: {  	[tilespmem:s8+$0xFFFFFFB0] =	vst v0  }
0x5b: {  	[tilespmem:s8+$0xFFFFFFA0] =	vst v0  }
0x5c: {  	[tilespmem:s8+$0xFFFFFF90] =	vst v0  }
0x5d: {  	[tilespmem:s8+$0xFFFFFF80] =	vst v0  }
0x5e: {  	[tilespmem:s8+$0xFFFFFF70] =	vst v0  }
.Ltmp0:
0x5f: {  	[tilespmem:s8+$0xFFFFFF60] =	vst v0;
	(pc) =	sbr.rel @p0 .LBB2_2-.Ltmp0, $4  }
0x60: {  	[tilespmem:s8+$0xFFFFFF50] =	vst v0  }
0x61: {  	[tilespmem:s8+$0xFFFFFF40] =	vst v0  }
0x62: {  	[tilespmem:s8+$0xFFFFFF30] =	vst v0  }
0x63: {  	[tilespmem:s8+$0xFFFFFF20] =	vst v0  }
0x64: {  	[tilespmem:s8+$0xFFFFFF10] =	vst v0  }
0x65: {  	[spmem:s11] =	stream.linear.scatter [tilespmem:s31], [sflag:$0x1], $0x2800, $0x38;
	[tilespmem:$0x1E280] =	vst v63  }
0x66: {  	s8 =	rddreg [dreg:$0x7]  }
0x67: {  	[spmem:s8] =	stream.linear.scatter [tilespmem:s31], [sflag:$0x1], $0x2800, $0x38;
	[tilespmem:$0x1E280] =	vst v63  }
0x68: {  	s17 =	rddreg [dreg:$0x8]  }
0x69: {  	[spmem:s17] =	stream.linear.scatter [tilespmem:s31], [sflag:$0x1], $0x2800, $0x38;
	[tilespmem:$0x1E280] =	vst v63  }
0x6a: {  	s25 =	rddreg [dreg:$0x9]  }
0x6b: {  	[spmem:s25] =	stream.linear.scatter [tilespmem:s31], [sflag:$0x1], $0x2800, $0x38;
	[tilespmem:$0x1E280] =	vst v63  }
0x6c: {  	s26 =	rddreg [dreg:$0xa]  }
0x6d: {  	[spmem:s26] =	stream.linear.scatter [tilespmem:s31], [sflag:$0x1], $0x2800, $0x38;
	[tilespmem:$0x1E280] =	vst v63  }
0x6e: {  	s30 =	rddreg [dreg:$0x17]  }
0x6f: {  	[spmem:s30] =	stream.linear.scatter [tilespmem:s31], [sflag:$0x1], $0x2800, $0x38;
	[tilespmem:$0x1E280] =	vst v63  }
0x70: {  	s9 =	rddreg [dreg:$0x18]  }
0x71: {  	[spmem:s9] =	stream.linear.scatter [tilespmem:s31], [sflag:$0x1], $0x2800, $0x38;
	[tilespmem:$0x1E280] =	vst v63  }
0x72: {  	s10 =	rddreg [dreg:$0x19]  }
0x73: {  	[spmem:s10] =	stream.linear.scatter [tilespmem:s31], [sflag:$0x1], $0x2800, $0x38;
	[tilespmem:$0x1E280] =	vst v63  }
0x74: {  	_ =	swait.ge [sflag:s2], $0x2800  }
0x75: {  	[sflag:s2] =	ssyncset.done $0x0  }
0x76: {  	[sflag:s2] =	ssyncadd.s32 $0xFFFFD800  }
0x77: {  	_ =	swait.ge [sflag:s2], $0x2800  }
0x78: {  	[sflag:s2] =	ssyncset.done $0x0  }
0x79: {  	[sflag:s2] =	ssyncadd.s32 $0xFFFFD800  }
0x7a: {  	_ =	swait.ge [sflag:s2], $0x2800  }
0x7b: {  	[sflag:s2] =	ssyncset.done $0x0  }
0x7c: {  	[sflag:s2] =	ssyncadd.s32 $0xFFFFD800  }
0x7d: {  	_ =	swait.ge [sflag:s2], $0x2800  }
0x7e: {  	[sflag:s2] =	ssyncset.done $0x0  }
0x7f: {  	[sflag:s2] =	ssyncadd.s32 $0xFFFFD800  }
0x80: {  	_ =	swait.ge [sflag:s2], $0x2800  }
0x81: {  	[sflag:s2] =	ssyncset.done $0x0  }
0x82: {  	[sflag:s2] =	ssyncadd.s32 $0xFFFFD800  }
0x83: {  	_ =	swait.ge [sflag:s2], $0x2800  }
0x84: {  	[sflag:s2] =	ssyncset.done $0x0  }
0x85: {  	[sflag:s2] =	ssyncadd.s32 $0xFFFFD800  }
0x86: {  	_ =	swait.ge [sflag:s2], $0x2800  }
0x87: {  	[sflag:s2] =	ssyncset.done $0x0  }
0x88: {  	[sflag:s2] =	ssyncadd.s32 $0xFFFFD800  }
0x89: {  	_ =	swait.ge [sflag:s2], $0x2800  }
0x8a: {  	[sflag:s2] =	ssyncset.done $0x0  }
0x8b: {  	[sflag:s2] =	ssyncadd.s32 $0xFFFFD800  }
0x8c: {  	[bflag:$0x0] =	sbarrier.arrive $0xFFFF  }
0x8d: {  	[tilespmem:s31], [sflag:$0x1] =	stream.indirect.gather [hbm4b:s7+s0], $0x80, s5, s0, $0xb8;
	[tilespmem:$0x1E280] =	vst v63  }
0x8e: {  	s9 =	simm.s32 $0x9F80;
	s11 =	rddreg [dreg:$0xb]  }
0x8f: {  	[tilespmem:s9], [sflag:$0x4] =	stream.linear.gather [hbm4b:s11+s5], $0x50, $0x38;
	[tilespmem:$0x1E280] =	vst v63  }
0x90: {  	s15 =	simm.s32 $0xA100;
	s13 =	rddreg [dreg:$0xc]  }
0x91: {  	[tilespmem:s15], [sflag:$0x4] =	stream.linear.gather [hbm4b:s13+s5], $0x50, $0x38;
	[tilespmem:$0x1E280] =	vst v63  }
0x92: {  	s16 =	simm.s32 $0x4F80  }
0x93: {  	[tilespmem:s16], [sflag:$0x2] =	stream.indirect.gather [hbm4b:s7+s0], $0x80, s0, s0, $0xb8;
	[tilespmem:$0x1E280] =	vst v63  }
0x94: {  	s17 =	rddreg [dreg:$0xd]  }
0x95: {  	[tilespmem:s12], [sflag:$0x5] =	stream.linear.gather [hbm4b:s17+s5], $0x50, $0x38;
	[tilespmem:$0x1E280] =	vst v63  }
0x96: {  	s26 =	simm.s32 $0xA180;
	s25 =	rddreg [dreg:$0xe]  }
0x97: {  	[tilespmem:s26], [sflag:$0x5] =	stream.linear.gather [hbm4b:s25+s5], $0x50, $0x38;
	[tilespmem:$0x1E280] =	vst v63  }
0x98: {  	_ =	swait.ge [sflag:s2], $0x2800  }
0x99: {  	[sflag:s2] =	ssyncset.done $0x0  }
0x9a: {  	[sflag:s2] =	ssyncadd.s32 $0xFFFFD800  }
0x9b: {  	_ =	swait.ge [sflag:s14], $0x50  }
0x9c: {  	[sflag:s14] =	ssyncset.done $0x0  }
0x9d: {  	[sflag:s14] =	ssyncadd.s32 $0xFFFFFFB0  }
0x9e: {  	_ =	swait.ge [sflag:s14], $0x50  }
0x9f: {  	[sflag:s14] =	ssyncset.done $0x0  }
0xa0: {  	s30 =	simm.s32 $0xA102;
	[sflag:s14] =	ssyncadd.s32 $0xFFFFFFB0  }
0xa1: {  	v1 =	vld.msk [tilespmem:s30+$0xFFFFFFFE], $0x1  }
0xa2: {  	s26 =	simm.s32 $0x2880  }
0xa3: {  	v2 =	vld [tilespmem:s26+$0xFFFFFF00];
	_ =	sdelay $0x2  }
0xa4: {  	v1 =	vbroadcast v1, $0x0;
	_ =	sdelay $0x1  }
0xa5: {  	s29 =	simm.s32 $0xA106;
	v1 =	vmul.f32 v1, v2  }
0xa6: {  	s28 =	simm.s32 $0x2A80;
	v2 =	vld.msk [tilespmem:s29+$0xFFFFFFFE], $0x1  }
0xa7: {  	v3 =	vld [tilespmem:s28+$0xFFFFFF00];
	[tilespmem:s26+$0xFFFFFF00] =	vst v1  }
0xa8: {  	v1 =	vld.msk [tilespmem:s30+$0xFFFFFFFF], $0x1;
	_ =	sdelay $0x1  }
0xa9: {  	v4 =	vld [tilespmem:s26+$0xFFFFFF80]  }
0xaa: {  	v2 =	vbroadcast v2, $0x0;
	_ =	sdelay $0x1  }
0xab: {  	s25 =	simm.s32 $0xA10A;
	v2 =	vmul.f32 v2, v3;
	v1 =	vbroadcast v1, $0x0  }
0xac: {  	s8 =	simm.s32 $0x2C80;
	v3 =	vld.msk [tilespmem:s25+$0xFFFFFFFE], $0x1  }
0xad: {  	v5 =	vld [tilespmem:s8+$0xFFFFFF00];
	[tilespmem:s28+$0xFFFFFF00] =	vst v2;
	v1 =	vmul.f32 v1, v4  }
0xae: {  	v2 =	vld.msk [tilespmem:s29+$0xFFFFFFFF], $0x1  }
0xaf: {  	v4 =	vld [tilespmem:s28+$0xFFFFFF80];
	[tilespmem:s26+$0xFFFFFF80] =	vst v1  }
0xb0: {  	v1 =	vld.msk [tilespmem:s30+$0x0], $0x1  }
0xb1: {  	v3 =	vbroadcast v3, $0x0  }
0xb2: {  	v6 =	vld [tilespmem:s26+$0x0]  }
0xb3: {  	s17 =	simm.s32 $0xA10E;
	v3 =	vmul.f32 v3, v5;
	v2 =	vbroadcast v2, $0x0  }
0xb4: {  	s13 =	simm.s32 $0x2E80;
	v7 =	vld.msk [tilespmem:s17+$0xFFFFFFFE], $0x1  }
0xb5: {  	v8 =	vld [tilespmem:s13+$0xFFFFFF00];
	[tilespmem:s8+$0xFFFFFF00] =	vst v3;
	v2 =	vmul.f32 v2, v4;
	v1 =	vbroadcast v1, $0x0  }
0xb6: {  	v9 =	vld.msk [tilespmem:s25+$0xFFFFFFFF], $0x1  }
0xb7: {  	v4 =	vld [tilespmem:s8+$0xFFFFFF80];
	[tilespmem:s28+$0xFFFFFF80] =	vst v2;
	v1 =	vmul.f32 v1, v6  }
0xb8: {  	v5 =	vld.msk [tilespmem:s29+$0x0], $0x1  }
0xb9: {  	v3 =	vld [tilespmem:s28+$0x0];
	v2 =	vbroadcast v7, $0x0;
	[tilespmem:s26+$0x0] =	vst v1  }
0xba: {  	v1 =	vld.msk [tilespmem:s30+$0x1], $0x1  }
0xbb: {  	s10 =	simm.s32 $0x2E80;
	s15 =	simm.s32 $0xC;
	s16 =	simm.s32 $0xA112;
	v7 =	vmul.f32 v2, v8;
	v2 =	vld [tilespmem:s26+$0x80];
	v6 =	vbroadcast v9, $0x0  }
.LBB2_4:
0xbc: {  	v8 =	vld.msk [tilespmem:s16+$0xFFFFFFFE], $0x1;
	s15 =	sadd.s32 $0x4, s15;
	s13 =	sadd.s32 $0x200, s13;
	s9 =	smov.u32 s8  }
0xbd: {  	s8 =	smov.u32 s10;
	v9 =	vld [tilespmem:s13+$0xFFFFFF00];
	p0 =	slt.u32 s15, $0x4C;
	[tilespmem:s10+$0xFFFFFF00] =	vst v7;
	v6 =	vmul.f32 v6, v4;
	v5 =	vbroadcast v5, $0x0;
	s10 =	smov.u32 s13  }
0xbe: {  	v10 =	vld.msk [tilespmem:s17+$0xFFFFFFFF], $0x1  }
.Ltmp1:
0xbf: {  	v4 =	vld [tilespmem:s8+$0xFFFFFF80];
	[tilespmem:s9+$0xFFFFFF80] =	vst v6;
	v6 =	vmul.f32 v5, v3;
	v1 =	vbroadcast v1, $0x0;
	(pc) =	sbr.rel @p0 .LBB2_4-.Ltmp1, $4  }
0xc0: {  	v5 =	vld.msk [tilespmem:s25+$0x0], $0x1  }
0xc1: {  	v7 =	vbroadcast v8, $0x0;
	v3 =	vld [tilespmem:s9+$0x0];
	[tilespmem:s28+$0x0] =	vst v6;
	v8 =	vmul.f32 v1, v2  }
0xc2: {  	v1 =	vld.msk [tilespmem:s29+$0x1], $0x1;
	s29 =	smov.u32 s25;
	s25 =	smov.u32 s17;
	s17 =	smov.u32 s16  }
0xc3: {  	s16 =	sadd.s32 $0x4, s16;
	v7 =	vmul.f32 v7, v9;
	v6 =	vbroadcast v10, $0x0;
	v2 =	vld [tilespmem:s28+$0x80];
	[tilespmem:s26+$0x80] =	vst v8;
	s26 =	smov.u32 s28;
	s28 =	smov.u32 s9  }
0xc4: {  	_ = 	snop  }
0xc5: {  	[tilespmem:s10+$0xFFFFFF00] =	vst v7  }
0xc6: {  	v7 =	vld.msk [tilespmem:s17+$0xFFFFFFFF], $0x1;
	_ =	sdelay $0x1  }
0xc7: {  	v8 =	vld [tilespmem:s10+$0xFFFFFF80];
	_ =	sdelay $0x2  }
0xc8: {  	v7 =	vbroadcast v7, $0x0  }
0xc9: {  	v4 =	vmul.f32 v6, v4  }
0xca: {  	v6 =	vmul.f32 v7, v8  }
0xcb: {  	[tilespmem:s8+$0xFFFFFF80] =	vst v4  }
0xcc: {  	v4 =	vld.msk [tilespmem:s25+$0x0], $0x1;
	[tilespmem:s10+$0xFFFFFF80] =	vst v6  }
0xcd: {  	v6 =	vld.msk [tilespmem:s17+$0x0], $0x1  }
0xce: {  	v7 =	vld [tilespmem:s8+$0x0]  }
0xcf: {  	v5 =	vbroadcast v5, $0x0;
	v8 =	vld [tilespmem:s10+$0x0];
	_ =	sdelay $0x1  }
0xd0: {  	v3 =	vmul.f32 v5, v3;
	v4 =	vbroadcast v4, $0x0  }
0xd1: {  	v5 =	vbroadcast v6, $0x0  }
0xd2: {  	[tilespmem:s28+$0x0] =	vst v3;
	v3 =	vmul.f32 v4, v7  }
0xd3: {  	v4 =	vld.msk [tilespmem:s29+$0x1], $0x1;
	v5 =	vmul.f32 v5, v8  }
0xd4: {  	[tilespmem:s8+$0x0] =	vst v3;
	v6 =	vld [tilespmem:s28+$0x80]  }
0xd5: {  	v3 =	vld.msk [tilespmem:s25+$0x1], $0x1;
	[tilespmem:s10+$0x0] =	vst v5  }
0xd6: {  	v5 =	vld.msk [tilespmem:s17+$0x1], $0x1  }
0xd7: {  	v7 =	vld [tilespmem:s8+$0x80]  }
0xd8: {  	v1 =	vbroadcast v1, $0x0;
	v8 =	vld [tilespmem:s10+$0x80]  }
0xd9: {  	v4 =	vbroadcast v4, $0x0  }
0xda: {  	v1 =	vmul.f32 v1, v2;
	v2 =	vbroadcast v3, $0x0  }
0xdb: {  	v3 =	vmul.f32 v4, v6;
	v4 =	vbroadcast v5, $0x0  }
0xdc: {  	[tilespmem:s26+$0x80] =	vst v1;
	v1 =	vmul.f32 v2, v7  }
0xdd: {  	[tilespmem:s28+$0x80] =	vst v3;
	v2 =	vmul.f32 v4, v8  }
0xde: {  	[tilespmem:s8+$0x80] =	vst v1  }
0xdf: {  	s13 =	simm.s32 $0x9F80;
	[tilespmem:s10+$0x80] =	vst v2  }
0xe0: {  	[spmem:s4] =	stream.indirect.scatter.add.f32 [tilespmem:s31], [sflag:$0x7], $0x80, s13, s0, $0xb8;
	[tilespmem:$0x1E280] =	vst v63  }
0xe1: {  	s15 =	simm.s32 $0xA0;
	s9 =	simm.s32 $0x7780  }
0xe2: {  	[tilespmem:s9], [sflag:$0x3] =	stream.indirect.gather [hbm4b:s7+s0], $0x80, s15, s0, $0xb8;
	[tilespmem:$0x1E280] =	vst v63  }
0xe3: {  	s17 =	simm.s32 $0xA080;
	s16 =	rddreg [dreg:$0xf]  }
0xe4: {  	[tilespmem:s17], [sflag:$0x6] =	stream.linear.gather [hbm4b:s16+s5], $0x50, $0x38;
	[tilespmem:$0x1E280] =	vst v63  }
0xe5: {  	s26 =	simm.s32 $0xA200;
	s25 =	rddreg [dreg:$0x10]  }
0xe6: {  	[tilespmem:s26], [sflag:$0x6] =	stream.linear.gather [hbm4b:s25+s5], $0x50, $0x38;
	[tilespmem:$0x1E280] =	vst v63  }
0xe7: {  	_ =	swait.ge [sflag:s18], $0x2800  }
0xe8: {  	[sflag:s18] =	ssyncset.done $0x0  }
0xe9: {  	[sflag:s18] =	ssyncadd.s32 $0xFFFFD800  }
0xea: {  	_ =	swait.ge [sflag:s19], $0x50  }
0xeb: {  	[sflag:s19] =	ssyncset.done $0x0  }
0xec: {  	[sflag:s19] =	ssyncadd.s32 $0xFFFFFFB0  }
0xed: {  	_ =	swait.ge [sflag:s19], $0x50  }
0xee: {  	[sflag:s19] =	ssyncset.done $0x0  }
0xef: {  	s30 =	simm.s32 $0xA182;
	[sflag:s19] =	ssyncadd.s32 $0xFFFFFFB0  }
0xf0: {  	v1 =	vld.msk [tilespmem:s30+$0xFFFFFFFE], $0x1  }
0xf1: {  	s26 =	simm.s32 $0x5080  }
0xf2: {  	v2 =	vld [tilespmem:s26+$0xFFFFFF00];
	_ =	sdelay $0x2  }
0xf3: {  	v1 =	vbroadcast v1, $0x0;
	_ =	sdelay $0x1  }
0xf4: {  	s29 =	simm.s32 $0xA186;
	v1 =	vmul.f32 v1, v2  }
0xf5: {  	s28 =	simm.s32 $0x5280;
	v2 =	vld.msk [tilespmem:s29+$0xFFFFFFFE], $0x1  }
0xf6: {  	v3 =	vld [tilespmem:s28+$0xFFFFFF00];
	[tilespmem:s26+$0xFFFFFF00] =	vst v1  }
0xf7: {  	v1 =	vld.msk [tilespmem:s30+$0xFFFFFFFF], $0x1;
	_ =	sdelay $0x1  }
0xf8: {  	v4 =	vld [tilespmem:s26+$0xFFFFFF80]  }
0xf9: {  	v2 =	vbroadcast v2, $0x0;
	_ =	sdelay $0x1  }
0xfa: {  	s25 =	simm.s32 $0xA18A;
	v2 =	vmul.f32 v2, v3;
	v1 =	vbroadcast v1, $0x0  }
0xfb: {  	s8 =	simm.s32 $0x5480;
	v3 =	vld.msk [tilespmem:s25+$0xFFFFFFFE], $0x1  }
0xfc: {  	v5 =	vld [tilespmem:s8+$0xFFFFFF00];
	[tilespmem:s28+$0xFFFFFF00] =	vst v2;
	v1 =	vmul.f32 v1, v4  }
0xfd: {  	v2 =	vld.msk [tilespmem:s29+$0xFFFFFFFF], $0x1  }
0xfe: {  	v4 =	vld [tilespmem:s28+$0xFFFFFF80];
	[tilespmem:s26+$0xFFFFFF80] =	vst v1  }
0xff: {  	v1 =	vld.msk [tilespmem:s30+$0x0], $0x1  }
0x100: {  	v3 =	vbroadcast v3, $0x0  }
0x101: {  	v6 =	vld [tilespmem:s26+$0x0]  }
0x102: {  	s17 =	simm.s32 $0xA18E;
	v3 =	vmul.f32 v3, v5;
	v2 =	vbroadcast v2, $0x0  }
0x103: {  	s13 =	simm.s32 $0x5680;
	v7 =	vld.msk [tilespmem:s17+$0xFFFFFFFE], $0x1  }
0x104: {  	v8 =	vld [tilespmem:s13+$0xFFFFFF00];
	[tilespmem:s8+$0xFFFFFF00] =	vst v3;
	v2 =	vmul.f32 v2, v4;
	v1 =	vbroadcast v1, $0x0  }
0x105: {  	v9 =	vld.msk [tilespmem:s25+$0xFFFFFFFF], $0x1  }
0x106: {  	v4 =	vld [tilespmem:s8+$0xFFFFFF80];
	[tilespmem:s28+$0xFFFFFF80] =	vst v2;
	v1 =	vmul.f32 v1, v6  }
0x107: {  	v5 =	vld.msk [tilespmem:s29+$0x0], $0x1  }
0x108: {  	v3 =	vld [tilespmem:s28+$0x0];
	v2 =	vbroadcast v7, $0x0;
	[tilespmem:s26+$0x0] =	vst v1  }
0x109: {  	v1 =	vld.msk [tilespmem:s30+$0x1], $0x1  }
0x10a: {  	s10 =	simm.s32 $0x5680;
	s15 =	simm.s32 $0xC;
	s16 =	simm.s32 $0xA192;
	v7 =	vmul.f32 v2, v8;
	v2 =	vld [tilespmem:s26+$0x80];
	v6 =	vbroadcast v9, $0x0  }
.LBB2_6:
0x10b: {  	v8 =	vld.msk [tilespmem:s16+$0xFFFFFFFE], $0x1;
	s15 =	sadd.s32 $0x4, s15;
	s13 =	sadd.s32 $0x200, s13;
	s9 =	smov.u32 s8  }
0x10c: {  	s8 =	smov.u32 s10;
	v9 =	vld [tilespmem:s13+$0xFFFFFF00];
	p0 =	slt.u32 s15, $0x4C;
	[tilespmem:s10+$0xFFFFFF00] =	vst v7;
	v6 =	vmul.f32 v6, v4;
	v5 =	vbroadcast v5, $0x0;
	s10 =	smov.u32 s13  }
0x10d: {  	v10 =	vld.msk [tilespmem:s17+$0xFFFFFFFF], $0x1  }
.Ltmp2:
0x10e: {  	v4 =	vld [tilespmem:s8+$0xFFFFFF80];
	[tilespmem:s9+$0xFFFFFF80] =	vst v6;
	v6 =	vmul.f32 v5, v3;
	v1 =	vbroadcast v1, $0x0;
	(pc) =	sbr.rel @p0 .LBB2_6-.Ltmp2, $4  }
0x10f: {  	v5 =	vld.msk [tilespmem:s25+$0x0], $0x1  }
0x110: {  	v7 =	vbroadcast v8, $0x0;
	v3 =	vld [tilespmem:s9+$0x0];
	[tilespmem:s28+$0x0] =	vst v6;
	v8 =	vmul.f32 v1, v2  }
0x111: {  	v1 =	vld.msk [tilespmem:s29+$0x1], $0x1;
	s29 =	smov.u32 s25;
	s25 =	smov.u32 s17;
	s17 =	smov.u32 s16  }
0x112: {  	s16 =	sadd.s32 $0x4, s16;
	v7 =	vmul.f32 v7, v9;
	v6 =	vbroadcast v10, $0x0;
	v2 =	vld [tilespmem:s28+$0x80];
	[tilespmem:s26+$0x80] =	vst v8;
	s26 =	smov.u32 s28;
	s28 =	smov.u32 s9  }
0x113: {  	_ = 	snop  }
0x114: {  	[tilespmem:s10+$0xFFFFFF00] =	vst v7  }
0x115: {  	v7 =	vld.msk [tilespmem:s17+$0xFFFFFFFF], $0x1;
	_ =	sdelay $0x1  }
0x116: {  	v8 =	vld [tilespmem:s10+$0xFFFFFF80];
	_ =	sdelay $0x2  }
0x117: {  	v7 =	vbroadcast v7, $0x0  }
0x118: {  	v4 =	vmul.f32 v6, v4  }
0x119: {  	v6 =	vmul.f32 v7, v8  }
0x11a: {  	[tilespmem:s8+$0xFFFFFF80] =	vst v4  }
0x11b: {  	v4 =	vld.msk [tilespmem:s25+$0x0], $0x1;
	[tilespmem:s10+$0xFFFFFF80] =	vst v6  }
0x11c: {  	v6 =	vld.msk [tilespmem:s17+$0x0], $0x1  }
0x11d: {  	v7 =	vld [tilespmem:s8+$0x0]  }
0x11e: {  	v5 =	vbroadcast v5, $0x0;
	v8 =	vld [tilespmem:s10+$0x0];
	_ =	sdelay $0x1  }
0x11f: {  	v3 =	vmul.f32 v5, v3;
	v4 =	vbroadcast v4, $0x0  }
0x120: {  	v5 =	vbroadcast v6, $0x0  }
0x121: {  	[tilespmem:s28+$0x0] =	vst v3;
	v3 =	vmul.f32 v4, v7  }
0x122: {  	v4 =	vld.msk [tilespmem:s29+$0x1], $0x1;
	v5 =	vmul.f32 v5, v8  }
0x123: {  	[tilespmem:s8+$0x0] =	vst v3;
	v6 =	vld [tilespmem:s28+$0x80]  }
0x124: {  	v3 =	vld.msk [tilespmem:s25+$0x1], $0x1;
	[tilespmem:s10+$0x0] =	vst v5  }
0x125: {  	v5 =	vld.msk [tilespmem:s17+$0x1], $0x1  }
0x126: {  	v7 =	vld [tilespmem:s8+$0x80]  }
0x127: {  	v1 =	vbroadcast v1, $0x0;
	v8 =	vld [tilespmem:s10+$0x80]  }
0x128: {  	v4 =	vbroadcast v4, $0x0  }
0x129: {  	v1 =	vmul.f32 v1, v2;
	v2 =	vbroadcast v3, $0x0  }
0x12a: {  	v3 =	vmul.f32 v4, v6;
	v4 =	vbroadcast v5, $0x0  }
0x12b: {  	[tilespmem:s26+$0x80] =	vst v1;
	v1 =	vmul.f32 v2, v7  }
0x12c: {  	[tilespmem:s28+$0x80] =	vst v3;
	v2 =	vmul.f32 v4, v8  }
0x12d: {  	[tilespmem:s8+$0x80] =	vst v1  }
0x12e: {  	s15 =	simm.s32 $0x4F80;
	[tilespmem:s10+$0x80] =	vst v2  }
0x12f: {  	[spmem:s4] =	stream.indirect.scatter.add.f32 [tilespmem:s15], [sflag:$0x8], $0x80, s12, s0, $0xb8;
	[tilespmem:$0x1E280] =	vst v63  }
0x130: {  	_ =	swait.ge [sflag:s20], $0x2800  }
0x131: {  	[sflag:s20] =	ssyncset.done $0x0  }
0x132: {  	s16 =	simm.s32 $0xF0;
	[sflag:s20] =	ssyncadd.s32 $0xFFFFD800  }
0x133: {  	[tilespmem:s31], [sflag:$0x1] =	stream.indirect.gather [hbm4b:s7+s0], $0x80, s16, s0, $0xb8;
	[tilespmem:$0x1E280] =	vst v63  }
0x134: {  	s9 =	simm.s32 $0x9F80;
	s17 =	rddreg [dreg:$0x11]  }
0x135: {  	[tilespmem:s9], [sflag:$0x4] =	stream.linear.gather [hbm4b:s17+s5], $0x50, $0x38;
	[tilespmem:$0x1E280] =	vst v63  }
0x136: {  	s26 =	simm.s32 $0xA100;
	s25 =	rddreg [dreg:$0x12]  }
0x137: {  	[tilespmem:s26], [sflag:$0x4] =	stream.linear.gather [hbm4b:s25+s5], $0x50, $0x38;
	[tilespmem:$0x1E280] =	vst v63  }
0x138: {  	_ =	swait.ge [sflag:s21], $0x2800  }
0x139: {  	[sflag:s21] =	ssyncset.done $0x0  }
0x13a: {  	[sflag:s21] =	ssyncadd.s32 $0xFFFFD800  }
0x13b: {  	_ =	swait.ge [sflag:s22], $0x50  }
0x13c: {  	[sflag:s22] =	ssyncset.done $0x0  }
0x13d: {  	[sflag:s22] =	ssyncadd.s32 $0xFFFFFFB0  }
0x13e: {  	_ =	swait.ge [sflag:s22], $0x50  }
0x13f: {  	[sflag:s22] =	ssyncset.done $0x0  }
0x140: {  	s30 =	simm.s32 $0xA202;
	[sflag:s22] =	ssyncadd.s32 $0xFFFFFFB0  }
0x141: {  	v1 =	vld.msk [tilespmem:s30+$0xFFFFFFFE], $0x1  }
0x142: {  	s26 =	simm.s32 $0x7880  }
0x143: {  	v2 =	vld [tilespmem:s26+$0xFFFFFF00];
	_ =	sdelay $0x2  }
0x144: {  	v1 =	vbroadcast v1, $0x0;
	_ =	sdelay $0x1  }
0x145: {  	s29 =	simm.s32 $0xA206;
	v1 =	vmul.f32 v1, v2  }
0x146: {  	s28 =	simm.s32 $0x7A80;
	v2 =	vld.msk [tilespmem:s29+$0xFFFFFFFE], $0x1  }
0x147: {  	v3 =	vld [tilespmem:s28+$0xFFFFFF00];
	[tilespmem:s26+$0xFFFFFF00] =	vst v1  }
0x148: {  	v1 =	vld.msk [tilespmem:s30+$0xFFFFFFFF], $0x1;
	_ =	sdelay $0x1  }
0x149: {  	v4 =	vld [tilespmem:s26+$0xFFFFFF80]  }
0x14a: {  	v2 =	vbroadcast v2, $0x0;
	_ =	sdelay $0x1  }
0x14b: {  	s25 =	simm.s32 $0xA20A;
	v2 =	vmul.f32 v2, v3;
	v1 =	vbroadcast v1, $0x0  }
0x14c: {  	s8 =	simm.s32 $0x7C80;
	v3 =	vld.msk [tilespmem:s25+$0xFFFFFFFE], $0x1  }
0x14d: {  	v5 =	vld [tilespmem:s8+$0xFFFFFF00];
	[tilespmem:s28+$0xFFFFFF00] =	vst v2;
	v1 =	vmul.f32 v1, v4  }
0x14e: {  	v2 =	vld.msk [tilespmem:s29+$0xFFFFFFFF], $0x1  }
0x14f: {  	v4 =	vld [tilespmem:s28+$0xFFFFFF80];
	[tilespmem:s26+$0xFFFFFF80] =	vst v1  }
0x150: {  	v1 =	vld.msk [tilespmem:s30+$0x0], $0x1  }
0x151: {  	v3 =	vbroadcast v3, $0x0  }
0x152: {  	v6 =	vld [tilespmem:s26+$0x0]  }
0x153: {  	s17 =	simm.s32 $0xA20E;
	v3 =	vmul.f32 v3, v5;
	v2 =	vbroadcast v2, $0x0  }
0x154: {  	s13 =	simm.s32 $0x7E80;
	v7 =	vld.msk [tilespmem:s17+$0xFFFFFFFE], $0x1  }
0x155: {  	v8 =	vld [tilespmem:s13+$0xFFFFFF00];
	[tilespmem:s8+$0xFFFFFF00] =	vst v3;
	v2 =	vmul.f32 v2, v4;
	v1 =	vbroadcast v1, $0x0  }
0x156: {  	v9 =	vld.msk [tilespmem:s25+$0xFFFFFFFF], $0x1  }
0x157: {  	v4 =	vld [tilespmem:s8+$0xFFFFFF80];
	[tilespmem:s28+$0xFFFFFF80] =	vst v2;
	v1 =	vmul.f32 v1, v6  }
0x158: {  	v5 =	vld.msk [tilespmem:s29+$0x0], $0x1  }
0x159: {  	v3 =	vld [tilespmem:s28+$0x0];
	v2 =	vbroadcast v7, $0x0;
	[tilespmem:s26+$0x0] =	vst v1  }
0x15a: {  	v1 =	vld.msk [tilespmem:s30+$0x1], $0x1  }
0x15b: {  	s10 =	simm.s32 $0x7E80;
	s15 =	simm.s32 $0xC;
	s16 =	simm.s32 $0xA212;
	v7 =	vmul.f32 v2, v8;
	v2 =	vld [tilespmem:s26+$0x80];
	v6 =	vbroadcast v9, $0x0  }
.LBB2_8:
0x15c: {  	v8 =	vld.msk [tilespmem:s16+$0xFFFFFFFE], $0x1;
	s15 =	sadd.s32 $0x4, s15;
	s13 =	sadd.s32 $0x200, s13;
	s9 =	smov.u32 s8  }
0x15d: {  	s8 =	smov.u32 s10;
	v9 =	vld [tilespmem:s13+$0xFFFFFF00];
	p0 =	slt.u32 s15, $0x4C;
	[tilespmem:s10+$0xFFFFFF00] =	vst v7;
	v6 =	vmul.f32 v6, v4;
	v5 =	vbroadcast v5, $0x0;
	s10 =	smov.u32 s13  }
0x15e: {  	v10 =	vld.msk [tilespmem:s17+$0xFFFFFFFF], $0x1  }
.Ltmp3:
0x15f: {  	v4 =	vld [tilespmem:s8+$0xFFFFFF80];
	[tilespmem:s9+$0xFFFFFF80] =	vst v6;
	v6 =	vmul.f32 v5, v3;
	v1 =	vbroadcast v1, $0x0;
	(pc) =	sbr.rel @p0 .LBB2_8-.Ltmp3, $4  }
0x160: {  	v5 =	vld.msk [tilespmem:s25+$0x0], $0x1  }
0x161: {  	v7 =	vbroadcast v8, $0x0;
	v3 =	vld [tilespmem:s9+$0x0];
	[tilespmem:s28+$0x0] =	vst v6;
	v8 =	vmul.f32 v1, v2  }
0x162: {  	v1 =	vld.msk [tilespmem:s29+$0x1], $0x1;
	s29 =	smov.u32 s25;
	s25 =	smov.u32 s17;
	s17 =	smov.u32 s16  }
0x163: {  	s16 =	sadd.s32 $0x4, s16;
	v7 =	vmul.f32 v7, v9;
	v6 =	vbroadcast v10, $0x0;
	v2 =	vld [tilespmem:s28+$0x80];
	[tilespmem:s26+$0x80] =	vst v8;
	s26 =	smov.u32 s28;
	s28 =	smov.u32 s9  }
0x164: {  	_ = 	snop  }
0x165: {  	[tilespmem:s10+$0xFFFFFF00] =	vst v7  }
0x166: {  	v7 =	vld.msk [tilespmem:s17+$0xFFFFFFFF], $0x1;
	_ =	sdelay $0x1  }
0x167: {  	v8 =	vld [tilespmem:s10+$0xFFFFFF80];
	_ =	sdelay $0x2  }
0x168: {  	v7 =	vbroadcast v7, $0x0  }
0x169: {  	v4 =	vmul.f32 v6, v4  }
0x16a: {  	v55 =	vmul.f32 v7, v8  }
0x16b: {  	[tilespmem:s8+$0xFFFFFF80] =	vst v4  }
0x16c: {  	v4 =	vld.msk [tilespmem:s25+$0x0], $0x1;
	[tilespmem:s10+$0xFFFFFF80] =	vst v55  }
0x16d: {  	v6 =	vld.msk [tilespmem:s17+$0x0], $0x1  }
0x16e: {  	v56 =	vld [tilespmem:s8+$0x0]  }
0x16f: {  	v57 =	vld [tilespmem:s10+$0x0];
	v5 =	vbroadcast v5, $0x0;
	_ =	sdelay $0x1  }
0x170: {  	v3 =	vmul.f32 v5, v3;
	v4 =	vbroadcast v4, $0x0  }
0x171: {  	v58 =	vbroadcast v6, $0x0  }
0x172: {  	[tilespmem:s28+$0x0] =	vst v3;
	v3 =	vmul.f32 v4, v56  }
0x173: {  	v60 =	vld [tilespmem:s28+$0x80];
	v5 =	vmul.f32 v58, v57  }
0x174: {  	v59 =	vld.msk [tilespmem:s29+$0x1], $0x1;
	[tilespmem:s8+$0x0] =	vst v3  }
0x175: {  	v3 =	vld.msk [tilespmem:s25+$0x1], $0x1;
	[tilespmem:s10+$0x0] =	vst v5  }
0x176: {  	v5 =	vld.msk [tilespmem:s17+$0x1], $0x1  }
0x177: {  	v61 =	vld [tilespmem:s8+$0x80]  }
0x178: {  	v62 =	vld [tilespmem:s10+$0x80];
	v1 =	vbroadcast v1, $0x0  }
0x179: {  	v4 =	vbroadcast v59, $0x0  }
0x17a: {  	v1 =	vmul.f32 v1, v2;
	v2 =	vbroadcast v3, $0x0  }
0x17b: {  	v3 =	vmul.f32 v4, v60;
	v63 =	vbroadcast v5, $0x0  }
0x17c: {  	[tilespmem:s26+$0x80] =	vst v1;
	v1 =	vmul.f32 v2, v61  }
0x17d: {  	[tilespmem:s28+$0x80] =	vst v3;
	v2 =	vmul.f32 v63, v62  }
0x17e: {  	[tilespmem:s8+$0x80] =	vst v1  }
0x17f: {  	s9 =	simm.s32 $0xA080;
	s17 =	simm.s32 $0x7780;
	[tilespmem:s10+$0x80] =	vst v2  }
0x180: {  	[spmem:s4] =	stream.indirect.scatter.add.f32 [tilespmem:s17], [sflag:$0x9], $0x80, s9, s0, $0xb8;
	[tilespmem:$0x1E280] =	vst v63  }
0x181: {  	_ =	swait.ge [sflag:s23], $0x2800  }
0x182: {  	[sflag:s23] =	ssyncset.done $0x0  }
0x183: {  	s26 =	simm.s32 $0x140;
	s25 =	simm.s32 $0x4F80;
	[sflag:s23] =	ssyncadd.s32 $0xFFFFD800  }
0x184: {  	[tilespmem:s25], [sflag:$0x2] =	stream.indirect.gather [hbm4b:s7+s0], $0x80, s26, s0, $0xb8;
	[tilespmem:$0x1E280] =	vst v63  }
0x185: {  	s28 =	rddreg [dreg:$0x13];
	s26 =	simm.s32 $0x0  }
0x186: {  	[tilespmem:s12], [sflag:$0x5] =	stream.linear.gather [hbm4b:s28+s26], $0x50, $0x38;
	[tilespmem:$0x1E280] =	vst v63  }
0x187: {  	s30 =	simm.s32 $0xA180;
	s29 =	rddreg [dreg:$0x14]  }
0x188: {  	[tilespmem:s30], [sflag:$0x5] =	stream.linear.gather [hbm4b:s29+s26], $0x50, $0x38;
	[tilespmem:$0x1E280] =	vst v63  }
.LBB2_10:
0x189: {  	_ =	swait.ge [sflag:s2], $0x2800  }
0x18a: {  	[sflag:s2] =	ssyncset.done $0x0  }
0x18b: {  	[sflag:s2] =	ssyncadd.s32 $0xFFFFD800  }
0x18c: {  	_ =	swait.ge [sflag:s14], $0x50  }
0x18d: {  	[sflag:s14] =	ssyncset.done $0x0  }
0x18e: {  	[sflag:s14] =	ssyncadd.s32 $0xFFFFFFB0  }
0x18f: {  	_ =	swait.ge [sflag:s14], $0x50  }
0x190: {  	[sflag:s14] =	ssyncset.done $0x0  }
0x191: {  	s9 =	simm.s32 $0xA102;
	[sflag:s14] =	ssyncadd.s32 $0xFFFFFFB0  }
0x192: {  	v1 =	vld.msk [tilespmem:s9+$0xFFFFFFFE], $0x1  }
0x193: {  	s28 =	simm.s32 $0x2880  }
0x194: {  	v2 =	vld [tilespmem:s28+$0xFFFFFF00];
	_ =	sdelay $0x2  }
0x195: {  	v1 =	vbroadcast v1, $0x0;
	_ =	sdelay $0x1  }
0x196: {  	s30 =	simm.s32 $0xA106;
	v1 =	vmul.f32 v1, v2  }
0x197: {  	s29 =	simm.s32 $0x2A80;
	v2 =	vld.msk [tilespmem:s30+$0xFFFFFFFE], $0x1  }
0x198: {  	v3 =	vld [tilespmem:s29+$0xFFFFFF00];
	[tilespmem:s28+$0xFFFFFF00] =	vst v1  }
0x199: {  	v1 =	vld.msk [tilespmem:s9+$0xFFFFFFFF], $0x1;
	_ =	sdelay $0x1  }
0x19a: {  	v4 =	vld [tilespmem:s28+$0xFFFFFF80]  }
0x19b: {  	v2 =	vbroadcast v2, $0x0;
	_ =	sdelay $0x1  }
0x19c: {  	s25 =	simm.s32 $0xA10A;
	v2 =	vmul.f32 v2, v3;
	v1 =	vbroadcast v1, $0x0  }
0x19d: {  	s8 =	simm.s32 $0x2C80;
	v3 =	vld.msk [tilespmem:s25+$0xFFFFFFFE], $0x1  }
0x19e: {  	v5 =	vld [tilespmem:s8+$0xFFFFFF00];
	[tilespmem:s29+$0xFFFFFF00] =	vst v2;
	v1 =	vmul.f32 v1, v4  }
0x19f: {  	v2 =	vld.msk [tilespmem:s30+$0xFFFFFFFF], $0x1  }
0x1a0: {  	v4 =	vld [tilespmem:s29+$0xFFFFFF80];
	[tilespmem:s28+$0xFFFFFF80] =	vst v1  }
0x1a1: {  	v1 =	vld.msk [tilespmem:s9+$0x0], $0x1  }
0x1a2: {  	v3 =	vbroadcast v3, $0x0  }
0x1a3: {  	v6 =	vld [tilespmem:s28+$0x0]  }
0x1a4: {  	s17 =	simm.s32 $0xA10E;
	v3 =	vmul.f32 v3, v5;
	v2 =	vbroadcast v2, $0x0  }
0x1a5: {  	s13 =	simm.s32 $0x2E80;
	v7 =	vld.msk [tilespmem:s17+$0xFFFFFFFE], $0x1  }
0x1a6: {  	v8 =	vld [tilespmem:s13+$0xFFFFFF00];
	[tilespmem:s8+$0xFFFFFF00] =	vst v3;
	v2 =	vmul.f32 v2, v4;
	v1 =	vbroadcast v1, $0x0  }
0x1a7: {  	v9 =	vld.msk [tilespmem:s25+$0xFFFFFFFF], $0x1  }
0x1a8: {  	v4 =	vld [tilespmem:s8+$0xFFFFFF80];
	[tilespmem:s29+$0xFFFFFF80] =	vst v2;
	v1 =	vmul.f32 v1, v6  }
0x1a9: {  	v5 =	vld.msk [tilespmem:s30+$0x0], $0x1  }
0x1aa: {  	v3 =	vld [tilespmem:s29+$0x0];
	v2 =	vbroadcast v7, $0x0;
	[tilespmem:s28+$0x0] =	vst v1  }
0x1ab: {  	v1 =	vld.msk [tilespmem:s9+$0x1], $0x1  }
0x1ac: {  	s15 =	simm.s32 $0xC;
	s16 =	simm.s32 $0xA112;
	s10 =	simm.s32 $0x2E80;
	v7 =	vmul.f32 v2, v8;
	v2 =	vld [tilespmem:s28+$0x80];
	v6 =	vbroadcast v9, $0x0  }
.LBB2_11:
0x1ad: {  	v8 =	vld.msk [tilespmem:s16+$0xFFFFFFFE], $0x1;
	s15 =	sadd.s32 $0x4, s15;
	s13 =	sadd.s32 $0x200, s13;
	s9 =	smov.u32 s8  }
0x1ae: {  	s8 =	smov.u32 s10;
	v9 =	vld [tilespmem:s13+$0xFFFFFF00];
	p0 =	slt.u32 s15, $0x4C;
	[tilespmem:s10+$0xFFFFFF00] =	vst v7;
	v6 =	vmul.f32 v6, v4;
	v5 =	vbroadcast v5, $0x0;
	s10 =	smov.u32 s13  }
0x1af: {  	v10 =	vld.msk [tilespmem:s17+$0xFFFFFFFF], $0x1  }
.Ltmp4:
0x1b0: {  	v4 =	vld [tilespmem:s8+$0xFFFFFF80];
	[tilespmem:s9+$0xFFFFFF80] =	vst v6;
	v6 =	vmul.f32 v5, v3;
	v1 =	vbroadcast v1, $0x0;
	(pc) =	sbr.rel @p0 .LBB2_11-.Ltmp4, $4  }
0x1b1: {  	v5 =	vld.msk [tilespmem:s25+$0x0], $0x1  }
0x1b2: {  	v7 =	vbroadcast v8, $0x0;
	v3 =	vld [tilespmem:s9+$0x0];
	[tilespmem:s29+$0x0] =	vst v6;
	v8 =	vmul.f32 v1, v2  }
0x1b3: {  	v1 =	vld.msk [tilespmem:s30+$0x1], $0x1;
	s30 =	smov.u32 s25;
	s25 =	smov.u32 s17;
	s17 =	smov.u32 s16  }
0x1b4: {  	s16 =	sadd.s32 $0x4, s16;
	v7 =	vmul.f32 v7, v9;
	v6 =	vbroadcast v10, $0x0;
	v2 =	vld [tilespmem:s29+$0x80];
	[tilespmem:s28+$0x80] =	vst v8;
	s28 =	smov.u32 s29;
	s29 =	smov.u32 s9  }
0x1b5: {  	_ = 	snop  }
0x1b6: {  	[tilespmem:s10+$0xFFFFFF00] =	vst v7  }
0x1b7: {  	v7 =	vld.msk [tilespmem:s17+$0xFFFFFFFF], $0x1;
	_ =	sdelay $0x1  }
0x1b8: {  	v8 =	vld [tilespmem:s10+$0xFFFFFF80];
	_ =	sdelay $0x2  }
0x1b9: {  	v7 =	vbroadcast v7, $0x0  }
0x1ba: {  	v4 =	vmul.f32 v6, v4  }
0x1bb: {  	v6 =	vmul.f32 v7, v8  }
0x1bc: {  	[tilespmem:s8+$0xFFFFFF80] =	vst v4  }
0x1bd: {  	v4 =	vld.msk [tilespmem:s25+$0x0], $0x1;
	[tilespmem:s10+$0xFFFFFF80] =	vst v6  }
0x1be: {  	v6 =	vld.msk [tilespmem:s17+$0x0], $0x1  }
0x1bf: {  	v7 =	vld [tilespmem:s8+$0x0]  }
0x1c0: {  	v5 =	vbroadcast v5, $0x0;
	v8 =	vld [tilespmem:s10+$0x0];
	_ =	sdelay $0x1  }
0x1c1: {  	v3 =	vmul.f32 v5, v3;
	v4 =	vbroadcast v4, $0x0  }
0x1c2: {  	v5 =	vbroadcast v6, $0x0  }
0x1c3: {  	[tilespmem:s29+$0x0] =	vst v3;
	v3 =	vmul.f32 v4, v7  }
0x1c4: {  	v4 =	vld.msk [tilespmem:s30+$0x1], $0x1;
	v5 =	vmul.f32 v5, v8  }
0x1c5: {  	[tilespmem:s8+$0x0] =	vst v3;
	v6 =	vld [tilespmem:s29+$0x80]  }
0x1c6: {  	v3 =	vld.msk [tilespmem:s25+$0x1], $0x1;
	[tilespmem:s10+$0x0] =	vst v5  }
0x1c7: {  	v5 =	vld.msk [tilespmem:s17+$0x1], $0x1  }
0x1c8: {  	v7 =	vld [tilespmem:s8+$0x80]  }
0x1c9: {  	v1 =	vbroadcast v1, $0x0;
	v8 =	vld [tilespmem:s10+$0x80]  }
0x1ca: {  	v4 =	vbroadcast v4, $0x0  }
0x1cb: {  	v1 =	vmul.f32 v1, v2;
	v2 =	vbroadcast v3, $0x0  }
0x1cc: {  	v3 =	vmul.f32 v4, v6;
	v4 =	vbroadcast v5, $0x0  }
0x1cd: {  	[tilespmem:s28+$0x80] =	vst v1;
	v1 =	vmul.f32 v2, v7  }
0x1ce: {  	[tilespmem:s29+$0x80] =	vst v3;
	v2 =	vmul.f32 v4, v8  }
0x1cf: {  	[tilespmem:s8+$0x80] =	vst v1  }
0x1d0: {  	s9 =	simm.s32 $0x9F80;
	s28 =	smul.u32 $0xF0, s26;
	[tilespmem:s10+$0x80] =	vst v2  }
0x1d1: {  	[spmem:s4] =	stream.indirect.scatter.add.f32 [tilespmem:s31], [sflag:$0x7], $0x80, s9, s0, $0xb8;
	[tilespmem:$0x1E280] =	vst v63  }
0x1d2: {  	s10 =	sadd.s32 $0x190, s28;
	_ =	swait.ge [sflag:s24], $0x2800  }
0x1d3: {  	s8 =	sadd.s32 s6, s10;
	[sflag:s24] =	ssyncset.done $0x0  }
0x1d4: {  	s9 =	simm.s32 $0x7780;
	s8 =	sshrl.u32 s8, $0x3;
	[sflag:s24] =	ssyncadd.s32 $0xFFFFD800  }
0x1d5: {  	[tilespmem:s9], [sflag:$0x3] =	stream.indirect.gather [hbm4b:s7+s0], $0x80, s10, s0, $0xb8;
	[tilespmem:$0x1E280] =	vst v63  }
0x1d6: {  	s13 =	simm.s32 $0xA080;
	s11 =	sadd.s32 s1, s8  }
0x1d7: {  	[tilespmem:s13], [sflag:$0x6] =	stream.linear.gather [hbm4b:s11+s5], $0x50, $0x38;
	[tilespmem:$0x1E280] =	vst v63  }
0x1d8: {  	s15 =	simm.s32 $0xA200;
	s8 =	sadd.s32 s3, s8  }
0x1d9: {  	[tilespmem:s15], [sflag:$0x6] =	stream.linear.gather [hbm4b:s8+s5], $0x50, $0x38;
	[tilespmem:$0x1E280] =	vst v63  }
0x1da: {  	_ =	swait.ge [sflag:s18], $0x2800  }
0x1db: {  	[sflag:s18] =	ssyncset.done $0x0  }
0x1dc: {  	[sflag:s18] =	ssyncadd.s32 $0xFFFFD800  }
0x1dd: {  	_ =	swait.ge [sflag:s19], $0x50  }
0x1de: {  	[sflag:s19] =	ssyncset.done $0x0  }
0x1df: {  	[sflag:s19] =	ssyncadd.s32 $0xFFFFFFB0  }
0x1e0: {  	_ =	swait.ge [sflag:s19], $0x50  }
0x1e1: {  	[sflag:s19] =	ssyncset.done $0x0  }
0x1e2: {  	s16 =	simm.s32 $0xA182;
	[sflag:s19] =	ssyncadd.s32 $0xFFFFFFB0  }
0x1e3: {  	v1 =	vld.msk [tilespmem:s16+$0xFFFFFFFE], $0x1  }
0x1e4: {  	s29 =	simm.s32 $0x5080  }
0x1e5: {  	v2 =	vld [tilespmem:s29+$0xFFFFFF00];
	_ =	sdelay $0x2  }
0x1e6: {  	v1 =	vbroadcast v1, $0x0;
	_ =	sdelay $0x1  }
0x1e7: {  	s25 =	simm.s32 $0xA186;
	v1 =	vmul.f32 v1, v2  }
0x1e8: {  	s8 =	simm.s32 $0x5280;
	v2 =	vld.msk [tilespmem:s25+$0xFFFFFFFE], $0x1  }
0x1e9: {  	v3 =	vld [tilespmem:s8+$0xFFFFFF00];
	[tilespmem:s29+$0xFFFFFF00] =	vst v1  }
0x1ea: {  	v1 =	vld.msk [tilespmem:s16+$0xFFFFFFFF], $0x1;
	_ =	sdelay $0x1  }
0x1eb: {  	v4 =	vld [tilespmem:s29+$0xFFFFFF80]  }
0x1ec: {  	v2 =	vbroadcast v2, $0x0;
	_ =	sdelay $0x1  }
0x1ed: {  	s17 =	simm.s32 $0xA18A;
	v2 =	vmul.f32 v2, v3;
	v1 =	vbroadcast v1, $0x0  }
0x1ee: {  	s30 =	simm.s32 $0x5480;
	v3 =	vld.msk [tilespmem:s17+$0xFFFFFFFE], $0x1  }
0x1ef: {  	v5 =	vld [tilespmem:s30+$0xFFFFFF00];
	[tilespmem:s8+$0xFFFFFF00] =	vst v2;
	v1 =	vmul.f32 v1, v4  }
0x1f0: {  	v2 =	vld.msk [tilespmem:s25+$0xFFFFFFFF], $0x1  }
0x1f1: {  	v4 =	vld [tilespmem:s8+$0xFFFFFF80];
	[tilespmem:s29+$0xFFFFFF80] =	vst v1  }
0x1f2: {  	v1 =	vld.msk [tilespmem:s16+$0x0], $0x1  }
0x1f3: {  	v3 =	vbroadcast v3, $0x0  }
0x1f4: {  	v6 =	vld [tilespmem:s29+$0x0]  }
0x1f5: {  	s10 =	simm.s32 $0xA18E;
	v3 =	vmul.f32 v3, v5;
	v2 =	vbroadcast v2, $0x0  }
0x1f6: {  	s15 =	simm.s32 $0x5680;
	v7 =	vld.msk [tilespmem:s10+$0xFFFFFFFE], $0x1  }
0x1f7: {  	v8 =	vld [tilespmem:s15+$0xFFFFFF00];
	[tilespmem:s30+$0xFFFFFF00] =	vst v3;
	v2 =	vmul.f32 v2, v4;
	v1 =	vbroadcast v1, $0x0  }
0x1f8: {  	v9 =	vld.msk [tilespmem:s17+$0xFFFFFFFF], $0x1  }
0x1f9: {  	v4 =	vld [tilespmem:s30+$0xFFFFFF80];
	[tilespmem:s8+$0xFFFFFF80] =	vst v2;
	v1 =	vmul.f32 v1, v6  }
0x1fa: {  	v5 =	vld.msk [tilespmem:s25+$0x0], $0x1  }
0x1fb: {  	v3 =	vld [tilespmem:s8+$0x0];
	v2 =	vbroadcast v7, $0x0;
	[tilespmem:s29+$0x0] =	vst v1  }
0x1fc: {  	v1 =	vld.msk [tilespmem:s16+$0x1], $0x1  }
0x1fd: {  	s9 =	simm.s32 $0xA192;
	s13 =	simm.s32 $0x5680;
	v7 =	vmul.f32 v2, v8;
	v2 =	vld [tilespmem:s29+$0x80];
	v6 =	vbroadcast v9, $0x0;
	s16 =	simm.s32 $0xC  }
.LBB2_13:
0x1fe: {  	v8 =	vld.msk [tilespmem:s9+$0xFFFFFFFE], $0x1;
	s16 =	sadd.s32 $0x4, s16;
	s15 =	sadd.s32 $0x200, s15;
	s11 =	smov.u32 s30  }
0x1ff: {  	s30 =	smov.u32 s13;
	v9 =	vld [tilespmem:s15+$0xFFFFFF00];
	p0 =	slt.u32 s16, $0x4C;
	[tilespmem:s13+$0xFFFFFF00] =	vst v7;
	v6 =	vmul.f32 v6, v4;
	v5 =	vbroadcast v5, $0x0;
	s13 =	smov.u32 s15  }
0x200: {  	v10 =	vld.msk [tilespmem:s10+$0xFFFFFFFF], $0x1  }
.Ltmp5:
0x201: {  	v4 =	vld [tilespmem:s30+$0xFFFFFF80];
	[tilespmem:s11+$0xFFFFFF80] =	vst v6;
	v6 =	vmul.f32 v5, v3;
	v1 =	vbroadcast v1, $0x0;
	(pc) =	sbr.rel @p0 .LBB2_13-.Ltmp5, $4  }
0x202: {  	v5 =	vld.msk [tilespmem:s17+$0x0], $0x1  }
0x203: {  	v7 =	vbroadcast v8, $0x0;
	v3 =	vld [tilespmem:s11+$0x0];
	[tilespmem:s8+$0x0] =	vst v6;
	v8 =	vmul.f32 v1, v2  }
0x204: {  	v1 =	vld.msk [tilespmem:s25+$0x1], $0x1;
	s25 =	smov.u32 s17;
	s17 =	smov.u32 s10;
	s10 =	smov.u32 s9  }
0x205: {  	s9 =	sadd.s32 $0x4, s9;
	v7 =	vmul.f32 v7, v9;
	v6 =	vbroadcast v10, $0x0;
	v2 =	vld [tilespmem:s8+$0x80];
	[tilespmem:s29+$0x80] =	vst v8;
	s29 =	smov.u32 s8;
	s8 =	smov.u32 s11  }
0x206: {  	_ = 	snop  }
0x207: {  	[tilespmem:s13+$0xFFFFFF00] =	vst v7  }
0x208: {  	v7 =	vld.msk [tilespmem:s10+$0xFFFFFFFF], $0x1;
	_ =	sdelay $0x1  }
0x209: {  	v8 =	vld [tilespmem:s13+$0xFFFFFF80];
	_ =	sdelay $0x2  }
0x20a: {  	v7 =	vbroadcast v7, $0x0  }
0x20b: {  	v4 =	vmul.f32 v6, v4  }
0x20c: {  	v6 =	vmul.f32 v7, v8  }
0x20d: {  	[tilespmem:s30+$0xFFFFFF80] =	vst v4  }
0x20e: {  	v4 =	vld.msk [tilespmem:s17+$0x0], $0x1;
	[tilespmem:s13+$0xFFFFFF80] =	vst v6  }
0x20f: {  	v6 =	vld.msk [tilespmem:s10+$0x0], $0x1  }
0x210: {  	v7 =	vld [tilespmem:s30+$0x0]  }
0x211: {  	v5 =	vbroadcast v5, $0x0;
	v8 =	vld [tilespmem:s13+$0x0];
	_ =	sdelay $0x1  }
0x212: {  	v3 =	vmul.f32 v5, v3;
	v4 =	vbroadcast v4, $0x0  }
0x213: {  	v5 =	vbroadcast v6, $0x0  }
0x214: {  	[tilespmem:s8+$0x0] =	vst v3;
	v3 =	vmul.f32 v4, v7  }
0x215: {  	v4 =	vld.msk [tilespmem:s25+$0x1], $0x1;
	v5 =	vmul.f32 v5, v8  }
0x216: {  	[tilespmem:s30+$0x0] =	vst v3;
	v6 =	vld [tilespmem:s8+$0x80]  }
0x217: {  	v3 =	vld.msk [tilespmem:s17+$0x1], $0x1;
	[tilespmem:s13+$0x0] =	vst v5  }
0x218: {  	v5 =	vld.msk [tilespmem:s10+$0x1], $0x1  }
0x219: {  	v7 =	vld [tilespmem:s30+$0x80]  }
0x21a: {  	v1 =	vbroadcast v1, $0x0;
	v8 =	vld [tilespmem:s13+$0x80]  }
0x21b: {  	v4 =	vbroadcast v4, $0x0  }
0x21c: {  	v1 =	vmul.f32 v1, v2;
	v2 =	vbroadcast v3, $0x0  }
0x21d: {  	v3 =	vmul.f32 v4, v6;
	v4 =	vbroadcast v5, $0x0  }
0x21e: {  	[tilespmem:s29+$0x80] =	vst v1;
	v1 =	vmul.f32 v2, v7  }
0x21f: {  	[tilespmem:s8+$0x80] =	vst v3;
	v2 =	vmul.f32 v4, v8  }
0x220: {  	[tilespmem:s30+$0x80] =	vst v1  }
0x221: {  	s10 =	simm.s32 $0x4F80;
	[tilespmem:s13+$0x80] =	vst v2  }
0x222: {  	[spmem:s4] =	stream.indirect.scatter.add.f32 [tilespmem:s10], [sflag:$0x8], $0x80, s12, s0, $0xb8;
	[tilespmem:$0x1E280] =	vst v63  }
0x223: {  	s11 =	sadd.s32 $0x1E0, s28;
	_ =	swait.ge [sflag:s20], $0x2800  }
0x224: {  	s8 =	sadd.s32 s6, s11;
	[sflag:s20] =	ssyncset.done $0x0  }
0x225: {  	s8 =	sshrl.u32 s8, $0x3;
	[sflag:s20] =	ssyncadd.s32 $0xFFFFD800  }
0x226: {  	[tilespmem:s31], [sflag:$0x1] =	stream.indirect.gather [hbm4b:s7+s0], $0x80, s11, s0, $0xb8;
	[tilespmem:$0x1E280] =	vst v63  }
0x227: {  	s9 =	sadd.s32 s1, s8;
	s13 =	simm.s32 $0x9F80  }
0x228: {  	[tilespmem:s13], [sflag:$0x4] =	stream.linear.gather [hbm4b:s9+s5], $0x50, $0x38;
	[tilespmem:$0x1E280] =	vst v63  }
0x229: {  	s15 =	simm.s32 $0xA100;
	s8 =	sadd.s32 s3, s8  }
0x22a: {  	[tilespmem:s15], [sflag:$0x4] =	stream.linear.gather [hbm4b:s8+s5], $0x50, $0x38;
	[tilespmem:$0x1E280] =	vst v63  }
0x22b: {  	_ =	swait.ge [sflag:s21], $0x2800  }
0x22c: {  	[sflag:s21] =	ssyncset.done $0x0  }
0x22d: {  	[sflag:s21] =	ssyncadd.s32 $0xFFFFD800  }
0x22e: {  	_ =	swait.ge [sflag:s22], $0x50  }
0x22f: {  	[sflag:s22] =	ssyncset.done $0x0  }
0x230: {  	[sflag:s22] =	ssyncadd.s32 $0xFFFFFFB0  }
0x231: {  	_ =	swait.ge [sflag:s22], $0x50  }
0x232: {  	[sflag:s22] =	ssyncset.done $0x0  }
0x233: {  	s16 =	simm.s32 $0xA202;
	[sflag:s22] =	ssyncadd.s32 $0xFFFFFFB0  }
0x234: {  	v1 =	vld.msk [tilespmem:s16+$0xFFFFFFFE], $0x1  }
0x235: {  	s29 =	simm.s32 $0x7880  }
0x236: {  	v2 =	vld [tilespmem:s29+$0xFFFFFF00];
	_ =	sdelay $0x2  }
0x237: {  	v1 =	vbroadcast v1, $0x0;
	_ =	sdelay $0x1  }
0x238: {  	s25 =	simm.s32 $0xA206;
	v1 =	vmul.f32 v1, v2  }
0x239: {  	s8 =	simm.s32 $0x7A80;
	v2 =	vld.msk [tilespmem:s25+$0xFFFFFFFE], $0x1  }
0x23a: {  	v3 =	vld [tilespmem:s8+$0xFFFFFF00];
	[tilespmem:s29+$0xFFFFFF00] =	vst v1  }
0x23b: {  	v1 =	vld.msk [tilespmem:s16+$0xFFFFFFFF], $0x1;
	_ =	sdelay $0x1  }
0x23c: {  	v4 =	vld [tilespmem:s29+$0xFFFFFF80]  }
0x23d: {  	v2 =	vbroadcast v2, $0x0;
	_ =	sdelay $0x1  }
0x23e: {  	s17 =	simm.s32 $0xA20A;
	v2 =	vmul.f32 v2, v3;
	v1 =	vbroadcast v1, $0x0  }
0x23f: {  	s30 =	simm.s32 $0x7C80;
	v3 =	vld.msk [tilespmem:s17+$0xFFFFFFFE], $0x1  }
0x240: {  	v5 =	vld [tilespmem:s30+$0xFFFFFF00];
	[tilespmem:s8+$0xFFFFFF00] =	vst v2;
	v1 =	vmul.f32 v1, v4  }
0x241: {  	v2 =	vld.msk [tilespmem:s25+$0xFFFFFFFF], $0x1  }
0x242: {  	v4 =	vld [tilespmem:s8+$0xFFFFFF80];
	[tilespmem:s29+$0xFFFFFF80] =	vst v1  }
0x243: {  	v1 =	vld.msk [tilespmem:s16+$0x0], $0x1  }
0x244: {  	v3 =	vbroadcast v3, $0x0  }
0x245: {  	v6 =	vld [tilespmem:s29+$0x0]  }
0x246: {  	s10 =	simm.s32 $0xA20E;
	v3 =	vmul.f32 v3, v5;
	v2 =	vbroadcast v2, $0x0  }
0x247: {  	s15 =	simm.s32 $0x7E80;
	v7 =	vld.msk [tilespmem:s10+$0xFFFFFFFE], $0x1  }
0x248: {  	v8 =	vld [tilespmem:s15+$0xFFFFFF00];
	[tilespmem:s30+$0xFFFFFF00] =	vst v3;
	v2 =	vmul.f32 v2, v4;
	v1 =	vbroadcast v1, $0x0  }
0x249: {  	v9 =	vld.msk [tilespmem:s17+$0xFFFFFFFF], $0x1  }
0x24a: {  	v4 =	vld [tilespmem:s30+$0xFFFFFF80];
	[tilespmem:s8+$0xFFFFFF80] =	vst v2;
	v1 =	vmul.f32 v1, v6  }
0x24b: {  	v5 =	vld.msk [tilespmem:s25+$0x0], $0x1  }
0x24c: {  	v3 =	vld [tilespmem:s8+$0x0];
	v2 =	vbroadcast v7, $0x0;
	[tilespmem:s29+$0x0] =	vst v1  }
0x24d: {  	v1 =	vld.msk [tilespmem:s16+$0x1], $0x1  }
0x24e: {  	s9 =	simm.s32 $0xA212;
	s13 =	simm.s32 $0x7E80;
	v7 =	vmul.f32 v2, v8;
	v2 =	vld [tilespmem:s29+$0x80];
	v6 =	vbroadcast v9, $0x0;
	s16 =	simm.s32 $0xC  }
.LBB2_15:
0x24f: {  	v8 =	vld.msk [tilespmem:s9+$0xFFFFFFFE], $0x1;
	s16 =	sadd.s32 $0x4, s16;
	s15 =	sadd.s32 $0x200, s15;
	s11 =	smov.u32 s30  }
0x250: {  	s30 =	smov.u32 s13;
	v9 =	vld [tilespmem:s15+$0xFFFFFF00];
	p0 =	slt.u32 s16, $0x4C;
	[tilespmem:s13+$0xFFFFFF00] =	vst v7;
	v6 =	vmul.f32 v6, v4;
	v5 =	vbroadcast v5, $0x0;
	s13 =	smov.u32 s15  }
0x251: {  	v10 =	vld.msk [tilespmem:s10+$0xFFFFFFFF], $0x1  }
.Ltmp6:
0x252: {  	v4 =	vld [tilespmem:s30+$0xFFFFFF80];
	[tilespmem:s11+$0xFFFFFF80] =	vst v6;
	v6 =	vmul.f32 v5, v3;
	v1 =	vbroadcast v1, $0x0;
	(pc) =	sbr.rel @p0 .LBB2_15-.Ltmp6, $4  }
0x253: {  	v5 =	vld.msk [tilespmem:s17+$0x0], $0x1  }
0x254: {  	v7 =	vbroadcast v8, $0x0;
	v3 =	vld [tilespmem:s11+$0x0];
	[tilespmem:s8+$0x0] =	vst v6;
	v8 =	vmul.f32 v1, v2  }
0x255: {  	v1 =	vld.msk [tilespmem:s25+$0x1], $0x1;
	s25 =	smov.u32 s17;
	s17 =	smov.u32 s10;
	s10 =	smov.u32 s9  }
0x256: {  	s9 =	sadd.s32 $0x4, s9;
	v7 =	vmul.f32 v7, v9;
	v6 =	vbroadcast v10, $0x0;
	v2 =	vld [tilespmem:s8+$0x80];
	[tilespmem:s29+$0x80] =	vst v8;
	s29 =	smov.u32 s8;
	s8 =	smov.u32 s11  }
0x257: {  	_ = 	snop  }
0x258: {  	[tilespmem:s13+$0xFFFFFF00] =	vst v7  }
0x259: {  	v7 =	vld.msk [tilespmem:s10+$0xFFFFFFFF], $0x1;
	_ =	sdelay $0x1  }
0x25a: {  	v8 =	vld [tilespmem:s13+$0xFFFFFF80];
	_ =	sdelay $0x2  }
0x25b: {  	v7 =	vbroadcast v7, $0x0  }
0x25c: {  	v4 =	vmul.f32 v6, v4  }
0x25d: {  	v55 =	vmul.f32 v7, v8  }
0x25e: {  	[tilespmem:s30+$0xFFFFFF80] =	vst v4  }
0x25f: {  	v4 =	vld.msk [tilespmem:s17+$0x0], $0x1;
	[tilespmem:s13+$0xFFFFFF80] =	vst v55  }
0x260: {  	v6 =	vld.msk [tilespmem:s10+$0x0], $0x1  }
0x261: {  	v56 =	vld [tilespmem:s30+$0x0]  }
0x262: {  	v57 =	vld [tilespmem:s13+$0x0];
	v5 =	vbroadcast v5, $0x0;
	_ =	sdelay $0x1  }
0x263: {  	v3 =	vmul.f32 v5, v3;
	v4 =	vbroadcast v4, $0x0  }
0x264: {  	v58 =	vbroadcast v6, $0x0  }
0x265: {  	[tilespmem:s8+$0x0] =	vst v3;
	v3 =	vmul.f32 v4, v56  }
0x266: {  	v60 =	vld [tilespmem:s8+$0x80];
	v5 =	vmul.f32 v58, v57  }
0x267: {  	v59 =	vld.msk [tilespmem:s25+$0x1], $0x1;
	[tilespmem:s30+$0x0] =	vst v3  }
0x268: {  	v3 =	vld.msk [tilespmem:s17+$0x1], $0x1;
	[tilespmem:s13+$0x0] =	vst v5  }
0x269: {  	v5 =	vld.msk [tilespmem:s10+$0x1], $0x1  }
0x26a: {  	v61 =	vld [tilespmem:s30+$0x80]  }
0x26b: {  	v62 =	vld [tilespmem:s13+$0x80];
	v1 =	vbroadcast v1, $0x0  }
0x26c: {  	v4 =	vbroadcast v59, $0x0  }
0x26d: {  	v1 =	vmul.f32 v1, v2;
	v2 =	vbroadcast v3, $0x0  }
0x26e: {  	v3 =	vmul.f32 v4, v60;
	v63 =	vbroadcast v5, $0x0  }
0x26f: {  	[tilespmem:s29+$0x80] =	vst v1;
	v1 =	vmul.f32 v2, v61  }
0x270: {  	[tilespmem:s8+$0x80] =	vst v3;
	v2 =	vmul.f32 v63, v62  }
0x271: {  	[tilespmem:s30+$0x80] =	vst v1  }
0x272: {  	s9 =	simm.s32 $0xA080;
	s17 =	simm.s32 $0x7780;
	[tilespmem:s13+$0x80] =	vst v2  }
0x273: {  	[spmem:s4] =	stream.indirect.scatter.add.f32 [tilespmem:s17], [sflag:$0x9], $0x80, s9, s0, $0xb8;
	[tilespmem:$0x1E280] =	vst v63  }
0x274: {  	s26 =	sadd.s32 $0x1, s26;
	_ =	swait.ge [sflag:s23], $0x2800  }
0x275: {  	p0 =	sne.s32 s26, $0x28;
	s25 =	sadd.s32 $0x230, s28;
	[sflag:s23] =	ssyncset.done $0x0  }
0x276: {  	s28 =	simm.s32 $0x4F80;
	s8 =	sadd.s32 s6, s25;
	[sflag:s23] =	ssyncadd.s32 $0xFFFFD800  }
0x277: {  	[tilespmem:s28], [sflag:$0x2] =	stream.indirect.gather [hbm4b:s7+s0], $0x80, s25, s0, $0xb8;
	[tilespmem:$0x1E280] =	vst v63  }
.Ltmp7:
0x278: {  	s8 =	sshrl.u32 s8, $0x3;
	(pc) =	sbr.rel @p0 .LBB2_10-.Ltmp7, $4  }
0x279: {  	s29 =	sadd.s32 s1, s8  }
0x27a: {  	[tilespmem:s12], [sflag:$0x5] =	stream.linear.gather [hbm4b:s29+s5], $0x50, $0x38;
	[tilespmem:$0x1E280] =	vst v63  }
0x27b: {  	s8 =	sadd.s32 s3, s8;
	s30 =	simm.s32 $0xA180  }
0x27c: {  	[tilespmem:s30], [sflag:$0x5] =	stream.linear.gather [hbm4b:s8+s5], $0x50, $0x38;
	[tilespmem:$0x1E280] =	vst v63  }
0x27d: {  	_ =	swait.ge [sflag:s2], $0x2800  }
0x27e: {  	[sflag:s2] =	ssyncset.done $0x0  }
0x27f: {  	[sflag:s2] =	ssyncadd.s32 $0xFFFFD800  }
0x280: {  	_ =	swait.ge [sflag:s14], $0x50  }
0x281: {  	[sflag:s14] =	ssyncset.done $0x0  }
0x282: {  	[sflag:s14] =	ssyncadd.s32 $0xFFFFFFB0  }
0x283: {  	_ =	swait.ge [sflag:s14], $0x50  }
0x284: {  	[sflag:s14] =	ssyncset.done $0x0  }
0x285: {  	s9 =	simm.s32 $0xA102;
	[sflag:s14] =	ssyncadd.s32 $0xFFFFFFB0  }
0x286: {  	v1 =	vld.msk [tilespmem:s9+$0xFFFFFFFE], $0x1  }
0x287: {  	s26 =	simm.s32 $0x2880  }
0x288: {  	v2 =	vld [tilespmem:s26+$0xFFFFFF00];
	_ =	sdelay $0x2  }
0x289: {  	v1 =	vbroadcast v1, $0x0;
	_ =	sdelay $0x1  }
0x28a: {  	s25 =	simm.s32 $0xA106;
	v1 =	vmul.f32 v1, v2  }
0x28b: {  	s8 =	simm.s32 $0x2A80;
	v2 =	vld.msk [tilespmem:s25+$0xFFFFFFFE], $0x1  }
0x28c: {  	v3 =	vld [tilespmem:s8+$0xFFFFFF00];
	[tilespmem:s26+$0xFFFFFF00] =	vst v1  }
0x28d: {  	v1 =	vld.msk [tilespmem:s9+$0xFFFFFFFF], $0x1;
	_ =	sdelay $0x1  }
0x28e: {  	v4 =	vld [tilespmem:s26+$0xFFFFFF80]  }
0x28f: {  	v2 =	vbroadcast v2, $0x0;
	_ =	sdelay $0x1  }
0x290: {  	s17 =	simm.s32 $0xA10A;
	v2 =	vmul.f32 v2, v3;
	v1 =	vbroadcast v1, $0x0  }
0x291: {  	s28 =	simm.s32 $0x2C80;
	v3 =	vld.msk [tilespmem:s17+$0xFFFFFFFE], $0x1  }
0x292: {  	v5 =	vld [tilespmem:s28+$0xFFFFFF00];
	[tilespmem:s8+$0xFFFFFF00] =	vst v2;
	v1 =	vmul.f32 v1, v4  }
0x293: {  	v2 =	vld.msk [tilespmem:s25+$0xFFFFFFFF], $0x1  }
0x294: {  	v4 =	vld [tilespmem:s8+$0xFFFFFF80];
	[tilespmem:s26+$0xFFFFFF80] =	vst v1  }
0x295: {  	v1 =	vld.msk [tilespmem:s9+$0x0], $0x1  }
0x296: {  	v3 =	vbroadcast v3, $0x0  }
0x297: {  	v6 =	vld [tilespmem:s26+$0x0]  }
0x298: {  	s10 =	simm.s32 $0xA10E;
	v3 =	vmul.f32 v3, v5;
	v2 =	vbroadcast v2, $0x0  }
0x299: {  	s15 =	simm.s32 $0x2E80;
	v7 =	vld.msk [tilespmem:s10+$0xFFFFFFFE], $0x1  }
0x29a: {  	v8 =	vld [tilespmem:s15+$0xFFFFFF00];
	[tilespmem:s28+$0xFFFFFF00] =	vst v3;
	v2 =	vmul.f32 v2, v4;
	v1 =	vbroadcast v1, $0x0  }
0x29b: {  	v9 =	vld.msk [tilespmem:s17+$0xFFFFFFFF], $0x1  }
0x29c: {  	v4 =	vld [tilespmem:s28+$0xFFFFFF80];
	[tilespmem:s8+$0xFFFFFF80] =	vst v2;
	v1 =	vmul.f32 v1, v6  }
0x29d: {  	v5 =	vld.msk [tilespmem:s25+$0x0], $0x1  }
0x29e: {  	v3 =	vld [tilespmem:s8+$0x0];
	v2 =	vbroadcast v7, $0x0;
	[tilespmem:s26+$0x0] =	vst v1  }
0x29f: {  	v1 =	vld.msk [tilespmem:s9+$0x1], $0x1  }
0x2a0: {  	s16 =	simm.s32 $0xC;
	s13 =	simm.s32 $0x2E80;
	v7 =	vmul.f32 v2, v8;
	v2 =	vld [tilespmem:s26+$0x80];
	v6 =	vbroadcast v9, $0x0;
	s9 =	simm.s32 $0xA112  }
.LBB2_18:
0x2a1: {  	v8 =	vld.msk [tilespmem:s9+$0xFFFFFFFE], $0x1;
	s16 =	sadd.s32 $0x4, s16;
	s15 =	sadd.s32 $0x200, s15;
	s11 =	smov.u32 s28  }
0x2a2: {  	s28 =	smov.u32 s13;
	v9 =	vld [tilespmem:s15+$0xFFFFFF00];
	p0 =	slt.u32 s16, $0x4C;
	[tilespmem:s13+$0xFFFFFF00] =	vst v7;
	v6 =	vmul.f32 v6, v4;
	v5 =	vbroadcast v5, $0x0;
	s13 =	smov.u32 s15  }
0x2a3: {  	v10 =	vld.msk [tilespmem:s10+$0xFFFFFFFF], $0x1  }
.Ltmp8:
0x2a4: {  	v4 =	vld [tilespmem:s28+$0xFFFFFF80];
	[tilespmem:s11+$0xFFFFFF80] =	vst v6;
	v6 =	vmul.f32 v5, v3;
	v1 =	vbroadcast v1, $0x0;
	(pc) =	sbr.rel @p0 .LBB2_18-.Ltmp8, $4  }
0x2a5: {  	v5 =	vld.msk [tilespmem:s17+$0x0], $0x1  }
0x2a6: {  	v7 =	vbroadcast v8, $0x0;
	v3 =	vld [tilespmem:s11+$0x0];
	[tilespmem:s8+$0x0] =	vst v6;
	v8 =	vmul.f32 v1, v2  }
0x2a7: {  	v1 =	vld.msk [tilespmem:s25+$0x1], $0x1;
	s25 =	smov.u32 s17;
	s17 =	smov.u32 s10;
	s10 =	smov.u32 s9  }
0x2a8: {  	s9 =	sadd.s32 $0x4, s9;
	v7 =	vmul.f32 v7, v9;
	v6 =	vbroadcast v10, $0x0;
	v2 =	vld [tilespmem:s8+$0x80];
	[tilespmem:s26+$0x80] =	vst v8;
	s26 =	smov.u32 s8;
	s8 =	smov.u32 s11  }
0x2a9: {  	_ = 	snop  }
0x2aa: {  	[tilespmem:s13+$0xFFFFFF00] =	vst v7  }
0x2ab: {  	v7 =	vld.msk [tilespmem:s10+$0xFFFFFFFF], $0x1;
	_ =	sdelay $0x1  }
0x2ac: {  	v8 =	vld [tilespmem:s13+$0xFFFFFF80];
	_ =	sdelay $0x2  }
0x2ad: {  	v7 =	vbroadcast v7, $0x0  }
0x2ae: {  	v4 =	vmul.f32 v6, v4  }
0x2af: {  	v6 =	vmul.f32 v7, v8  }
0x2b0: {  	[tilespmem:s28+$0xFFFFFF80] =	vst v4  }
0x2b1: {  	v4 =	vld.msk [tilespmem:s17+$0x0], $0x1;
	[tilespmem:s13+$0xFFFFFF80] =	vst v6  }
0x2b2: {  	v6 =	vld.msk [tilespmem:s10+$0x0], $0x1  }
0x2b3: {  	v7 =	vld [tilespmem:s28+$0x0]  }
0x2b4: {  	v5 =	vbroadcast v5, $0x0;
	v8 =	vld [tilespmem:s13+$0x0];
	_ =	sdelay $0x1  }
0x2b5: {  	v3 =	vmul.f32 v5, v3;
	v4 =	vbroadcast v4, $0x0  }
0x2b6: {  	v5 =	vbroadcast v6, $0x0  }
0x2b7: {  	[tilespmem:s8+$0x0] =	vst v3;
	v3 =	vmul.f32 v4, v7  }
0x2b8: {  	v4 =	vld.msk [tilespmem:s25+$0x1], $0x1;
	v5 =	vmul.f32 v5, v8  }
0x2b9: {  	[tilespmem:s28+$0x0] =	vst v3;
	v6 =	vld [tilespmem:s8+$0x80]  }
0x2ba: {  	v3 =	vld.msk [tilespmem:s17+$0x1], $0x1;
	[tilespmem:s13+$0x0] =	vst v5  }
0x2bb: {  	v5 =	vld.msk [tilespmem:s10+$0x1], $0x1  }
0x2bc: {  	v7 =	vld [tilespmem:s28+$0x80]  }
0x2bd: {  	v1 =	vbroadcast v1, $0x0;
	v8 =	vld [tilespmem:s13+$0x80]  }
0x2be: {  	v4 =	vbroadcast v4, $0x0  }
0x2bf: {  	v1 =	vmul.f32 v1, v2;
	v2 =	vbroadcast v3, $0x0  }
0x2c0: {  	v3 =	vmul.f32 v4, v6;
	v4 =	vbroadcast v5, $0x0  }
0x2c1: {  	[tilespmem:s26+$0x80] =	vst v1;
	v1 =	vmul.f32 v2, v7  }
0x2c2: {  	[tilespmem:s8+$0x80] =	vst v3;
	v2 =	vmul.f32 v4, v8  }
0x2c3: {  	[tilespmem:s28+$0x80] =	vst v1  }
0x2c4: {  	s30 =	simm.s32 $0x9F80;
	[tilespmem:s13+$0x80] =	vst v2  }
0x2c5: {  	[spmem:s4] =	stream.indirect.scatter.add.f32 [tilespmem:s31], [sflag:$0x7], $0x80, s30, s0, $0xb8;
	[tilespmem:$0x1E280] =	vst v63  }
0x2c6: {  	_ =	swait.ge [sflag:s24], $0x2800  }
0x2c7: {  	[sflag:s24] =	ssyncset.done $0x0  }
0x2c8: {  	[sflag:s24] =	ssyncadd.s32 $0xFFFFD800  }
0x2c9: {  	_ =	swait.ge [sflag:s18], $0x2800  }
0x2ca: {  	[sflag:s18] =	ssyncset.done $0x0  }
0x2cb: {  	[sflag:s18] =	ssyncadd.s32 $0xFFFFD800  }
0x2cc: {  	_ =	swait.ge [sflag:s19], $0x50  }
0x2cd: {  	[sflag:s19] =	ssyncset.done $0x0  }
0x2ce: {  	[sflag:s19] =	ssyncadd.s32 $0xFFFFFFB0  }
0x2cf: {  	_ =	swait.ge [sflag:s19], $0x50  }
0x2d0: {  	[sflag:s19] =	ssyncset.done $0x0  }
0x2d1: {  	s9 =	simm.s32 $0xA182;
	[sflag:s19] =	ssyncadd.s32 $0xFFFFFFB0  }
0x2d2: {  	v1 =	vld.msk [tilespmem:s9+$0xFFFFFFFE], $0x1  }
0x2d3: {  	s26 =	simm.s32 $0x5080  }
0x2d4: {  	v2 =	vld [tilespmem:s26+$0xFFFFFF00];
	_ =	sdelay $0x2  }
0x2d5: {  	v1 =	vbroadcast v1, $0x0;
	_ =	sdelay $0x1  }
0x2d6: {  	s25 =	simm.s32 $0xA186;
	v1 =	vmul.f32 v1, v2  }
0x2d7: {  	s8 =	simm.s32 $0x5280;
	v2 =	vld.msk [tilespmem:s25+$0xFFFFFFFE], $0x1  }
0x2d8: {  	v3 =	vld [tilespmem:s8+$0xFFFFFF00];
	[tilespmem:s26+$0xFFFFFF00] =	vst v1  }
0x2d9: {  	v1 =	vld.msk [tilespmem:s9+$0xFFFFFFFF], $0x1;
	_ =	sdelay $0x1  }
0x2da: {  	v4 =	vld [tilespmem:s26+$0xFFFFFF80]  }
0x2db: {  	v2 =	vbroadcast v2, $0x0;
	_ =	sdelay $0x1  }
0x2dc: {  	s17 =	simm.s32 $0xA18A;
	v2 =	vmul.f32 v2, v3;
	v1 =	vbroadcast v1, $0x0  }
0x2dd: {  	s28 =	simm.s32 $0x5480;
	v3 =	vld.msk [tilespmem:s17+$0xFFFFFFFE], $0x1  }
0x2de: {  	v5 =	vld [tilespmem:s28+$0xFFFFFF00];
	[tilespmem:s8+$0xFFFFFF00] =	vst v2;
	v1 =	vmul.f32 v1, v4  }
0x2df: {  	v2 =	vld.msk [tilespmem:s25+$0xFFFFFFFF], $0x1  }
0x2e0: {  	v4 =	vld [tilespmem:s8+$0xFFFFFF80];
	[tilespmem:s26+$0xFFFFFF80] =	vst v1  }
0x2e1: {  	v1 =	vld.msk [tilespmem:s9+$0x0], $0x1  }
0x2e2: {  	v3 =	vbroadcast v3, $0x0  }
0x2e3: {  	v6 =	vld [tilespmem:s26+$0x0]  }
0x2e4: {  	s10 =	simm.s32 $0xA18E;
	v3 =	vmul.f32 v3, v5;
	v2 =	vbroadcast v2, $0x0  }
0x2e5: {  	s15 =	simm.s32 $0x5680;
	v7 =	vld.msk [tilespmem:s10+$0xFFFFFFFE], $0x1  }
0x2e6: {  	v8 =	vld [tilespmem:s15+$0xFFFFFF00];
	[tilespmem:s28+$0xFFFFFF00] =	vst v3;
	v2 =	vmul.f32 v2, v4;
	v1 =	vbroadcast v1, $0x0  }
0x2e7: {  	v9 =	vld.msk [tilespmem:s17+$0xFFFFFFFF], $0x1  }
0x2e8: {  	v4 =	vld [tilespmem:s28+$0xFFFFFF80];
	[tilespmem:s8+$0xFFFFFF80] =	vst v2;
	v1 =	vmul.f32 v1, v6  }
0x2e9: {  	v5 =	vld.msk [tilespmem:s25+$0x0], $0x1  }
0x2ea: {  	v3 =	vld [tilespmem:s8+$0x0];
	v2 =	vbroadcast v7, $0x0;
	[tilespmem:s26+$0x0] =	vst v1  }
0x2eb: {  	v1 =	vld.msk [tilespmem:s9+$0x1], $0x1  }
0x2ec: {  	s16 =	simm.s32 $0xC;
	s13 =	simm.s32 $0x5680;
	v7 =	vmul.f32 v2, v8;
	v2 =	vld [tilespmem:s26+$0x80];
	v6 =	vbroadcast v9, $0x0;
	s9 =	simm.s32 $0xA192  }
.LBB2_20:
0x2ed: {  	v8 =	vld.msk [tilespmem:s9+$0xFFFFFFFE], $0x1;
	s16 =	sadd.s32 $0x4, s16;
	s15 =	sadd.s32 $0x200, s15;
	s11 =	smov.u32 s28  }
0x2ee: {  	s28 =	smov.u32 s13;
	v9 =	vld [tilespmem:s15+$0xFFFFFF00];
	p0 =	slt.u32 s16, $0x4C;
	[tilespmem:s13+$0xFFFFFF00] =	vst v7;
	v6 =	vmul.f32 v6, v4;
	v5 =	vbroadcast v5, $0x0;
	s13 =	smov.u32 s15  }
0x2ef: {  	v10 =	vld.msk [tilespmem:s10+$0xFFFFFFFF], $0x1  }
.Ltmp9:
0x2f0: {  	v4 =	vld [tilespmem:s28+$0xFFFFFF80];
	[tilespmem:s11+$0xFFFFFF80] =	vst v6;
	v6 =	vmul.f32 v5, v3;
	v1 =	vbroadcast v1, $0x0;
	(pc) =	sbr.rel @p0 .LBB2_20-.Ltmp9, $4  }
0x2f1: {  	v5 =	vld.msk [tilespmem:s17+$0x0], $0x1  }
0x2f2: {  	v7 =	vbroadcast v8, $0x0;
	v3 =	vld [tilespmem:s11+$0x0];
	[tilespmem:s8+$0x0] =	vst v6;
	v8 =	vmul.f32 v1, v2  }
0x2f3: {  	v1 =	vld.msk [tilespmem:s25+$0x1], $0x1;
	s25 =	smov.u32 s17;
	s17 =	smov.u32 s10;
	s10 =	smov.u32 s9  }
0x2f4: {  	s9 =	sadd.s32 $0x4, s9;
	v7 =	vmul.f32 v7, v9;
	v6 =	vbroadcast v10, $0x0;
	v2 =	vld [tilespmem:s8+$0x80];
	[tilespmem:s26+$0x80] =	vst v8;
	s26 =	smov.u32 s8;
	s8 =	smov.u32 s11  }
0x2f5: {  	_ = 	snop  }
0x2f6: {  	[tilespmem:s13+$0xFFFFFF00] =	vst v7  }
0x2f7: {  	v7 =	vld.msk [tilespmem:s10+$0xFFFFFFFF], $0x1;
	_ =	sdelay $0x1  }
0x2f8: {  	v8 =	vld [tilespmem:s13+$0xFFFFFF80];
	_ =	sdelay $0x2  }
0x2f9: {  	v7 =	vbroadcast v7, $0x0  }
0x2fa: {  	v4 =	vmul.f32 v6, v4  }
0x2fb: {  	v55 =	vmul.f32 v7, v8  }
0x2fc: {  	[tilespmem:s28+$0xFFFFFF80] =	vst v4  }
0x2fd: {  	v4 =	vld.msk [tilespmem:s17+$0x0], $0x1;
	[tilespmem:s13+$0xFFFFFF80] =	vst v55  }
0x2fe: {  	v6 =	vld.msk [tilespmem:s10+$0x0], $0x1  }
0x2ff: {  	v56 =	vld [tilespmem:s28+$0x0]  }
0x300: {  	v57 =	vld [tilespmem:s13+$0x0];
	v5 =	vbroadcast v5, $0x0;
	_ =	sdelay $0x1  }
0x301: {  	v3 =	vmul.f32 v5, v3;
	v4 =	vbroadcast v4, $0x0  }
0x302: {  	v58 =	vbroadcast v6, $0x0  }
0x303: {  	[tilespmem:s8+$0x0] =	vst v3;
	v3 =	vmul.f32 v4, v56  }
0x304: {  	v60 =	vld [tilespmem:s8+$0x80];
	v5 =	vmul.f32 v58, v57  }
0x305: {  	v59 =	vld.msk [tilespmem:s25+$0x1], $0x1;
	[tilespmem:s28+$0x0] =	vst v3  }
0x306: {  	v3 =	vld.msk [tilespmem:s17+$0x1], $0x1;
	[tilespmem:s13+$0x0] =	vst v5  }
0x307: {  	v5 =	vld.msk [tilespmem:s10+$0x1], $0x1  }
0x308: {  	v61 =	vld [tilespmem:s28+$0x80]  }
0x309: {  	v62 =	vld [tilespmem:s13+$0x80];
	v1 =	vbroadcast v1, $0x0  }
0x30a: {  	v4 =	vbroadcast v59, $0x0  }
0x30b: {  	v1 =	vmul.f32 v1, v2;
	v2 =	vbroadcast v3, $0x0  }
0x30c: {  	v3 =	vmul.f32 v4, v60;
	v63 =	vbroadcast v5, $0x0  }
0x30d: {  	[tilespmem:s26+$0x80] =	vst v1;
	v1 =	vmul.f32 v2, v61  }
0x30e: {  	[tilespmem:s8+$0x80] =	vst v3;
	v2 =	vmul.f32 v63, v62  }
0x30f: {  	[tilespmem:s28+$0x80] =	vst v1  }
0x310: {  	s25 =	simm.s32 $0x4F80;
	[tilespmem:s13+$0x80] =	vst v2  }
0x311: {  	[spmem:s4] =	stream.indirect.scatter.add.f32 [tilespmem:s25], [sflag:$0x8], $0x80, s12, s0, $0xb8;
	[tilespmem:$0x1E280] =	vst v63  }
0x312: {  	_ =	swait.ge [sflag:s20], $0x2800  }
0x313: {  	[sflag:s20] =	ssyncset.done $0x0  }
0x314: {  	[sflag:s20] =	ssyncadd.s32 $0xFFFFD800  }
0x315: {  	_ =	swait.ge [sflag:s23], $0x2800  }
0x316: {  	[sflag:s23] =	ssyncset.done $0x0  }
0x317: {  	[sflag:s23] =	ssyncadd.s32 $0xFFFFD800  }
0x318: {  	s26 =	stileid.u32;
	[bflag:$0x0] =	sbarrier.arrive $0xFFFF  }
0x319: {  	s8 =	sshll.u32 s26, $0x6;
	s11 =	rddreg [dreg:$0x5]  }
0x31a: {  	s8 =	sor.u32 $0x1C0A, s8;
	s28 =	rddreg [dreg:$0x15];
	s9 =	sshrl.u32 s11, $0x3  }
0x31b: {  	[hbm:s28], [sflag:s8] =	dma.local [spmem:s9], $0x2800  }
0x31c: {  	s9 =	simm.s32 $0xA  }
0x31d: {  	_ =	swait.ge [sflag:s9], $0x2800  }
0x31e: {  	s29 =	rddreg [dreg:$0x1a]  }
0x31f: {  	s30 =	rddreg [dreg:$0x16];
	s10 =	sadd.s32 $0x1, s29  }
0x320: {  	p0 =	sne.s32 s10, s30  }
.Ltmp10:
0x321: {  	_ = 	snop;
	(pc) =	sbr.rel @p0 .LBB2_1-.Ltmp10, $3  }
0x322: {  	_ =	sdelay $0x1  }
0x323: {  	[sflag:s9] =	ssyncset.done $0x0  }
0x324: {  	[sflag:s9] =	ssyncadd.s32 $0xFFFFD800  }
0x325: {  	_ =	sfence.sel $0x180000  }
0x326: {  	[bflag:$0x0] =	sbarrier.arrive $0xFFFF  }
0x327: {  	_ =	strace $0x90000047  }
0x328: {  	s0 =	stileid.u32;
	[bflag:$0x2] =	sbarrier.arrive $0xFFFF  }
0x329: {  	p0 =	sne.s32 s0, $0x0;
	s0 =	rddreg [dreg:$0x4]  }
0x32a: {  	s0 =	sadd.s32 @!p0 $0x100000, s0  }
0x32b: {  	[sflag:s0] =	ssyncadd.tile.s32 @!p0 $0x1;
	_ =	shalt  }
.Lfunc_end2:
_tile_overlayer_lowered:
.L_overlay_start_2:
0x32c: {  	(tag) =	ssettag $0x2  }
0x32d: {  	s0 =	rddreg [dreg:$0x0];
	s2 =	stileid.u32  }
0x32e: {  	s1 =	rddreg [dreg:$0x1];
	p0 =	sne.s32 s2, $0x0  }
0x32f: {  	s3 =	rddreg [dreg:$0x2];
	[bflag:$0x3] =	sbarrier.arrive $0xFFFF;
	s2 =	simm.s32 @!p0 $0x1C0A  }
0x330: {  	[timem:s3], [sflag:s2] =	dma.local @!p0 [hbm:s0], s1  }
0x331: {  	s0 =	simm.s32 @!p0 $0xA  }
0x332: {  	_ =	swait.ge @!p0 [sflag:s0], s1  }
0x333: {  	s1 =	ssub.s32 @!p0 $0x0, s1;
	[sflag:s0] =	ssyncset.done @!p0 $0x0  }
0x334: {  	[sflag:s0] =	ssyncadd.s32 @!p0 s1  }
0x335: {  	[bflag:$0x3] =	sbarrier.arrive $0xFFFF  }
0x336: {  	_ =	shalt  }

</sc_bundles>
